<compile_context>
chip_gen: v7x
topology: tpu7x:2x2x1
jax: 0.10.2.dev20260603
libtpu: 0.0.44.dev20260713+nightly
codegen_flags: <defaults>
</compile_context>

<pallas_src>
import functools

import jax
import jax.numpy as jnp
from jax import lax
from jax.experimental import pallas as pl
from jax.experimental.pallas import tpu as pltpu
from jax.experimental.pallas import tpu_sc as plsc

VOCAB = 100000
EMBED_DIM = 64
BATCH = 4096
HIST = 50

_NW = 32
_NB = BATCH // _NW


@functools.partial(
    pl.kernel,
    mesh=plsc.VectorSubcoreMesh(core_axis_name="c", subcore_axis_name="s"),
    out_type=jax.ShapeDtypeStruct((HIST, 8, _NW, 8, _NB), jnp.float32),
    scratch_types=[
        pltpu.VMEM((HIST, _NB), jnp.int32),
        [pltpu.VMEM((_NB, EMBED_DIM), jnp.float32) for _ in range(2)],
        [pltpu.VMEM((EMBED_DIM, _NB + 1), jnp.float32) for _ in range(2)],
        [pltpu.SemaphoreType.DMA for _ in range(2)],
        [pltpu.SemaphoreType.DMA for _ in range(2)],
    ],
    compiler_params=pltpu.CompilerParams(use_tc_tiling_on_sc=False, needs_layout_passes=False),
)
def _gather_kernel(idx_hbm, table_hbm, out_hbm, idx_v, rows, trs, g_sems, s_sems):
    c = lax.axis_index("c")
    s = lax.axis_index("s")
    wid = s * 2 + c
    pltpu.sync_copy(idx_hbm.at[wid], idx_v)

    def g_copy(t, b):
        return pltpu.make_async_copy(table_hbm.at[idx_v.at[t]], rows[b], g_sems[b])

    def _s_copies(t, b):
        return [
            pltpu.make_async_copy(
                trs[b].at[pl.ds(e8 * 8, 8), pl.ds(0, _NB)],
                out_hbm.at[t, e8, wid, :, :],
                s_sems[b],
            )
            for e8 in range(8)
        ]

    def s_start(t, b):
        for cp in _s_copies(t, b):
            cp.start()

    def s_wait(t, b):
        for cp in _s_copies(t, b):
            cp.wait()

    lane = lax.iota(jnp.int32, 16)
    evecs = [lane + e16 * 16 for e16 in range(EMBED_DIM // 16)]

    def transpose_block(b):
        rows_ref, tr_ref = rows[b], trs[b]

        @plsc.parallel_loop(0, _NB, unroll=8)
        def b0_body(b0):
            col = jnp.broadcast_to(b0, (16,)).astype(jnp.int32)
            for e16 in range(EMBED_DIM // 16):
                v = rows_ref[b0, pl.ds(e16 * 16, 16)]
                plsc.store_scatter(tr_ref, [evecs[e16], col], v)

    g_copy(0, 0).start()
    g_copy(1, 1).start()
    for t in range(2):
        b = t % 2
        g_copy(t, b).wait()
        transpose_block(b)
        g_copy(t + 2, b).start()
        s_start(t, b)

    def group(g, carry):
        for b in range(2):
            t = g * 2 + b
            g_copy(t, b).wait()
            s_wait(t, b)
            transpose_block(b)
            g_copy(t + 2, b).start()
            s_start(t, b)
        return carry

    lax.fori_loop(1, HIST // 2 - 1, group, 0)

    for t in range(HIST - 2, HIST):
        b = t % 2
        g_copy(t, b).wait()
        s_wait(t, b)
        transpose_block(b)
        s_start(t, b)
    for b in range(2):
        s_wait(b, b)


def kernel(x, vectors):
    idx = x.astype(jnp.int32).reshape(_NW, _NB, HIST).transpose(0, 2, 1)
    out = _gather_kernel(idx, vectors)
    return out.transpose(2, 4, 0, 1, 3).reshape(BATCH, HIST, EMBED_DIM)

# --- scband reference (transcript-rebuilt; emitter-appended) ---
"""Pipeline reference for scband-bi-lstmpooled-embedder-16810501996942 (READ-ONLY COPY).

The authoritative reference and input builder live on the scoring server;
editing this copy changes nothing except your own understanding.
"""

import jax, jax.numpy as jnp
import numpy as np

VOCAB = 100000
EMBED_DIM = 64
BATCH = 4096
HIST = 50

def setup_inputs(seed: int = 0) -> dict:
    key = jax.random.key(seed)
    k_tab, k_idx = jax.random.split(key)
    vectors = jax.random.normal(k_tab, (VOCAB, EMBED_DIM), dtype=jnp.float32)
    x = jax.random.randint(k_idx, (BATCH, HIST), 0, VOCAB, dtype=jnp.int64 if jax.config.jax_enable_x64 else jnp.int32)
    return {"x": x, "vectors": vectors}

def reference(x, vectors):
    # Faithful translation of nn.Embedding.from_pretrained(vectors, freeze=True)(x)
    embeddings = jnp.take(vectors, x, axis=0)
    return embeddings

if __name__ == "__main__":
    import jax
    _d = setup_inputs()
    print(jax.jit(kernel)(*tuple(_d.values())))

</pallas_src>

<mosaic_0001>
#map = affine_map<(d0, d1) -> (0, 0, 0)>
#map1 = affine_map<(d0, d1) -> (0, 0)>
#map2 = affine_map<(d0, d1) -> (0, 0, 0, 0, 0)>
module attributes {stable_mosaic.version = 14 : i64} {
  func.func @_gather_kernel(%arg0: i32, %arg1: i32, %arg2: memref<32x50x128xi32, #tpu.memory_space<hbm>>, %arg3: memref<100000x64xf32, #tpu.memory_space<hbm>>, %arg4: memref<50x8x32x8x128xf32, #tpu.memory_space<hbm>>, %arg5: memref<50x128xi32, #tpu.memory_space<vmem>>, %arg6: memref<128x64xf32, #tpu.memory_space<vmem>>, %arg7: memref<128x64xf32, #tpu.memory_space<vmem>>, %arg8: memref<64x129xf32, #tpu.memory_space<vmem>>, %arg9: memref<64x129xf32, #tpu.memory_space<vmem>>, %arg10: memref<!tpu.dma_semaphore, #tpu.memory_space<semaphore_mem>>, %arg11: memref<!tpu.dma_semaphore, #tpu.memory_space<semaphore_mem>>, %arg12: memref<!tpu.dma_semaphore, #tpu.memory_space<semaphore_mem>>, %arg13: memref<!tpu.dma_semaphore, #tpu.memory_space<semaphore_mem>>) attributes {dimension_semantics = [#tpu.dimension_semantics<core_parallel>, #tpu.dimension_semantics<subcore_parallel>], iteration_bounds = array<i64: 2, 16>, scalar_prefetch = 0 : i64, scratch_operands = 9 : i64, tpu.core_type = #tpu.core_type<sc_vector_subcore>, window_params = [{transform_indices = #map}, {transform_indices = #map1}, {transform_indices = #map2}]} {
    %mul3A = arith.constant 2 : i32
    %mul3A_0 = arith.muli %arg1, %mul3A : i32
    %add3A = arith.addi %mul3A_0, %arg0 : i32
    "tpu.region"() ({
      %run_scoped3A = tpu.sem_alloc : memref<!tpu.dma_semaphore, #tpu.memory_space<semaphore_mem>>
      %dma_start3A_1107 = arith.constant 0 : i32
      %dma_start3A_1108 = arith.constant 0 : i32
      %dma_start3A_1109 = tpu.memref_slice %arg2[%add3A, %dma_start3A_1107, %dma_start3A_1108] : memref<32x50x128xi32, #tpu.memory_space<hbm>> -> memref<1x50x128xi32, #tpu.memory_space<hbm>>
      %dma_start3A_1110 = tpu.memref_squeeze %dma_start3A_1109 : memref<1x50x128xi32, #tpu.memory_space<hbm>> -> memref<50x128xi32, #tpu.memory_space<hbm>>
      %dma_start3A_1111 = arith.constant 0 : i32
      %dma_start3A_1112 = arith.constant 0 : i32
      %dma_start3A_1113 = tpu.memref_slice %arg2[%add3A, %dma_start3A_1111, %dma_start3A_1112] : memref<32x50x128xi32, #tpu.memory_space<hbm>> -> memref<1x50x128xi32, #tpu.memory_space<hbm>>
      %dma_start3A_1114 = tpu.memref_squeeze %dma_start3A_1113 : memref<1x50x128xi32, #tpu.memory_space<hbm>> -> memref<50x128xi32, #tpu.memory_space<hbm>>
      tpu.enqueue_dma source(%dma_start3A_1114 : memref<50x128xi32, #tpu.memory_space<hbm>>) target(%arg5 : memref<50x128xi32, #tpu.memory_space<vmem>>) target_semaphore(%run_scoped3A : memref<!tpu.dma_semaphore, #tpu.memory_space<semaphore_mem>>)
      %dma_wait3A_1115 = arith.constant 0 : i32
      %dma_wait3A_1116 = arith.constant 0 : i32
      %dma_wait3A_1117 = tpu.memref_slice %arg2[%add3A, %dma_wait3A_1115, %dma_wait3A_1116] : memref<32x50x128xi32, #tpu.memory_space<hbm>> -> memref<1x50x128xi32, #tpu.memory_space<hbm>>
      %dma_wait3A_1118 = tpu.memref_squeeze %dma_wait3A_1117 : memref<1x50x128xi32, #tpu.memory_space<hbm>> -> memref<50x128xi32, #tpu.memory_space<hbm>>
      %dma_wait3A_1119 = arith.constant 0 : i32
      %dma_wait3A_1120 = arith.constant 0 : i32
      %dma_wait3A_1121 = tpu.memref_slice %arg2[%add3A, %dma_wait3A_1119, %dma_wait3A_1120] : memref<32x50x128xi32, #tpu.memory_space<hbm>> -> memref<1x50x128xi32, #tpu.memory_space<hbm>>
      %dma_wait3A_1122 = tpu.memref_squeeze %dma_wait3A_1121 : memref<1x50x128xi32, #tpu.memory_space<hbm>> -> memref<50x128xi32, #tpu.memory_space<hbm>>
      tpu.wait_dma2 semaphore(%run_scoped3A : memref<!tpu.dma_semaphore, #tpu.memory_space<semaphore_mem>>) src(%dma_wait3A_1122 : memref<50x128xi32, #tpu.memory_space<hbm>>) dst(%arg5 : memref<50x128xi32, #tpu.memory_space<vmem>>)
      tpu.yield
    }) : () -> ()
    %iota3A = tpu.iota {dimensions = array<i32: 0>} : vector<16xi32>
    %add3A_1 = arith.constant 0 : i32
    %add3A_2 = vector.broadcast %add3A_1 : i32 to vector<16xi32>
    %add3A_3 = arith.addi %iota3A, %add3A_2 : vector<16xi32>
    %add3A_4 = arith.constant 16 : i32
    %add3A_5 = vector.broadcast %add3A_4 : i32 to vector<16xi32>
    %add3A_6 = arith.addi %iota3A, %add3A_5 : vector<16xi32>
    %add3A_7 = arith.constant 32 : i32
    %add3A_8 = vector.broadcast %add3A_7 : i32 to vector<16xi32>
    %add3A_9 = arith.addi %iota3A, %add3A_8 : vector<16xi32>
    %add3A_10 = arith.constant 48 : i32
    %add3A_11 = vector.broadcast %add3A_10 : i32 to vector<16xi32>
    %add3A_12 = arith.addi %iota3A, %add3A_11 : vector<16xi32>
    %dma_start3A = arith.constant 0 : i32
    %dma_start3A_13 = arith.constant 0 : i32
    %dma_start3A_14 = tpu.memref_slice %arg5[%dma_start3A, %dma_start3A_13] : memref<50x128xi32, #tpu.memory_space<vmem>> -> memref<1x128xi32, #tpu.memory_space<vmem>>
    %dma_start3A_15 = tpu.memref_squeeze %dma_start3A_14 : memref<1x128xi32, #tpu.memory_space<vmem>> -> memref<128xi32, #tpu.memory_space<vmem>>
    %dma_start3A_16 = arith.constant 0 : i32
    %dma_start3A_17 = arith.constant 0 : i32
    %dma_start3A_18 = tpu.memref_slice %arg3[%dma_start3A_16, %dma_start3A_17] : memref<100000x64xf32, #tpu.memory_space<hbm>> -> memref<100000x64xf32, #tpu.memory_space<hbm>>
    tpu.enqueue_indirect_dma source(%dma_start3A_18 : memref<100000x64xf32, #tpu.memory_space<hbm>>) target(%arg6 : memref<128x64xf32, #tpu.memory_space<vmem>>) offsets(%dma_start3A_15 : memref<128xi32, #tpu.memory_space<vmem>>) semaphore(%arg10 : memref<!tpu.dma_semaphore, #tpu.memory_space<semaphore_mem>>)
    %dma_start3A_19 = arith.constant 1 : i32
    %dma_start3A_20 = arith.constant 0 : i32
    %dma_start3A_21 = tpu.memref_slice %arg5[%dma_start3A_19, %dma_start3A_20] : memref<50x128xi32, #tpu.memory_space<vmem>> -> memref<1x128xi32, #tpu.memory_space<vmem>>
    %dma_start3A_22 = tpu.memref_squeeze %dma_start3A_21 : memref<1x128xi32, #tpu.memory_space<vmem>> -> memref<128xi32, #tpu.memory_space<vmem>>
    %dma_start3A_23 = arith.constant 0 : i32
    %dma_start3A_24 = arith.constant 0 : i32
    %dma_start3A_25 = tpu.memref_slice %arg3[%dma_start3A_23, %dma_start3A_24] : memref<100000x64xf32, #tpu.memory_space<hbm>> -> memref<100000x64xf32, #tpu.memory_space<hbm>>
    tpu.enqueue_indirect_dma source(%dma_start3A_25 : memref<100000x64xf32, #tpu.memory_space<hbm>>) target(%arg7 : memref<128x64xf32, #tpu.memory_space<vmem>>) offsets(%dma_start3A_22 : memref<128xi32, #tpu.memory_space<vmem>>) semaphore(%arg11 : memref<!tpu.dma_semaphore, #tpu.memory_space<semaphore_mem>>)
    %dma_wait3A = arith.constant 0 : i32
    %dma_wait3A_26 = arith.constant 0 : i32
    %dma_wait3A_27 = tpu.memref_slice %arg5[%dma_wait3A, %dma_wait3A_26] : memref<50x128xi32, #tpu.memory_space<vmem>> -> memref<1x128xi32, #tpu.memory_space<vmem>>
    %dma_wait3A_28 = tpu.memref_squeeze %dma_wait3A_27 : memref<1x128xi32, #tpu.memory_space<vmem>> -> memref<128xi32, #tpu.memory_space<vmem>>
    %dma_wait3A_29 = arith.constant 0 : i32
    %dma_wait3A_30 = arith.constant 0 : i32
    %dma_wait3A_31 = tpu.memref_slice %arg3[%dma_wait3A_29, %dma_wait3A_30] : memref<100000x64xf32, #tpu.memory_space<hbm>> -> memref<100000x64xf32, #tpu.memory_space<hbm>>
    tpu.wait_indirect_dma semaphore(%arg10 : memref<!tpu.dma_semaphore, #tpu.memory_space<semaphore_mem>>) src(%dma_wait3A_31 : memref<100000x64xf32, #tpu.memory_space<hbm>>) dst(%arg6 : memref<128x64xf32, #tpu.memory_space<vmem>>)
    %parallel_loop3A = arith.constant 0 : i32
    %parallel_loop3A_32 = arith.constant 128 : i32
    %parallel_loop3A_33 = arith.constant 1 : i32
    scf.for %parallel_loop3A_1107 = %parallel_loop3A to %parallel_loop3A_32 step %parallel_loop3A_33  : i32 {
      %parallel_loop3A_1108 = vector.broadcast %parallel_loop3A_1107 : i32 to vector<16xi32>
      %parallel_loop3A_1109 = arith.index_cast %parallel_loop3A_1107 : i32 to index
      %parallel_loop3A_1110 = arith.constant 0 : index
      %parallel_loop3A_1111 = tpu.vector_load %arg6[%parallel_loop3A_1109, %parallel_loop3A_1110] {strides = array<i32>} : memref<128x64xf32, #tpu.memory_space<vmem>>, vector<16xf32>,
      tpu.vector_store_idx %arg8[%add3A_3, %parallel_loop3A_1108], %parallel_loop3A_1111 : memref<64x129xf32, #tpu.memory_space<vmem>>[vector<16xi32>, vector<16xi32>], vector<16xf32>,
      %parallel_loop3A_1112 = arith.index_cast %parallel_loop3A_1107 : i32 to index
      %parallel_loop3A_1113 = arith.constant 16 : index
      %parallel_loop3A_1114 = tpu.vector_load %arg6[%parallel_loop3A_1112, %parallel_loop3A_1113] {strides = array<i32>} : memref<128x64xf32, #tpu.memory_space<vmem>>, vector<16xf32>,
      tpu.vector_store_idx %arg8[%add3A_6, %parallel_loop3A_1108], %parallel_loop3A_1114 : memref<64x129xf32, #tpu.memory_space<vmem>>[vector<16xi32>, vector<16xi32>], vector<16xf32>,
      %parallel_loop3A_1115 = arith.index_cast %parallel_loop3A_1107 : i32 to index
      %parallel_loop3A_1116 = arith.constant 32 : index
      %parallel_loop3A_1117 = tpu.vector_load %arg6[%parallel_loop3A_1115, %parallel_loop3A_1116] {strides = array<i32>} : memref<128x64xf32, #tpu.memory_space<vmem>>, vector<16xf32>,
      tpu.vector_store_idx %arg8[%add3A_9, %parallel_loop3A_1108], %parallel_loop3A_1117 : memref<64x129xf32, #tpu.memory_space<vmem>>[vector<16xi32>, vector<16xi32>], vector<16xf32>,
      %parallel_loop3A_1118 = arith.index_cast %parallel_loop3A_1107 : i32 to index
      %parallel_loop3A_1119 = arith.constant 48 : index
      %parallel_loop3A_1120 = tpu.vector_load %arg6[%parallel_loop3A_1118, %parallel_loop3A_1119] {strides = array<i32>} : memref<128x64xf32, #tpu.memory_space<vmem>>, vector<16xf32>,
      tpu.vector_store_idx %arg8[%add3A_12, %parallel_loop3A_1108], %parallel_loop3A_1120 : memref<64x129xf32, #tpu.memory_space<vmem>>[vector<16xi32>, vector<16xi32>], vector<16xf32>,
    } {sc.loop_unroll_factor = 8 : i64, sc.parallel_access}
    %dma_start3A_34 = arith.constant 2 : i32
    %dma_start3A_35 = arith.constant 0 : i32
    %dma_start3A_36 = tpu.memref_slice %arg5[%dma_start3A_34, %dma_start3A_35] : memref<50x128xi32, #tpu.memory_space<vmem>> -> memref<1x128xi32, #tpu.memory_space<vmem>>
    %dma_start3A_37 = tpu.memref_squeeze %dma_start3A_36 : memref<1x128xi32, #tpu.memory_space<vmem>> -> memref<128xi32, #tpu.memory_space<vmem>>
    %dma_start3A_38 = arith.constant 0 : i32
    %dma_start3A_39 = arith.constant 0 : i32
    %dma_start3A_40 = tpu.memref_slice %arg3[%dma_start3A_38, %dma_start3A_39] : memref<100000x64xf32, #tpu.memory_space<hbm>> -> memref<100000x64xf32, #tpu.memory_space<hbm>>
    tpu.enqueue_indirect_dma source(%dma_start3A_40 : memref<100000x64xf32, #tpu.memory_space<hbm>>) target(%arg6 : memref<128x64xf32, #tpu.memory_space<vmem>>) offsets(%dma_start3A_37 : memref<128xi32, #tpu.memory_space<vmem>>) semaphore(%arg10 : memref<!tpu.dma_semaphore, #tpu.memory_space<semaphore_mem>>)
    %dma_start3A_41 = arith.constant 0 : i32
    %dma_start3A_42 = arith.constant 0 : i32
    %dma_start3A_43 = arith.constant 0 : i32
    %dma_start3A_44 = arith.constant 0 : i32
    %dma_start3A_45 = tpu.memref_slice %arg8[%dma_start3A_43, %dma_start3A_44] : memref<64x129xf32, #tpu.memory_space<vmem>> -> memref<8x128xf32, #tpu.memory_space<vmem>>
    %dma_start3A_46 = arith.constant 0 : i32
    %dma_start3A_47 = arith.constant 0 : i32
    %dma_start3A_48 = tpu.memref_slice %arg4[%dma_start3A_41, %dma_start3A_42, %add3A, %dma_start3A_46, %dma_start3A_47] : memref<50x8x32x8x128xf32, #tpu.memory_space<hbm>> -> memref<1x1x1x8x128xf32, #tpu.memory_space<hbm>>
    %dma_start3A_49 = tpu.memref_squeeze %dma_start3A_48 : memref<1x1x1x8x128xf32, #tpu.memory_space<hbm>> -> memref<8x128xf32, #tpu.memory_space<hbm>>
    %dma_start3A_50 = arith.constant 0 : i32
    %dma_start3A_51 = arith.constant 0 : i32
    %dma_start3A_52 = tpu.memref_slice %arg4[%dma_start3A_41, %dma_start3A_42, %add3A, %dma_start3A_50, %dma_start3A_51] : memref<50x8x32x8x128xf32, #tpu.memory_space<hbm>> -> memref<1x1x1x8x128xf32, #tpu.memory_space<hbm>>
    %dma_start3A_53 = tpu.memref_squeeze %dma_start3A_52 : memref<1x1x1x8x128xf32, #tpu.memory_space<hbm>> -> memref<8x128xf32, #tpu.memory_space<hbm>>
    %dma_start3A_54 = arith.constant 0 : i32
    %dma_start3A_55 = arith.constant 0 : i32
    %dma_start3A_56 = tpu.memref_slice %arg8[%dma_start3A_54, %dma_start3A_55] : memref<64x129xf32, #tpu.memory_space<vmem>> -> memref<8x128xf32, #tpu.memory_space<vmem>>
    tpu.enqueue_dma source(%dma_start3A_56 : memref<8x128xf32, #tpu.memory_space<vmem>>) target(%dma_start3A_53 : memref<8x128xf32, #tpu.memory_space<hbm>>) target_semaphore(%arg12 : memref<!tpu.dma_semaphore, #tpu.memory_space<semaphore_mem>>)
    %dma_start3A_57 = arith.constant 0 : i32
    %dma_start3A_58 = arith.constant 1 : i32
    %dma_start3A_59 = arith.constant 8 : i32
    %dma_start3A_60 = arith.constant 0 : i32
    %dma_start3A_61 = tpu.memref_slice %arg8[%dma_start3A_59, %dma_start3A_60] : memref<64x129xf32, #tpu.memory_space<vmem>> -> memref<8x128xf32, #tpu.memory_space<vmem>>
    %dma_start3A_62 = arith.constant 0 : i32
    %dma_start3A_63 = arith.constant 0 : i32
    %dma_start3A_64 = tpu.memref_slice %arg4[%dma_start3A_57, %dma_start3A_58, %add3A, %dma_start3A_62, %dma_start3A_63] : memref<50x8x32x8x128xf32, #tpu.memory_space<hbm>> -> memref<1x1x1x8x128xf32, #tpu.memory_space<hbm>>
    %dma_start3A_65 = tpu.memref_squeeze %dma_start3A_64 : memref<1x1x1x8x128xf32, #tpu.memory_space<hbm>> -> memref<8x128xf32, #tpu.memory_space<hbm>>
    %dma_start3A_66 = arith.constant 0 : i32
    %dma_start3A_67 = arith.constant 0 : i32
    %dma_start3A_68 = tpu.memref_slice %arg4[%dma_start3A_57, %dma_start3A_58, %add3A, %dma_start3A_66, %dma_start3A_67] : memref<50x8x32x8x128xf32, #tpu.memory_space<hbm>> -> memref<1x1x1x8x128xf32, #tpu.memory_space<hbm>>
    %dma_start3A_69 = tpu.memref_squeeze %dma_start3A_68 : memref<1x1x1x8x128xf32, #tpu.memory_space<hbm>> -> memref<8x128xf32, #tpu.memory_space<hbm>>
    %dma_start3A_70 = arith.constant 8 : i32
    %dma_start3A_71 = arith.constant 0 : i32
    %dma_start3A_72 = tpu.memref_slice %arg8[%dma_start3A_70, %dma_start3A_71] : memref<64x129xf32, #tpu.memory_space<vmem>> -> memref<8x128xf32, #tpu.memory_space<vmem>>
    tpu.enqueue_dma source(%dma_start3A_72 : memref<8x128xf32, #tpu.memory_space<vmem>>) target(%dma_start3A_69 : memref<8x128xf32, #tpu.memory_space<hbm>>) target_semaphore(%arg12 : memref<!tpu.dma_semaphore, #tpu.memory_space<semaphore_mem>>)
    %dma_start3A_73 = arith.constant 0 : i32
    %dma_start3A_74 = arith.constant 2 : i32
    %dma_start3A_75 = arith.constant 16 : i32
    %dma_start3A_76 = arith.constant 0 : i32
    %dma_start3A_77 = tpu.memref_slice %arg8[%dma_start3A_75, %dma_start3A_76] : memref<64x129xf32, #tpu.memory_space<vmem>> -> memref<8x128xf32, #tpu.memory_space<vmem>>
    %dma_start3A_78 = arith.constant 0 : i32
    %dma_start3A_79 = arith.constant 0 : i32
    %dma_start3A_80 = tpu.memref_slice %arg4[%dma_start3A_73, %dma_start3A_74, %add3A, %dma_start3A_78, %dma_start3A_79] : memref<50x8x32x8x128xf32, #tpu.memory_space<hbm>> -> memref<1x1x1x8x128xf32, #tpu.memory_space<hbm>>
    %dma_start3A_81 = tpu.memref_squeeze %dma_start3A_80 : memref<1x1x1x8x128xf32, #tpu.memory_space<hbm>> -> memref<8x128xf32, #tpu.memory_space<hbm>>
    %dma_start3A_82 = arith.constant 0 : i32
    %dma_start3A_83 = arith.constant 0 : i32
    %dma_start3A_84 = tpu.memref_slice %arg4[%dma_start3A_73, %dma_start3A_74, %add3A, %dma_start3A_82, %dma_start3A_83] : memref<50x8x32x8x128xf32, #tpu.memory_space<hbm>> -> memref<1x1x1x8x128xf32, #tpu.memory_space<hbm>>
    %dma_start3A_85 = tpu.memref_squeeze %dma_start3A_84 : memref<1x1x1x8x128xf32, #tpu.memory_space<hbm>> -> memref<8x128xf32, #tpu.memory_space<hbm>>
    %dma_start3A_86 = arith.constant 16 : i32
    %dma_start3A_87 = arith.constant 0 : i32
    %dma_start3A_88 = tpu.memref_slice %arg8[%dma_start3A_86, %dma_start3A_87] : memref<64x129xf32, #tpu.memory_space<vmem>> -> memref<8x128xf32, #tpu.memory_space<vmem>>
    tpu.enqueue_dma source(%dma_start3A_88 : memref<8x128xf32, #tpu.memory_space<vmem>>) target(%dma_start3A_85 : memref<8x128xf32, #tpu.memory_space<hbm>>) target_semaphore(%arg12 : memref<!tpu.dma_semaphore, #tpu.memory_space<semaphore_mem>>)
    %dma_start3A_89 = arith.constant 0 : i32
    %dma_start3A_90 = arith.constant 3 : i32
    %dma_start3A_91 = arith.constant 24 : i32
    %dma_start3A_92 = arith.constant 0 : i32
    %dma_start3A_93 = tpu.memref_slice %arg8[%dma_start3A_91, %dma_start3A_92] : memref<64x129xf32, #tpu.memory_space<vmem>> -> memref<8x128xf32, #tpu.memory_space<vmem>>
    %dma_start3A_94 = arith.constant 0 : i32
    %dma_start3A_95 = arith.constant 0 : i32
    %dma_start3A_96 = tpu.memref_slice %arg4[%dma_start3A_89, %dma_start3A_90, %add3A, %dma_start3A_94, %dma_start3A_95] : memref<50x8x32x8x128xf32, #tpu.memory_space<hbm>> -> memref<1x1x1x8x128xf32, #tpu.memory_space<hbm>>
    %dma_start3A_97 = tpu.memref_squeeze %dma_start3A_96 : memref<1x1x1x8x128xf32, #tpu.memory_space<hbm>> -> memref<8x128xf32, #tpu.memory_space<hbm>>
    %dma_start3A_98 = arith.constant 0 : i32
    %dma_start3A_99 = arith.constant 0 : i32
    %dma_start3A_100 = tpu.memref_slice %arg4[%dma_start3A_89, %dma_start3A_90, %add3A, %dma_start3A_98, %dma_start3A_99] : memref<50x8x32x8x128xf32, #tpu.memory_space<hbm>> -> memref<1x1x1x8x128xf32, #tpu.memory_space<hbm>>
    %dma_start3A_101 = tpu.memref_squeeze %dma_start3A_100 : memref<1x1x1x8x128xf32, #tpu.memory_space<hbm>> -> memref<8x128xf32, #tpu.memory_space<hbm>>
    %dma_start3A_102 = arith.constant 24 : i32
    %dma_start3A_103 = arith.constant 0 : i32
    %dma_start3A_104 = tpu.memref_slice %arg8[%dma_start3A_102, %dma_start3A_103] : memref<64x129xf32, #tpu.memory_space<vmem>> -> memref<8x128xf32, #tpu.memory_space<vmem>>
    tpu.enqueue_dma source(%dma_start3A_104 : memref<8x128xf32, #tpu.memory_space<vmem>>) target(%dma_start3A_101 : memref<8x128xf32, #tpu.memory_space<hbm>>) target_semaphore(%arg12 : memref<!tpu.dma_semaphore, #tpu.memory_space<semaphore_mem>>)
    %dma_start3A_105 = arith.constant 0 : i32
    %dma_start3A_106 = arith.constant 4 : i32
    %dma_start3A_107 = arith.constant 32 : i32
    %dma_start3A_108 = arith.constant 0 : i32
    %dma_start3A_109 = tpu.memref_slice %arg8[%dma_start3A_107, %dma_start3A_108] : memref<64x129xf32, #tpu.memory_space<vmem>> -> memref<8x128xf32, #tpu.memory_space<vmem>>
    %dma_start3A_110 = arith.constant 0 : i32
    %dma_start3A_111 = arith.constant 0 : i32
    %dma_start3A_112 = tpu.memref_slice %arg4[%dma_start3A_105, %dma_start3A_106, %add3A, %dma_start3A_110, %dma_start3A_111] : memref<50x8x32x8x128xf32, #tpu.memory_space<hbm>> -> memref<1x1x1x8x128xf32, #tpu.memory_space<hbm>>
    %dma_start3A_113 = tpu.memref_squeeze %dma_start3A_112 : memref<1x1x1x8x128xf32, #tpu.memory_space<hbm>> -> memref<8x128xf32, #tpu.memory_space<hbm>>
    %dma_start3A_114 = arith.constant 0 : i32
    %dma_start3A_115 = arith.constant 0 : i32
    %dma_start3A_116 = tpu.memref_slice %arg4[%dma_start3A_105, %dma_start3A_106, %add3A, %dma_start3A_114, %dma_start3A_115] : memref<50x8x32x8x128xf32, #tpu.memory_space<hbm>> -> memref<1x1x1x8x128xf32, #tpu.memory_space<hbm>>
    %dma_start3A_117 = tpu.memref_squeeze %dma_start3A_116 : memref<1x1x1x8x128xf32, #tpu.memory_space<hbm>> -> memref<8x128xf32, #tpu.memory_space<hbm>>
    %dma_start3A_118 = arith.constant 32 : i32
    %dma_start3A_119 = arith.constant 0 : i32
    %dma_start3A_120 = tpu.memref_slice %arg8[%dma_start3A_118, %dma_start3A_119] : memref<64x129xf32, #tpu.memory_space<vmem>> -> memref<8x128xf32, #tpu.memory_space<vmem>>
    tpu.enqueue_dma source(%dma_start3A_120 : memref<8x128xf32, #tpu.memory_space<vmem>>) target(%dma_start3A_117 : memref<8x128xf32, #tpu.memory_space<hbm>>) target_semaphore(%arg12 : memref<!tpu.dma_semaphore, #tpu.memory_space<semaphore_mem>>)
    %dma_start3A_121 = arith.constant 0 : i32
    %dma_start3A_122 = arith.constant 5 : i32
    %dma_start3A_123 = arith.constant 40 : i32
    %dma_start3A_124 = arith.constant 0 : i32
    %dma_start3A_125 = tpu.memref_slice %arg8[%dma_start3A_123, %dma_start3A_124] : memref<64x129xf32, #tpu.memory_space<vmem>> -> memref<8x128xf32, #tpu.memory_space<vmem>>
    %dma_start3A_126 = arith.constant 0 : i32
    %dma_start3A_127 = arith.constant 0 : i32
    %dma_start3A_128 = tpu.memref_slice %arg4[%dma_start3A_121, %dma_start3A_122, %add3A, %dma_start3A_126, %dma_start3A_127] : memref<50x8x32x8x128xf32, #tpu.memory_space<hbm>> -> memref<1x1x1x8x128xf32, #tpu.memory_space<hbm>>
    %dma_start3A_129 = tpu.memref_squeeze %dma_start3A_128 : memref<1x1x1x8x128xf32, #tpu.memory_space<hbm>> -> memref<8x128xf32, #tpu.memory_space<hbm>>
    %dma_start3A_130 = arith.constant 0 : i32
    %dma_start3A_131 = arith.constant 0 : i32
    %dma_start3A_132 = tpu.memref_slice %arg4[%dma_start3A_121, %dma_start3A_122, %add3A, %dma_start3A_130, %dma_start3A_131] : memref<50x8x32x8x128xf32, #tpu.memory_space<hbm>> -> memref<1x1x1x8x128xf32, #tpu.memory_space<hbm>>
    %dma_start3A_133 = tpu.memref_squeeze %dma_start3A_132 : memref<1x1x1x8x128xf32, #tpu.memory_space<hbm>> -> memref<8x128xf32, #tpu.memory_space<hbm>>
    %dma_start3A_134 = arith.constant 40 : i32
    %dma_start3A_135 = arith.constant 0 : i32
    %dma_start3A_136 = tpu.memref_slice %arg8[%dma_start3A_134, %dma_start3A_135] : memref<64x129xf32, #tpu.memory_space<vmem>> -> memref<8x128xf32, #tpu.memory_space<vmem>>
    tpu.enqueue_dma source(%dma_start3A_136 : memref<8x128xf32, #tpu.memory_space<vmem>>) target(%dma_start3A_133 : memref<8x128xf32, #tpu.memory_space<hbm>>) target_semaphore(%arg12 : memref<!tpu.dma_semaphore, #tpu.memory_space<semaphore_mem>>)
    %dma_start3A_137 = arith.constant 0 : i32
    %dma_start3A_138 = arith.constant 6 : i32
    %dma_start3A_139 = arith.constant 48 : i32
    %dma_start3A_140 = arith.constant 0 : i32
    %dma_start3A_141 = tpu.memref_slice %arg8[%dma_start3A_139, %dma_start3A_140] : memref<64x129xf32, #tpu.memory_space<vmem>> -> memref<8x128xf32, #tpu.memory_space<vmem>>
    %dma_start3A_142 = arith.constant 0 : i32
    %dma_start3A_143 = arith.constant 0 : i32
    %dma_start3A_144 = tpu.memref_slice %arg4[%dma_start3A_137, %dma_start3A_138, %add3A, %dma_start3A_142, %dma_start3A_143] : memref<50x8x32x8x128xf32, #tpu.memory_space<hbm>> -> memref<1x1x1x8x128xf32, #tpu.memory_space<hbm>>
    %dma_start3A_145 = tpu.memref_squeeze %dma_start3A_144 : memref<1x1x1x8x128xf32, #tpu.memory_space<hbm>> -> memref<8x128xf32, #tpu.memory_space<hbm>>
    %dma_start3A_146 = arith.constant 0 : i32
    %dma_start3A_147 = arith.constant 0 : i32
    %dma_start3A_148 = tpu.memref_slice %arg4[%dma_start3A_137, %dma_start3A_138, %add3A, %dma_start3A_146, %dma_start3A_147] : memref<50x8x32x8x128xf32, #tpu.memory_space<hbm>> -> memref<1x1x1x8x128xf32, #tpu.memory_space<hbm>>
    %dma_start3A_149 = tpu.memref_squeeze %dma_start3A_148 : memref<1x1x1x8x128xf32, #tpu.memory_space<hbm>> -> memref<8x128xf32, #tpu.memory_space<hbm>>
    %dma_start3A_150 = arith.constant 48 : i32
    %dma_start3A_151 = arith.constant 0 : i32
    %dma_start3A_152 = tpu.memref_slice %arg8[%dma_start3A_150, %dma_start3A_151] : memref<64x129xf32, #tpu.memory_space<vmem>> -> memref<8x128xf32, #tpu.memory_space<vmem>>
    tpu.enqueue_dma source(%dma_start3A_152 : memref<8x128xf32, #tpu.memory_space<vmem>>) target(%dma_start3A_149 : memref<8x128xf32, #tpu.memory_space<hbm>>) target_semaphore(%arg12 : memref<!tpu.dma_semaphore, #tpu.memory_space<semaphore_mem>>)
    %dma_start3A_153 = arith.constant 0 : i32
    %dma_start3A_154 = arith.constant 7 : i32
    %dma_start3A_155 = arith.constant 56 : i32
    %dma_start3A_156 = arith.constant 0 : i32
    %dma_start3A_157 = tpu.memref_slice %arg8[%dma_start3A_155, %dma_start3A_156] : memref<64x129xf32, #tpu.memory_space<vmem>> -> memref<8x128xf32, #tpu.memory_space<vmem>>
    %dma_start3A_158 = arith.constant 0 : i32
    %dma_start3A_159 = arith.constant 0 : i32
    %dma_start3A_160 = tpu.memref_slice %arg4[%dma_start3A_153, %dma_start3A_154, %add3A, %dma_start3A_158, %dma_start3A_159] : memref<50x8x32x8x128xf32, #tpu.memory_space<hbm>> -> memref<1x1x1x8x128xf32, #tpu.memory_space<hbm>>
    %dma_start3A_161 = tpu.memref_squeeze %dma_start3A_160 : memref<1x1x1x8x128xf32, #tpu.memory_space<hbm>> -> memref<8x128xf32, #tpu.memory_space<hbm>>
    %dma_start3A_162 = arith.constant 0 : i32
    %dma_start3A_163 = arith.constant 0 : i32
    %dma_start3A_164 = tpu.memref_slice %arg4[%dma_start3A_153, %dma_start3A_154, %add3A, %dma_start3A_162, %dma_start3A_163] : memref<50x8x32x8x128xf32, #tpu.memory_space<hbm>> -> memref<1x1x1x8x128xf32, #tpu.memory_space<hbm>>
    %dma_start3A_165 = tpu.memref_squeeze %dma_start3A_164 : memref<1x1x1x8x128xf32, #tpu.memory_space<hbm>> -> memref<8x128xf32, #tpu.memory_space<hbm>>
    %dma_start3A_166 = arith.constant 56 : i32
    %dma_start3A_167 = arith.constant 0 : i32
    %dma_start3A_168 = tpu.memref_slice %arg8[%dma_start3A_166, %dma_start3A_167] : memref<64x129xf32, #tpu.memory_space<vmem>> -> memref<8x128xf32, #tpu.memory_space<vmem>>
    tpu.enqueue_dma source(%dma_start3A_168 : memref<8x128xf32, #tpu.memory_space<vmem>>) target(%dma_start3A_165 : memref<8x128xf32, #tpu.memory_space<hbm>>) target_semaphore(%arg12 : memref<!tpu.dma_semaphore, #tpu.memory_space<semaphore_mem>>)
    %dma_wait3A_169 = arith.constant 1 : i32
    %dma_wait3A_170 = arith.constant 0 : i32
    %dma_wait3A_171 = tpu.memref_slice %arg5[%dma_wait3A_169, %dma_wait3A_170] : memref<50x128xi32, #tpu.memory_space<vmem>> -> memref<1x128xi32, #tpu.memory_space<vmem>>
    %dma_wait3A_172 = tpu.memref_squeeze %dma_wait3A_171 : memref<1x128xi32, #tpu.memory_space<vmem>> -> memref<128xi32, #tpu.memory_space<vmem>>
    %dma_wait3A_173 = arith.constant 0 : i32
    %dma_wait3A_174 = arith.constant 0 : i32
    %dma_wait3A_175 = tpu.memref_slice %arg3[%dma_wait3A_173, %dma_wait3A_174] : memref<100000x64xf32, #tpu.memory_space<hbm>> -> memref<100000x64xf32, #tpu.memory_space<hbm>>
    tpu.wait_indirect_dma semaphore(%arg11 : memref<!tpu.dma_semaphore, #tpu.memory_space<semaphore_mem>>) src(%dma_wait3A_175 : memref<100000x64xf32, #tpu.memory_space<hbm>>) dst(%arg7 : memref<128x64xf32, #tpu.memory_space<vmem>>)
    %parallel_loop3A_176 = arith.constant 0 : i32
    %parallel_loop3A_177 = arith.constant 128 : i32
    %parallel_loop3A_178 = arith.constant 1 : i32
    scf.for %parallel_loop3A_1107 = %parallel_loop3A_176 to %parallel_loop3A_177 step %parallel_loop3A_178  : i32 {
      %parallel_loop3A_1108 = vector.broadcast %parallel_loop3A_1107 : i32 to vector<16xi32>
      %parallel_loop3A_1109 = arith.index_cast %parallel_loop3A_1107 : i32 to index
      %parallel_loop3A_1110 = arith.constant 0 : index
      %parallel_loop3A_1111 = tpu.vector_load %arg7[%parallel_loop3A_1109, %parallel_loop3A_1110] {strides = array<i32>} : memref<128x64xf32, #tpu.memory_space<vmem>>, vector<16xf32>,
      tpu.vector_store_idx %arg9[%add3A_3, %parallel_loop3A_1108], %parallel_loop3A_1111 : memref<64x129xf32, #tpu.memory_space<vmem>>[vector<16xi32>, vector<16xi32>], vector<16xf32>,
      %parallel_loop3A_1112 = arith.index_cast %parallel_loop3A_1107 : i32 to index
      %parallel_loop3A_1113 = arith.constant 16 : index
      %parallel_loop3A_1114 = tpu.vector_load %arg7[%parallel_loop3A_1112, %parallel_loop3A_1113] {strides = array<i32>} : memref<128x64xf32, #tpu.memory_space<vmem>>, vector<16xf32>,
      tpu.vector_store_idx %arg9[%add3A_6, %parallel_loop3A_1108], %parallel_loop3A_1114 : memref<64x129xf32, #tpu.memory_space<vmem>>[vector<16xi32>, vector<16xi32>], vector<16xf32>,
      %parallel_loop3A_1115 = arith.index_cast %parallel_loop3A_1107 : i32 to index
      %parallel_loop3A_1116 = arith.constant 32 : index
      %parallel_loop3A_1117 = tpu.vector_load %arg7[%parallel_loop3A_1115, %parallel_loop3A_1116] {strides = array<i32>} : memref<128x64xf32, #tpu.memory_space<vmem>>, vector<16xf32>,
      tpu.vector_store_idx %arg9[%add3A_9, %parallel_loop3A_1108], %parallel_loop3A_1117 : memref<64x129xf32, #tpu.memory_space<vmem>>[vector<16xi32>, vector<16xi32>], vector<16xf32>,
      %parallel_loop3A_1118 = arith.index_cast %parallel_loop3A_1107 : i32 to index
      %parallel_loop3A_1119 = arith.constant 48 : index
      %parallel_loop3A_1120 = tpu.vector_load %arg7[%parallel_loop3A_1118, %parallel_loop3A_1119] {strides = array<i32>} : memref<128x64xf32, #tpu.memory_space<vmem>>, vector<16xf32>,
      tpu.vector_store_idx %arg9[%add3A_12, %parallel_loop3A_1108], %parallel_loop3A_1120 : memref<64x129xf32, #tpu.memory_space<vmem>>[vector<16xi32>, vector<16xi32>], vector<16xf32>,
    } {sc.loop_unroll_factor = 8 : i64, sc.parallel_access}
    %dma_start3A_179 = arith.constant 3 : i32
    %dma_start3A_180 = arith.constant 0 : i32
    %dma_start3A_181 = tpu.memref_slice %arg5[%dma_start3A_179, %dma_start3A_180] : memref<50x128xi32, #tpu.memory_space<vmem>> -> memref<1x128xi32, #tpu.memory_space<vmem>>
    %dma_start3A_182 = tpu.memref_squeeze %dma_start3A_181 : memref<1x128xi32, #tpu.memory_space<vmem>> -> memref<128xi32, #tpu.memory_space<vmem>>
    %dma_start3A_183 = arith.constant 0 : i32
    %dma_start3A_184 = arith.constant 0 : i32
    %dma_start3A_185 = tpu.memref_slice %arg3[%dma_start3A_183, %dma_start3A_184] : memref<100000x64xf32, #tpu.memory_space<hbm>> -> memref<100000x64xf32, #tpu.memory_space<hbm>>
    tpu.enqueue_indirect_dma source(%dma_start3A_185 : memref<100000x64xf32, #tpu.memory_space<hbm>>) target(%arg7 : memref<128x64xf32, #tpu.memory_space<vmem>>) offsets(%dma_start3A_182 : memref<128xi32, #tpu.memory_space<vmem>>) semaphore(%arg11 : memref<!tpu.dma_semaphore, #tpu.memory_space<semaphore_mem>>)
    %dma_start3A_186 = arith.constant 1 : i32
    %dma_start3A_187 = arith.constant 0 : i32
    %dma_start3A_188 = arith.constant 0 : i32
    %dma_start3A_189 = arith.constant 0 : i32
    %dma_start3A_190 = tpu.memref_slice %arg9[%dma_start3A_188, %dma_start3A_189] : memref<64x129xf32, #tpu.memory_space<vmem>> -> memref<8x128xf32, #tpu.memory_space<vmem>>
    %dma_start3A_191 = arith.constant 0 : i32
    %dma_start3A_192 = arith.constant 0 : i32
    %dma_start3A_193 = tpu.memref_slice %arg4[%dma_start3A_186, %dma_start3A_187, %add3A, %dma_start3A_191, %dma_start3A_192] : memref<50x8x32x8x128xf32, #tpu.memory_space<hbm>> -> memref<1x1x1x8x128xf32, #tpu.memory_space<hbm>>
    %dma_start3A_194 = tpu.memref_squeeze %dma_start3A_193 : memref<1x1x1x8x128xf32, #tpu.memory_space<hbm>> -> memref<8x128xf32, #tpu.memory_space<hbm>>
    %dma_start3A_195 = arith.constant 0 : i32
    %dma_start3A_196 = arith.constant 0 : i32
    %dma_start3A_197 = tpu.memref_slice %arg4[%dma_start3A_186, %dma_start3A_187, %add3A, %dma_start3A_195, %dma_start3A_196] : memref<50x8x32x8x128xf32, #tpu.memory_space<hbm>> -> memref<1x1x1x8x128xf32, #tpu.memory_space<hbm>>
    %dma_start3A_198 = tpu.memref_squeeze %dma_start3A_197 : memref<1x1x1x8x128xf32, #tpu.memory_space<hbm>> -> memref<8x128xf32, #tpu.memory_space<hbm>>
    %dma_start3A_199 = arith.constant 0 : i32
    %dma_start3A_200 = arith.constant 0 : i32
    %dma_start3A_201 = tpu.memref_slice %arg9[%dma_start3A_199, %dma_start3A_200] : memref<64x129xf32, #tpu.memory_space<vmem>> -> memref<8x128xf32, #tpu.memory_space<vmem>>
    tpu.enqueue_dma source(%dma_start3A_201 : memref<8x128xf32, #tpu.memory_space<vmem>>) target(%dma_start3A_198 : memref<8x128xf32, #tpu.memory_space<hbm>>) target_semaphore(%arg13 : memref<!tpu.dma_semaphore, #tpu.memory_space<semaphore_mem>>)
    %dma_start3A_202 = arith.constant 1 : i32
    %dma_start3A_203 = arith.constant 1 : i32
    %dma_start3A_204 = arith.constant 8 : i32
    %dma_start3A_205 = arith.constant 0 : i32
    %dma_start3A_206 = tpu.memref_slice %arg9[%dma_start3A_204, %dma_start3A_205] : memref<64x129xf32, #tpu.memory_space<vmem>> -> memref<8x128xf32, #tpu.memory_space<vmem>>
    %dma_start3A_207 = arith.constant 0 : i32
    %dma_start3A_208 = arith.constant 0 : i32
    %dma_start3A_209 = tpu.memref_slice %arg4[%dma_start3A_202, %dma_start3A_203, %add3A, %dma_start3A_207, %dma_start3A_208] : memref<50x8x32x8x128xf32, #tpu.memory_space<hbm>> -> memref<1x1x1x8x128xf32, #tpu.memory_space<hbm>>
    %dma_start3A_210 = tpu.memref_squeeze %dma_start3A_209 : memref<1x1x1x8x128xf32, #tpu.memory_space<hbm>> -> memref<8x128xf32, #tpu.memory_space<hbm>>
    %dma_start3A_211 = arith.constant 0 : i32
    %dma_start3A_212 = arith.constant 0 : i32
    %dma_start3A_213 = tpu.memref_slice %arg4[%dma_start3A_202, %dma_start3A_203, %add3A, %dma_start3A_211, %dma_start3A_212] : memref<50x8x32x8x128xf32, #tpu.memory_space<hbm>> -> memref<1x1x1x8x128xf32, #tpu.memory_space<hbm>>
    %dma_start3A_214 = tpu.memref_squeeze %dma_start3A_213 : memref<1x1x1x8x128xf32, #tpu.memory_space<hbm>> -> memref<8x128xf32, #tpu.memory_space<hbm>>
    %dma_start3A_215 = arith.constant 8 : i32
    %dma_start3A_216 = arith.constant 0 : i32
    %dma_start3A_217 = tpu.memref_slice %arg9[%dma_start3A_215, %dma_start3A_216] : memref<64x129xf32, #tpu.memory_space<vmem>> -> memref<8x128xf32, #tpu.memory_space<vmem>>
    tpu.enqueue_dma source(%dma_start3A_217 : memref<8x128xf32, #tpu.memory_space<vmem>>) target(%dma_start3A_214 : memref<8x128xf32, #tpu.memory_space<hbm>>) target_semaphore(%arg13 : memref<!tpu.dma_semaphore, #tpu.memory_space<semaphore_mem>>)
    %dma_start3A_218 = arith.constant 1 : i32
    %dma_start3A_219 = arith.constant 2 : i32
    %dma_start3A_220 = arith.constant 16 : i32
    %dma_start3A_221 = arith.constant 0 : i32
    %dma_start3A_222 = tpu.memref_slice %arg9[%dma_start3A_220, %dma_start3A_221] : memref<64x129xf32, #tpu.memory_space<vmem>> -> memref<8x128xf32, #tpu.memory_space<vmem>>
    %dma_start3A_223 = arith.constant 0 : i32
    %dma_start3A_224 = arith.constant 0 : i32
    %dma_start3A_225 = tpu.memref_slice %arg4[%dma_start3A_218, %dma_start3A_219, %add3A, %dma_start3A_223, %dma_start3A_224] : memref<50x8x32x8x128xf32, #tpu.memory_space<hbm>> -> memref<1x1x1x8x128xf32, #tpu.memory_space<hbm>>
    %dma_start3A_226 = tpu.memref_squeeze %dma_start3A_225 : memref<1x1x1x8x128xf32, #tpu.memory_space<hbm>> -> memref<8x128xf32, #tpu.memory_space<hbm>>
    %dma_start3A_227 = arith.constant 0 : i32
    %dma_start3A_228 = arith.constant 0 : i32
    %dma_start3A_229 = tpu.memref_slice %arg4[%dma_start3A_218, %dma_start3A_219, %add3A, %dma_start3A_227, %dma_start3A_228] : memref<50x8x32x8x128xf32, #tpu.memory_space<hbm>> -> memref<1x1x1x8x128xf32, #tpu.memory_space<hbm>>
    %dma_start3A_230 = tpu.memref_squeeze %dma_start3A_229 : memref<1x1x1x8x128xf32, #tpu.memory_space<hbm>> -> memref<8x128xf32, #tpu.memory_space<hbm>>
    %dma_start3A_231 = arith.constant 16 : i32
    %dma_start3A_232 = arith.constant 0 : i32
    %dma_start3A_233 = tpu.memref_slice %arg9[%dma_start3A_231, %dma_start3A_232] : memref<64x129xf32, #tpu.memory_space<vmem>> -> memref<8x128xf32, #tpu.memory_space<vmem>>
    tpu.enqueue_dma source(%dma_start3A_233 : memref<8x128xf32, #tpu.memory_space<vmem>>) target(%dma_start3A_230 : memref<8x128xf32, #tpu.memory_space<hbm>>) target_semaphore(%arg13 : memref<!tpu.dma_semaphore, #tpu.memory_space<semaphore_mem>>)
    %dma_start3A_234 = arith.constant 1 : i32
    %dma_start3A_235 = arith.constant 3 : i32
    %dma_start3A_236 = arith.constant 24 : i32
    %dma_start3A_237 = arith.constant 0 : i32
    %dma_start3A_238 = tpu.memref_slice %arg9[%dma_start3A_236, %dma_start3A_237] : memref<64x129xf32, #tpu.memory_space<vmem>> -> memref<8x128xf32, #tpu.memory_space<vmem>>
    %dma_start3A_239 = arith.constant 0 : i32
    %dma_start3A_240 = arith.constant 0 : i32
    %dma_start3A_241 = tpu.memref_slice %arg4[%dma_start3A_234, %dma_start3A_235, %add3A, %dma_start3A_239, %dma_start3A_240] : memref<50x8x32x8x128xf32, #tpu.memory_space<hbm>> -> memref<1x1x1x8x128xf32, #tpu.memory_space<hbm>>
    %dma_start3A_242 = tpu.memref_squeeze %dma_start3A_241 : memref<1x1x1x8x128xf32, #tpu.memory_space<hbm>> -> memref<8x128xf32, #tpu.memory_space<hbm>>
    %dma_start3A_243 = arith.constant 0 : i32
    %dma_start3A_244 = arith.constant 0 : i32
    %dma_start3A_245 = tpu.memref_slice %arg4[%dma_start3A_234, %dma_start3A_235, %add3A, %dma_start3A_243, %dma_start3A_244] : memref<50x8x32x8x128xf32, #tpu.memory_space<hbm>> -> memref<1x1x1x8x128xf32, #tpu.memory_space<hbm>>
    %dma_start3A_246 = tpu.memref_squeeze %dma_start3A_245 : memref<1x1x1x8x128xf32, #tpu.memory_space<hbm>> -> memref<8x128xf32, #tpu.memory_space<hbm>>
    %dma_start3A_247 = arith.constant 24 : i32
    %dma_start3A_248 = arith.constant 0 : i32
    %dma_start3A_249 = tpu.memref_slice %arg9[%dma_start3A_247, %dma_start3A_248] : memref<64x129xf32, #tpu.memory_space<vmem>> -> memref<8x128xf32, #tpu.memory_space<vmem>>
    tpu.enqueue_dma source(%dma_start3A_249 : memref<8x128xf32, #tpu.memory_space<vmem>>) target(%dma_start3A_246 : memref<8x128xf32, #tpu.memory_space<hbm>>) target_semaphore(%arg13 : memref<!tpu.dma_semaphore, #tpu.memory_space<semaphore_mem>>)
    %dma_start3A_250 = arith.constant 1 : i32
    %dma_start3A_251 = arith.constant 4 : i32
    %dma_start3A_252 = arith.constant 32 : i32
    %dma_start3A_253 = arith.constant 0 : i32
    %dma_start3A_254 = tpu.memref_slice %arg9[%dma_start3A_252, %dma_start3A_253] : memref<64x129xf32, #tpu.memory_space<vmem>> -> memref<8x128xf32, #tpu.memory_space<vmem>>
    %dma_start3A_255 = arith.constant 0 : i32
    %dma_start3A_256 = arith.constant 0 : i32
    %dma_start3A_257 = tpu.memref_slice %arg4[%dma_start3A_250, %dma_start3A_251, %add3A, %dma_start3A_255, %dma_start3A_256] : memref<50x8x32x8x128xf32, #tpu.memory_space<hbm>> -> memref<1x1x1x8x128xf32, #tpu.memory_space<hbm>>
    %dma_start3A_258 = tpu.memref_squeeze %dma_start3A_257 : memref<1x1x1x8x128xf32, #tpu.memory_space<hbm>> -> memref<8x128xf32, #tpu.memory_space<hbm>>
    %dma_start3A_259 = arith.constant 0 : i32
    %dma_start3A_260 = arith.constant 0 : i32
    %dma_start3A_261 = tpu.memref_slice %arg4[%dma_start3A_250, %dma_start3A_251, %add3A, %dma_start3A_259, %dma_start3A_260] : memref<50x8x32x8x128xf32, #tpu.memory_space<hbm>> -> memref<1x1x1x8x128xf32, #tpu.memory_space<hbm>>
    %dma_start3A_262 = tpu.memref_squeeze %dma_start3A_261 : memref<1x1x1x8x128xf32, #tpu.memory_space<hbm>> -> memref<8x128xf32, #tpu.memory_space<hbm>>
    %dma_start3A_263 = arith.constant 32 : i32
    %dma_start3A_264 = arith.constant 0 : i32
    %dma_start3A_265 = tpu.memref_slice %arg9[%dma_start3A_263, %dma_start3A_264] : memref<64x129xf32, #tpu.memory_space<vmem>> -> memref<8x128xf32, #tpu.memory_space<vmem>>
    tpu.enqueue_dma source(%dma_start3A_265 : memref<8x128xf32, #tpu.memory_space<vmem>>) target(%dma_start3A_262 : memref<8x128xf32, #tpu.memory_space<hbm>>) target_semaphore(%arg13 : memref<!tpu.dma_semaphore, #tpu.memory_space<semaphore_mem>>)
    %dma_start3A_266 = arith.constant 1 : i32
    %dma_start3A_267 = arith.constant 5 : i32
    %dma_start3A_268 = arith.constant 40 : i32
    %dma_start3A_269 = arith.constant 0 : i32
    %dma_start3A_270 = tpu.memref_slice %arg9[%dma_start3A_268, %dma_start3A_269] : memref<64x129xf32, #tpu.memory_space<vmem>> -> memref<8x128xf32, #tpu.memory_space<vmem>>
    %dma_start3A_271 = arith.constant 0 : i32
    %dma_start3A_272 = arith.constant 0 : i32
    %dma_start3A_273 = tpu.memref_slice %arg4[%dma_start3A_266, %dma_start3A_267, %add3A, %dma_start3A_271, %dma_start3A_272] : memref<50x8x32x8x128xf32, #tpu.memory_space<hbm>> -> memref<1x1x1x8x128xf32, #tpu.memory_space<hbm>>
    %dma_start3A_274 = tpu.memref_squeeze %dma_start3A_273 : memref<1x1x1x8x128xf32, #tpu.memory_space<hbm>> -> memref<8x128xf32, #tpu.memory_space<hbm>>
    %dma_start3A_275 = arith.constant 0 : i32
    %dma_start3A_276 = arith.constant 0 : i32
    %dma_start3A_277 = tpu.memref_slice %arg4[%dma_start3A_266, %dma_start3A_267, %add3A, %dma_start3A_275, %dma_start3A_276] : memref<50x8x32x8x128xf32, #tpu.memory_space<hbm>> -> memref<1x1x1x8x128xf32, #tpu.memory_space<hbm>>
    %dma_start3A_278 = tpu.memref_squeeze %dma_start3A_277 : memref<1x1x1x8x128xf32, #tpu.memory_space<hbm>> -> memref<8x128xf32, #tpu.memory_space<hbm>>
    %dma_start3A_279 = arith.constant 40 : i32
    %dma_start3A_280 = arith.constant 0 : i32
    %dma_start3A_281 = tpu.memref_slice %arg9[%dma_start3A_279, %dma_start3A_280] : memref<64x129xf32, #tpu.memory_space<vmem>> -> memref<8x128xf32, #tpu.memory_space<vmem>>
    tpu.enqueue_dma source(%dma_start3A_281 : memref<8x128xf32, #tpu.memory_space<vmem>>) target(%dma_start3A_278 : memref<8x128xf32, #tpu.memory_space<hbm>>) target_semaphore(%arg13 : memref<!tpu.dma_semaphore, #tpu.memory_space<semaphore_mem>>)
    %dma_start3A_282 = arith.constant 1 : i32
    %dma_start3A_283 = arith.constant 6 : i32
    %dma_start3A_284 = arith.constant 48 : i32
    %dma_start3A_285 = arith.constant 0 : i32
    %dma_start3A_286 = tpu.memref_slice %arg9[%dma_start3A_284, %dma_start3A_285] : memref<64x129xf32, #tpu.memory_space<vmem>> -> memref<8x128xf32, #tpu.memory_space<vmem>>
    %dma_start3A_287 = arith.constant 0 : i32
    %dma_start3A_288 = arith.constant 0 : i32
    %dma_start3A_289 = tpu.memref_slice %arg4[%dma_start3A_282, %dma_start3A_283, %add3A, %dma_start3A_287, %dma_start3A_288] : memref<50x8x32x8x128xf32, #tpu.memory_space<hbm>> -> memref<1x1x1x8x128xf32, #tpu.memory_space<hbm>>
    %dma_start3A_290 = tpu.memref_squeeze %dma_start3A_289 : memref<1x1x1x8x128xf32, #tpu.memory_space<hbm>> -> memref<8x128xf32, #tpu.memory_space<hbm>>
    %dma_start3A_291 = arith.constant 0 : i32
    %dma_start3A_292 = arith.constant 0 : i32
    %dma_start3A_293 = tpu.memref_slice %arg4[%dma_start3A_282, %dma_start3A_283, %add3A, %dma_start3A_291, %dma_start3A_292] : memref<50x8x32x8x128xf32, #tpu.memory_space<hbm>> -> memref<1x1x1x8x128xf32, #tpu.memory_space<hbm>>
    %dma_start3A_294 = tpu.memref_squeeze %dma_start3A_293 : memref<1x1x1x8x128xf32, #tpu.memory_space<hbm>> -> memref<8x128xf32, #tpu.memory_space<hbm>>
    %dma_start3A_295 = arith.constant 48 : i32
    %dma_start3A_296 = arith.constant 0 : i32
    %dma_start3A_297 = tpu.memref_slice %arg9[%dma_start3A_295, %dma_start3A_296] : memref<64x129xf32, #tpu.memory_space<vmem>> -> memref<8x128xf32, #tpu.memory_space<vmem>>
    tpu.enqueue_dma source(%dma_start3A_297 : memref<8x128xf32, #tpu.memory_space<vmem>>) target(%dma_start3A_294 : memref<8x128xf32, #tpu.memory_space<hbm>>) target_semaphore(%arg13 : memref<!tpu.dma_semaphore, #tpu.memory_space<semaphore_mem>>)
    %dma_start3A_298 = arith.constant 1 : i32
    %dma_start3A_299 = arith.constant 7 : i32
    %dma_start3A_300 = arith.constant 56 : i32
    %dma_start3A_301 = arith.constant 0 : i32
    %dma_start3A_302 = tpu.memref_slice %arg9[%dma_start3A_300, %dma_start3A_301] : memref<64x129xf32, #tpu.memory_space<vmem>> -> memref<8x128xf32, #tpu.memory_space<vmem>>
    %dma_start3A_303 = arith.constant 0 : i32
    %dma_start3A_304 = arith.constant 0 : i32
    %dma_start3A_305 = tpu.memref_slice %arg4[%dma_start3A_298, %dma_start3A_299, %add3A, %dma_start3A_303, %dma_start3A_304] : memref<50x8x32x8x128xf32, #tpu.memory_space<hbm>> -> memref<1x1x1x8x128xf32, #tpu.memory_space<hbm>>
    %dma_start3A_306 = tpu.memref_squeeze %dma_start3A_305 : memref<1x1x1x8x128xf32, #tpu.memory_space<hbm>> -> memref<8x128xf32, #tpu.memory_space<hbm>>
    %dma_start3A_307 = arith.constant 0 : i32
    %dma_start3A_308 = arith.constant 0 : i32
    %dma_start3A_309 = tpu.memref_slice %arg4[%dma_start3A_298, %dma_start3A_299, %add3A, %dma_start3A_307, %dma_start3A_308] : memref<50x8x32x8x128xf32, #tpu.memory_space<hbm>> -> memref<1x1x1x8x128xf32, #tpu.memory_space<hbm>>
    %dma_start3A_310 = tpu.memref_squeeze %dma_start3A_309 : memref<1x1x1x8x128xf32, #tpu.memory_space<hbm>> -> memref<8x128xf32, #tpu.memory_space<hbm>>
    %dma_start3A_311 = arith.constant 56 : i32
    %dma_start3A_312 = arith.constant 0 : i32
    %dma_start3A_313 = tpu.memref_slice %arg9[%dma_start3A_311, %dma_start3A_312] : memref<64x129xf32, #tpu.memory_space<vmem>> -> memref<8x128xf32, #tpu.memory_space<vmem>>
    tpu.enqueue_dma source(%dma_start3A_313 : memref<8x128xf32, #tpu.memory_space<vmem>>) target(%dma_start3A_310 : memref<8x128xf32, #tpu.memory_space<hbm>>) target_semaphore(%arg13 : memref<!tpu.dma_semaphore, #tpu.memory_space<semaphore_mem>>)
    %scan3A = arith.constant 0 : i32
    %scan3A_314 = arith.constant 1 : i32
    %scan3A_315 = arith.constant 23 : i32
    %scan3A_316 = arith.addi %scan3A_314, %scan3A_315 : i32
    %scan3A_317 = arith.constant 1 : i32
    scf.for %scan3A_1107 = %scan3A_314 to %scan3A_316 step %scan3A_317  : i32 {
      %mul3A_1108 = arith.constant 2 : i32
      %mul3A_1109 = arith.muli %scan3A_1107, %mul3A_1108 : i32
      %add3A_1110 = arith.constant 0 : i32
      %add3A_1111 = arith.addi %mul3A_1109, %add3A_1110 : i32
      %dma_wait3A_1112 = arith.constant 0 : i32
      %dma_wait3A_1113 = tpu.memref_slice %arg5[%add3A_1111, %dma_wait3A_1112] : memref<50x128xi32, #tpu.memory_space<vmem>> -> memref<1x128xi32, #tpu.memory_space<vmem>>
      %dma_wait3A_1114 = tpu.memref_squeeze %dma_wait3A_1113 : memref<1x128xi32, #tpu.memory_space<vmem>> -> memref<128xi32, #tpu.memory_space<vmem>>
      %dma_wait3A_1115 = arith.constant 0 : i32
      %dma_wait3A_1116 = arith.constant 0 : i32
      %dma_wait3A_1117 = tpu.memref_slice %arg3[%dma_wait3A_1115, %dma_wait3A_1116] : memref<100000x64xf32, #tpu.memory_space<hbm>> -> memref<100000x64xf32, #tpu.memory_space<hbm>>
      tpu.wait_indirect_dma semaphore(%arg10 : memref<!tpu.dma_semaphore, #tpu.memory_space<semaphore_mem>>) src(%dma_wait3A_1117 : memref<100000x64xf32, #tpu.memory_space<hbm>>) dst(%arg6 : memref<128x64xf32, #tpu.memory_space<vmem>>)
      %dma_wait3A_1118 = arith.constant 0 : i32
      %dma_wait3A_1119 = arith.constant 0 : i32
      %dma_wait3A_1120 = arith.constant 0 : i32
      %dma_wait3A_1121 = tpu.memref_slice %arg8[%dma_wait3A_1119, %dma_wait3A_1120] : memref<64x129xf32, #tpu.memory_space<vmem>> -> memref<8x128xf32, #tpu.memory_space<vmem>>
      %dma_wait3A_1122 = arith.constant 0 : i32
      %dma_wait3A_1123 = arith.constant 0 : i32
      %dma_wait3A_1124 = tpu.memref_slice %arg4[%add3A_1111, %dma_wait3A_1118, %add3A, %dma_wait3A_1122, %dma_wait3A_1123] : memref<50x8x32x8x128xf32, #tpu.memory_space<hbm>> -> memref<1x1x1x8x128xf32, #tpu.memory_space<hbm>>
      %dma_wait3A_1125 = tpu.memref_squeeze %dma_wait3A_1124 : memref<1x1x1x8x128xf32, #tpu.memory_space<hbm>> -> memref<8x128xf32, #tpu.memory_space<hbm>>
      %dma_wait3A_1126 = arith.constant 0 : i32
      %dma_wait3A_1127 = arith.constant 0 : i32
      %dma_wait3A_1128 = tpu.memref_slice %arg4[%add3A_1111, %dma_wait3A_1118, %add3A, %dma_wait3A_1126, %dma_wait3A_1127] : memref<50x8x32x8x128xf32, #tpu.memory_space<hbm>> -> memref<1x1x1x8x128xf32, #tpu.memory_space<hbm>>
      %dma_wait3A_1129 = tpu.memref_squeeze %dma_wait3A_1128 : memref<1x1x1x8x128xf32, #tpu.memory_space<hbm>> -> memref<8x128xf32, #tpu.memory_space<hbm>>
      %dma_wait3A_1130 = arith.constant 0 : i32
      %dma_wait3A_1131 = arith.constant 0 : i32
      %dma_wait3A_1132 = tpu.memref_slice %arg8[%dma_wait3A_1130, %dma_wait3A_1131] : memref<64x129xf32, #tpu.memory_space<vmem>> -> memref<8x128xf32, #tpu.memory_space<vmem>>
      tpu.wait_dma2 semaphore(%arg12 : memref<!tpu.dma_semaphore, #tpu.memory_space<semaphore_mem>>) src(%dma_wait3A_1132 : memref<8x128xf32, #tpu.memory_space<vmem>>) dst(%dma_wait3A_1129 : memref<8x128xf32, #tpu.memory_space<hbm>>)
      %dma_wait3A_1133 = arith.constant 1 : i32
      %dma_wait3A_1134 = arith.constant 8 : i32
      %dma_wait3A_1135 = arith.constant 0 : i32
      %dma_wait3A_1136 = tpu.memref_slice %arg8[%dma_wait3A_1134, %dma_wait3A_1135] : memref<64x129xf32, #tpu.memory_space<vmem>> -> memref<8x128xf32, #tpu.memory_space<vmem>>
      %dma_wait3A_1137 = arith.constant 0 : i32
      %dma_wait3A_1138 = arith.constant 0 : i32
      %dma_wait3A_1139 = tpu.memref_slice %arg4[%add3A_1111, %dma_wait3A_1133, %add3A, %dma_wait3A_1137, %dma_wait3A_1138] : memref<50x8x32x8x128xf32, #tpu.memory_space<hbm>> -> memref<1x1x1x8x128xf32, #tpu.memory_space<hbm>>
      %dma_wait3A_1140 = tpu.memref_squeeze %dma_wait3A_1139 : memref<1x1x1x8x128xf32, #tpu.memory_space<hbm>> -> memref<8x128xf32, #tpu.memory_space<hbm>>
      %dma_wait3A_1141 = arith.constant 0 : i32
      %dma_wait3A_1142 = arith.constant 0 : i32
      %dma_wait3A_1143 = tpu.memref_slice %arg4[%add3A_1111, %dma_wait3A_1133, %add3A, %dma_wait3A_1141, %dma_wait3A_1142] : memref<50x8x32x8x128xf32, #tpu.memory_space<hbm>> -> memref<1x1x1x8x128xf32, #tpu.memory_space<hbm>>
      %dma_wait3A_1144 = tpu.memref_squeeze %dma_wait3A_1143 : memref<1x1x1x8x128xf32, #tpu.memory_space<hbm>> -> memref<8x128xf32, #tpu.memory_space<hbm>>
      %dma_wait3A_1145 = arith.constant 8 : i32
      %dma_wait3A_1146 = arith.constant 0 : i32
      %dma_wait3A_1147 = tpu.memref_slice %arg8[%dma_wait3A_1145, %dma_wait3A_1146] : memref<64x129xf32, #tpu.memory_space<vmem>> -> memref<8x128xf32, #tpu.memory_space<vmem>>
      tpu.wait_dma2 semaphore(%arg12 : memref<!tpu.dma_semaphore, #tpu.memory_space<semaphore_mem>>) src(%dma_wait3A_1147 : memref<8x128xf32, #tpu.memory_space<vmem>>) dst(%dma_wait3A_1144 : memref<8x128xf32, #tpu.memory_space<hbm>>)
      %dma_wait3A_1148 = arith.constant 2 : i32
      %dma_wait3A_1149 = arith.constant 16 : i32
      %dma_wait3A_1150 = arith.constant 0 : i32
      %dma_wait3A_1151 = tpu.memref_slice %arg8[%dma_wait3A_1149, %dma_wait3A_1150] : memref<64x129xf32, #tpu.memory_space<vmem>> -> memref<8x128xf32, #tpu.memory_space<vmem>>
      %dma_wait3A_1152 = arith.constant 0 : i32
      %dma_wait3A_1153 = arith.constant 0 : i32
      %dma_wait3A_1154 = tpu.memref_slice %arg4[%add3A_1111, %dma_wait3A_1148, %add3A, %dma_wait3A_1152, %dma_wait3A_1153] : memref<50x8x32x8x128xf32, #tpu.memory_space<hbm>> -> memref<1x1x1x8x128xf32, #tpu.memory_space<hbm>>
      %dma_wait3A_1155 = tpu.memref_squeeze %dma_wait3A_1154 : memref<1x1x1x8x128xf32, #tpu.memory_space<hbm>> -> memref<8x128xf32, #tpu.memory_space<hbm>>
      %dma_wait3A_1156 = arith.constant 0 : i32
      %dma_wait3A_1157 = arith.constant 0 : i32
      %dma_wait3A_1158 = tpu.memref_slice %arg4[%add3A_1111, %dma_wait3A_1148, %add3A, %dma_wait3A_1156, %dma_wait3A_1157] : memref<50x8x32x8x128xf32, #tpu.memory_space<hbm>> -> memref<1x1x1x8x128xf32, #tpu.memory_space<hbm>>
      %dma_wait3A_1159 = tpu.memref_squeeze %dma_wait3A_1158 : memref<1x1x1x8x128xf32, #tpu.memory_space<hbm>> -> memref<8x128xf32, #tpu.memory_space<hbm>>
      %dma_wait3A_1160 = arith.constant 16 : i32
      %dma_wait3A_1161 = arith.constant 0 : i32
      %dma_wait3A_1162 = tpu.memref_slice %arg8[%dma_wait3A_1160, %dma_wait3A_1161] : memref<64x129xf32, #tpu.memory_space<vmem>> -> memref<8x128xf32, #tpu.memory_space<vmem>>
      tpu.wait_dma2 semaphore(%arg12 : memref<!tpu.dma_semaphore, #tpu.memory_space<semaphore_mem>>) src(%dma_wait3A_1162 : memref<8x128xf32, #tpu.memory_space<vmem>>) dst(%dma_wait3A_1159 : memref<8x128xf32, #tpu.memory_space<hbm>>)
      %dma_wait3A_1163 = arith.constant 3 : i32
      %dma_wait3A_1164 = arith.constant 24 : i32
      %dma_wait3A_1165 = arith.constant 0 : i32
      %dma_wait3A_1166 = tpu.memref_slice %arg8[%dma_wait3A_1164, %dma_wait3A_1165] : memref<64x129xf32, #tpu.memory_space<vmem>> -> memref<8x128xf32, #tpu.memory_space<vmem>>
      %dma_wait3A_1167 = arith.constant 0 : i32
      %dma_wait3A_1168 = arith.constant 0 : i32
      %dma_wait3A_1169 = tpu.memref_slice %arg4[%add3A_1111, %dma_wait3A_1163, %add3A, %dma_wait3A_1167, %dma_wait3A_1168] : memref<50x8x32x8x128xf32, #tpu.memory_space<hbm>> -> memref<1x1x1x8x128xf32, #tpu.memory_space<hbm>>
      %dma_wait3A_1170 = tpu.memref_squeeze %dma_wait3A_1169 : memref<1x1x1x8x128xf32, #tpu.memory_space<hbm>> -> memref<8x128xf32, #tpu.memory_space<hbm>>
      %dma_wait3A_1171 = arith.constant 0 : i32
      %dma_wait3A_1172 = arith.constant 0 : i32
      %dma_wait3A_1173 = tpu.memref_slice %arg4[%add3A_1111, %dma_wait3A_1163, %add3A, %dma_wait3A_1171, %dma_wait3A_1172] : memref<50x8x32x8x128xf32, #tpu.memory_space<hbm>> -> memref<1x1x1x8x128xf32, #tpu.memory_space<hbm>>
      %dma_wait3A_1174 = tpu.memref_squeeze %dma_wait3A_1173 : memref<1x1x1x8x128xf32, #tpu.memory_space<hbm>> -> memref<8x128xf32, #tpu.memory_space<hbm>>
      %dma_wait3A_1175 = arith.constant 24 : i32
      %dma_wait3A_1176 = arith.constant 0 : i32
      %dma_wait3A_1177 = tpu.memref_slice %arg8[%dma_wait3A_1175, %dma_wait3A_1176] : memref<64x129xf32, #tpu.memory_space<vmem>> -> memref<8x128xf32, #tpu.memory_space<vmem>>
      tpu.wait_dma2 semaphore(%arg12 : memref<!tpu.dma_semaphore, #tpu.memory_space<semaphore_mem>>) src(%dma_wait3A_1177 : memref<8x128xf32, #tpu.memory_space<vmem>>) dst(%dma_wait3A_1174 : memref<8x128xf32, #tpu.memory_space<hbm>>)
      %dma_wait3A_1178 = arith.constant 4 : i32
      %dma_wait3A_1179 = arith.constant 32 : i32
      %dma_wait3A_1180 = arith.constant 0 : i32
      %dma_wait3A_1181 = tpu.memref_slice %arg8[%dma_wait3A_1179, %dma_wait3A_1180] : memref<64x129xf32, #tpu.memory_space<vmem>> -> memref<8x128xf32, #tpu.memory_space<vmem>>
      %dma_wait3A_1182 = arith.constant 0 : i32
      %dma_wait3A_1183 = arith.constant 0 : i32
      %dma_wait3A_1184 = tpu.memref_slice %arg4[%add3A_1111, %dma_wait3A_1178, %add3A, %dma_wait3A_1182, %dma_wait3A_1183] : memref<50x8x32x8x128xf32, #tpu.memory_space<hbm>> -> memref<1x1x1x8x128xf32, #tpu.memory_space<hbm>>
      %dma_wait3A_1185 = tpu.memref_squeeze %dma_wait3A_1184 : memref<1x1x1x8x128xf32, #tpu.memory_space<hbm>> -> memref<8x128xf32, #tpu.memory_space<hbm>>
      %dma_wait3A_1186 = arith.constant 0 : i32
      %dma_wait3A_1187 = arith.constant 0 : i32
      %dma_wait3A_1188 = tpu.memref_slice %arg4[%add3A_1111, %dma_wait3A_1178, %add3A, %dma_wait3A_1186, %dma_wait3A_1187] : memref<50x8x32x8x128xf32, #tpu.memory_space<hbm>> -> memref<1x1x1x8x128xf32, #tpu.memory_space<hbm>>
      %dma_wait3A_1189 = tpu.memref_squeeze %dma_wait3A_1188 : memref<1x1x1x8x128xf32, #tpu.memory_space<hbm>> -> memref<8x128xf32, #tpu.memory_space<hbm>>
      %dma_wait3A_1190 = arith.constant 32 : i32
      %dma_wait3A_1191 = arith.constant 0 : i32
      %dma_wait3A_1192 = tpu.memref_slice %arg8[%dma_wait3A_1190, %dma_wait3A_1191] : memref<64x129xf32, #tpu.memory_space<vmem>> -> memref<8x128xf32, #tpu.memory_space<vmem>>
      tpu.wait_dma2 semaphore(%arg12 : memref<!tpu.dma_semaphore, #tpu.memory_space<semaphore_mem>>) src(%dma_wait3A_1192 : memref<8x128xf32, #tpu.memory_space<vmem>>) dst(%dma_wait3A_1189 : memref<8x128xf32, #tpu.memory_space<hbm>>)
      %dma_wait3A_1193 = arith.constant 5 : i32
      %dma_wait3A_1194 = arith.constant 40 : i32
      %dma_wait3A_1195 = arith.constant 0 : i32
      %dma_wait3A_1196 = tpu.memref_slice %arg8[%dma_wait3A_1194, %dma_wait3A_1195] : memref<64x129xf32, #tpu.memory_space<vmem>> -> memref<8x128xf32, #tpu.memory_space<vmem>>
      %dma_wait3A_1197 = arith.constant 0 : i32
      %dma_wait3A_1198 = arith.constant 0 : i32
      %dma_wait3A_1199 = tpu.memref_slice %arg4[%add3A_1111, %dma_wait3A_1193, %add3A, %dma_wait3A_1197, %dma_wait3A_1198] : memref<50x8x32x8x128xf32, #tpu.memory_space<hbm>> -> memref<1x1x1x8x128xf32, #tpu.memory_space<hbm>>
      %dma_wait3A_1200 = tpu.memref_squeeze %dma_wait3A_1199 : memref<1x1x1x8x128xf32, #tpu.memory_space<hbm>> -> memref<8x128xf32, #tpu.memory_space<hbm>>
      %dma_wait3A_1201 = arith.constant 0 : i32
      %dma_wait3A_1202 = arith.constant 0 : i32
      %dma_wait3A_1203 = tpu.memref_slice %arg4[%add3A_1111, %dma_wait3A_1193, %add3A, %dma_wait3A_1201, %dma_wait3A_1202] : memref<50x8x32x8x128xf32, #tpu.memory_space<hbm>> -> memref<1x1x1x8x128xf32, #tpu.memory_space<hbm>>
      %dma_wait3A_1204 = tpu.memref_squeeze %dma_wait3A_1203 : memref<1x1x1x8x128xf32, #tpu.memory_space<hbm>> -> memref<8x128xf32, #tpu.memory_space<hbm>>
      %dma_wait3A_1205 = arith.constant 40 : i32
      %dma_wait3A_1206 = arith.constant 0 : i32
      %dma_wait3A_1207 = tpu.memref_slice %arg8[%dma_wait3A_1205, %dma_wait3A_1206] : memref<64x129xf32, #tpu.memory_space<vmem>> -> memref<8x128xf32, #tpu.memory_space<vmem>>
      tpu.wait_dma2 semaphore(%arg12 : memref<!tpu.dma_semaphore, #tpu.memory_space<semaphore_mem>>) src(%dma_wait3A_1207 : memref<8x128xf32, #tpu.memory_space<vmem>>) dst(%dma_wait3A_1204 : memref<8x128xf32, #tpu.memory_space<hbm>>)
      %dma_wait3A_1208 = arith.constant 6 : i32
      %dma_wait3A_1209 = arith.constant 48 : i32
      %dma_wait3A_1210 = arith.constant 0 : i32
      %dma_wait3A_1211 = tpu.memref_slice %arg8[%dma_wait3A_1209, %dma_wait3A_1210] : memref<64x129xf32, #tpu.memory_space<vmem>> -> memref<8x128xf32, #tpu.memory_space<vmem>>
      %dma_wait3A_1212 = arith.constant 0 : i32
      %dma_wait3A_1213 = arith.constant 0 : i32
      %dma_wait3A_1214 = tpu.memref_slice %arg4[%add3A_1111, %dma_wait3A_1208, %add3A, %dma_wait3A_1212, %dma_wait3A_1213] : memref<50x8x32x8x128xf32, #tpu.memory_space<hbm>> -> memref<1x1x1x8x128xf32, #tpu.memory_space<hbm>>
      %dma_wait3A_1215 = tpu.memref_squeeze %dma_wait3A_1214 : memref<1x1x1x8x128xf32, #tpu.memory_space<hbm>> -> memref<8x128xf32, #tpu.memory_space<hbm>>
      %dma_wait3A_1216 = arith.constant 0 : i32
      %dma_wait3A_1217 = arith.constant 0 : i32
      %dma_wait3A_1218 = tpu.memref_slice %arg4[%add3A_1111, %dma_wait3A_1208, %add3A, %dma_wait3A_1216, %dma_wait3A_1217] : memref<50x8x32x8x128xf32, #tpu.memory_space<hbm>> -> memref<1x1x1x8x128xf32, #tpu.memory_space<hbm>>
      %dma_wait3A_1219 = tpu.memref_squeeze %dma_wait3A_1218 : memref<1x1x1x8x128xf32, #tpu.memory_space<hbm>> -> memref<8x128xf32, #tpu.memory_space<hbm>>
      %dma_wait3A_1220 = arith.constant 48 : i32
      %dma_wait3A_1221 = arith.constant 0 : i32
      %dma_wait3A_1222 = tpu.memref_slice %arg8[%dma_wait3A_1220, %dma_wait3A_1221] : memref<64x129xf32, #tpu.memory_space<vmem>> -> memref<8x128xf32, #tpu.memory_space<vmem>>
      tpu.wait_dma2 semaphore(%arg12 : memref<!tpu.dma_semaphore, #tpu.memory_space<semaphore_mem>>) src(%dma_wait3A_1222 : memref<8x128xf32, #tpu.memory_space<vmem>>) dst(%dma_wait3A_1219 : memref<8x128xf32, #tpu.memory_space<hbm>>)
      %dma_wait3A_1223 = arith.constant 7 : i32
      %dma_wait3A_1224 = arith.constant 56 : i32
      %dma_wait3A_1225 = arith.constant 0 : i32
      %dma_wait3A_1226 = tpu.memref_slice %arg8[%dma_wait3A_1224, %dma_wait3A_1225] : memref<64x129xf32, #tpu.memory_space<vmem>> -> memref<8x128xf32, #tpu.memory_space<vmem>>
      %dma_wait3A_1227 = arith.constant 0 : i32
      %dma_wait3A_1228 = arith.constant 0 : i32
      %dma_wait3A_1229 = tpu.memref_slice %arg4[%add3A_1111, %dma_wait3A_1223, %add3A, %dma_wait3A_1227, %dma_wait3A_1228] : memref<50x8x32x8x128xf32, #tpu.memory_space<hbm>> -> memref<1x1x1x8x128xf32, #tpu.memory_space<hbm>>
      %dma_wait3A_1230 = tpu.memref_squeeze %dma_wait3A_1229 : memref<1x1x1x8x128xf32, #tpu.memory_space<hbm>> -> memref<8x128xf32, #tpu.memory_space<hbm>>
      %dma_wait3A_1231 = arith.constant 0 : i32
      %dma_wait3A_1232 = arith.constant 0 : i32
      %dma_wait3A_1233 = tpu.memref_slice %arg4[%add3A_1111, %dma_wait3A_1223, %add3A, %dma_wait3A_1231, %dma_wait3A_1232] : memref<50x8x32x8x128xf32, #tpu.memory_space<hbm>> -> memref<1x1x1x8x128xf32, #tpu.memory_space<hbm>>
      %dma_wait3A_1234 = tpu.memref_squeeze %dma_wait3A_1233 : memref<1x1x1x8x128xf32, #tpu.memory_space<hbm>> -> memref<8x128xf32, #tpu.memory_space<hbm>>
      %dma_wait3A_1235 = arith.constant 56 : i32
      %dma_wait3A_1236 = arith.constant 0 : i32
      %dma_wait3A_1237 = tpu.memref_slice %arg8[%dma_wait3A_1235, %dma_wait3A_1236] : memref<64x129xf32, #tpu.memory_space<vmem>> -> memref<8x128xf32, #tpu.memory_space<vmem>>
      tpu.wait_dma2 semaphore(%arg12 : memref<!tpu.dma_semaphore, #tpu.memory_space<semaphore_mem>>) src(%dma_wait3A_1237 : memref<8x128xf32, #tpu.memory_space<vmem>>) dst(%dma_wait3A_1234 : memref<8x128xf32, #tpu.memory_space<hbm>>)
      %parallel_loop3A_1238 = arith.constant 0 : i32
      %parallel_loop3A_1239 = arith.constant 128 : i32
      %parallel_loop3A_1240 = arith.constant 1 : i32
      scf.for %parallel_loop3A_1630 = %parallel_loop3A_1238 to %parallel_loop3A_1239 step %parallel_loop3A_1240  : i32 {
        %parallel_loop3A_1631 = vector.broadcast %parallel_loop3A_1630 : i32 to vector<16xi32>
        %parallel_loop3A_1632 = arith.index_cast %parallel_loop3A_1630 : i32 to index
        %parallel_loop3A_1633 = arith.constant 0 : index
        %parallel_loop3A_1634 = tpu.vector_load %arg6[%parallel_loop3A_1632, %parallel_loop3A_1633] {strides = array<i32>} : memref<128x64xf32, #tpu.memory_space<vmem>>, vector<16xf32>,
        tpu.vector_store_idx %arg8[%add3A_3, %parallel_loop3A_1631], %parallel_loop3A_1634 : memref<64x129xf32, #tpu.memory_space<vmem>>[vector<16xi32>, vector<16xi32>], vector<16xf32>,
        %parallel_loop3A_1635 = arith.index_cast %parallel_loop3A_1630 : i32 to index
        %parallel_loop3A_1636 = arith.constant 16 : index
        %parallel_loop3A_1637 = tpu.vector_load %arg6[%parallel_loop3A_1635, %parallel_loop3A_1636] {strides = array<i32>} : memref<128x64xf32, #tpu.memory_space<vmem>>, vector<16xf32>,
        tpu.vector_store_idx %arg8[%add3A_6, %parallel_loop3A_1631], %parallel_loop3A_1637 : memref<64x129xf32, #tpu.memory_space<vmem>>[vector<16xi32>, vector<16xi32>], vector<16xf32>,
        %parallel_loop3A_1638 = arith.index_cast %parallel_loop3A_1630 : i32 to index
        %parallel_loop3A_1639 = arith.constant 32 : index
        %parallel_loop3A_1640 = tpu.vector_load %arg6[%parallel_loop3A_1638, %parallel_loop3A_1639] {strides = array<i32>} : memref<128x64xf32, #tpu.memory_space<vmem>>, vector<16xf32>,
        tpu.vector_store_idx %arg8[%add3A_9, %parallel_loop3A_1631], %parallel_loop3A_1640 : memref<64x129xf32, #tpu.memory_space<vmem>>[vector<16xi32>, vector<16xi32>], vector<16xf32>,
        %parallel_loop3A_1641 = arith.index_cast %parallel_loop3A_1630 : i32 to index
        %parallel_loop3A_1642 = arith.constant 48 : index
        %parallel_loop3A_1643 = tpu.vector_load %arg6[%parallel_loop3A_1641, %parallel_loop3A_1642] {strides = array<i32>} : memref<128x64xf32, #tpu.memory_space<vmem>>, vector<16xf32>,
        tpu.vector_store_idx %arg8[%add3A_12, %parallel_loop3A_1631], %parallel_loop3A_1643 : memref<64x129xf32, #tpu.memory_space<vmem>>[vector<16xi32>, vector<16xi32>], vector<16xf32>,
      } {sc.loop_unroll_factor = 8 : i64, sc.parallel_access}
      %add3A_1241 = arith.constant 2 : i32
      %add3A_1242 = arith.addi %add3A_1111, %add3A_1241 : i32
      %dma_start3A_1243 = arith.constant 0 : i32
      %dma_start3A_1244 = tpu.memref_slice %arg5[%add3A_1242, %dma_start3A_1243] : memref<50x128xi32, #tpu.memory_space<vmem>> -> memref<1x128xi32, #tpu.memory_space<vmem>>
      %dma_start3A_1245 = tpu.memref_squeeze %dma_start3A_1244 : memref<1x128xi32, #tpu.memory_space<vmem>> -> memref<128xi32, #tpu.memory_space<vmem>>
      %dma_start3A_1246 = arith.constant 0 : i32
      %dma_start3A_1247 = arith.constant 0 : i32
      %dma_start3A_1248 = tpu.memref_slice %arg3[%dma_start3A_1246, %dma_start3A_1247] : memref<100000x64xf32, #tpu.memory_space<hbm>> -> memref<100000x64xf32, #tpu.memory_space<hbm>>
      tpu.enqueue_indirect_dma source(%dma_start3A_1248 : memref<100000x64xf32, #tpu.memory_space<hbm>>) target(%arg6 : memref<128x64xf32, #tpu.memory_space<vmem>>) offsets(%dma_start3A_1245 : memref<128xi32, #tpu.memory_space<vmem>>) semaphore(%arg10 : memref<!tpu.dma_semaphore, #tpu.memory_space<semaphore_mem>>)
      %dma_start3A_1249 = arith.constant 0 : i32
      %dma_start3A_1250 = arith.constant 0 : i32
      %dma_start3A_1251 = arith.constant 0 : i32
      %dma_start3A_1252 = tpu.memref_slice %arg8[%dma_start3A_1250, %dma_start3A_1251] : memref<64x129xf32, #tpu.memory_space<vmem>> -> memref<8x128xf32, #tpu.memory_space<vmem>>
      %dma_start3A_1253 = arith.constant 0 : i32
      %dma_start3A_1254 = arith.constant 0 : i32
      %dma_start3A_1255 = tpu.memref_slice %arg4[%add3A_1111, %dma_start3A_1249, %add3A, %dma_start3A_1253, %dma_start3A_1254] : memref<50x8x32x8x128xf32, #tpu.memory_space<hbm>> -> memref<1x1x1x8x128xf32, #tpu.memory_space<hbm>>
      %dma_start3A_1256 = tpu.memref_squeeze %dma_start3A_1255 : memref<1x1x1x8x128xf32, #tpu.memory_space<hbm>> -> memref<8x128xf32, #tpu.memory_space<hbm>>
      %dma_start3A_1257 = arith.constant 0 : i32
      %dma_start3A_1258 = arith.constant 0 : i32
      %dma_start3A_1259 = tpu.memref_slice %arg4[%add3A_1111, %dma_start3A_1249, %add3A, %dma_start3A_1257, %dma_start3A_1258] : memref<50x8x32x8x128xf32, #tpu.memory_space<hbm>> -> memref<1x1x1x8x128xf32, #tpu.memory_space<hbm>>
      %dma_start3A_1260 = tpu.memref_squeeze %dma_start3A_1259 : memref<1x1x1x8x128xf32, #tpu.memory_space<hbm>> -> memref<8x128xf32, #tpu.memory_space<hbm>>
      %dma_start3A_1261 = arith.constant 0 : i32
      %dma_start3A_1262 = arith.constant 0 : i32
      %dma_start3A_1263 = tpu.memref_slice %arg8[%dma_start3A_1261, %dma_start3A_1262] : memref<64x129xf32, #tpu.memory_space<vmem>> -> memref<8x128xf32, #tpu.memory_space<vmem>>
      tpu.enqueue_dma source(%dma_start3A_1263 : memref<8x128xf32, #tpu.memory_space<vmem>>) target(%dma_start3A_1260 : memref<8x128xf32, #tpu.memory_space<hbm>>) target_semaphore(%arg12 : memref<!tpu.dma_semaphore, #tpu.memory_space<semaphore_mem>>)
      %dma_start3A_1264 = arith.constant 1 : i32
      %dma_start3A_1265 = arith.constant 8 : i32
      %dma_start3A_1266 = arith.constant 0 : i32
      %dma_start3A_1267 = tpu.memref_slice %arg8[%dma_start3A_1265, %dma_start3A_1266] : memref<64x129xf32, #tpu.memory_space<vmem>> -> memref<8x128xf32, #tpu.memory_space<vmem>>
      %dma_start3A_1268 = arith.constant 0 : i32
      %dma_start3A_1269 = arith.constant 0 : i32
      %dma_start3A_1270 = tpu.memref_slice %arg4[%add3A_1111, %dma_start3A_1264, %add3A, %dma_start3A_1268, %dma_start3A_1269] : memref<50x8x32x8x128xf32, #tpu.memory_space<hbm>> -> memref<1x1x1x8x128xf32, #tpu.memory_space<hbm>>
      %dma_start3A_1271 = tpu.memref_squeeze %dma_start3A_1270 : memref<1x1x1x8x128xf32, #tpu.memory_space<hbm>> -> memref<8x128xf32, #tpu.memory_space<hbm>>
      %dma_start3A_1272 = arith.constant 0 : i32
      %dma_start3A_1273 = arith.constant 0 : i32
      %dma_start3A_1274 = tpu.memref_slice %arg4[%add3A_1111, %dma_start3A_1264, %add3A, %dma_start3A_1272, %dma_start3A_1273] : memref<50x8x32x8x128xf32, #tpu.memory_space<hbm>> -> memref<1x1x1x8x128xf32, #tpu.memory_space<hbm>>
      %dma_start3A_1275 = tpu.memref_squeeze %dma_start3A_1274 : memref<1x1x1x8x128xf32, #tpu.memory_space<hbm>> -> memref<8x128xf32, #tpu.memory_space<hbm>>
      %dma_start3A_1276 = arith.constant 8 : i32
      %dma_start3A_1277 = arith.constant 0 : i32
      %dma_start3A_1278 = tpu.memref_slice %arg8[%dma_start3A_1276, %dma_start3A_1277] : memref<64x129xf32, #tpu.memory_space<vmem>> -> memref<8x128xf32, #tpu.memory_space<vmem>>
      tpu.enqueue_dma source(%dma_start3A_1278 : memref<8x128xf32, #tpu.memory_space<vmem>>) target(%dma_start3A_1275 : memref<8x128xf32, #tpu.memory_space<hbm>>) target_semaphore(%arg12 : memref<!tpu.dma_semaphore, #tpu.memory_space<semaphore_mem>>)
      %dma_start3A_1279 = arith.constant 2 : i32
      %dma_start3A_1280 = arith.constant 16 : i32
      %dma_start3A_1281 = arith.constant 0 : i32
      %dma_start3A_1282 = tpu.memref_slice %arg8[%dma_start3A_1280, %dma_start3A_1281] : memref<64x129xf32, #tpu.memory_space<vmem>> -> memref<8x128xf32, #tpu.memory_space<vmem>>
      %dma_start3A_1283 = arith.constant 0 : i32
      %dma_start3A_1284 = arith.constant 0 : i32
      %dma_start3A_1285 = tpu.memref_slice %arg4[%add3A_1111, %dma_start3A_1279, %add3A, %dma_start3A_1283, %dma_start3A_1284] : memref<50x8x32x8x128xf32, #tpu.memory_space<hbm>> -> memref<1x1x1x8x128xf32, #tpu.memory_space<hbm>>
      %dma_start3A_1286 = tpu.memref_squeeze %dma_start3A_1285 : memref<1x1x1x8x128xf32, #tpu.memory_space<hbm>> -> memref<8x128xf32, #tpu.memory_space<hbm>>
      %dma_start3A_1287 = arith.constant 0 : i32
      %dma_start3A_1288 = arith.constant 0 : i32
      %dma_start3A_1289 = tpu.memref_slice %arg4[%add3A_1111, %dma_start3A_1279, %add3A, %dma_start3A_1287, %dma_start3A_1288] : memref<50x8x32x8x128xf32, #tpu.memory_space<hbm>> -> memref<1x1x1x8x128xf32, #tpu.memory_space<hbm>>
      %dma_start3A_1290 = tpu.memref_squeeze %dma_start3A_1289 : memref<1x1x1x8x128xf32, #tpu.memory_space<hbm>> -> memref<8x128xf32, #tpu.memory_space<hbm>>
      %dma_start3A_1291 = arith.constant 16 : i32
      %dma_start3A_1292 = arith.constant 0 : i32
      %dma_start3A_1293 = tpu.memref_slice %arg8[%dma_start3A_1291, %dma_start3A_1292] : memref<64x129xf32, #tpu.memory_space<vmem>> -> memref<8x128xf32, #tpu.memory_space<vmem>>
      tpu.enqueue_dma source(%dma_start3A_1293 : memref<8x128xf32, #tpu.memory_space<vmem>>) target(%dma_start3A_1290 : memref<8x128xf32, #tpu.memory_space<hbm>>) target_semaphore(%arg12 : memref<!tpu.dma_semaphore, #tpu.memory_space<semaphore_mem>>)
      %dma_start3A_1294 = arith.constant 3 : i32
      %dma_start3A_1295 = arith.constant 24 : i32
      %dma_start3A_1296 = arith.constant 0 : i32
      %dma_start3A_1297 = tpu.memref_slice %arg8[%dma_start3A_1295, %dma_start3A_1296] : memref<64x129xf32, #tpu.memory_space<vmem>> -> memref<8x128xf32, #tpu.memory_space<vmem>>
      %dma_start3A_1298 = arith.constant 0 : i32
      %dma_start3A_1299 = arith.constant 0 : i32
      %dma_start3A_1300 = tpu.memref_slice %arg4[%add3A_1111, %dma_start3A_1294, %add3A, %dma_start3A_1298, %dma_start3A_1299] : memref<50x8x32x8x128xf32, #tpu.memory_space<hbm>> -> memref<1x1x1x8x128xf32, #tpu.memory_space<hbm>>
      %dma_start3A_1301 = tpu.memref_squeeze %dma_start3A_1300 : memref<1x1x1x8x128xf32, #tpu.memory_space<hbm>> -> memref<8x128xf32, #tpu.memory_space<hbm>>
      %dma_start3A_1302 = arith.constant 0 : i32
      %dma_start3A_1303 = arith.constant 0 : i32
      %dma_start3A_1304 = tpu.memref_slice %arg4[%add3A_1111, %dma_start3A_1294, %add3A, %dma_start3A_1302, %dma_start3A_1303] : memref<50x8x32x8x128xf32, #tpu.memory_space<hbm>> -> memref<1x1x1x8x128xf32, #tpu.memory_space<hbm>>
      %dma_start3A_1305 = tpu.memref_squeeze %dma_start3A_1304 : memref<1x1x1x8x128xf32, #tpu.memory_space<hbm>> -> memref<8x128xf32, #tpu.memory_space<hbm>>
      %dma_start3A_1306 = arith.constant 24 : i32
      %dma_start3A_1307 = arith.constant 0 : i32
      %dma_start3A_1308 = tpu.memref_slice %arg8[%dma_start3A_1306, %dma_start3A_1307] : memref<64x129xf32, #tpu.memory_space<vmem>> -> memref<8x128xf32, #tpu.memory_space<vmem>>
      tpu.enqueue_dma source(%dma_start3A_1308 : memref<8x128xf32, #tpu.memory_space<vmem>>) target(%dma_start3A_1305 : memref<8x128xf32, #tpu.memory_space<hbm>>) target_semaphore(%arg12 : memref<!tpu.dma_semaphore, #tpu.memory_space<semaphore_mem>>)
      %dma_start3A_1309 = arith.constant 4 : i32
      %dma_start3A_1310 = arith.constant 32 : i32
      %dma_start3A_1311 = arith.constant 0 : i32
      %dma_start3A_1312 = tpu.memref_slice %arg8[%dma_start3A_1310, %dma_start3A_1311] : memref<64x129xf32, #tpu.memory_space<vmem>> -> memref<8x128xf32, #tpu.memory_space<vmem>>
      %dma_start3A_1313 = arith.constant 0 : i32
      %dma_start3A_1314 = arith.constant 0 : i32
      %dma_start3A_1315 = tpu.memref_slice %arg4[%add3A_1111, %dma_start3A_1309, %add3A, %dma_start3A_1313, %dma_start3A_1314] : memref<50x8x32x8x128xf32, #tpu.memory_space<hbm>> -> memref<1x1x1x8x128xf32, #tpu.memory_space<hbm>>
      %dma_start3A_1316 = tpu.memref_squeeze %dma_start3A_1315 : memref<1x1x1x8x128xf32, #tpu.memory_space<hbm>> -> memref<8x128xf32, #tpu.memory_space<hbm>>
      %dma_start3A_1317 = arith.constant 0 : i32
      %dma_start3A_1318 = arith.constant 0 : i32
      %dma_start3A_1319 = tpu.memref_slice %arg4[%add3A_1111, %dma_start3A_1309, %add3A, %dma_start3A_1317, %dma_start3A_1318] : memref<50x8x32x8x128xf32, #tpu.memory_space<hbm>> -> memref<1x1x1x8x128xf32, #tpu.memory_space<hbm>>
      %dma_start3A_1320 = tpu.memref_squeeze %dma_start3A_1319 : memref<1x1x1x8x128xf32, #tpu.memory_space<hbm>> -> memref<8x128xf32, #tpu.memory_space<hbm>>
      %dma_start3A_1321 = arith.constant 32 : i32
      %dma_start3A_1322 = arith.constant 0 : i32
      %dma_start3A_1323 = tpu.memref_slice %arg8[%dma_start3A_1321, %dma_start3A_1322] : memref<64x129xf32, #tpu.memory_space<vmem>> -> memref<8x128xf32, #tpu.memory_space<vmem>>
      tpu.enqueue_dma source(%dma_start3A_1323 : memref<8x128xf32, #tpu.memory_space<vmem>>) target(%dma_start3A_1320 : memref<8x128xf32, #tpu.memory_space<hbm>>) target_semaphore(%arg12 : memref<!tpu.dma_semaphore, #tpu.memory_space<semaphore_mem>>)
      %dma_start3A_1324 = arith.constant 5 : i32
      %dma_start3A_1325 = arith.constant 40 : i32
      %dma_start3A_1326 = arith.constant 0 : i32
      %dma_start3A_1327 = tpu.memref_slice %arg8[%dma_start3A_1325, %dma_start3A_1326] : memref<64x129xf32, #tpu.memory_space<vmem>> -> memref<8x128xf32, #tpu.memory_space<vmem>>
      %dma_start3A_1328 = arith.constant 0 : i32
      %dma_start3A_1329 = arith.constant 0 : i32
      %dma_start3A_1330 = tpu.memref_slice %arg4[%add3A_1111, %dma_start3A_1324, %add3A, %dma_start3A_1328, %dma_start3A_1329] : memref<50x8x32x8x128xf32, #tpu.memory_space<hbm>> -> memref<1x1x1x8x128xf32, #tpu.memory_space<hbm>>
      %dma_start3A_1331 = tpu.memref_squeeze %dma_start3A_1330 : memref<1x1x1x8x128xf32, #tpu.memory_space<hbm>> -> memref<8x128xf32, #tpu.memory_space<hbm>>
      %dma_start3A_1332 = arith.constant 0 : i32
      %dma_start3A_1333 = arith.constant 0 : i32
      %dma_start3A_1334 = tpu.memref_slice %arg4[%add3A_1111, %dma_start3A_1324, %add3A, %dma_start3A_1332, %dma_start3A_1333] : memref<50x8x32x8x128xf32, #tpu.memory_space<hbm>> -> memref<1x1x1x8x128xf32, #tpu.memory_space<hbm>>
      %dma_start3A_1335 = tpu.memref_squeeze %dma_start3A_1334 : memref<1x1x1x8x128xf32, #tpu.memory_space<hbm>> -> memref<8x128xf32, #tpu.memory_space<hbm>>
      %dma_start3A_1336 = arith.constant 40 : i32
      %dma_start3A_1337 = arith.constant 0 : i32
      %dma_start3A_1338 = tpu.memref_slice %arg8[%dma_start3A_1336, %dma_start3A_1337] : memref<64x129xf32, #tpu.memory_space<vmem>> -> memref<8x128xf32, #tpu.memory_space<vmem>>
      tpu.enqueue_dma source(%dma_start3A_1338 : memref<8x128xf32, #tpu.memory_space<vmem>>) target(%dma_start3A_1335 : memref<8x128xf32, #tpu.memory_space<hbm>>) target_semaphore(%arg12 : memref<!tpu.dma_semaphore, #tpu.memory_space<semaphore_mem>>)
      %dma_start3A_1339 = arith.constant 6 : i32
      %dma_start3A_1340 = arith.constant 48 : i32
      %dma_start3A_1341 = arith.constant 0 : i32
      %dma_start3A_1342 = tpu.memref_slice %arg8[%dma_start3A_1340, %dma_start3A_1341] : memref<64x129xf32, #tpu.memory_space<vmem>> -> memref<8x128xf32, #tpu.memory_space<vmem>>
      %dma_start3A_1343 = arith.constant 0 : i32
      %dma_start3A_1344 = arith.constant 0 : i32
      %dma_start3A_1345 = tpu.memref_slice %arg4[%add3A_1111, %dma_start3A_1339, %add3A, %dma_start3A_1343, %dma_start3A_1344] : memref<50x8x32x8x128xf32, #tpu.memory_space<hbm>> -> memref<1x1x1x8x128xf32, #tpu.memory_space<hbm>>
      %dma_start3A_1346 = tpu.memref_squeeze %dma_start3A_1345 : memref<1x1x1x8x128xf32, #tpu.memory_space<hbm>> -> memref<8x128xf32, #tpu.memory_space<hbm>>
      %dma_start3A_1347 = arith.constant 0 : i32
      %dma_start3A_1348 = arith.constant 0 : i32
      %dma_start3A_1349 = tpu.memref_slice %arg4[%add3A_1111, %dma_start3A_1339, %add3A, %dma_start3A_1347, %dma_start3A_1348] : memref<50x8x32x8x128xf32, #tpu.memory_space<hbm>> -> memref<1x1x1x8x128xf32, #tpu.memory_space<hbm>>
      %dma_start3A_1350 = tpu.memref_squeeze %dma_start3A_1349 : memref<1x1x1x8x128xf32, #tpu.memory_space<hbm>> -> memref<8x128xf32, #tpu.memory_space<hbm>>
      %dma_start3A_1351 = arith.constant 48 : i32
      %dma_start3A_1352 = arith.constant 0 : i32
      %dma_start3A_1353 = tpu.memref_slice %arg8[%dma_start3A_1351, %dma_start3A_1352] : memref<64x129xf32, #tpu.memory_space<vmem>> -> memref<8x128xf32, #tpu.memory_space<vmem>>
      tpu.enqueue_dma source(%dma_start3A_1353 : memref<8x128xf32, #tpu.memory_space<vmem>>) target(%dma_start3A_1350 : memref<8x128xf32, #tpu.memory_space<hbm>>) target_semaphore(%arg12 : memref<!tpu.dma_semaphore, #tpu.memory_space<semaphore_mem>>)
      %dma_start3A_1354 = arith.constant 7 : i32
      %dma_start3A_1355 = arith.constant 56 : i32
      %dma_start3A_1356 = arith.constant 0 : i32
      %dma_start3A_1357 = tpu.memref_slice %arg8[%dma_start3A_1355, %dma_start3A_1356] : memref<64x129xf32, #tpu.memory_space<vmem>> -> memref<8x128xf32, #tpu.memory_space<vmem>>
      %dma_start3A_1358 = arith.constant 0 : i32
      %dma_start3A_1359 = arith.constant 0 : i32
      %dma_start3A_1360 = tpu.memref_slice %arg4[%add3A_1111, %dma_start3A_1354, %add3A, %dma_start3A_1358, %dma_start3A_1359] : memref<50x8x32x8x128xf32, #tpu.memory_space<hbm>> -> memref<1x1x1x8x128xf32, #tpu.memory_space<hbm>>
      %dma_start3A_1361 = tpu.memref_squeeze %dma_start3A_1360 : memref<1x1x1x8x128xf32, #tpu.memory_space<hbm>> -> memref<8x128xf32, #tpu.memory_space<hbm>>
      %dma_start3A_1362 = arith.constant 0 : i32
      %dma_start3A_1363 = arith.constant 0 : i32
      %dma_start3A_1364 = tpu.memref_slice %arg4[%add3A_1111, %dma_start3A_1354, %add3A, %dma_start3A_1362, %dma_start3A_1363] : memref<50x8x32x8x128xf32, #tpu.memory_space<hbm>> -> memref<1x1x1x8x128xf32, #tpu.memory_space<hbm>>
      %dma_start3A_1365 = tpu.memref_squeeze %dma_start3A_1364 : memref<1x1x1x8x128xf32, #tpu.memory_space<hbm>> -> memref<8x128xf32, #tpu.memory_space<hbm>>
      %dma_start3A_1366 = arith.constant 56 : i32
      %dma_start3A_1367 = arith.constant 0 : i32
      %dma_start3A_1368 = tpu.memref_slice %arg8[%dma_start3A_1366, %dma_start3A_1367] : memref<64x129xf32, #tpu.memory_space<vmem>> -> memref<8x128xf32, #tpu.memory_space<vmem>>
      tpu.enqueue_dma source(%dma_start3A_1368 : memref<8x128xf32, #tpu.memory_space<vmem>>) target(%dma_start3A_1365 : memref<8x128xf32, #tpu.memory_space<hbm>>) target_semaphore(%arg12 : memref<!tpu.dma_semaphore, #tpu.memory_space<semaphore_mem>>)
      %mul3A_1369 = arith.constant 2 : i32
      %mul3A_1370 = arith.muli %scan3A_1107, %mul3A_1369 : i32
      %add3A_1371 = arith.constant 1 : i32
      %add3A_1372 = arith.addi %mul3A_1370, %add3A_1371 : i32
      %dma_wait3A_1373 = arith.constant 0 : i32
      %dma_wait3A_1374 = tpu.memref_slice %arg5[%add3A_1372, %dma_wait3A_1373] : memref<50x128xi32, #tpu.memory_space<vmem>> -> memref<1x128xi32, #tpu.memory_space<vmem>>
      %dma_wait3A_1375 = tpu.memref_squeeze %dma_wait3A_1374 : memref<1x128xi32, #tpu.memory_space<vmem>> -> memref<128xi32, #tpu.memory_space<vmem>>
      %dma_wait3A_1376 = arith.constant 0 : i32
      %dma_wait3A_1377 = arith.constant 0 : i32
      %dma_wait3A_1378 = tpu.memref_slice %arg3[%dma_wait3A_1376, %dma_wait3A_1377] : memref<100000x64xf32, #tpu.memory_space<hbm>> -> memref<100000x64xf32, #tpu.memory_space<hbm>>
      tpu.wait_indirect_dma semaphore(%arg11 : memref<!tpu.dma_semaphore, #tpu.memory_space<semaphore_mem>>) src(%dma_wait3A_1378 : memref<100000x64xf32, #tpu.memory_space<hbm>>) dst(%arg7 : memref<128x64xf32, #tpu.memory_space<vmem>>)
      %dma_wait3A_1379 = arith.constant 0 : i32
      %dma_wait3A_1380 = arith.constant 0 : i32
      %dma_wait3A_1381 = arith.constant 0 : i32
      %dma_wait3A_1382 = tpu.memref_slice %arg9[%dma_wait3A_1380, %dma_wait3A_1381] : memref<64x129xf32, #tpu.memory_space<vmem>> -> memref<8x128xf32, #tpu.memory_space<vmem>>
      %dma_wait3A_1383 = arith.constant 0 : i32
      %dma_wait3A_1384 = arith.constant 0 : i32
      %dma_wait3A_1385 = tpu.memref_slice %arg4[%add3A_1372, %dma_wait3A_1379, %add3A, %dma_wait3A_1383, %dma_wait3A_1384] : memref<50x8x32x8x128xf32, #tpu.memory_space<hbm>> -> memref<1x1x1x8x128xf32, #tpu.memory_space<hbm>>
      %dma_wait3A_1386 = tpu.memref_squeeze %dma_wait3A_1385 : memref<1x1x1x8x128xf32, #tpu.memory_space<hbm>> -> memref<8x128xf32, #tpu.memory_space<hbm>>
      %dma_wait3A_1387 = arith.constant 0 : i32
      %dma_wait3A_1388 = arith.constant 0 : i32
      %dma_wait3A_1389 = tpu.memref_slice %arg4[%add3A_1372, %dma_wait3A_1379, %add3A, %dma_wait3A_1387, %dma_wait3A_1388] : memref<50x8x32x8x128xf32, #tpu.memory_space<hbm>> -> memref<1x1x1x8x128xf32, #tpu.memory_space<hbm>>
      %dma_wait3A_1390 = tpu.memref_squeeze %dma_wait3A_1389 : memref<1x1x1x8x128xf32, #tpu.memory_space<hbm>> -> memref<8x128xf32, #tpu.memory_space<hbm>>
      %dma_wait3A_1391 = arith.constant 0 : i32
      %dma_wait3A_1392 = arith.constant 0 : i32
      %dma_wait3A_1393 = tpu.memref_slice %arg9[%dma_wait3A_1391, %dma_wait3A_1392] : memref<64x129xf32, #tpu.memory_space<vmem>> -> memref<8x128xf32, #tpu.memory_space<vmem>>
      tpu.wait_dma2 semaphore(%arg13 : memref<!tpu.dma_semaphore, #tpu.memory_space<semaphore_mem>>) src(%dma_wait3A_1393 : memref<8x128xf32, #tpu.memory_space<vmem>>) dst(%dma_wait3A_1390 : memref<8x128xf32, #tpu.memory_space<hbm>>)
      %dma_wait3A_1394 = arith.constant 1 : i32
      %dma_wait3A_1395 = arith.constant 8 : i32
      %dma_wait3A_1396 = arith.constant 0 : i32
      %dma_wait3A_1397 = tpu.memref_slice %arg9[%dma_wait3A_1395, %dma_wait3A_1396] : memref<64x129xf32, #tpu.memory_space<vmem>> -> memref<8x128xf32, #tpu.memory_space<vmem>>
      %dma_wait3A_1398 = arith.constant 0 : i32
      %dma_wait3A_1399 = arith.constant 0 : i32
      %dma_wait3A_1400 = tpu.memref_slice %arg4[%add3A_1372, %dma_wait3A_1394, %add3A, %dma_wait3A_1398, %dma_wait3A_1399] : memref<50x8x32x8x128xf32, #tpu.memory_space<hbm>> -> memref<1x1x1x8x128xf32, #tpu.memory_space<hbm>>
      %dma_wait3A_1401 = tpu.memref_squeeze %dma_wait3A_1400 : memref<1x1x1x8x128xf32, #tpu.memory_space<hbm>> -> memref<8x128xf32, #tpu.memory_space<hbm>>
      %dma_wait3A_1402 = arith.constant 0 : i32
      %dma_wait3A_1403 = arith.constant 0 : i32
      %dma_wait3A_1404 = tpu.memref_slice %arg4[%add3A_1372, %dma_wait3A_1394, %add3A, %dma_wait3A_1402, %dma_wait3A_1403] : memref<50x8x32x8x128xf32, #tpu.memory_space<hbm>> -> memref<1x1x1x8x128xf32, #tpu.memory_space<hbm>>
      %dma_wait3A_1405 = tpu.memref_squeeze %dma_wait3A_1404 : memref<1x1x1x8x128xf32, #tpu.memory_space<hbm>> -> memref<8x128xf32, #tpu.memory_space<hbm>>
      %dma_wait3A_1406 = arith.constant 8 : i32
      %dma_wait3A_1407 = arith.constant 0 : i32
      %dma_wait3A_1408 = tpu.memref_slice %arg9[%dma_wait3A_1406, %dma_wait3A_1407] : memref<64x129xf32, #tpu.memory_space<vmem>> -> memref<8x128xf32, #tpu.memory_space<vmem>>
      tpu.wait_dma2 semaphore(%arg13 : memref<!tpu.dma_semaphore, #tpu.memory_space<semaphore_mem>>) src(%dma_wait3A_1408 : memref<8x128xf32, #tpu.memory_space<vmem>>) dst(%dma_wait3A_1405 : memref<8x128xf32, #tpu.memory_space<hbm>>)
      %dma_wait3A_1409 = arith.constant 2 : i32
      %dma_wait3A_1410 = arith.constant 16 : i32
      %dma_wait3A_1411 = arith.constant 0 : i32
      %dma_wait3A_1412 = tpu.memref_slice %arg9[%dma_wait3A_1410, %dma_wait3A_1411] : memref<64x129xf32, #tpu.memory_space<vmem>> -> memref<8x128xf32, #tpu.memory_space<vmem>>
      %dma_wait3A_1413 = arith.constant 0 : i32
      %dma_wait3A_1414 = arith.constant 0 : i32
      %dma_wait3A_1415 = tpu.memref_slice %arg4[%add3A_1372, %dma_wait3A_1409, %add3A, %dma_wait3A_1413, %dma_wait3A_1414] : memref<50x8x32x8x128xf32, #tpu.memory_space<hbm>> -> memref<1x1x1x8x128xf32, #tpu.memory_space<hbm>>
      %dma_wait3A_1416 = tpu.memref_squeeze %dma_wait3A_1415 : memref<1x1x1x8x128xf32, #tpu.memory_space<hbm>> -> memref<8x128xf32, #tpu.memory_space<hbm>>
      %dma_wait3A_1417 = arith.constant 0 : i32
      %dma_wait3A_1418 = arith.constant 0 : i32
      %dma_wait3A_1419 = tpu.memref_slice %arg4[%add3A_1372, %dma_wait3A_1409, %add3A, %dma_wait3A_1417, %dma_wait3A_1418] : memref<50x8x32x8x128xf32, #tpu.memory_space<hbm>> -> memref<1x1x1x8x128xf32, #tpu.memory_space<hbm>>
      %dma_wait3A_1420 = tpu.memref_squeeze %dma_wait3A_1419 : memref<1x1x1x8x128xf32, #tpu.memory_space<hbm>> -> memref<8x128xf32, #tpu.memory_space<hbm>>
      %dma_wait3A_1421 = arith.constant 16 : i32
      %dma_wait3A_1422 = arith.constant 0 : i32
      %dma_wait3A_1423 = tpu.memref_slice %arg9[%dma_wait3A_1421, %dma_wait3A_1422] : memref<64x129xf32, #tpu.memory_space<vmem>> -> memref<8x128xf32, #tpu.memory_space<vmem>>
      tpu.wait_dma2 semaphore(%arg13 : memref<!tpu.dma_semaphore, #tpu.memory_space<semaphore_mem>>) src(%dma_wait3A_1423 : memref<8x128xf32, #tpu.memory_space<vmem>>) dst(%dma_wait3A_1420 : memref<8x128xf32, #tpu.memory_space<hbm>>)
      %dma_wait3A_1424 = arith.constant 3 : i32
      %dma_wait3A_1425 = arith.constant 24 : i32
      %dma_wait3A_1426 = arith.constant 0 : i32
      %dma_wait3A_1427 = tpu.memref_slice %arg9[%dma_wait3A_1425, %dma_wait3A_1426] : memref<64x129xf32, #tpu.memory_space<vmem>> -> memref<8x128xf32, #tpu.memory_space<vmem>>
      %dma_wait3A_1428 = arith.constant 0 : i32
      %dma_wait3A_1429 = arith.constant 0 : i32
      %dma_wait3A_1430 = tpu.memref_slice %arg4[%add3A_1372, %dma_wait3A_1424, %add3A, %dma_wait3A_1428, %dma_wait3A_1429] : memref<50x8x32x8x128xf32, #tpu.memory_space<hbm>> -> memref<1x1x1x8x128xf32, #tpu.memory_space<hbm>>
      %dma_wait3A_1431 = tpu.memref_squeeze %dma_wait3A_1430 : memref<1x1x1x8x128xf32, #tpu.memory_space<hbm>> -> memref<8x128xf32, #tpu.memory_space<hbm>>
      %dma_wait3A_1432 = arith.constant 0 : i32
      %dma_wait3A_1433 = arith.constant 0 : i32
      %dma_wait3A_1434 = tpu.memref_slice %arg4[%add3A_1372, %dma_wait3A_1424, %add3A, %dma_wait3A_1432, %dma_wait3A_1433] : memref<50x8x32x8x128xf32, #tpu.memory_space<hbm>> -> memref<1x1x1x8x128xf32, #tpu.memory_space<hbm>>
      %dma_wait3A_1435 = tpu.memref_squeeze %dma_wait3A_1434 : memref<1x1x1x8x128xf32, #tpu.memory_space<hbm>> -> memref<8x128xf32, #tpu.memory_space<hbm>>
      %dma_wait3A_1436 = arith.constant 24 : i32
      %dma_wait3A_1437 = arith.constant 0 : i32
      %dma_wait3A_1438 = tpu.memref_slice %arg9[%dma_wait3A_1436, %dma_wait3A_1437] : memref<64x129xf32, #tpu.memory_space<vmem>> -> memref<8x128xf32, #tpu.memory_space<vmem>>
      tpu.wait_dma2 semaphore(%arg13 : memref<!tpu.dma_semaphore, #tpu.memory_space<semaphore_mem>>) src(%dma_wait3A_1438 : memref<8x128xf32, #tpu.memory_space<vmem>>) dst(%dma_wait3A_1435 : memref<8x128xf32, #tpu.memory_space<hbm>>)
      %dma_wait3A_1439 = arith.constant 4 : i32
      %dma_wait3A_1440 = arith.constant 32 : i32
      %dma_wait3A_1441 = arith.constant 0 : i32
      %dma_wait3A_1442 = tpu.memref_slice %arg9[%dma_wait3A_1440, %dma_wait3A_1441] : memref<64x129xf32, #tpu.memory_space<vmem>> -> memref<8x128xf32, #tpu.memory_space<vmem>>
      %dma_wait3A_1443 = arith.constant 0 : i32
      %dma_wait3A_1444 = arith.constant 0 : i32
      %dma_wait3A_1445 = tpu.memref_slice %arg4[%add3A_1372, %dma_wait3A_1439, %add3A, %dma_wait3A_1443, %dma_wait3A_1444] : memref<50x8x32x8x128xf32, #tpu.memory_space<hbm>> -> memref<1x1x1x8x128xf32, #tpu.memory_space<hbm>>
      %dma_wait3A_1446 = tpu.memref_squeeze %dma_wait3A_1445 : memref<1x1x1x8x128xf32, #tpu.memory_space<hbm>> -> memref<8x128xf32, #tpu.memory_space<hbm>>
      %dma_wait3A_1447 = arith.constant 0 : i32
      %dma_wait3A_1448 = arith.constant 0 : i32
      %dma_wait3A_1449 = tpu.memref_slice %arg4[%add3A_1372, %dma_wait3A_1439, %add3A, %dma_wait3A_1447, %dma_wait3A_1448] : memref<50x8x32x8x128xf32, #tpu.memory_space<hbm>> -> memref<1x1x1x8x128xf32, #tpu.memory_space<hbm>>
      %dma_wait3A_1450 = tpu.memref_squeeze %dma_wait3A_1449 : memref<1x1x1x8x128xf32, #tpu.memory_space<hbm>> -> memref<8x128xf32, #tpu.memory_space<hbm>>
      %dma_wait3A_1451 = arith.constant 32 : i32
      %dma_wait3A_1452 = arith.constant 0 : i32
      %dma_wait3A_1453 = tpu.memref_slice %arg9[%dma_wait3A_1451, %dma_wait3A_1452] : memref<64x129xf32, #tpu.memory_space<vmem>> -> memref<8x128xf32, #tpu.memory_space<vmem>>
      tpu.wait_dma2 semaphore(%arg13 : memref<!tpu.dma_semaphore, #tpu.memory_space<semaphore_mem>>) src(%dma_wait3A_1453 : memref<8x128xf32, #tpu.memory_space<vmem>>) dst(%dma_wait3A_1450 : memref<8x128xf32, #tpu.memory_space<hbm>>)
      %dma_wait3A_1454 = arith.constant 5 : i32
      %dma_wait3A_1455 = arith.constant 40 : i32
      %dma_wait3A_1456 = arith.constant 0 : i32
      %dma_wait3A_1457 = tpu.memref_slice %arg9[%dma_wait3A_1455, %dma_wait3A_1456] : memref<64x129xf32, #tpu.memory_space<vmem>> -> memref<8x128xf32, #tpu.memory_space<vmem>>
      %dma_wait3A_1458 = arith.constant 0 : i32
      %dma_wait3A_1459 = arith.constant 0 : i32
      %dma_wait3A_1460 = tpu.memref_slice %arg4[%add3A_1372, %dma_wait3A_1454, %add3A, %dma_wait3A_1458, %dma_wait3A_1459] : memref<50x8x32x8x128xf32, #tpu.memory_space<hbm>> -> memref<1x1x1x8x128xf32, #tpu.memory_space<hbm>>
      %dma_wait3A_1461 = tpu.memref_squeeze %dma_wait3A_1460 : memref<1x1x1x8x128xf32, #tpu.memory_space<hbm>> -> memref<8x128xf32, #tpu.memory_space<hbm>>
      %dma_wait3A_1462 = arith.constant 0 : i32
      %dma_wait3A_1463 = arith.constant 0 : i32
      %dma_wait3A_1464 = tpu.memref_slice %arg4[%add3A_1372, %dma_wait3A_1454, %add3A, %dma_wait3A_1462, %dma_wait3A_1463] : memref<50x8x32x8x128xf32, #tpu.memory_space<hbm>> -> memref<1x1x1x8x128xf32, #tpu.memory_space<hbm>>
      %dma_wait3A_1465 = tpu.memref_squeeze %dma_wait3A_1464 : memref<1x1x1x8x128xf32, #tpu.memory_space<hbm>> -> memref<8x128xf32, #tpu.memory_space<hbm>>
      %dma_wait3A_1466 = arith.constant 40 : i32
      %dma_wait3A_1467 = arith.constant 0 : i32
      %dma_wait3A_1468 = tpu.memref_slice %arg9[%dma_wait3A_1466, %dma_wait3A_1467] : memref<64x129xf32, #tpu.memory_space<vmem>> -> memref<8x128xf32, #tpu.memory_space<vmem>>
      tpu.wait_dma2 semaphore(%arg13 : memref<!tpu.dma_semaphore, #tpu.memory_space<semaphore_mem>>) src(%dma_wait3A_1468 : memref<8x128xf32, #tpu.memory_space<vmem>>) dst(%dma_wait3A_1465 : memref<8x128xf32, #tpu.memory_space<hbm>>)
      %dma_wait3A_1469 = arith.constant 6 : i32
      %dma_wait3A_1470 = arith.constant 48 : i32
      %dma_wait3A_1471 = arith.constant 0 : i32
      %dma_wait3A_1472 = tpu.memref_slice %arg9[%dma_wait3A_1470, %dma_wait3A_1471] : memref<64x129xf32, #tpu.memory_space<vmem>> -> memref<8x128xf32, #tpu.memory_space<vmem>>
      %dma_wait3A_1473 = arith.constant 0 : i32
      %dma_wait3A_1474 = arith.constant 0 : i32
      %dma_wait3A_1475 = tpu.memref_slice %arg4[%add3A_1372, %dma_wait3A_1469, %add3A, %dma_wait3A_1473, %dma_wait3A_1474] : memref<50x8x32x8x128xf32, #tpu.memory_space<hbm>> -> memref<1x1x1x8x128xf32, #tpu.memory_space<hbm>>
      %dma_wait3A_1476 = tpu.memref_squeeze %dma_wait3A_1475 : memref<1x1x1x8x128xf32, #tpu.memory_space<hbm>> -> memref<8x128xf32, #tpu.memory_space<hbm>>
      %dma_wait3A_1477 = arith.constant 0 : i32
      %dma_wait3A_1478 = arith.constant 0 : i32
      %dma_wait3A_1479 = tpu.memref_slice %arg4[%add3A_1372, %dma_wait3A_1469, %add3A, %dma_wait3A_1477, %dma_wait3A_1478] : memref<50x8x32x8x128xf32, #tpu.memory_space<hbm>> -> memref<1x1x1x8x128xf32, #tpu.memory_space<hbm>>
      %dma_wait3A_1480 = tpu.memref_squeeze %dma_wait3A_1479 : memref<1x1x1x8x128xf32, #tpu.memory_space<hbm>> -> memref<8x128xf32, #tpu.memory_space<hbm>>
      %dma_wait3A_1481 = arith.constant 48 : i32
      %dma_wait3A_1482 = arith.constant 0 : i32
      %dma_wait3A_1483 = tpu.memref_slice %arg9[%dma_wait3A_1481, %dma_wait3A_1482] : memref<64x129xf32, #tpu.memory_space<vmem>> -> memref<8x128xf32, #tpu.memory_space<vmem>>
      tpu.wait_dma2 semaphore(%arg13 : memref<!tpu.dma_semaphore, #tpu.memory_space<semaphore_mem>>) src(%dma_wait3A_1483 : memref<8x128xf32, #tpu.memory_space<vmem>>) dst(%dma_wait3A_1480 : memref<8x128xf32, #tpu.memory_space<hbm>>)
      %dma_wait3A_1484 = arith.constant 7 : i32
      %dma_wait3A_1485 = arith.constant 56 : i32
      %dma_wait3A_1486 = arith.constant 0 : i32
      %dma_wait3A_1487 = tpu.memref_slice %arg9[%dma_wait3A_1485, %dma_wait3A_1486] : memref<64x129xf32, #tpu.memory_space<vmem>> -> memref<8x128xf32, #tpu.memory_space<vmem>>
      %dma_wait3A_1488 = arith.constant 0 : i32
      %dma_wait3A_1489 = arith.constant 0 : i32
      %dma_wait3A_1490 = tpu.memref_slice %arg4[%add3A_1372, %dma_wait3A_1484, %add3A, %dma_wait3A_1488, %dma_wait3A_1489] : memref<50x8x32x8x128xf32, #tpu.memory_space<hbm>> -> memref<1x1x1x8x128xf32, #tpu.memory_space<hbm>>
      %dma_wait3A_1491 = tpu.memref_squeeze %dma_wait3A_1490 : memref<1x1x1x8x128xf32, #tpu.memory_space<hbm>> -> memref<8x128xf32, #tpu.memory_space<hbm>>
      %dma_wait3A_1492 = arith.constant 0 : i32
      %dma_wait3A_1493 = arith.constant 0 : i32
      %dma_wait3A_1494 = tpu.memref_slice %arg4[%add3A_1372, %dma_wait3A_1484, %add3A, %dma_wait3A_1492, %dma_wait3A_1493] : memref<50x8x32x8x128xf32, #tpu.memory_space<hbm>> -> memref<1x1x1x8x128xf32, #tpu.memory_space<hbm>>
      %dma_wait3A_1495 = tpu.memref_squeeze %dma_wait3A_1494 : memref<1x1x1x8x128xf32, #tpu.memory_space<hbm>> -> memref<8x128xf32, #tpu.memory_space<hbm>>
      %dma_wait3A_1496 = arith.constant 56 : i32
      %dma_wait3A_1497 = arith.constant 0 : i32
      %dma_wait3A_1498 = tpu.memref_slice %arg9[%dma_wait3A_1496, %dma_wait3A_1497] : memref<64x129xf32, #tpu.memory_space<vmem>> -> memref<8x128xf32, #tpu.memory_space<vmem>>
      tpu.wait_dma2 semaphore(%arg13 : memref<!tpu.dma_semaphore, #tpu.memory_space<semaphore_mem>>) src(%dma_wait3A_1498 : memref<8x128xf32, #tpu.memory_space<vmem>>) dst(%dma_wait3A_1495 : memref<8x128xf32, #tpu.memory_space<hbm>>)
      %parallel_loop3A_1499 = arith.constant 0 : i32
      %parallel_loop3A_1500 = arith.constant 128 : i32
      %parallel_loop3A_1501 = arith.constant 1 : i32
      scf.for %parallel_loop3A_1630 = %parallel_loop3A_1499 to %parallel_loop3A_1500 step %parallel_loop3A_1501  : i32 {
        %parallel_loop3A_1631 = vector.broadcast %parallel_loop3A_1630 : i32 to vector<16xi32>
        %parallel_loop3A_1632 = arith.index_cast %parallel_loop3A_1630 : i32 to index
        %parallel_loop3A_1633 = arith.constant 0 : index
        %parallel_loop3A_1634 = tpu.vector_load %arg7[%parallel_loop3A_1632, %parallel_loop3A_1633] {strides = array<i32>} : memref<128x64xf32, #tpu.memory_space<vmem>>, vector<16xf32>,
        tpu.vector_store_idx %arg9[%add3A_3, %parallel_loop3A_1631], %parallel_loop3A_1634 : memref<64x129xf32, #tpu.memory_space<vmem>>[vector<16xi32>, vector<16xi32>], vector<16xf32>,
        %parallel_loop3A_1635 = arith.index_cast %parallel_loop3A_1630 : i32 to index
        %parallel_loop3A_1636 = arith.constant 16 : index
        %parallel_loop3A_1637 = tpu.vector_load %arg7[%parallel_loop3A_1635, %parallel_loop3A_1636] {strides = array<i32>} : memref<128x64xf32, #tpu.memory_space<vmem>>, vector<16xf32>,
        tpu.vector_store_idx %arg9[%add3A_6, %parallel_loop3A_1631], %parallel_loop3A_1637 : memref<64x129xf32, #tpu.memory_space<vmem>>[vector<16xi32>, vector<16xi32>], vector<16xf32>,
        %parallel_loop3A_1638 = arith.index_cast %parallel_loop3A_1630 : i32 to index
        %parallel_loop3A_1639 = arith.constant 32 : index
        %parallel_loop3A_1640 = tpu.vector_load %arg7[%parallel_loop3A_1638, %parallel_loop3A_1639] {strides = array<i32>} : memref<128x64xf32, #tpu.memory_space<vmem>>, vector<16xf32>,
        tpu.vector_store_idx %arg9[%add3A_9, %parallel_loop3A_1631], %parallel_loop3A_1640 : memref<64x129xf32, #tpu.memory_space<vmem>>[vector<16xi32>, vector<16xi32>], vector<16xf32>,
        %parallel_loop3A_1641 = arith.index_cast %parallel_loop3A_1630 : i32 to index
        %parallel_loop3A_1642 = arith.constant 48 : index
        %parallel_loop3A_1643 = tpu.vector_load %arg7[%parallel_loop3A_1641, %parallel_loop3A_1642] {strides = array<i32>} : memref<128x64xf32, #tpu.memory_space<vmem>>, vector<16xf32>,
        tpu.vector_store_idx %arg9[%add3A_12, %parallel_loop3A_1631], %parallel_loop3A_1643 : memref<64x129xf32, #tpu.memory_space<vmem>>[vector<16xi32>, vector<16xi32>], vector<16xf32>,
      } {sc.loop_unroll_factor = 8 : i64, sc.parallel_access}
      %add3A_1502 = arith.constant 2 : i32
      %add3A_1503 = arith.addi %add3A_1372, %add3A_1502 : i32
      %dma_start3A_1504 = arith.constant 0 : i32
      %dma_start3A_1505 = tpu.memref_slice %arg5[%add3A_1503, %dma_start3A_1504] : memref<50x128xi32, #tpu.memory_space<vmem>> -> memref<1x128xi32, #tpu.memory_space<vmem>>
      %dma_start3A_1506 = tpu.memref_squeeze %dma_start3A_1505 : memref<1x128xi32, #tpu.memory_space<vmem>> -> memref<128xi32, #tpu.memory_space<vmem>>
      %dma_start3A_1507 = arith.constant 0 : i32
      %dma_start3A_1508 = arith.constant 0 : i32
      %dma_start3A_1509 = tpu.memref_slice %arg3[%dma_start3A_1507, %dma_start3A_1508] : memref<100000x64xf32, #tpu.memory_space<hbm>> -> memref<100000x64xf32, #tpu.memory_space<hbm>>
      tpu.enqueue_indirect_dma source(%dma_start3A_1509 : memref<100000x64xf32, #tpu.memory_space<hbm>>) target(%arg7 : memref<128x64xf32, #tpu.memory_space<vmem>>) offsets(%dma_start3A_1506 : memref<128xi32, #tpu.memory_space<vmem>>) semaphore(%arg11 : memref<!tpu.dma_semaphore, #tpu.memory_space<semaphore_mem>>)
      %dma_start3A_1510 = arith.constant 0 : i32
      %dma_start3A_1511 = arith.constant 0 : i32
      %dma_start3A_1512 = arith.constant 0 : i32
      %dma_start3A_1513 = tpu.memref_slice %arg9[%dma_start3A_1511, %dma_start3A_1512] : memref<64x129xf32, #tpu.memory_space<vmem>> -> memref<8x128xf32, #tpu.memory_space<vmem>>
      %dma_start3A_1514 = arith.constant 0 : i32
      %dma_start3A_1515 = arith.constant 0 : i32
      %dma_start3A_1516 = tpu.memref_slice %arg4[%add3A_1372, %dma_start3A_1510, %add3A, %dma_start3A_1514, %dma_start3A_1515] : memref<50x8x32x8x128xf32, #tpu.memory_space<hbm>> -> memref<1x1x1x8x128xf32, #tpu.memory_space<hbm>>
      %dma_start3A_1517 = tpu.memref_squeeze %dma_start3A_1516 : memref<1x1x1x8x128xf32, #tpu.memory_space<hbm>> -> memref<8x128xf32, #tpu.memory_space<hbm>>
      %dma_start3A_1518 = arith.constant 0 : i32
      %dma_start3A_1519 = arith.constant 0 : i32
      %dma_start3A_1520 = tpu.memref_slice %arg4[%add3A_1372, %dma_start3A_1510, %add3A, %dma_start3A_1518, %dma_start3A_1519] : memref<50x8x32x8x128xf32, #tpu.memory_space<hbm>> -> memref<1x1x1x8x128xf32, #tpu.memory_space<hbm>>
      %dma_start3A_1521 = tpu.memref_squeeze %dma_start3A_1520 : memref<1x1x1x8x128xf32, #tpu.memory_space<hbm>> -> memref<8x128xf32, #tpu.memory_space<hbm>>
      %dma_start3A_1522 = arith.constant 0 : i32
      %dma_start3A_1523 = arith.constant 0 : i32
      %dma_start3A_1524 = tpu.memref_slice %arg9[%dma_start3A_1522, %dma_start3A_1523] : memref<64x129xf32, #tpu.memory_space<vmem>> -> memref<8x128xf32, #tpu.memory_space<vmem>>
      tpu.enqueue_dma source(%dma_start3A_1524 : memref<8x128xf32, #tpu.memory_space<vmem>>) target(%dma_start3A_1521 : memref<8x128xf32, #tpu.memory_space<hbm>>) target_semaphore(%arg13 : memref<!tpu.dma_semaphore, #tpu.memory_space<semaphore_mem>>)
      %dma_start3A_1525 = arith.constant 1 : i32
      %dma_start3A_1526 = arith.constant 8 : i32
      %dma_start3A_1527 = arith.constant 0 : i32
      %dma_start3A_1528 = tpu.memref_slice %arg9[%dma_start3A_1526, %dma_start3A_1527] : memref<64x129xf32, #tpu.memory_space<vmem>> -> memref<8x128xf32, #tpu.memory_space<vmem>>
      %dma_start3A_1529 = arith.constant 0 : i32
      %dma_start3A_1530 = arith.constant 0 : i32
      %dma_start3A_1531 = tpu.memref_slice %arg4[%add3A_1372, %dma_start3A_1525, %add3A, %dma_start3A_1529, %dma_start3A_1530] : memref<50x8x32x8x128xf32, #tpu.memory_space<hbm>> -> memref<1x1x1x8x128xf32, #tpu.memory_space<hbm>>
      %dma_start3A_1532 = tpu.memref_squeeze %dma_start3A_1531 : memref<1x1x1x8x128xf32, #tpu.memory_space<hbm>> -> memref<8x128xf32, #tpu.memory_space<hbm>>
      %dma_start3A_1533 = arith.constant 0 : i32
      %dma_start3A_1534 = arith.constant 0 : i32
      %dma_start3A_1535 = tpu.memref_slice %arg4[%add3A_1372, %dma_start3A_1525, %add3A, %dma_start3A_1533, %dma_start3A_1534] : memref<50x8x32x8x128xf32, #tpu.memory_space<hbm>> -> memref<1x1x1x8x128xf32, #tpu.memory_space<hbm>>
      %dma_start3A_1536 = tpu.memref_squeeze %dma_start3A_1535 : memref<1x1x1x8x128xf32, #tpu.memory_space<hbm>> -> memref<8x128xf32, #tpu.memory_space<hbm>>
      %dma_start3A_1537 = arith.constant 8 : i32
      %dma_start3A_1538 = arith.constant 0 : i32
      %dma_start3A_1539 = tpu.memref_slice %arg9[%dma_start3A_1537, %dma_start3A_1538] : memref<64x129xf32, #tpu.memory_space<vmem>> -> memref<8x128xf32, #tpu.memory_space<vmem>>
      tpu.enqueue_dma source(%dma_start3A_1539 : memref<8x128xf32, #tpu.memory_space<vmem>>) target(%dma_start3A_1536 : memref<8x128xf32, #tpu.memory_space<hbm>>) target_semaphore(%arg13 : memref<!tpu.dma_semaphore, #tpu.memory_space<semaphore_mem>>)
      %dma_start3A_1540 = arith.constant 2 : i32
      %dma_start3A_1541 = arith.constant 16 : i32
      %dma_start3A_1542 = arith.constant 0 : i32
      %dma_start3A_1543 = tpu.memref_slice %arg9[%dma_start3A_1541, %dma_start3A_1542] : memref<64x129xf32, #tpu.memory_space<vmem>> -> memref<8x128xf32, #tpu.memory_space<vmem>>
      %dma_start3A_1544 = arith.constant 0 : i32
      %dma_start3A_1545 = arith.constant 0 : i32
      %dma_start3A_1546 = tpu.memref_slice %arg4[%add3A_1372, %dma_start3A_1540, %add3A, %dma_start3A_1544, %dma_start3A_1545] : memref<50x8x32x8x128xf32, #tpu.memory_space<hbm>> -> memref<1x1x1x8x128xf32, #tpu.memory_space<hbm>>
      %dma_start3A_1547 = tpu.memref_squeeze %dma_start3A_1546 : memref<1x1x1x8x128xf32, #tpu.memory_space<hbm>> -> memref<8x128xf32, #tpu.memory_space<hbm>>
      %dma_start3A_1548 = arith.constant 0 : i32
      %dma_start3A_1549 = arith.constant 0 : i32
      %dma_start3A_1550 = tpu.memref_slice %arg4[%add3A_1372, %dma_start3A_1540, %add3A, %dma_start3A_1548, %dma_start3A_1549] : memref<50x8x32x8x128xf32, #tpu.memory_space<hbm>> -> memref<1x1x1x8x128xf32, #tpu.memory_space<hbm>>
      %dma_start3A_1551 = tpu.memref_squeeze %dma_start3A_1550 : memref<1x1x1x8x128xf32, #tpu.memory_space<hbm>> -> memref<8x128xf32, #tpu.memory_space<hbm>>
      %dma_start3A_1552 = arith.constant 16 : i32
      %dma_start3A_1553 = arith.constant 0 : i32
      %dma_start3A_1554 = tpu.memref_slice %arg9[%dma_start3A_1552, %dma_start3A_1553] : memref<64x129xf32, #tpu.memory_space<vmem>> -> memref<8x128xf32, #tpu.memory_space<vmem>>
      tpu.enqueue_dma source(%dma_start3A_1554 : memref<8x128xf32, #tpu.memory_space<vmem>>) target(%dma_start3A_1551 : memref<8x128xf32, #tpu.memory_space<hbm>>) target_semaphore(%arg13 : memref<!tpu.dma_semaphore, #tpu.memory_space<semaphore_mem>>)
      %dma_start3A_1555 = arith.constant 3 : i32
      %dma_start3A_1556 = arith.constant 24 : i32
      %dma_start3A_1557 = arith.constant 0 : i32
      %dma_start3A_1558 = tpu.memref_slice %arg9[%dma_start3A_1556, %dma_start3A_1557] : memref<64x129xf32, #tpu.memory_space<vmem>> -> memref<8x128xf32, #tpu.memory_space<vmem>>
      %dma_start3A_1559 = arith.constant 0 : i32
      %dma_start3A_1560 = arith.constant 0 : i32
      %dma_start3A_1561 = tpu.memref_slice %arg4[%add3A_1372, %dma_start3A_1555, %add3A, %dma_start3A_1559, %dma_start3A_1560] : memref<50x8x32x8x128xf32, #tpu.memory_space<hbm>> -> memref<1x1x1x8x128xf32, #tpu.memory_space<hbm>>
      %dma_start3A_1562 = tpu.memref_squeeze %dma_start3A_1561 : memref<1x1x1x8x128xf32, #tpu.memory_space<hbm>> -> memref<8x128xf32, #tpu.memory_space<hbm>>
      %dma_start3A_1563 = arith.constant 0 : i32
      %dma_start3A_1564 = arith.constant 0 : i32
      %dma_start3A_1565 = tpu.memref_slice %arg4[%add3A_1372, %dma_start3A_1555, %add3A, %dma_start3A_1563, %dma_start3A_1564] : memref<50x8x32x8x128xf32, #tpu.memory_space<hbm>> -> memref<1x1x1x8x128xf32, #tpu.memory_space<hbm>>
      %dma_start3A_1566 = tpu.memref_squeeze %dma_start3A_1565 : memref<1x1x1x8x128xf32, #tpu.memory_space<hbm>> -> memref<8x128xf32, #tpu.memory_space<hbm>>
      %dma_start3A_1567 = arith.constant 24 : i32
      %dma_start3A_1568 = arith.constant 0 : i32
      %dma_start3A_1569 = tpu.memref_slice %arg9[%dma_start3A_1567, %dma_start3A_1568] : memref<64x129xf32, #tpu.memory_space<vmem>> -> memref<8x128xf32, #tpu.memory_space<vmem>>
      tpu.enqueue_dma source(%dma_start3A_1569 : memref<8x128xf32, #tpu.memory_space<vmem>>) target(%dma_start3A_1566 : memref<8x128xf32, #tpu.memory_space<hbm>>) target_semaphore(%arg13 : memref<!tpu.dma_semaphore, #tpu.memory_space<semaphore_mem>>)
      %dma_start3A_1570 = arith.constant 4 : i32
      %dma_start3A_1571 = arith.constant 32 : i32
      %dma_start3A_1572 = arith.constant 0 : i32
      %dma_start3A_1573 = tpu.memref_slice %arg9[%dma_start3A_1571, %dma_start3A_1572] : memref<64x129xf32, #tpu.memory_space<vmem>> -> memref<8x128xf32, #tpu.memory_space<vmem>>
      %dma_start3A_1574 = arith.constant 0 : i32
      %dma_start3A_1575 = arith.constant 0 : i32
      %dma_start3A_1576 = tpu.memref_slice %arg4[%add3A_1372, %dma_start3A_1570, %add3A, %dma_start3A_1574, %dma_start3A_1575] : memref<50x8x32x8x128xf32, #tpu.memory_space<hbm>> -> memref<1x1x1x8x128xf32, #tpu.memory_space<hbm>>
      %dma_start3A_1577 = tpu.memref_squeeze %dma_start3A_1576 : memref<1x1x1x8x128xf32, #tpu.memory_space<hbm>> -> memref<8x128xf32, #tpu.memory_space<hbm>>
      %dma_start3A_1578 = arith.constant 0 : i32
      %dma_start3A_1579 = arith.constant 0 : i32
      %dma_start3A_1580 = tpu.memref_slice %arg4[%add3A_1372, %dma_start3A_1570, %add3A, %dma_start3A_1578, %dma_start3A_1579] : memref<50x8x32x8x128xf32, #tpu.memory_space<hbm>> -> memref<1x1x1x8x128xf32, #tpu.memory_space<hbm>>
      %dma_start3A_1581 = tpu.memref_squeeze %dma_start3A_1580 : memref<1x1x1x8x128xf32, #tpu.memory_space<hbm>> -> memref<8x128xf32, #tpu.memory_space<hbm>>
      %dma_start3A_1582 = arith.constant 32 : i32
      %dma_start3A_1583 = arith.constant 0 : i32
      %dma_start3A_1584 = tpu.memref_slice %arg9[%dma_start3A_1582, %dma_start3A_1583] : memref<64x129xf32, #tpu.memory_space<vmem>> -> memref<8x128xf32, #tpu.memory_space<vmem>>
      tpu.enqueue_dma source(%dma_start3A_1584 : memref<8x128xf32, #tpu.memory_space<vmem>>) target(%dma_start3A_1581 : memref<8x128xf32, #tpu.memory_space<hbm>>) target_semaphore(%arg13 : memref<!tpu.dma_semaphore, #tpu.memory_space<semaphore_mem>>)
      %dma_start3A_1585 = arith.constant 5 : i32
      %dma_start3A_1586 = arith.constant 40 : i32
      %dma_start3A_1587 = arith.constant 0 : i32
      %dma_start3A_1588 = tpu.memref_slice %arg9[%dma_start3A_1586, %dma_start3A_1587] : memref<64x129xf32, #tpu.memory_space<vmem>> -> memref<8x128xf32, #tpu.memory_space<vmem>>
      %dma_start3A_1589 = arith.constant 0 : i32
      %dma_start3A_1590 = arith.constant 0 : i32
      %dma_start3A_1591 = tpu.memref_slice %arg4[%add3A_1372, %dma_start3A_1585, %add3A, %dma_start3A_1589, %dma_start3A_1590] : memref<50x8x32x8x128xf32, #tpu.memory_space<hbm>> -> memref<1x1x1x8x128xf32, #tpu.memory_space<hbm>>
      %dma_start3A_1592 = tpu.memref_squeeze %dma_start3A_1591 : memref<1x1x1x8x128xf32, #tpu.memory_space<hbm>> -> memref<8x128xf32, #tpu.memory_space<hbm>>
      %dma_start3A_1593 = arith.constant 0 : i32
      %dma_start3A_1594 = arith.constant 0 : i32
      %dma_start3A_1595 = tpu.memref_slice %arg4[%add3A_1372, %dma_start3A_1585, %add3A, %dma_start3A_1593, %dma_start3A_1594] : memref<50x8x32x8x128xf32, #tpu.memory_space<hbm>> -> memref<1x1x1x8x128xf32, #tpu.memory_space<hbm>>
      %dma_start3A_1596 = tpu.memref_squeeze %dma_start3A_1595 : memref<1x1x1x8x128xf32, #tpu.memory_space<hbm>> -> memref<8x128xf32, #tpu.memory_space<hbm>>
      %dma_start3A_1597 = arith.constant 40 : i32
      %dma_start3A_1598 = arith.constant 0 : i32
      %dma_start3A_1599 = tpu.memref_slice %arg9[%dma_start3A_1597, %dma_start3A_1598] : memref<64x129xf32, #tpu.memory_space<vmem>> -> memref<8x128xf32, #tpu.memory_space<vmem>>
      tpu.enqueue_dma source(%dma_start3A_1599 : memref<8x128xf32, #tpu.memory_space<vmem>>) target(%dma_start3A_1596 : memref<8x128xf32, #tpu.memory_space<hbm>>) target_semaphore(%arg13 : memref<!tpu.dma_semaphore, #tpu.memory_space<semaphore_mem>>)
      %dma_start3A_1600 = arith.constant 6 : i32
      %dma_start3A_1601 = arith.constant 48 : i32
      %dma_start3A_1602 = arith.constant 0 : i32
      %dma_start3A_1603 = tpu.memref_slice %arg9[%dma_start3A_1601, %dma_start3A_1602] : memref<64x129xf32, #tpu.memory_space<vmem>> -> memref<8x128xf32, #tpu.memory_space<vmem>>
      %dma_start3A_1604 = arith.constant 0 : i32
      %dma_start3A_1605 = arith.constant 0 : i32
      %dma_start3A_1606 = tpu.memref_slice %arg4[%add3A_1372, %dma_start3A_1600, %add3A, %dma_start3A_1604, %dma_start3A_1605] : memref<50x8x32x8x128xf32, #tpu.memory_space<hbm>> -> memref<1x1x1x8x128xf32, #tpu.memory_space<hbm>>
      %dma_start3A_1607 = tpu.memref_squeeze %dma_start3A_1606 : memref<1x1x1x8x128xf32, #tpu.memory_space<hbm>> -> memref<8x128xf32, #tpu.memory_space<hbm>>
      %dma_start3A_1608 = arith.constant 0 : i32
      %dma_start3A_1609 = arith.constant 0 : i32
      %dma_start3A_1610 = tpu.memref_slice %arg4[%add3A_1372, %dma_start3A_1600, %add3A, %dma_start3A_1608, %dma_start3A_1609] : memref<50x8x32x8x128xf32, #tpu.memory_space<hbm>> -> memref<1x1x1x8x128xf32, #tpu.memory_space<hbm>>
      %dma_start3A_1611 = tpu.memref_squeeze %dma_start3A_1610 : memref<1x1x1x8x128xf32, #tpu.memory_space<hbm>> -> memref<8x128xf32, #tpu.memory_space<hbm>>
      %dma_start3A_1612 = arith.constant 48 : i32
      %dma_start3A_1613 = arith.constant 0 : i32
      %dma_start3A_1614 = tpu.memref_slice %arg9[%dma_start3A_1612, %dma_start3A_1613] : memref<64x129xf32, #tpu.memory_space<vmem>> -> memref<8x128xf32, #tpu.memory_space<vmem>>
      tpu.enqueue_dma source(%dma_start3A_1614 : memref<8x128xf32, #tpu.memory_space<vmem>>) target(%dma_start3A_1611 : memref<8x128xf32, #tpu.memory_space<hbm>>) target_semaphore(%arg13 : memref<!tpu.dma_semaphore, #tpu.memory_space<semaphore_mem>>)
      %dma_start3A_1615 = arith.constant 7 : i32
      %dma_start3A_1616 = arith.constant 56 : i32
      %dma_start3A_1617 = arith.constant 0 : i32
      %dma_start3A_1618 = tpu.memref_slice %arg9[%dma_start3A_1616, %dma_start3A_1617] : memref<64x129xf32, #tpu.memory_space<vmem>> -> memref<8x128xf32, #tpu.memory_space<vmem>>
      %dma_start3A_1619 = arith.constant 0 : i32
      %dma_start3A_1620 = arith.constant 0 : i32
      %dma_start3A_1621 = tpu.memref_slice %arg4[%add3A_1372, %dma_start3A_1615, %add3A, %dma_start3A_1619, %dma_start3A_1620] : memref<50x8x32x8x128xf32, #tpu.memory_space<hbm>> -> memref<1x1x1x8x128xf32, #tpu.memory_space<hbm>>
      %dma_start3A_1622 = tpu.memref_squeeze %dma_start3A_1621 : memref<1x1x1x8x128xf32, #tpu.memory_space<hbm>> -> memref<8x128xf32, #tpu.memory_space<hbm>>
      %dma_start3A_1623 = arith.constant 0 : i32
      %dma_start3A_1624 = arith.constant 0 : i32
      %dma_start3A_1625 = tpu.memref_slice %arg4[%add3A_1372, %dma_start3A_1615, %add3A, %dma_start3A_1623, %dma_start3A_1624] : memref<50x8x32x8x128xf32, #tpu.memory_space<hbm>> -> memref<1x1x1x8x128xf32, #tpu.memory_space<hbm>>
      %dma_start3A_1626 = tpu.memref_squeeze %dma_start3A_1625 : memref<1x1x1x8x128xf32, #tpu.memory_space<hbm>> -> memref<8x128xf32, #tpu.memory_space<hbm>>
      %dma_start3A_1627 = arith.constant 56 : i32
      %dma_start3A_1628 = arith.constant 0 : i32
      %dma_start3A_1629 = tpu.memref_slice %arg9[%dma_start3A_1627, %dma_start3A_1628] : memref<64x129xf32, #tpu.memory_space<vmem>> -> memref<8x128xf32, #tpu.memory_space<vmem>>
      tpu.enqueue_dma source(%dma_start3A_1629 : memref<8x128xf32, #tpu.memory_space<vmem>>) target(%dma_start3A_1626 : memref<8x128xf32, #tpu.memory_space<hbm>>) target_semaphore(%arg13 : memref<!tpu.dma_semaphore, #tpu.memory_space<semaphore_mem>>)
    }
    %scan3A_318 = arith.constant 23 : i32
    %dma_wait3A_319 = arith.constant 48 : i32
    %dma_wait3A_320 = arith.constant 0 : i32
    %dma_wait3A_321 = tpu.memref_slice %arg5[%dma_wait3A_319, %dma_wait3A_320] : memref<50x128xi32, #tpu.memory_space<vmem>> -> memref<1x128xi32, #tpu.memory_space<vmem>>
    %dma_wait3A_322 = tpu.memref_squeeze %dma_wait3A_321 : memref<1x128xi32, #tpu.memory_space<vmem>> -> memref<128xi32, #tpu.memory_space<vmem>>
    %dma_wait3A_323 = arith.constant 0 : i32
    %dma_wait3A_324 = arith.constant 0 : i32
    %dma_wait3A_325 = tpu.memref_slice %arg3[%dma_wait3A_323, %dma_wait3A_324] : memref<100000x64xf32, #tpu.memory_space<hbm>> -> memref<100000x64xf32, #tpu.memory_space<hbm>>
    tpu.wait_indirect_dma semaphore(%arg10 : memref<!tpu.dma_semaphore, #tpu.memory_space<semaphore_mem>>) src(%dma_wait3A_325 : memref<100000x64xf32, #tpu.memory_space<hbm>>) dst(%arg6 : memref<128x64xf32, #tpu.memory_space<vmem>>)
    %dma_wait3A_326 = arith.constant 48 : i32
    %dma_wait3A_327 = arith.constant 0 : i32
    %dma_wait3A_328 = arith.constant 0 : i32
    %dma_wait3A_329 = arith.constant 0 : i32
    %dma_wait3A_330 = tpu.memref_slice %arg8[%dma_wait3A_328, %dma_wait3A_329] : memref<64x129xf32, #tpu.memory_space<vmem>> -> memref<8x128xf32, #tpu.memory_space<vmem>>
    %dma_wait3A_331 = arith.constant 0 : i32
    %dma_wait3A_332 = arith.constant 0 : i32
    %dma_wait3A_333 = tpu.memref_slice %arg4[%dma_wait3A_326, %dma_wait3A_327, %add3A, %dma_wait3A_331, %dma_wait3A_332] : memref<50x8x32x8x128xf32, #tpu.memory_space<hbm>> -> memref<1x1x1x8x128xf32, #tpu.memory_space<hbm>>
    %dma_wait3A_334 = tpu.memref_squeeze %dma_wait3A_333 : memref<1x1x1x8x128xf32, #tpu.memory_space<hbm>> -> memref<8x128xf32, #tpu.memory_space<hbm>>
    %dma_wait3A_335 = arith.constant 0 : i32
    %dma_wait3A_336 = arith.constant 0 : i32
    %dma_wait3A_337 = tpu.memref_slice %arg4[%dma_wait3A_326, %dma_wait3A_327, %add3A, %dma_wait3A_335, %dma_wait3A_336] : memref<50x8x32x8x128xf32, #tpu.memory_space<hbm>> -> memref<1x1x1x8x128xf32, #tpu.memory_space<hbm>>
    %dma_wait3A_338 = tpu.memref_squeeze %dma_wait3A_337 : memref<1x1x1x8x128xf32, #tpu.memory_space<hbm>> -> memref<8x128xf32, #tpu.memory_space<hbm>>
    %dma_wait3A_339 = arith.constant 0 : i32
    %dma_wait3A_340 = arith.constant 0 : i32
    %dma_wait3A_341 = tpu.memref_slice %arg8[%dma_wait3A_339, %dma_wait3A_340] : memref<64x129xf32, #tpu.memory_space<vmem>> -> memref<8x128xf32, #tpu.memory_space<vmem>>
    tpu.wait_dma2 semaphore(%arg12 : memref<!tpu.dma_semaphore, #tpu.memory_space<semaphore_mem>>) src(%dma_wait3A_341 : memref<8x128xf32, #tpu.memory_space<vmem>>) dst(%dma_wait3A_338 : memref<8x128xf32, #tpu.memory_space<hbm>>)
    %dma_wait3A_342 = arith.constant 48 : i32
    %dma_wait3A_343 = arith.constant 1 : i32
    %dma_wait3A_344 = arith.constant 8 : i32
    %dma_wait3A_345 = arith.constant 0 : i32
    %dma_wait3A_346 = tpu.memref_slice %arg8[%dma_wait3A_344, %dma_wait3A_345] : memref<64x129xf32, #tpu.memory_space<vmem>> -> memref<8x128xf32, #tpu.memory_space<vmem>>
    %dma_wait3A_347 = arith.constant 0 : i32
    %dma_wait3A_348 = arith.constant 0 : i32
    %dma_wait3A_349 = tpu.memref_slice %arg4[%dma_wait3A_342, %dma_wait3A_343, %add3A, %dma_wait3A_347, %dma_wait3A_348] : memref<50x8x32x8x128xf32, #tpu.memory_space<hbm>> -> memref<1x1x1x8x128xf32, #tpu.memory_space<hbm>>
    %dma_wait3A_350 = tpu.memref_squeeze %dma_wait3A_349 : memref<1x1x1x8x128xf32, #tpu.memory_space<hbm>> -> memref<8x128xf32, #tpu.memory_space<hbm>>
    %dma_wait3A_351 = arith.constant 0 : i32
    %dma_wait3A_352 = arith.constant 0 : i32
    %dma_wait3A_353 = tpu.memref_slice %arg4[%dma_wait3A_342, %dma_wait3A_343, %add3A, %dma_wait3A_351, %dma_wait3A_352] : memref<50x8x32x8x128xf32, #tpu.memory_space<hbm>> -> memref<1x1x1x8x128xf32, #tpu.memory_space<hbm>>
    %dma_wait3A_354 = tpu.memref_squeeze %dma_wait3A_353 : memref<1x1x1x8x128xf32, #tpu.memory_space<hbm>> -> memref<8x128xf32, #tpu.memory_space<hbm>>
    %dma_wait3A_355 = arith.constant 8 : i32
    %dma_wait3A_356 = arith.constant 0 : i32
    %dma_wait3A_357 = tpu.memref_slice %arg8[%dma_wait3A_355, %dma_wait3A_356] : memref<64x129xf32, #tpu.memory_space<vmem>> -> memref<8x128xf32, #tpu.memory_space<vmem>>
    tpu.wait_dma2 semaphore(%arg12 : memref<!tpu.dma_semaphore, #tpu.memory_space<semaphore_mem>>) src(%dma_wait3A_357 : memref<8x128xf32, #tpu.memory_space<vmem>>) dst(%dma_wait3A_354 : memref<8x128xf32, #tpu.memory_space<hbm>>)
    %dma_wait3A_358 = arith.constant 48 : i32
    %dma_wait3A_359 = arith.constant 2 : i32
    %dma_wait3A_360 = arith.constant 16 : i32
    %dma_wait3A_361 = arith.constant 0 : i32
    %dma_wait3A_362 = tpu.memref_slice %arg8[%dma_wait3A_360, %dma_wait3A_361] : memref<64x129xf32, #tpu.memory_space<vmem>> -> memref<8x128xf32, #tpu.memory_space<vmem>>
    %dma_wait3A_363 = arith.constant 0 : i32
    %dma_wait3A_364 = arith.constant 0 : i32
    %dma_wait3A_365 = tpu.memref_slice %arg4[%dma_wait3A_358, %dma_wait3A_359, %add3A, %dma_wait3A_363, %dma_wait3A_364] : memref<50x8x32x8x128xf32, #tpu.memory_space<hbm>> -> memref<1x1x1x8x128xf32, #tpu.memory_space<hbm>>
    %dma_wait3A_366 = tpu.memref_squeeze %dma_wait3A_365 : memref<1x1x1x8x128xf32, #tpu.memory_space<hbm>> -> memref<8x128xf32, #tpu.memory_space<hbm>>
    %dma_wait3A_367 = arith.constant 0 : i32
    %dma_wait3A_368 = arith.constant 0 : i32
    %dma_wait3A_369 = tpu.memref_slice %arg4[%dma_wait3A_358, %dma_wait3A_359, %add3A, %dma_wait3A_367, %dma_wait3A_368] : memref<50x8x32x8x128xf32, #tpu.memory_space<hbm>> -> memref<1x1x1x8x128xf32, #tpu.memory_space<hbm>>
    %dma_wait3A_370 = tpu.memref_squeeze %dma_wait3A_369 : memref<1x1x1x8x128xf32, #tpu.memory_space<hbm>> -> memref<8x128xf32, #tpu.memory_space<hbm>>
    %dma_wait3A_371 = arith.constant 16 : i32
    %dma_wait3A_372 = arith.constant 0 : i32
    %dma_wait3A_373 = tpu.memref_slice %arg8[%dma_wait3A_371, %dma_wait3A_372] : memref<64x129xf32, #tpu.memory_space<vmem>> -> memref<8x128xf32, #tpu.memory_space<vmem>>
    tpu.wait_dma2 semaphore(%arg12 : memref<!tpu.dma_semaphore, #tpu.memory_space<semaphore_mem>>) src(%dma_wait3A_373 : memref<8x128xf32, #tpu.memory_space<vmem>>) dst(%dma_wait3A_370 : memref<8x128xf32, #tpu.memory_space<hbm>>)
    %dma_wait3A_374 = arith.constant 48 : i32
    %dma_wait3A_375 = arith.constant 3 : i32
    %dma_wait3A_376 = arith.constant 24 : i32
    %dma_wait3A_377 = arith.constant 0 : i32
    %dma_wait3A_378 = tpu.memref_slice %arg8[%dma_wait3A_376, %dma_wait3A_377] : memref<64x129xf32, #tpu.memory_space<vmem>> -> memref<8x128xf32, #tpu.memory_space<vmem>>
    %dma_wait3A_379 = arith.constant 0 : i32
    %dma_wait3A_380 = arith.constant 0 : i32
    %dma_wait3A_381 = tpu.memref_slice %arg4[%dma_wait3A_374, %dma_wait3A_375, %add3A, %dma_wait3A_379, %dma_wait3A_380] : memref<50x8x32x8x128xf32, #tpu.memory_space<hbm>> -> memref<1x1x1x8x128xf32, #tpu.memory_space<hbm>>
    %dma_wait3A_382 = tpu.memref_squeeze %dma_wait3A_381 : memref<1x1x1x8x128xf32, #tpu.memory_space<hbm>> -> memref<8x128xf32, #tpu.memory_space<hbm>>
    %dma_wait3A_383 = arith.constant 0 : i32
    %dma_wait3A_384 = arith.constant 0 : i32
    %dma_wait3A_385 = tpu.memref_slice %arg4[%dma_wait3A_374, %dma_wait3A_375, %add3A, %dma_wait3A_383, %dma_wait3A_384] : memref<50x8x32x8x128xf32, #tpu.memory_space<hbm>> -> memref<1x1x1x8x128xf32, #tpu.memory_space<hbm>>
    %dma_wait3A_386 = tpu.memref_squeeze %dma_wait3A_385 : memref<1x1x1x8x128xf32, #tpu.memory_space<hbm>> -> memref<8x128xf32, #tpu.memory_space<hbm>>
    %dma_wait3A_387 = arith.constant 24 : i32
    %dma_wait3A_388 = arith.constant 0 : i32
    %dma_wait3A_389 = tpu.memref_slice %arg8[%dma_wait3A_387, %dma_wait3A_388] : memref<64x129xf32, #tpu.memory_space<vmem>> -> memref<8x128xf32, #tpu.memory_space<vmem>>
    tpu.wait_dma2 semaphore(%arg12 : memref<!tpu.dma_semaphore, #tpu.memory_space<semaphore_mem>>) src(%dma_wait3A_389 : memref<8x128xf32, #tpu.memory_space<vmem>>) dst(%dma_wait3A_386 : memref<8x128xf32, #tpu.memory_space<hbm>>)
    %dma_wait3A_390 = arith.constant 48 : i32
    %dma_wait3A_391 = arith.constant 4 : i32
    %dma_wait3A_392 = arith.constant 32 : i32
    %dma_wait3A_393 = arith.constant 0 : i32
    %dma_wait3A_394 = tpu.memref_slice %arg8[%dma_wait3A_392, %dma_wait3A_393] : memref<64x129xf32, #tpu.memory_space<vmem>> -> memref<8x128xf32, #tpu.memory_space<vmem>>
    %dma_wait3A_395 = arith.constant 0 : i32
    %dma_wait3A_396 = arith.constant 0 : i32
    %dma_wait3A_397 = tpu.memref_slice %arg4[%dma_wait3A_390, %dma_wait3A_391, %add3A, %dma_wait3A_395, %dma_wait3A_396] : memref<50x8x32x8x128xf32, #tpu.memory_space<hbm>> -> memref<1x1x1x8x128xf32, #tpu.memory_space<hbm>>
    %dma_wait3A_398 = tpu.memref_squeeze %dma_wait3A_397 : memref<1x1x1x8x128xf32, #tpu.memory_space<hbm>> -> memref<8x128xf32, #tpu.memory_space<hbm>>
    %dma_wait3A_399 = arith.constant 0 : i32
    %dma_wait3A_400 = arith.constant 0 : i32
    %dma_wait3A_401 = tpu.memref_slice %arg4[%dma_wait3A_390, %dma_wait3A_391, %add3A, %dma_wait3A_399, %dma_wait3A_400] : memref<50x8x32x8x128xf32, #tpu.memory_space<hbm>> -> memref<1x1x1x8x128xf32, #tpu.memory_space<hbm>>
    %dma_wait3A_402 = tpu.memref_squeeze %dma_wait3A_401 : memref<1x1x1x8x128xf32, #tpu.memory_space<hbm>> -> memref<8x128xf32, #tpu.memory_space<hbm>>
    %dma_wait3A_403 = arith.constant 32 : i32
    %dma_wait3A_404 = arith.constant 0 : i32
    %dma_wait3A_405 = tpu.memref_slice %arg8[%dma_wait3A_403, %dma_wait3A_404] : memref<64x129xf32, #tpu.memory_space<vmem>> -> memref<8x128xf32, #tpu.memory_space<vmem>>
    tpu.wait_dma2 semaphore(%arg12 : memref<!tpu.dma_semaphore, #tpu.memory_space<semaphore_mem>>) src(%dma_wait3A_405 : memref<8x128xf32, #tpu.memory_space<vmem>>) dst(%dma_wait3A_402 : memref<8x128xf32, #tpu.memory_space<hbm>>)
    %dma_wait3A_406 = arith.constant 48 : i32
    %dma_wait3A_407 = arith.constant 5 : i32
    %dma_wait3A_408 = arith.constant 40 : i32
    %dma_wait3A_409 = arith.constant 0 : i32
    %dma_wait3A_410 = tpu.memref_slice %arg8[%dma_wait3A_408, %dma_wait3A_409] : memref<64x129xf32, #tpu.memory_space<vmem>> -> memref<8x128xf32, #tpu.memory_space<vmem>>
    %dma_wait3A_411 = arith.constant 0 : i32
    %dma_wait3A_412 = arith.constant 0 : i32
    %dma_wait3A_413 = tpu.memref_slice %arg4[%dma_wait3A_406, %dma_wait3A_407, %add3A, %dma_wait3A_411, %dma_wait3A_412] : memref<50x8x32x8x128xf32, #tpu.memory_space<hbm>> -> memref<1x1x1x8x128xf32, #tpu.memory_space<hbm>>
    %dma_wait3A_414 = tpu.memref_squeeze %dma_wait3A_413 : memref<1x1x1x8x128xf32, #tpu.memory_space<hbm>> -> memref<8x128xf32, #tpu.memory_space<hbm>>
    %dma_wait3A_415 = arith.constant 0 : i32
    %dma_wait3A_416 = arith.constant 0 : i32
    %dma_wait3A_417 = tpu.memref_slice %arg4[%dma_wait3A_406, %dma_wait3A_407, %add3A, %dma_wait3A_415, %dma_wait3A_416] : memref<50x8x32x8x128xf32, #tpu.memory_space<hbm>> -> memref<1x1x1x8x128xf32, #tpu.memory_space<hbm>>
    %dma_wait3A_418 = tpu.memref_squeeze %dma_wait3A_417 : memref<1x1x1x8x128xf32, #tpu.memory_space<hbm>> -> memref<8x128xf32, #tpu.memory_space<hbm>>
    %dma_wait3A_419 = arith.constant 40 : i32
    %dma_wait3A_420 = arith.constant 0 : i32
    %dma_wait3A_421 = tpu.memref_slice %arg8[%dma_wait3A_419, %dma_wait3A_420] : memref<64x129xf32, #tpu.memory_space<vmem>> -> memref<8x128xf32, #tpu.memory_space<vmem>>
    tpu.wait_dma2 semaphore(%arg12 : memref<!tpu.dma_semaphore, #tpu.memory_space<semaphore_mem>>) src(%dma_wait3A_421 : memref<8x128xf32, #tpu.memory_space<vmem>>) dst(%dma_wait3A_418 : memref<8x128xf32, #tpu.memory_space<hbm>>)
    %dma_wait3A_422 = arith.constant 48 : i32
    %dma_wait3A_423 = arith.constant 6 : i32
    %dma_wait3A_424 = arith.constant 48 : i32
    %dma_wait3A_425 = arith.constant 0 : i32
    %dma_wait3A_426 = tpu.memref_slice %arg8[%dma_wait3A_424, %dma_wait3A_425] : memref<64x129xf32, #tpu.memory_space<vmem>> -> memref<8x128xf32, #tpu.memory_space<vmem>>
    %dma_wait3A_427 = arith.constant 0 : i32
    %dma_wait3A_428 = arith.constant 0 : i32
    %dma_wait3A_429 = tpu.memref_slice %arg4[%dma_wait3A_422, %dma_wait3A_423, %add3A, %dma_wait3A_427, %dma_wait3A_428] : memref<50x8x32x8x128xf32, #tpu.memory_space<hbm>> -> memref<1x1x1x8x128xf32, #tpu.memory_space<hbm>>
    %dma_wait3A_430 = tpu.memref_squeeze %dma_wait3A_429 : memref<1x1x1x8x128xf32, #tpu.memory_space<hbm>> -> memref<8x128xf32, #tpu.memory_space<hbm>>
    %dma_wait3A_431 = arith.constant 0 : i32
    %dma_wait3A_432 = arith.constant 0 : i32
    %dma_wait3A_433 = tpu.memref_slice %arg4[%dma_wait3A_422, %dma_wait3A_423, %add3A, %dma_wait3A_431, %dma_wait3A_432] : memref<50x8x32x8x128xf32, #tpu.memory_space<hbm>> -> memref<1x1x1x8x128xf32, #tpu.memory_space<hbm>>
    %dma_wait3A_434 = tpu.memref_squeeze %dma_wait3A_433 : memref<1x1x1x8x128xf32, #tpu.memory_space<hbm>> -> memref<8x128xf32, #tpu.memory_space<hbm>>
    %dma_wait3A_435 = arith.constant 48 : i32
    %dma_wait3A_436 = arith.constant 0 : i32
    %dma_wait3A_437 = tpu.memref_slice %arg8[%dma_wait3A_435, %dma_wait3A_436] : memref<64x129xf32, #tpu.memory_space<vmem>> -> memref<8x128xf32, #tpu.memory_space<vmem>>
    tpu.wait_dma2 semaphore(%arg12 : memref<!tpu.dma_semaphore, #tpu.memory_space<semaphore_mem>>) src(%dma_wait3A_437 : memref<8x128xf32, #tpu.memory_space<vmem>>) dst(%dma_wait3A_434 : memref<8x128xf32, #tpu.memory_space<hbm>>)
    %dma_wait3A_438 = arith.constant 48 : i32
    %dma_wait3A_439 = arith.constant 7 : i32
    %dma_wait3A_440 = arith.constant 56 : i32
    %dma_wait3A_441 = arith.constant 0 : i32
    %dma_wait3A_442 = tpu.memref_slice %arg8[%dma_wait3A_440, %dma_wait3A_441] : memref<64x129xf32, #tpu.memory_space<vmem>> -> memref<8x128xf32, #tpu.memory_space<vmem>>
    %dma_wait3A_443 = arith.constant 0 : i32
    %dma_wait3A_444 = arith.constant 0 : i32
    %dma_wait3A_445 = tpu.memref_slice %arg4[%dma_wait3A_438, %dma_wait3A_439, %add3A, %dma_wait3A_443, %dma_wait3A_444] : memref<50x8x32x8x128xf32, #tpu.memory_space<hbm>> -> memref<1x1x1x8x128xf32, #tpu.memory_space<hbm>>
    %dma_wait3A_446 = tpu.memref_squeeze %dma_wait3A_445 : memref<1x1x1x8x128xf32, #tpu.memory_space<hbm>> -> memref<8x128xf32, #tpu.memory_space<hbm>>
    %dma_wait3A_447 = arith.constant 0 : i32
    %dma_wait3A_448 = arith.constant 0 : i32
    %dma_wait3A_449 = tpu.memref_slice %arg4[%dma_wait3A_438, %dma_wait3A_439, %add3A, %dma_wait3A_447, %dma_wait3A_448] : memref<50x8x32x8x128xf32, #tpu.memory_space<hbm>> -> memref<1x1x1x8x128xf32, #tpu.memory_space<hbm>>
    %dma_wait3A_450 = tpu.memref_squeeze %dma_wait3A_449 : memref<1x1x1x8x128xf32, #tpu.memory_space<hbm>> -> memref<8x128xf32, #tpu.memory_space<hbm>>
    %dma_wait3A_451 = arith.constant 56 : i32
    %dma_wait3A_452 = arith.constant 0 : i32
    %dma_wait3A_453 = tpu.memref_slice %arg8[%dma_wait3A_451, %dma_wait3A_452] : memref<64x129xf32, #tpu.memory_space<vmem>> -> memref<8x128xf32, #tpu.memory_space<vmem>>
    tpu.wait_dma2 semaphore(%arg12 : memref<!tpu.dma_semaphore, #tpu.memory_space<semaphore_mem>>) src(%dma_wait3A_453 : memref<8x128xf32, #tpu.memory_space<vmem>>) dst(%dma_wait3A_450 : memref<8x128xf32, #tpu.memory_space<hbm>>)
    %parallel_loop3A_454 = arith.constant 0 : i32
    %parallel_loop3A_455 = arith.constant 128 : i32
    %parallel_loop3A_456 = arith.constant 1 : i32
    scf.for %parallel_loop3A_1107 = %parallel_loop3A_454 to %parallel_loop3A_455 step %parallel_loop3A_456  : i32 {
      %parallel_loop3A_1108 = vector.broadcast %parallel_loop3A_1107 : i32 to vector<16xi32>
      %parallel_loop3A_1109 = arith.index_cast %parallel_loop3A_1107 : i32 to index
      %parallel_loop3A_1110 = arith.constant 0 : index
      %parallel_loop3A_1111 = tpu.vector_load %arg6[%parallel_loop3A_1109, %parallel_loop3A_1110] {strides = array<i32>} : memref<128x64xf32, #tpu.memory_space<vmem>>, vector<16xf32>,
      tpu.vector_store_idx %arg8[%add3A_3, %parallel_loop3A_1108], %parallel_loop3A_1111 : memref<64x129xf32, #tpu.memory_space<vmem>>[vector<16xi32>, vector<16xi32>], vector<16xf32>,
      %parallel_loop3A_1112 = arith.index_cast %parallel_loop3A_1107 : i32 to index
      %parallel_loop3A_1113 = arith.constant 16 : index
      %parallel_loop3A_1114 = tpu.vector_load %arg6[%parallel_loop3A_1112, %parallel_loop3A_1113] {strides = array<i32>} : memref<128x64xf32, #tpu.memory_space<vmem>>, vector<16xf32>,
      tpu.vector_store_idx %arg8[%add3A_6, %parallel_loop3A_1108], %parallel_loop3A_1114 : memref<64x129xf32, #tpu.memory_space<vmem>>[vector<16xi32>, vector<16xi32>], vector<16xf32>,
      %parallel_loop3A_1115 = arith.index_cast %parallel_loop3A_1107 : i32 to index
      %parallel_loop3A_1116 = arith.constant 32 : index
      %parallel_loop3A_1117 = tpu.vector_load %arg6[%parallel_loop3A_1115, %parallel_loop3A_1116] {strides = array<i32>} : memref<128x64xf32, #tpu.memory_space<vmem>>, vector<16xf32>,
      tpu.vector_store_idx %arg8[%add3A_9, %parallel_loop3A_1108], %parallel_loop3A_1117 : memref<64x129xf32, #tpu.memory_space<vmem>>[vector<16xi32>, vector<16xi32>], vector<16xf32>,
      %parallel_loop3A_1118 = arith.index_cast %parallel_loop3A_1107 : i32 to index
      %parallel_loop3A_1119 = arith.constant 48 : index
      %parallel_loop3A_1120 = tpu.vector_load %arg6[%parallel_loop3A_1118, %parallel_loop3A_1119] {strides = array<i32>} : memref<128x64xf32, #tpu.memory_space<vmem>>, vector<16xf32>,
      tpu.vector_store_idx %arg8[%add3A_12, %parallel_loop3A_1108], %parallel_loop3A_1120 : memref<64x129xf32, #tpu.memory_space<vmem>>[vector<16xi32>, vector<16xi32>], vector<16xf32>,
    } {sc.loop_unroll_factor = 8 : i64, sc.parallel_access}
    %dma_start3A_457 = arith.constant 48 : i32
    %dma_start3A_458 = arith.constant 0 : i32
    %dma_start3A_459 = arith.constant 0 : i32
    %dma_start3A_460 = arith.constant 0 : i32
    %dma_start3A_461 = tpu.memref_slice %arg8[%dma_start3A_459, %dma_start3A_460] : memref<64x129xf32, #tpu.memory_space<vmem>> -> memref<8x128xf32, #tpu.memory_space<vmem>>
    %dma_start3A_462 = arith.constant 0 : i32
    %dma_start3A_463 = arith.constant 0 : i32
    %dma_start3A_464 = tpu.memref_slice %arg4[%dma_start3A_457, %dma_start3A_458, %add3A, %dma_start3A_462, %dma_start3A_463] : memref<50x8x32x8x128xf32, #tpu.memory_space<hbm>> -> memref<1x1x1x8x128xf32, #tpu.memory_space<hbm>>
    %dma_start3A_465 = tpu.memref_squeeze %dma_start3A_464 : memref<1x1x1x8x128xf32, #tpu.memory_space<hbm>> -> memref<8x128xf32, #tpu.memory_space<hbm>>
    %dma_start3A_466 = arith.constant 0 : i32
    %dma_start3A_467 = arith.constant 0 : i32
    %dma_start3A_468 = tpu.memref_slice %arg4[%dma_start3A_457, %dma_start3A_458, %add3A, %dma_start3A_466, %dma_start3A_467] : memref<50x8x32x8x128xf32, #tpu.memory_space<hbm>> -> memref<1x1x1x8x128xf32, #tpu.memory_space<hbm>>
    %dma_start3A_469 = tpu.memref_squeeze %dma_start3A_468 : memref<1x1x1x8x128xf32, #tpu.memory_space<hbm>> -> memref<8x128xf32, #tpu.memory_space<hbm>>
    %dma_start3A_470 = arith.constant 0 : i32
    %dma_start3A_471 = arith.constant 0 : i32
    %dma_start3A_472 = tpu.memref_slice %arg8[%dma_start3A_470, %dma_start3A_471] : memref<64x129xf32, #tpu.memory_space<vmem>> -> memref<8x128xf32, #tpu.memory_space<vmem>>
    tpu.enqueue_dma source(%dma_start3A_472 : memref<8x128xf32, #tpu.memory_space<vmem>>) target(%dma_start3A_469 : memref<8x128xf32, #tpu.memory_space<hbm>>) target_semaphore(%arg12 : memref<!tpu.dma_semaphore, #tpu.memory_space<semaphore_mem>>)
    %dma_start3A_473 = arith.constant 48 : i32
    %dma_start3A_474 = arith.constant 1 : i32
    %dma_start3A_475 = arith.constant 8 : i32
    %dma_start3A_476 = arith.constant 0 : i32
    %dma_start3A_477 = tpu.memref_slice %arg8[%dma_start3A_475, %dma_start3A_476] : memref<64x129xf32, #tpu.memory_space<vmem>> -> memref<8x128xf32, #tpu.memory_space<vmem>>
    %dma_start3A_478 = arith.constant 0 : i32
    %dma_start3A_479 = arith.constant 0 : i32
    %dma_start3A_480 = tpu.memref_slice %arg4[%dma_start3A_473, %dma_start3A_474, %add3A, %dma_start3A_478, %dma_start3A_479] : memref<50x8x32x8x128xf32, #tpu.memory_space<hbm>> -> memref<1x1x1x8x128xf32, #tpu.memory_space<hbm>>
    %dma_start3A_481 = tpu.memref_squeeze %dma_start3A_480 : memref<1x1x1x8x128xf32, #tpu.memory_space<hbm>> -> memref<8x128xf32, #tpu.memory_space<hbm>>
    %dma_start3A_482 = arith.constant 0 : i32
    %dma_start3A_483 = arith.constant 0 : i32
    %dma_start3A_484 = tpu.memref_slice %arg4[%dma_start3A_473, %dma_start3A_474, %add3A, %dma_start3A_482, %dma_start3A_483] : memref<50x8x32x8x128xf32, #tpu.memory_space<hbm>> -> memref<1x1x1x8x128xf32, #tpu.memory_space<hbm>>
    %dma_start3A_485 = tpu.memref_squeeze %dma_start3A_484 : memref<1x1x1x8x128xf32, #tpu.memory_space<hbm>> -> memref<8x128xf32, #tpu.memory_space<hbm>>
    %dma_start3A_486 = arith.constant 8 : i32
    %dma_start3A_487 = arith.constant 0 : i32
    %dma_start3A_488 = tpu.memref_slice %arg8[%dma_start3A_486, %dma_start3A_487] : memref<64x129xf32, #tpu.memory_space<vmem>> -> memref<8x128xf32, #tpu.memory_space<vmem>>
    tpu.enqueue_dma source(%dma_start3A_488 : memref<8x128xf32, #tpu.memory_space<vmem>>) target(%dma_start3A_485 : memref<8x128xf32, #tpu.memory_space<hbm>>) target_semaphore(%arg12 : memref<!tpu.dma_semaphore, #tpu.memory_space<semaphore_mem>>)
    %dma_start3A_489 = arith.constant 48 : i32
    %dma_start3A_490 = arith.constant 2 : i32
    %dma_start3A_491 = arith.constant 16 : i32
    %dma_start3A_492 = arith.constant 0 : i32
    %dma_start3A_493 = tpu.memref_slice %arg8[%dma_start3A_491, %dma_start3A_492] : memref<64x129xf32, #tpu.memory_space<vmem>> -> memref<8x128xf32, #tpu.memory_space<vmem>>
    %dma_start3A_494 = arith.constant 0 : i32
    %dma_start3A_495 = arith.constant 0 : i32
    %dma_start3A_496 = tpu.memref_slice %arg4[%dma_start3A_489, %dma_start3A_490, %add3A, %dma_start3A_494, %dma_start3A_495] : memref<50x8x32x8x128xf32, #tpu.memory_space<hbm>> -> memref<1x1x1x8x128xf32, #tpu.memory_space<hbm>>
    %dma_start3A_497 = tpu.memref_squeeze %dma_start3A_496 : memref<1x1x1x8x128xf32, #tpu.memory_space<hbm>> -> memref<8x128xf32, #tpu.memory_space<hbm>>
    %dma_start3A_498 = arith.constant 0 : i32
    %dma_start3A_499 = arith.constant 0 : i32
    %dma_start3A_500 = tpu.memref_slice %arg4[%dma_start3A_489, %dma_start3A_490, %add3A, %dma_start3A_498, %dma_start3A_499] : memref<50x8x32x8x128xf32, #tpu.memory_space<hbm>> -> memref<1x1x1x8x128xf32, #tpu.memory_space<hbm>>
    %dma_start3A_501 = tpu.memref_squeeze %dma_start3A_500 : memref<1x1x1x8x128xf32, #tpu.memory_space<hbm>> -> memref<8x128xf32, #tpu.memory_space<hbm>>
    %dma_start3A_502 = arith.constant 16 : i32
    %dma_start3A_503 = arith.constant 0 : i32
    %dma_start3A_504 = tpu.memref_slice %arg8[%dma_start3A_502, %dma_start3A_503] : memref<64x129xf32, #tpu.memory_space<vmem>> -> memref<8x128xf32, #tpu.memory_space<vmem>>
    tpu.enqueue_dma source(%dma_start3A_504 : memref<8x128xf32, #tpu.memory_space<vmem>>) target(%dma_start3A_501 : memref<8x128xf32, #tpu.memory_space<hbm>>) target_semaphore(%arg12 : memref<!tpu.dma_semaphore, #tpu.memory_space<semaphore_mem>>)
    %dma_start3A_505 = arith.constant 48 : i32
    %dma_start3A_506 = arith.constant 3 : i32
    %dma_start3A_507 = arith.constant 24 : i32
    %dma_start3A_508 = arith.constant 0 : i32
    %dma_start3A_509 = tpu.memref_slice %arg8[%dma_start3A_507, %dma_start3A_508] : memref<64x129xf32, #tpu.memory_space<vmem>> -> memref<8x128xf32, #tpu.memory_space<vmem>>
    %dma_start3A_510 = arith.constant 0 : i32
    %dma_start3A_511 = arith.constant 0 : i32
    %dma_start3A_512 = tpu.memref_slice %arg4[%dma_start3A_505, %dma_start3A_506, %add3A, %dma_start3A_510, %dma_start3A_511] : memref<50x8x32x8x128xf32, #tpu.memory_space<hbm>> -> memref<1x1x1x8x128xf32, #tpu.memory_space<hbm>>
    %dma_start3A_513 = tpu.memref_squeeze %dma_start3A_512 : memref<1x1x1x8x128xf32, #tpu.memory_space<hbm>> -> memref<8x128xf32, #tpu.memory_space<hbm>>
    %dma_start3A_514 = arith.constant 0 : i32
    %dma_start3A_515 = arith.constant 0 : i32
    %dma_start3A_516 = tpu.memref_slice %arg4[%dma_start3A_505, %dma_start3A_506, %add3A, %dma_start3A_514, %dma_start3A_515] : memref<50x8x32x8x128xf32, #tpu.memory_space<hbm>> -> memref<1x1x1x8x128xf32, #tpu.memory_space<hbm>>
    %dma_start3A_517 = tpu.memref_squeeze %dma_start3A_516 : memref<1x1x1x8x128xf32, #tpu.memory_space<hbm>> -> memref<8x128xf32, #tpu.memory_space<hbm>>
    %dma_start3A_518 = arith.constant 24 : i32
    %dma_start3A_519 = arith.constant 0 : i32
    %dma_start3A_520 = tpu.memref_slice %arg8[%dma_start3A_518, %dma_start3A_519] : memref<64x129xf32, #tpu.memory_space<vmem>> -> memref<8x128xf32, #tpu.memory_space<vmem>>
    tpu.enqueue_dma source(%dma_start3A_520 : memref<8x128xf32, #tpu.memory_space<vmem>>) target(%dma_start3A_517 : memref<8x128xf32, #tpu.memory_space<hbm>>) target_semaphore(%arg12 : memref<!tpu.dma_semaphore, #tpu.memory_space<semaphore_mem>>)
    %dma_start3A_521 = arith.constant 48 : i32
    %dma_start3A_522 = arith.constant 4 : i32
    %dma_start3A_523 = arith.constant 32 : i32
    %dma_start3A_524 = arith.constant 0 : i32
    %dma_start3A_525 = tpu.memref_slice %arg8[%dma_start3A_523, %dma_start3A_524] : memref<64x129xf32, #tpu.memory_space<vmem>> -> memref<8x128xf32, #tpu.memory_space<vmem>>
    %dma_start3A_526 = arith.constant 0 : i32
    %dma_start3A_527 = arith.constant 0 : i32
    %dma_start3A_528 = tpu.memref_slice %arg4[%dma_start3A_521, %dma_start3A_522, %add3A, %dma_start3A_526, %dma_start3A_527] : memref<50x8x32x8x128xf32, #tpu.memory_space<hbm>> -> memref<1x1x1x8x128xf32, #tpu.memory_space<hbm>>
    %dma_start3A_529 = tpu.memref_squeeze %dma_start3A_528 : memref<1x1x1x8x128xf32, #tpu.memory_space<hbm>> -> memref<8x128xf32, #tpu.memory_space<hbm>>
    %dma_start3A_530 = arith.constant 0 : i32
    %dma_start3A_531 = arith.constant 0 : i32
    %dma_start3A_532 = tpu.memref_slice %arg4[%dma_start3A_521, %dma_start3A_522, %add3A, %dma_start3A_530, %dma_start3A_531] : memref<50x8x32x8x128xf32, #tpu.memory_space<hbm>> -> memref<1x1x1x8x128xf32, #tpu.memory_space<hbm>>
    %dma_start3A_533 = tpu.memref_squeeze %dma_start3A_532 : memref<1x1x1x8x128xf32, #tpu.memory_space<hbm>> -> memref<8x128xf32, #tpu.memory_space<hbm>>
    %dma_start3A_534 = arith.constant 32 : i32
    %dma_start3A_535 = arith.constant 0 : i32
    %dma_start3A_536 = tpu.memref_slice %arg8[%dma_start3A_534, %dma_start3A_535] : memref<64x129xf32, #tpu.memory_space<vmem>> -> memref<8x128xf32, #tpu.memory_space<vmem>>
    tpu.enqueue_dma source(%dma_start3A_536 : memref<8x128xf32, #tpu.memory_space<vmem>>) target(%dma_start3A_533 : memref<8x128xf32, #tpu.memory_space<hbm>>) target_semaphore(%arg12 : memref<!tpu.dma_semaphore, #tpu.memory_space<semaphore_mem>>)
    %dma_start3A_537 = arith.constant 48 : i32
    %dma_start3A_538 = arith.constant 5 : i32
    %dma_start3A_539 = arith.constant 40 : i32
    %dma_start3A_540 = arith.constant 0 : i32
    %dma_start3A_541 = tpu.memref_slice %arg8[%dma_start3A_539, %dma_start3A_540] : memref<64x129xf32, #tpu.memory_space<vmem>> -> memref<8x128xf32, #tpu.memory_space<vmem>>
    %dma_start3A_542 = arith.constant 0 : i32
    %dma_start3A_543 = arith.constant 0 : i32
    %dma_start3A_544 = tpu.memref_slice %arg4[%dma_start3A_537, %dma_start3A_538, %add3A, %dma_start3A_542, %dma_start3A_543] : memref<50x8x32x8x128xf32, #tpu.memory_space<hbm>> -> memref<1x1x1x8x128xf32, #tpu.memory_space<hbm>>
    %dma_start3A_545 = tpu.memref_squeeze %dma_start3A_544 : memref<1x1x1x8x128xf32, #tpu.memory_space<hbm>> -> memref<8x128xf32, #tpu.memory_space<hbm>>
    %dma_start3A_546 = arith.constant 0 : i32
    %dma_start3A_547 = arith.constant 0 : i32
    %dma_start3A_548 = tpu.memref_slice %arg4[%dma_start3A_537, %dma_start3A_538, %add3A, %dma_start3A_546, %dma_start3A_547] : memref<50x8x32x8x128xf32, #tpu.memory_space<hbm>> -> memref<1x1x1x8x128xf32, #tpu.memory_space<hbm>>
    %dma_start3A_549 = tpu.memref_squeeze %dma_start3A_548 : memref<1x1x1x8x128xf32, #tpu.memory_space<hbm>> -> memref<8x128xf32, #tpu.memory_space<hbm>>
    %dma_start3A_550 = arith.constant 40 : i32
    %dma_start3A_551 = arith.constant 0 : i32
    %dma_start3A_552 = tpu.memref_slice %arg8[%dma_start3A_550, %dma_start3A_551] : memref<64x129xf32, #tpu.memory_space<vmem>> -> memref<8x128xf32, #tpu.memory_space<vmem>>
    tpu.enqueue_dma source(%dma_start3A_552 : memref<8x128xf32, #tpu.memory_space<vmem>>) target(%dma_start3A_549 : memref<8x128xf32, #tpu.memory_space<hbm>>) target_semaphore(%arg12 : memref<!tpu.dma_semaphore, #tpu.memory_space<semaphore_mem>>)
    %dma_start3A_553 = arith.constant 48 : i32
    %dma_start3A_554 = arith.constant 6 : i32
    %dma_start3A_555 = arith.constant 48 : i32
    %dma_start3A_556 = arith.constant 0 : i32
    %dma_start3A_557 = tpu.memref_slice %arg8[%dma_start3A_555, %dma_start3A_556] : memref<64x129xf32, #tpu.memory_space<vmem>> -> memref<8x128xf32, #tpu.memory_space<vmem>>
    %dma_start3A_558 = arith.constant 0 : i32
    %dma_start3A_559 = arith.constant 0 : i32
    %dma_start3A_560 = tpu.memref_slice %arg4[%dma_start3A_553, %dma_start3A_554, %add3A, %dma_start3A_558, %dma_start3A_559] : memref<50x8x32x8x128xf32, #tpu.memory_space<hbm>> -> memref<1x1x1x8x128xf32, #tpu.memory_space<hbm>>
    %dma_start3A_561 = tpu.memref_squeeze %dma_start3A_560 : memref<1x1x1x8x128xf32, #tpu.memory_space<hbm>> -> memref<8x128xf32, #tpu.memory_space<hbm>>
    %dma_start3A_562 = arith.constant 0 : i32
    %dma_start3A_563 = arith.constant 0 : i32
    %dma_start3A_564 = tpu.memref_slice %arg4[%dma_start3A_553, %dma_start3A_554, %add3A, %dma_start3A_562, %dma_start3A_563] : memref<50x8x32x8x128xf32, #tpu.memory_space<hbm>> -> memref<1x1x1x8x128xf32, #tpu.memory_space<hbm>>
    %dma_start3A_565 = tpu.memref_squeeze %dma_start3A_564 : memref<1x1x1x8x128xf32, #tpu.memory_space<hbm>> -> memref<8x128xf32, #tpu.memory_space<hbm>>
    %dma_start3A_566 = arith.constant 48 : i32
    %dma_start3A_567 = arith.constant 0 : i32
    %dma_start3A_568 = tpu.memref_slice %arg8[%dma_start3A_566, %dma_start3A_567] : memref<64x129xf32, #tpu.memory_space<vmem>> -> memref<8x128xf32, #tpu.memory_space<vmem>>
    tpu.enqueue_dma source(%dma_start3A_568 : memref<8x128xf32, #tpu.memory_space<vmem>>) target(%dma_start3A_565 : memref<8x128xf32, #tpu.memory_space<hbm>>) target_semaphore(%arg12 : memref<!tpu.dma_semaphore, #tpu.memory_space<semaphore_mem>>)
    %dma_start3A_569 = arith.constant 48 : i32
    %dma_start3A_570 = arith.constant 7 : i32
    %dma_start3A_571 = arith.constant 56 : i32
    %dma_start3A_572 = arith.constant 0 : i32
    %dma_start3A_573 = tpu.memref_slice %arg8[%dma_start3A_571, %dma_start3A_572] : memref<64x129xf32, #tpu.memory_space<vmem>> -> memref<8x128xf32, #tpu.memory_space<vmem>>
    %dma_start3A_574 = arith.constant 0 : i32
    %dma_start3A_575 = arith.constant 0 : i32
    %dma_start3A_576 = tpu.memref_slice %arg4[%dma_start3A_569, %dma_start3A_570, %add3A, %dma_start3A_574, %dma_start3A_575] : memref<50x8x32x8x128xf32, #tpu.memory_space<hbm>> -> memref<1x1x1x8x128xf32, #tpu.memory_space<hbm>>
    %dma_start3A_577 = tpu.memref_squeeze %dma_start3A_576 : memref<1x1x1x8x128xf32, #tpu.memory_space<hbm>> -> memref<8x128xf32, #tpu.memory_space<hbm>>
    %dma_start3A_578 = arith.constant 0 : i32
    %dma_start3A_579 = arith.constant 0 : i32
    %dma_start3A_580 = tpu.memref_slice %arg4[%dma_start3A_569, %dma_start3A_570, %add3A, %dma_start3A_578, %dma_start3A_579] : memref<50x8x32x8x128xf32, #tpu.memory_space<hbm>> -> memref<1x1x1x8x128xf32, #tpu.memory_space<hbm>>
    %dma_start3A_581 = tpu.memref_squeeze %dma_start3A_580 : memref<1x1x1x8x128xf32, #tpu.memory_space<hbm>> -> memref<8x128xf32, #tpu.memory_space<hbm>>
    %dma_start3A_582 = arith.constant 56 : i32
    %dma_start3A_583 = arith.constant 0 : i32
    %dma_start3A_584 = tpu.memref_slice %arg8[%dma_start3A_582, %dma_start3A_583] : memref<64x129xf32, #tpu.memory_space<vmem>> -> memref<8x128xf32, #tpu.memory_space<vmem>>
    tpu.enqueue_dma source(%dma_start3A_584 : memref<8x128xf32, #tpu.memory_space<vmem>>) target(%dma_start3A_581 : memref<8x128xf32, #tpu.memory_space<hbm>>) target_semaphore(%arg12 : memref<!tpu.dma_semaphore, #tpu.memory_space<semaphore_mem>>)
    %dma_wait3A_585 = arith.constant 49 : i32
    %dma_wait3A_586 = arith.constant 0 : i32
    %dma_wait3A_587 = tpu.memref_slice %arg5[%dma_wait3A_585, %dma_wait3A_586] : memref<50x128xi32, #tpu.memory_space<vmem>> -> memref<1x128xi32, #tpu.memory_space<vmem>>
    %dma_wait3A_588 = tpu.memref_squeeze %dma_wait3A_587 : memref<1x128xi32, #tpu.memory_space<vmem>> -> memref<128xi32, #tpu.memory_space<vmem>>
    %dma_wait3A_589 = arith.constant 0 : i32
    %dma_wait3A_590 = arith.constant 0 : i32
    %dma_wait3A_591 = tpu.memref_slice %arg3[%dma_wait3A_589, %dma_wait3A_590] : memref<100000x64xf32, #tpu.memory_space<hbm>> -> memref<100000x64xf32, #tpu.memory_space<hbm>>
    tpu.wait_indirect_dma semaphore(%arg11 : memref<!tpu.dma_semaphore, #tpu.memory_space<semaphore_mem>>) src(%dma_wait3A_591 : memref<100000x64xf32, #tpu.memory_space<hbm>>) dst(%arg7 : memref<128x64xf32, #tpu.memory_space<vmem>>)
    %dma_wait3A_592 = arith.constant 49 : i32
    %dma_wait3A_593 = arith.constant 0 : i32
    %dma_wait3A_594 = arith.constant 0 : i32
    %dma_wait3A_595 = arith.constant 0 : i32
    %dma_wait3A_596 = tpu.memref_slice %arg9[%dma_wait3A_594, %dma_wait3A_595] : memref<64x129xf32, #tpu.memory_space<vmem>> -> memref<8x128xf32, #tpu.memory_space<vmem>>
    %dma_wait3A_597 = arith.constant 0 : i32
    %dma_wait3A_598 = arith.constant 0 : i32
    %dma_wait3A_599 = tpu.memref_slice %arg4[%dma_wait3A_592, %dma_wait3A_593, %add3A, %dma_wait3A_597, %dma_wait3A_598] : memref<50x8x32x8x128xf32, #tpu.memory_space<hbm>> -> memref<1x1x1x8x128xf32, #tpu.memory_space<hbm>>
    %dma_wait3A_600 = tpu.memref_squeeze %dma_wait3A_599 : memref<1x1x1x8x128xf32, #tpu.memory_space<hbm>> -> memref<8x128xf32, #tpu.memory_space<hbm>>
    %dma_wait3A_601 = arith.constant 0 : i32
    %dma_wait3A_602 = arith.constant 0 : i32
    %dma_wait3A_603 = tpu.memref_slice %arg4[%dma_wait3A_592, %dma_wait3A_593, %add3A, %dma_wait3A_601, %dma_wait3A_602] : memref<50x8x32x8x128xf32, #tpu.memory_space<hbm>> -> memref<1x1x1x8x128xf32, #tpu.memory_space<hbm>>
    %dma_wait3A_604 = tpu.memref_squeeze %dma_wait3A_603 : memref<1x1x1x8x128xf32, #tpu.memory_space<hbm>> -> memref<8x128xf32, #tpu.memory_space<hbm>>
    %dma_wait3A_605 = arith.constant 0 : i32
    %dma_wait3A_606 = arith.constant 0 : i32
    %dma_wait3A_607 = tpu.memref_slice %arg9[%dma_wait3A_605, %dma_wait3A_606] : memref<64x129xf32, #tpu.memory_space<vmem>> -> memref<8x128xf32, #tpu.memory_space<vmem>>
    tpu.wait_dma2 semaphore(%arg13 : memref<!tpu.dma_semaphore, #tpu.memory_space<semaphore_mem>>) src(%dma_wait3A_607 : memref<8x128xf32, #tpu.memory_space<vmem>>) dst(%dma_wait3A_604 : memref<8x128xf32, #tpu.memory_space<hbm>>)
    %dma_wait3A_608 = arith.constant 49 : i32
    %dma_wait3A_609 = arith.constant 1 : i32
    %dma_wait3A_610 = arith.constant 8 : i32
    %dma_wait3A_611 = arith.constant 0 : i32
    %dma_wait3A_612 = tpu.memref_slice %arg9[%dma_wait3A_610, %dma_wait3A_611] : memref<64x129xf32, #tpu.memory_space<vmem>> -> memref<8x128xf32, #tpu.memory_space<vmem>>
    %dma_wait3A_613 = arith.constant 0 : i32
    %dma_wait3A_614 = arith.constant 0 : i32
    %dma_wait3A_615 = tpu.memref_slice %arg4[%dma_wait3A_608, %dma_wait3A_609, %add3A, %dma_wait3A_613, %dma_wait3A_614] : memref<50x8x32x8x128xf32, #tpu.memory_space<hbm>> -> memref<1x1x1x8x128xf32, #tpu.memory_space<hbm>>
    %dma_wait3A_616 = tpu.memref_squeeze %dma_wait3A_615 : memref<1x1x1x8x128xf32, #tpu.memory_space<hbm>> -> memref<8x128xf32, #tpu.memory_space<hbm>>
    %dma_wait3A_617 = arith.constant 0 : i32
    %dma_wait3A_618 = arith.constant 0 : i32
    %dma_wait3A_619 = tpu.memref_slice %arg4[%dma_wait3A_608, %dma_wait3A_609, %add3A, %dma_wait3A_617, %dma_wait3A_618] : memref<50x8x32x8x128xf32, #tpu.memory_space<hbm>> -> memref<1x1x1x8x128xf32, #tpu.memory_space<hbm>>
    %dma_wait3A_620 = tpu.memref_squeeze %dma_wait3A_619 : memref<1x1x1x8x128xf32, #tpu.memory_space<hbm>> -> memref<8x128xf32, #tpu.memory_space<hbm>>
    %dma_wait3A_621 = arith.constant 8 : i32
    %dma_wait3A_622 = arith.constant 0 : i32
    %dma_wait3A_623 = tpu.memref_slice %arg9[%dma_wait3A_621, %dma_wait3A_622] : memref<64x129xf32, #tpu.memory_space<vmem>> -> memref<8x128xf32, #tpu.memory_space<vmem>>
    tpu.wait_dma2 semaphore(%arg13 : memref<!tpu.dma_semaphore, #tpu.memory_space<semaphore_mem>>) src(%dma_wait3A_623 : memref<8x128xf32, #tpu.memory_space<vmem>>) dst(%dma_wait3A_620 : memref<8x128xf32, #tpu.memory_space<hbm>>)
    %dma_wait3A_624 = arith.constant 49 : i32
    %dma_wait3A_625 = arith.constant 2 : i32
    %dma_wait3A_626 = arith.constant 16 : i32
    %dma_wait3A_627 = arith.constant 0 : i32
    %dma_wait3A_628 = tpu.memref_slice %arg9[%dma_wait3A_626, %dma_wait3A_627] : memref<64x129xf32, #tpu.memory_space<vmem>> -> memref<8x128xf32, #tpu.memory_space<vmem>>
    %dma_wait3A_629 = arith.constant 0 : i32
    %dma_wait3A_630 = arith.constant 0 : i32
    %dma_wait3A_631 = tpu.memref_slice %arg4[%dma_wait3A_624, %dma_wait3A_625, %add3A, %dma_wait3A_629, %dma_wait3A_630] : memref<50x8x32x8x128xf32, #tpu.memory_space<hbm>> -> memref<1x1x1x8x128xf32, #tpu.memory_space<hbm>>
    %dma_wait3A_632 = tpu.memref_squeeze %dma_wait3A_631 : memref<1x1x1x8x128xf32, #tpu.memory_space<hbm>> -> memref<8x128xf32, #tpu.memory_space<hbm>>
    %dma_wait3A_633 = arith.constant 0 : i32
    %dma_wait3A_634 = arith.constant 0 : i32
    %dma_wait3A_635 = tpu.memref_slice %arg4[%dma_wait3A_624, %dma_wait3A_625, %add3A, %dma_wait3A_633, %dma_wait3A_634] : memref<50x8x32x8x128xf32, #tpu.memory_space<hbm>> -> memref<1x1x1x8x128xf32, #tpu.memory_space<hbm>>
    %dma_wait3A_636 = tpu.memref_squeeze %dma_wait3A_635 : memref<1x1x1x8x128xf32, #tpu.memory_space<hbm>> -> memref<8x128xf32, #tpu.memory_space<hbm>>
    %dma_wait3A_637 = arith.constant 16 : i32
    %dma_wait3A_638 = arith.constant 0 : i32
    %dma_wait3A_639 = tpu.memref_slice %arg9[%dma_wait3A_637, %dma_wait3A_638] : memref<64x129xf32, #tpu.memory_space<vmem>> -> memref<8x128xf32, #tpu.memory_space<vmem>>
    tpu.wait_dma2 semaphore(%arg13 : memref<!tpu.dma_semaphore, #tpu.memory_space<semaphore_mem>>) src(%dma_wait3A_639 : memref<8x128xf32, #tpu.memory_space<vmem>>) dst(%dma_wait3A_636 : memref<8x128xf32, #tpu.memory_space<hbm>>)
    %dma_wait3A_640 = arith.constant 49 : i32
    %dma_wait3A_641 = arith.constant 3 : i32
    %dma_wait3A_642 = arith.constant 24 : i32
    %dma_wait3A_643 = arith.constant 0 : i32
    %dma_wait3A_644 = tpu.memref_slice %arg9[%dma_wait3A_642, %dma_wait3A_643] : memref<64x129xf32, #tpu.memory_space<vmem>> -> memref<8x128xf32, #tpu.memory_space<vmem>>
    %dma_wait3A_645 = arith.constant 0 : i32
    %dma_wait3A_646 = arith.constant 0 : i32
    %dma_wait3A_647 = tpu.memref_slice %arg4[%dma_wait3A_640, %dma_wait3A_641, %add3A, %dma_wait3A_645, %dma_wait3A_646] : memref<50x8x32x8x128xf32, #tpu.memory_space<hbm>> -> memref<1x1x1x8x128xf32, #tpu.memory_space<hbm>>
    %dma_wait3A_648 = tpu.memref_squeeze %dma_wait3A_647 : memref<1x1x1x8x128xf32, #tpu.memory_space<hbm>> -> memref<8x128xf32, #tpu.memory_space<hbm>>
    %dma_wait3A_649 = arith.constant 0 : i32
    %dma_wait3A_650 = arith.constant 0 : i32
    %dma_wait3A_651 = tpu.memref_slice %arg4[%dma_wait3A_640, %dma_wait3A_641, %add3A, %dma_wait3A_649, %dma_wait3A_650] : memref<50x8x32x8x128xf32, #tpu.memory_space<hbm>> -> memref<1x1x1x8x128xf32, #tpu.memory_space<hbm>>
    %dma_wait3A_652 = tpu.memref_squeeze %dma_wait3A_651 : memref<1x1x1x8x128xf32, #tpu.memory_space<hbm>> -> memref<8x128xf32, #tpu.memory_space<hbm>>
    %dma_wait3A_653 = arith.constant 24 : i32
    %dma_wait3A_654 = arith.constant 0 : i32
    %dma_wait3A_655 = tpu.memref_slice %arg9[%dma_wait3A_653, %dma_wait3A_654] : memref<64x129xf32, #tpu.memory_space<vmem>> -> memref<8x128xf32, #tpu.memory_space<vmem>>
    tpu.wait_dma2 semaphore(%arg13 : memref<!tpu.dma_semaphore, #tpu.memory_space<semaphore_mem>>) src(%dma_wait3A_655 : memref<8x128xf32, #tpu.memory_space<vmem>>) dst(%dma_wait3A_652 : memref<8x128xf32, #tpu.memory_space<hbm>>)
    %dma_wait3A_656 = arith.constant 49 : i32
    %dma_wait3A_657 = arith.constant 4 : i32
    %dma_wait3A_658 = arith.constant 32 : i32
    %dma_wait3A_659 = arith.constant 0 : i32
    %dma_wait3A_660 = tpu.memref_slice %arg9[%dma_wait3A_658, %dma_wait3A_659] : memref<64x129xf32, #tpu.memory_space<vmem>> -> memref<8x128xf32, #tpu.memory_space<vmem>>
    %dma_wait3A_661 = arith.constant 0 : i32
    %dma_wait3A_662 = arith.constant 0 : i32
    %dma_wait3A_663 = tpu.memref_slice %arg4[%dma_wait3A_656, %dma_wait3A_657, %add3A, %dma_wait3A_661, %dma_wait3A_662] : memref<50x8x32x8x128xf32, #tpu.memory_space<hbm>> -> memref<1x1x1x8x128xf32, #tpu.memory_space<hbm>>
    %dma_wait3A_664 = tpu.memref_squeeze %dma_wait3A_663 : memref<1x1x1x8x128xf32, #tpu.memory_space<hbm>> -> memref<8x128xf32, #tpu.memory_space<hbm>>
    %dma_wait3A_665 = arith.constant 0 : i32
    %dma_wait3A_666 = arith.constant 0 : i32
    %dma_wait3A_667 = tpu.memref_slice %arg4[%dma_wait3A_656, %dma_wait3A_657, %add3A, %dma_wait3A_665, %dma_wait3A_666] : memref<50x8x32x8x128xf32, #tpu.memory_space<hbm>> -> memref<1x1x1x8x128xf32, #tpu.memory_space<hbm>>
    %dma_wait3A_668 = tpu.memref_squeeze %dma_wait3A_667 : memref<1x1x1x8x128xf32, #tpu.memory_space<hbm>> -> memref<8x128xf32, #tpu.memory_space<hbm>>
    %dma_wait3A_669 = arith.constant 32 : i32
    %dma_wait3A_670 = arith.constant 0 : i32
    %dma_wait3A_671 = tpu.memref_slice %arg9[%dma_wait3A_669, %dma_wait3A_670] : memref<64x129xf32, #tpu.memory_space<vmem>> -> memref<8x128xf32, #tpu.memory_space<vmem>>
    tpu.wait_dma2 semaphore(%arg13 : memref<!tpu.dma_semaphore, #tpu.memory_space<semaphore_mem>>) src(%dma_wait3A_671 : memref<8x128xf32, #tpu.memory_space<vmem>>) dst(%dma_wait3A_668 : memref<8x128xf32, #tpu.memory_space<hbm>>)
    %dma_wait3A_672 = arith.constant 49 : i32
    %dma_wait3A_673 = arith.constant 5 : i32
    %dma_wait3A_674 = arith.constant 40 : i32
    %dma_wait3A_675 = arith.constant 0 : i32
    %dma_wait3A_676 = tpu.memref_slice %arg9[%dma_wait3A_674, %dma_wait3A_675] : memref<64x129xf32, #tpu.memory_space<vmem>> -> memref<8x128xf32, #tpu.memory_space<vmem>>
    %dma_wait3A_677 = arith.constant 0 : i32
    %dma_wait3A_678 = arith.constant 0 : i32
    %dma_wait3A_679 = tpu.memref_slice %arg4[%dma_wait3A_672, %dma_wait3A_673, %add3A, %dma_wait3A_677, %dma_wait3A_678] : memref<50x8x32x8x128xf32, #tpu.memory_space<hbm>> -> memref<1x1x1x8x128xf32, #tpu.memory_space<hbm>>
    %dma_wait3A_680 = tpu.memref_squeeze %dma_wait3A_679 : memref<1x1x1x8x128xf32, #tpu.memory_space<hbm>> -> memref<8x128xf32, #tpu.memory_space<hbm>>
    %dma_wait3A_681 = arith.constant 0 : i32
    %dma_wait3A_682 = arith.constant 0 : i32
    %dma_wait3A_683 = tpu.memref_slice %arg4[%dma_wait3A_672, %dma_wait3A_673, %add3A, %dma_wait3A_681, %dma_wait3A_682] : memref<50x8x32x8x128xf32, #tpu.memory_space<hbm>> -> memref<1x1x1x8x128xf32, #tpu.memory_space<hbm>>
    %dma_wait3A_684 = tpu.memref_squeeze %dma_wait3A_683 : memref<1x1x1x8x128xf32, #tpu.memory_space<hbm>> -> memref<8x128xf32, #tpu.memory_space<hbm>>
    %dma_wait3A_685 = arith.constant 40 : i32
    %dma_wait3A_686 = arith.constant 0 : i32
    %dma_wait3A_687 = tpu.memref_slice %arg9[%dma_wait3A_685, %dma_wait3A_686] : memref<64x129xf32, #tpu.memory_space<vmem>> -> memref<8x128xf32, #tpu.memory_space<vmem>>
    tpu.wait_dma2 semaphore(%arg13 : memref<!tpu.dma_semaphore, #tpu.memory_space<semaphore_mem>>) src(%dma_wait3A_687 : memref<8x128xf32, #tpu.memory_space<vmem>>) dst(%dma_wait3A_684 : memref<8x128xf32, #tpu.memory_space<hbm>>)
    %dma_wait3A_688 = arith.constant 49 : i32
    %dma_wait3A_689 = arith.constant 6 : i32
    %dma_wait3A_690 = arith.constant 48 : i32
    %dma_wait3A_691 = arith.constant 0 : i32
    %dma_wait3A_692 = tpu.memref_slice %arg9[%dma_wait3A_690, %dma_wait3A_691] : memref<64x129xf32, #tpu.memory_space<vmem>> -> memref<8x128xf32, #tpu.memory_space<vmem>>
    %dma_wait3A_693 = arith.constant 0 : i32
    %dma_wait3A_694 = arith.constant 0 : i32
    %dma_wait3A_695 = tpu.memref_slice %arg4[%dma_wait3A_688, %dma_wait3A_689, %add3A, %dma_wait3A_693, %dma_wait3A_694] : memref<50x8x32x8x128xf32, #tpu.memory_space<hbm>> -> memref<1x1x1x8x128xf32, #tpu.memory_space<hbm>>
    %dma_wait3A_696 = tpu.memref_squeeze %dma_wait3A_695 : memref<1x1x1x8x128xf32, #tpu.memory_space<hbm>> -> memref<8x128xf32, #tpu.memory_space<hbm>>
    %dma_wait3A_697 = arith.constant 0 : i32
    %dma_wait3A_698 = arith.constant 0 : i32
    %dma_wait3A_699 = tpu.memref_slice %arg4[%dma_wait3A_688, %dma_wait3A_689, %add3A, %dma_wait3A_697, %dma_wait3A_698] : memref<50x8x32x8x128xf32, #tpu.memory_space<hbm>> -> memref<1x1x1x8x128xf32, #tpu.memory_space<hbm>>
    %dma_wait3A_700 = tpu.memref_squeeze %dma_wait3A_699 : memref<1x1x1x8x128xf32, #tpu.memory_space<hbm>> -> memref<8x128xf32, #tpu.memory_space<hbm>>
    %dma_wait3A_701 = arith.constant 48 : i32
    %dma_wait3A_702 = arith.constant 0 : i32
    %dma_wait3A_703 = tpu.memref_slice %arg9[%dma_wait3A_701, %dma_wait3A_702] : memref<64x129xf32, #tpu.memory_space<vmem>> -> memref<8x128xf32, #tpu.memory_space<vmem>>
    tpu.wait_dma2 semaphore(%arg13 : memref<!tpu.dma_semaphore, #tpu.memory_space<semaphore_mem>>) src(%dma_wait3A_703 : memref<8x128xf32, #tpu.memory_space<vmem>>) dst(%dma_wait3A_700 : memref<8x128xf32, #tpu.memory_space<hbm>>)
    %dma_wait3A_704 = arith.constant 49 : i32
    %dma_wait3A_705 = arith.constant 7 : i32
    %dma_wait3A_706 = arith.constant 56 : i32
    %dma_wait3A_707 = arith.constant 0 : i32
    %dma_wait3A_708 = tpu.memref_slice %arg9[%dma_wait3A_706, %dma_wait3A_707] : memref<64x129xf32, #tpu.memory_space<vmem>> -> memref<8x128xf32, #tpu.memory_space<vmem>>
    %dma_wait3A_709 = arith.constant 0 : i32
    %dma_wait3A_710 = arith.constant 0 : i32
    %dma_wait3A_711 = tpu.memref_slice %arg4[%dma_wait3A_704, %dma_wait3A_705, %add3A, %dma_wait3A_709, %dma_wait3A_710] : memref<50x8x32x8x128xf32, #tpu.memory_space<hbm>> -> memref<1x1x1x8x128xf32, #tpu.memory_space<hbm>>
    %dma_wait3A_712 = tpu.memref_squeeze %dma_wait3A_711 : memref<1x1x1x8x128xf32, #tpu.memory_space<hbm>> -> memref<8x128xf32, #tpu.memory_space<hbm>>
    %dma_wait3A_713 = arith.constant 0 : i32
    %dma_wait3A_714 = arith.constant 0 : i32
    %dma_wait3A_715 = tpu.memref_slice %arg4[%dma_wait3A_704, %dma_wait3A_705, %add3A, %dma_wait3A_713, %dma_wait3A_714] : memref<50x8x32x8x128xf32, #tpu.memory_space<hbm>> -> memref<1x1x1x8x128xf32, #tpu.memory_space<hbm>>
    %dma_wait3A_716 = tpu.memref_squeeze %dma_wait3A_715 : memref<1x1x1x8x128xf32, #tpu.memory_space<hbm>> -> memref<8x128xf32, #tpu.memory_space<hbm>>
    %dma_wait3A_717 = arith.constant 56 : i32
    %dma_wait3A_718 = arith.constant 0 : i32
    %dma_wait3A_719 = tpu.memref_slice %arg9[%dma_wait3A_717, %dma_wait3A_718] : memref<64x129xf32, #tpu.memory_space<vmem>> -> memref<8x128xf32, #tpu.memory_space<vmem>>
    tpu.wait_dma2 semaphore(%arg13 : memref<!tpu.dma_semaphore, #tpu.memory_space<semaphore_mem>>) src(%dma_wait3A_719 : memref<8x128xf32, #tpu.memory_space<vmem>>) dst(%dma_wait3A_716 : memref<8x128xf32, #tpu.memory_space<hbm>>)
    %parallel_loop3A_720 = arith.constant 0 : i32
    %parallel_loop3A_721 = arith.constant 128 : i32
    %parallel_loop3A_722 = arith.constant 1 : i32
    scf.for %parallel_loop3A_1107 = %parallel_loop3A_720 to %parallel_loop3A_721 step %parallel_loop3A_722  : i32 {
      %parallel_loop3A_1108 = vector.broadcast %parallel_loop3A_1107 : i32 to vector<16xi32>
      %parallel_loop3A_1109 = arith.index_cast %parallel_loop3A_1107 : i32 to index
      %parallel_loop3A_1110 = arith.constant 0 : index
      %parallel_loop3A_1111 = tpu.vector_load %arg7[%parallel_loop3A_1109, %parallel_loop3A_1110] {strides = array<i32>} : memref<128x64xf32, #tpu.memory_space<vmem>>, vector<16xf32>,
      tpu.vector_store_idx %arg9[%add3A_3, %parallel_loop3A_1108], %parallel_loop3A_1111 : memref<64x129xf32, #tpu.memory_space<vmem>>[vector<16xi32>, vector<16xi32>], vector<16xf32>,
      %parallel_loop3A_1112 = arith.index_cast %parallel_loop3A_1107 : i32 to index
      %parallel_loop3A_1113 = arith.constant 16 : index
      %parallel_loop3A_1114 = tpu.vector_load %arg7[%parallel_loop3A_1112, %parallel_loop3A_1113] {strides = array<i32>} : memref<128x64xf32, #tpu.memory_space<vmem>>, vector<16xf32>,
      tpu.vector_store_idx %arg9[%add3A_6, %parallel_loop3A_1108], %parallel_loop3A_1114 : memref<64x129xf32, #tpu.memory_space<vmem>>[vector<16xi32>, vector<16xi32>], vector<16xf32>,
      %parallel_loop3A_1115 = arith.index_cast %parallel_loop3A_1107 : i32 to index
      %parallel_loop3A_1116 = arith.constant 32 : index
      %parallel_loop3A_1117 = tpu.vector_load %arg7[%parallel_loop3A_1115, %parallel_loop3A_1116] {strides = array<i32>} : memref<128x64xf32, #tpu.memory_space<vmem>>, vector<16xf32>,
      tpu.vector_store_idx %arg9[%add3A_9, %parallel_loop3A_1108], %parallel_loop3A_1117 : memref<64x129xf32, #tpu.memory_space<vmem>>[vector<16xi32>, vector<16xi32>], vector<16xf32>,
      %parallel_loop3A_1118 = arith.index_cast %parallel_loop3A_1107 : i32 to index
      %parallel_loop3A_1119 = arith.constant 48 : index
      %parallel_loop3A_1120 = tpu.vector_load %arg7[%parallel_loop3A_1118, %parallel_loop3A_1119] {strides = array<i32>} : memref<128x64xf32, #tpu.memory_space<vmem>>, vector<16xf32>,
      tpu.vector_store_idx %arg9[%add3A_12, %parallel_loop3A_1108], %parallel_loop3A_1120 : memref<64x129xf32, #tpu.memory_space<vmem>>[vector<16xi32>, vector<16xi32>], vector<16xf32>,
    } {sc.loop_unroll_factor = 8 : i64, sc.parallel_access}
    %dma_start3A_723 = arith.constant 49 : i32
    %dma_start3A_724 = arith.constant 0 : i32
    %dma_start3A_725 = arith.constant 0 : i32
    %dma_start3A_726 = arith.constant 0 : i32
    %dma_start3A_727 = tpu.memref_slice %arg9[%dma_start3A_725, %dma_start3A_726] : memref<64x129xf32, #tpu.memory_space<vmem>> -> memref<8x128xf32, #tpu.memory_space<vmem>>
    %dma_start3A_728 = arith.constant 0 : i32
    %dma_start3A_729 = arith.constant 0 : i32
    %dma_start3A_730 = tpu.memref_slice %arg4[%dma_start3A_723, %dma_start3A_724, %add3A, %dma_start3A_728, %dma_start3A_729] : memref<50x8x32x8x128xf32, #tpu.memory_space<hbm>> -> memref<1x1x1x8x128xf32, #tpu.memory_space<hbm>>
    %dma_start3A_731 = tpu.memref_squeeze %dma_start3A_730 : memref<1x1x1x8x128xf32, #tpu.memory_space<hbm>> -> memref<8x128xf32, #tpu.memory_space<hbm>>
    %dma_start3A_732 = arith.constant 0 : i32
    %dma_start3A_733 = arith.constant 0 : i32
    %dma_start3A_734 = tpu.memref_slice %arg4[%dma_start3A_723, %dma_start3A_724, %add3A, %dma_start3A_732, %dma_start3A_733] : memref<50x8x32x8x128xf32, #tpu.memory_space<hbm>> -> memref<1x1x1x8x128xf32, #tpu.memory_space<hbm>>
    %dma_start3A_735 = tpu.memref_squeeze %dma_start3A_734 : memref<1x1x1x8x128xf32, #tpu.memory_space<hbm>> -> memref<8x128xf32, #tpu.memory_space<hbm>>
    %dma_start3A_736 = arith.constant 0 : i32
    %dma_start3A_737 = arith.constant 0 : i32
    %dma_start3A_738 = tpu.memref_slice %arg9[%dma_start3A_736, %dma_start3A_737] : memref<64x129xf32, #tpu.memory_space<vmem>> -> memref<8x128xf32, #tpu.memory_space<vmem>>
    tpu.enqueue_dma source(%dma_start3A_738 : memref<8x128xf32, #tpu.memory_space<vmem>>) target(%dma_start3A_735 : memref<8x128xf32, #tpu.memory_space<hbm>>) target_semaphore(%arg13 : memref<!tpu.dma_semaphore, #tpu.memory_space<semaphore_mem>>)
    %dma_start3A_739 = arith.constant 49 : i32
    %dma_start3A_740 = arith.constant 1 : i32
    %dma_start3A_741 = arith.constant 8 : i32
    %dma_start3A_742 = arith.constant 0 : i32
    %dma_start3A_743 = tpu.memref_slice %arg9[%dma_start3A_741, %dma_start3A_742] : memref<64x129xf32, #tpu.memory_space<vmem>> -> memref<8x128xf32, #tpu.memory_space<vmem>>
    %dma_start3A_744 = arith.constant 0 : i32
    %dma_start3A_745 = arith.constant 0 : i32
    %dma_start3A_746 = tpu.memref_slice %arg4[%dma_start3A_739, %dma_start3A_740, %add3A, %dma_start3A_744, %dma_start3A_745] : memref<50x8x32x8x128xf32, #tpu.memory_space<hbm>> -> memref<1x1x1x8x128xf32, #tpu.memory_space<hbm>>
    %dma_start3A_747 = tpu.memref_squeeze %dma_start3A_746 : memref<1x1x1x8x128xf32, #tpu.memory_space<hbm>> -> memref<8x128xf32, #tpu.memory_space<hbm>>
    %dma_start3A_748 = arith.constant 0 : i32
    %dma_start3A_749 = arith.constant 0 : i32
    %dma_start3A_750 = tpu.memref_slice %arg4[%dma_start3A_739, %dma_start3A_740, %add3A, %dma_start3A_748, %dma_start3A_749] : memref<50x8x32x8x128xf32, #tpu.memory_space<hbm>> -> memref<1x1x1x8x128xf32, #tpu.memory_space<hbm>>
    %dma_start3A_751 = tpu.memref_squeeze %dma_start3A_750 : memref<1x1x1x8x128xf32, #tpu.memory_space<hbm>> -> memref<8x128xf32, #tpu.memory_space<hbm>>
    %dma_start3A_752 = arith.constant 8 : i32
    %dma_start3A_753 = arith.constant 0 : i32
    %dma_start3A_754 = tpu.memref_slice %arg9[%dma_start3A_752, %dma_start3A_753] : memref<64x129xf32, #tpu.memory_space<vmem>> -> memref<8x128xf32, #tpu.memory_space<vmem>>
    tpu.enqueue_dma source(%dma_start3A_754 : memref<8x128xf32, #tpu.memory_space<vmem>>) target(%dma_start3A_751 : memref<8x128xf32, #tpu.memory_space<hbm>>) target_semaphore(%arg13 : memref<!tpu.dma_semaphore, #tpu.memory_space<semaphore_mem>>)
    %dma_start3A_755 = arith.constant 49 : i32
    %dma_start3A_756 = arith.constant 2 : i32
    %dma_start3A_757 = arith.constant 16 : i32
    %dma_start3A_758 = arith.constant 0 : i32
    %dma_start3A_759 = tpu.memref_slice %arg9[%dma_start3A_757, %dma_start3A_758] : memref<64x129xf32, #tpu.memory_space<vmem>> -> memref<8x128xf32, #tpu.memory_space<vmem>>
    %dma_start3A_760 = arith.constant 0 : i32
    %dma_start3A_761 = arith.constant 0 : i32
    %dma_start3A_762 = tpu.memref_slice %arg4[%dma_start3A_755, %dma_start3A_756, %add3A, %dma_start3A_760, %dma_start3A_761] : memref<50x8x32x8x128xf32, #tpu.memory_space<hbm>> -> memref<1x1x1x8x128xf32, #tpu.memory_space<hbm>>
    %dma_start3A_763 = tpu.memref_squeeze %dma_start3A_762 : memref<1x1x1x8x128xf32, #tpu.memory_space<hbm>> -> memref<8x128xf32, #tpu.memory_space<hbm>>
    %dma_start3A_764 = arith.constant 0 : i32
    %dma_start3A_765 = arith.constant 0 : i32
    %dma_start3A_766 = tpu.memref_slice %arg4[%dma_start3A_755, %dma_start3A_756, %add3A, %dma_start3A_764, %dma_start3A_765] : memref<50x8x32x8x128xf32, #tpu.memory_space<hbm>> -> memref<1x1x1x8x128xf32, #tpu.memory_space<hbm>>
    %dma_start3A_767 = tpu.memref_squeeze %dma_start3A_766 : memref<1x1x1x8x128xf32, #tpu.memory_space<hbm>> -> memref<8x128xf32, #tpu.memory_space<hbm>>
    %dma_start3A_768 = arith.constant 16 : i32
    %dma_start3A_769 = arith.constant 0 : i32
    %dma_start3A_770 = tpu.memref_slice %arg9[%dma_start3A_768, %dma_start3A_769] : memref<64x129xf32, #tpu.memory_space<vmem>> -> memref<8x128xf32, #tpu.memory_space<vmem>>
    tpu.enqueue_dma source(%dma_start3A_770 : memref<8x128xf32, #tpu.memory_space<vmem>>) target(%dma_start3A_767 : memref<8x128xf32, #tpu.memory_space<hbm>>) target_semaphore(%arg13 : memref<!tpu.dma_semaphore, #tpu.memory_space<semaphore_mem>>)
    %dma_start3A_771 = arith.constant 49 : i32
    %dma_start3A_772 = arith.constant 3 : i32
    %dma_start3A_773 = arith.constant 24 : i32
    %dma_start3A_774 = arith.constant 0 : i32
    %dma_start3A_775 = tpu.memref_slice %arg9[%dma_start3A_773, %dma_start3A_774] : memref<64x129xf32, #tpu.memory_space<vmem>> -> memref<8x128xf32, #tpu.memory_space<vmem>>
    %dma_start3A_776 = arith.constant 0 : i32
    %dma_start3A_777 = arith.constant 0 : i32
    %dma_start3A_778 = tpu.memref_slice %arg4[%dma_start3A_771, %dma_start3A_772, %add3A, %dma_start3A_776, %dma_start3A_777] : memref<50x8x32x8x128xf32, #tpu.memory_space<hbm>> -> memref<1x1x1x8x128xf32, #tpu.memory_space<hbm>>
    %dma_start3A_779 = tpu.memref_squeeze %dma_start3A_778 : memref<1x1x1x8x128xf32, #tpu.memory_space<hbm>> -> memref<8x128xf32, #tpu.memory_space<hbm>>
    %dma_start3A_780 = arith.constant 0 : i32
    %dma_start3A_781 = arith.constant 0 : i32
    %dma_start3A_782 = tpu.memref_slice %arg4[%dma_start3A_771, %dma_start3A_772, %add3A, %dma_start3A_780, %dma_start3A_781] : memref<50x8x32x8x128xf32, #tpu.memory_space<hbm>> -> memref<1x1x1x8x128xf32, #tpu.memory_space<hbm>>
    %dma_start3A_783 = tpu.memref_squeeze %dma_start3A_782 : memref<1x1x1x8x128xf32, #tpu.memory_space<hbm>> -> memref<8x128xf32, #tpu.memory_space<hbm>>
    %dma_start3A_784 = arith.constant 24 : i32
    %dma_start3A_785 = arith.constant 0 : i32
    %dma_start3A_786 = tpu.memref_slice %arg9[%dma_start3A_784, %dma_start3A_785] : memref<64x129xf32, #tpu.memory_space<vmem>> -> memref<8x128xf32, #tpu.memory_space<vmem>>
    tpu.enqueue_dma source(%dma_start3A_786 : memref<8x128xf32, #tpu.memory_space<vmem>>) target(%dma_start3A_783 : memref<8x128xf32, #tpu.memory_space<hbm>>) target_semaphore(%arg13 : memref<!tpu.dma_semaphore, #tpu.memory_space<semaphore_mem>>)
    %dma_start3A_787 = arith.constant 49 : i32
    %dma_start3A_788 = arith.constant 4 : i32
    %dma_start3A_789 = arith.constant 32 : i32
    %dma_start3A_790 = arith.constant 0 : i32
    %dma_start3A_791 = tpu.memref_slice %arg9[%dma_start3A_789, %dma_start3A_790] : memref<64x129xf32, #tpu.memory_space<vmem>> -> memref<8x128xf32, #tpu.memory_space<vmem>>
    %dma_start3A_792 = arith.constant 0 : i32
    %dma_start3A_793 = arith.constant 0 : i32
    %dma_start3A_794 = tpu.memref_slice %arg4[%dma_start3A_787, %dma_start3A_788, %add3A, %dma_start3A_792, %dma_start3A_793] : memref<50x8x32x8x128xf32, #tpu.memory_space<hbm>> -> memref<1x1x1x8x128xf32, #tpu.memory_space<hbm>>
    %dma_start3A_795 = tpu.memref_squeeze %dma_start3A_794 : memref<1x1x1x8x128xf32, #tpu.memory_space<hbm>> -> memref<8x128xf32, #tpu.memory_space<hbm>>
    %dma_start3A_796 = arith.constant 0 : i32
    %dma_start3A_797 = arith.constant 0 : i32
    %dma_start3A_798 = tpu.memref_slice %arg4[%dma_start3A_787, %dma_start3A_788, %add3A, %dma_start3A_796, %dma_start3A_797] : memref<50x8x32x8x128xf32, #tpu.memory_space<hbm>> -> memref<1x1x1x8x128xf32, #tpu.memory_space<hbm>>
    %dma_start3A_799 = tpu.memref_squeeze %dma_start3A_798 : memref<1x1x1x8x128xf32, #tpu.memory_space<hbm>> -> memref<8x128xf32, #tpu.memory_space<hbm>>
    %dma_start3A_800 = arith.constant 32 : i32
    %dma_start3A_801 = arith.constant 0 : i32
    %dma_start3A_802 = tpu.memref_slice %arg9[%dma_start3A_800, %dma_start3A_801] : memref<64x129xf32, #tpu.memory_space<vmem>> -> memref<8x128xf32, #tpu.memory_space<vmem>>
    tpu.enqueue_dma source(%dma_start3A_802 : memref<8x128xf32, #tpu.memory_space<vmem>>) target(%dma_start3A_799 : memref<8x128xf32, #tpu.memory_space<hbm>>) target_semaphore(%arg13 : memref<!tpu.dma_semaphore, #tpu.memory_space<semaphore_mem>>)
    %dma_start3A_803 = arith.constant 49 : i32
    %dma_start3A_804 = arith.constant 5 : i32
    %dma_start3A_805 = arith.constant 40 : i32
    %dma_start3A_806 = arith.constant 0 : i32
    %dma_start3A_807 = tpu.memref_slice %arg9[%dma_start3A_805, %dma_start3A_806] : memref<64x129xf32, #tpu.memory_space<vmem>> -> memref<8x128xf32, #tpu.memory_space<vmem>>
    %dma_start3A_808 = arith.constant 0 : i32
    %dma_start3A_809 = arith.constant 0 : i32
    %dma_start3A_810 = tpu.memref_slice %arg4[%dma_start3A_803, %dma_start3A_804, %add3A, %dma_start3A_808, %dma_start3A_809] : memref<50x8x32x8x128xf32, #tpu.memory_space<hbm>> -> memref<1x1x1x8x128xf32, #tpu.memory_space<hbm>>
    %dma_start3A_811 = tpu.memref_squeeze %dma_start3A_810 : memref<1x1x1x8x128xf32, #tpu.memory_space<hbm>> -> memref<8x128xf32, #tpu.memory_space<hbm>>
    %dma_start3A_812 = arith.constant 0 : i32
    %dma_start3A_813 = arith.constant 0 : i32
    %dma_start3A_814 = tpu.memref_slice %arg4[%dma_start3A_803, %dma_start3A_804, %add3A, %dma_start3A_812, %dma_start3A_813] : memref<50x8x32x8x128xf32, #tpu.memory_space<hbm>> -> memref<1x1x1x8x128xf32, #tpu.memory_space<hbm>>
    %dma_start3A_815 = tpu.memref_squeeze %dma_start3A_814 : memref<1x1x1x8x128xf32, #tpu.memory_space<hbm>> -> memref<8x128xf32, #tpu.memory_space<hbm>>
    %dma_start3A_816 = arith.constant 40 : i32
    %dma_start3A_817 = arith.constant 0 : i32
    %dma_start3A_818 = tpu.memref_slice %arg9[%dma_start3A_816, %dma_start3A_817] : memref<64x129xf32, #tpu.memory_space<vmem>> -> memref<8x128xf32, #tpu.memory_space<vmem>>
    tpu.enqueue_dma source(%dma_start3A_818 : memref<8x128xf32, #tpu.memory_space<vmem>>) target(%dma_start3A_815 : memref<8x128xf32, #tpu.memory_space<hbm>>) target_semaphore(%arg13 : memref<!tpu.dma_semaphore, #tpu.memory_space<semaphore_mem>>)
    %dma_start3A_819 = arith.constant 49 : i32
    %dma_start3A_820 = arith.constant 6 : i32
    %dma_start3A_821 = arith.constant 48 : i32
    %dma_start3A_822 = arith.constant 0 : i32
    %dma_start3A_823 = tpu.memref_slice %arg9[%dma_start3A_821, %dma_start3A_822] : memref<64x129xf32, #tpu.memory_space<vmem>> -> memref<8x128xf32, #tpu.memory_space<vmem>>
    %dma_start3A_824 = arith.constant 0 : i32
    %dma_start3A_825 = arith.constant 0 : i32
    %dma_start3A_826 = tpu.memref_slice %arg4[%dma_start3A_819, %dma_start3A_820, %add3A, %dma_start3A_824, %dma_start3A_825] : memref<50x8x32x8x128xf32, #tpu.memory_space<hbm>> -> memref<1x1x1x8x128xf32, #tpu.memory_space<hbm>>
    %dma_start3A_827 = tpu.memref_squeeze %dma_start3A_826 : memref<1x1x1x8x128xf32, #tpu.memory_space<hbm>> -> memref<8x128xf32, #tpu.memory_space<hbm>>
    %dma_start3A_828 = arith.constant 0 : i32
    %dma_start3A_829 = arith.constant 0 : i32
    %dma_start3A_830 = tpu.memref_slice %arg4[%dma_start3A_819, %dma_start3A_820, %add3A, %dma_start3A_828, %dma_start3A_829] : memref<50x8x32x8x128xf32, #tpu.memory_space<hbm>> -> memref<1x1x1x8x128xf32, #tpu.memory_space<hbm>>
    %dma_start3A_831 = tpu.memref_squeeze %dma_start3A_830 : memref<1x1x1x8x128xf32, #tpu.memory_space<hbm>> -> memref<8x128xf32, #tpu.memory_space<hbm>>
    %dma_start3A_832 = arith.constant 48 : i32
    %dma_start3A_833 = arith.constant 0 : i32
    %dma_start3A_834 = tpu.memref_slice %arg9[%dma_start3A_832, %dma_start3A_833] : memref<64x129xf32, #tpu.memory_space<vmem>> -> memref<8x128xf32, #tpu.memory_space<vmem>>
    tpu.enqueue_dma source(%dma_start3A_834 : memref<8x128xf32, #tpu.memory_space<vmem>>) target(%dma_start3A_831 : memref<8x128xf32, #tpu.memory_space<hbm>>) target_semaphore(%arg13 : memref<!tpu.dma_semaphore, #tpu.memory_space<semaphore_mem>>)
    %dma_start3A_835 = arith.constant 49 : i32
    %dma_start3A_836 = arith.constant 7 : i32
    %dma_start3A_837 = arith.constant 56 : i32
    %dma_start3A_838 = arith.constant 0 : i32
    %dma_start3A_839 = tpu.memref_slice %arg9[%dma_start3A_837, %dma_start3A_838] : memref<64x129xf32, #tpu.memory_space<vmem>> -> memref<8x128xf32, #tpu.memory_space<vmem>>
    %dma_start3A_840 = arith.constant 0 : i32
    %dma_start3A_841 = arith.constant 0 : i32
    %dma_start3A_842 = tpu.memref_slice %arg4[%dma_start3A_835, %dma_start3A_836, %add3A, %dma_start3A_840, %dma_start3A_841] : memref<50x8x32x8x128xf32, #tpu.memory_space<hbm>> -> memref<1x1x1x8x128xf32, #tpu.memory_space<hbm>>
    %dma_start3A_843 = tpu.memref_squeeze %dma_start3A_842 : memref<1x1x1x8x128xf32, #tpu.memory_space<hbm>> -> memref<8x128xf32, #tpu.memory_space<hbm>>
    %dma_start3A_844 = arith.constant 0 : i32
    %dma_start3A_845 = arith.constant 0 : i32
    %dma_start3A_846 = tpu.memref_slice %arg4[%dma_start3A_835, %dma_start3A_836, %add3A, %dma_start3A_844, %dma_start3A_845] : memref<50x8x32x8x128xf32, #tpu.memory_space<hbm>> -> memref<1x1x1x8x128xf32, #tpu.memory_space<hbm>>
    %dma_start3A_847 = tpu.memref_squeeze %dma_start3A_846 : memref<1x1x1x8x128xf32, #tpu.memory_space<hbm>> -> memref<8x128xf32, #tpu.memory_space<hbm>>
    %dma_start3A_848 = arith.constant 56 : i32
    %dma_start3A_849 = arith.constant 0 : i32
    %dma_start3A_850 = tpu.memref_slice %arg9[%dma_start3A_848, %dma_start3A_849] : memref<64x129xf32, #tpu.memory_space<vmem>> -> memref<8x128xf32, #tpu.memory_space<vmem>>
    tpu.enqueue_dma source(%dma_start3A_850 : memref<8x128xf32, #tpu.memory_space<vmem>>) target(%dma_start3A_847 : memref<8x128xf32, #tpu.memory_space<hbm>>) target_semaphore(%arg13 : memref<!tpu.dma_semaphore, #tpu.memory_space<semaphore_mem>>)
    %dma_wait3A_851 = arith.constant 0 : i32
    %dma_wait3A_852 = arith.constant 0 : i32
    %dma_wait3A_853 = arith.constant 0 : i32
    %dma_wait3A_854 = arith.constant 0 : i32
    %dma_wait3A_855 = tpu.memref_slice %arg8[%dma_wait3A_853, %dma_wait3A_854] : memref<64x129xf32, #tpu.memory_space<vmem>> -> memref<8x128xf32, #tpu.memory_space<vmem>>
    %dma_wait3A_856 = arith.constant 0 : i32
    %dma_wait3A_857 = arith.constant 0 : i32
    %dma_wait3A_858 = tpu.memref_slice %arg4[%dma_wait3A_851, %dma_wait3A_852, %add3A, %dma_wait3A_856, %dma_wait3A_857] : memref<50x8x32x8x128xf32, #tpu.memory_space<hbm>> -> memref<1x1x1x8x128xf32, #tpu.memory_space<hbm>>
    %dma_wait3A_859 = tpu.memref_squeeze %dma_wait3A_858 : memref<1x1x1x8x128xf32, #tpu.memory_space<hbm>> -> memref<8x128xf32, #tpu.memory_space<hbm>>
    %dma_wait3A_860 = arith.constant 0 : i32
    %dma_wait3A_861 = arith.constant 0 : i32
    %dma_wait3A_862 = tpu.memref_slice %arg4[%dma_wait3A_851, %dma_wait3A_852, %add3A, %dma_wait3A_860, %dma_wait3A_861] : memref<50x8x32x8x128xf32, #tpu.memory_space<hbm>> -> memref<1x1x1x8x128xf32, #tpu.memory_space<hbm>>
    %dma_wait3A_863 = tpu.memref_squeeze %dma_wait3A_862 : memref<1x1x1x8x128xf32, #tpu.memory_space<hbm>> -> memref<8x128xf32, #tpu.memory_space<hbm>>
    %dma_wait3A_864 = arith.constant 0 : i32
    %dma_wait3A_865 = arith.constant 0 : i32
    %dma_wait3A_866 = tpu.memref_slice %arg8[%dma_wait3A_864, %dma_wait3A_865] : memref<64x129xf32, #tpu.memory_space<vmem>> -> memref<8x128xf32, #tpu.memory_space<vmem>>
    tpu.wait_dma2 semaphore(%arg12 : memref<!tpu.dma_semaphore, #tpu.memory_space<semaphore_mem>>) src(%dma_wait3A_866 : memref<8x128xf32, #tpu.memory_space<vmem>>) dst(%dma_wait3A_863 : memref<8x128xf32, #tpu.memory_space<hbm>>)
    %dma_wait3A_867 = arith.constant 0 : i32
    %dma_wait3A_868 = arith.constant 1 : i32
    %dma_wait3A_869 = arith.constant 8 : i32
    %dma_wait3A_870 = arith.constant 0 : i32
    %dma_wait3A_871 = tpu.memref_slice %arg8[%dma_wait3A_869, %dma_wait3A_870] : memref<64x129xf32, #tpu.memory_space<vmem>> -> memref<8x128xf32, #tpu.memory_space<vmem>>
    %dma_wait3A_872 = arith.constant 0 : i32
    %dma_wait3A_873 = arith.constant 0 : i32
    %dma_wait3A_874 = tpu.memref_slice %arg4[%dma_wait3A_867, %dma_wait3A_868, %add3A, %dma_wait3A_872, %dma_wait3A_873] : memref<50x8x32x8x128xf32, #tpu.memory_space<hbm>> -> memref<1x1x1x8x128xf32, #tpu.memory_space<hbm>>
    %dma_wait3A_875 = tpu.memref_squeeze %dma_wait3A_874 : memref<1x1x1x8x128xf32, #tpu.memory_space<hbm>> -> memref<8x128xf32, #tpu.memory_space<hbm>>
    %dma_wait3A_876 = arith.constant 0 : i32
    %dma_wait3A_877 = arith.constant 0 : i32
    %dma_wait3A_878 = tpu.memref_slice %arg4[%dma_wait3A_867, %dma_wait3A_868, %add3A, %dma_wait3A_876, %dma_wait3A_877] : memref<50x8x32x8x128xf32, #tpu.memory_space<hbm>> -> memref<1x1x1x8x128xf32, #tpu.memory_space<hbm>>
    %dma_wait3A_879 = tpu.memref_squeeze %dma_wait3A_878 : memref<1x1x1x8x128xf32, #tpu.memory_space<hbm>> -> memref<8x128xf32, #tpu.memory_space<hbm>>
    %dma_wait3A_880 = arith.constant 8 : i32
    %dma_wait3A_881 = arith.constant 0 : i32
    %dma_wait3A_882 = tpu.memref_slice %arg8[%dma_wait3A_880, %dma_wait3A_881] : memref<64x129xf32, #tpu.memory_space<vmem>> -> memref<8x128xf32, #tpu.memory_space<vmem>>
    tpu.wait_dma2 semaphore(%arg12 : memref<!tpu.dma_semaphore, #tpu.memory_space<semaphore_mem>>) src(%dma_wait3A_882 : memref<8x128xf32, #tpu.memory_space<vmem>>) dst(%dma_wait3A_879 : memref<8x128xf32, #tpu.memory_space<hbm>>)
    %dma_wait3A_883 = arith.constant 0 : i32
    %dma_wait3A_884 = arith.constant 2 : i32
    %dma_wait3A_885 = arith.constant 16 : i32
    %dma_wait3A_886 = arith.constant 0 : i32
    %dma_wait3A_887 = tpu.memref_slice %arg8[%dma_wait3A_885, %dma_wait3A_886] : memref<64x129xf32, #tpu.memory_space<vmem>> -> memref<8x128xf32, #tpu.memory_space<vmem>>
    %dma_wait3A_888 = arith.constant 0 : i32
    %dma_wait3A_889 = arith.constant 0 : i32
    %dma_wait3A_890 = tpu.memref_slice %arg4[%dma_wait3A_883, %dma_wait3A_884, %add3A, %dma_wait3A_888, %dma_wait3A_889] : memref<50x8x32x8x128xf32, #tpu.memory_space<hbm>> -> memref<1x1x1x8x128xf32, #tpu.memory_space<hbm>>
    %dma_wait3A_891 = tpu.memref_squeeze %dma_wait3A_890 : memref<1x1x1x8x128xf32, #tpu.memory_space<hbm>> -> memref<8x128xf32, #tpu.memory_space<hbm>>
    %dma_wait3A_892 = arith.constant 0 : i32
    %dma_wait3A_893 = arith.constant 0 : i32
    %dma_wait3A_894 = tpu.memref_slice %arg4[%dma_wait3A_883, %dma_wait3A_884, %add3A, %dma_wait3A_892, %dma_wait3A_893] : memref<50x8x32x8x128xf32, #tpu.memory_space<hbm>> -> memref<1x1x1x8x128xf32, #tpu.memory_space<hbm>>
    %dma_wait3A_895 = tpu.memref_squeeze %dma_wait3A_894 : memref<1x1x1x8x128xf32, #tpu.memory_space<hbm>> -> memref<8x128xf32, #tpu.memory_space<hbm>>
    %dma_wait3A_896 = arith.constant 16 : i32
    %dma_wait3A_897 = arith.constant 0 : i32
    %dma_wait3A_898 = tpu.memref_slice %arg8[%dma_wait3A_896, %dma_wait3A_897] : memref<64x129xf32, #tpu.memory_space<vmem>> -> memref<8x128xf32, #tpu.memory_space<vmem>>
    tpu.wait_dma2 semaphore(%arg12 : memref<!tpu.dma_semaphore, #tpu.memory_space<semaphore_mem>>) src(%dma_wait3A_898 : memref<8x128xf32, #tpu.memory_space<vmem>>) dst(%dma_wait3A_895 : memref<8x128xf32, #tpu.memory_space<hbm>>)
    %dma_wait3A_899 = arith.constant 0 : i32
    %dma_wait3A_900 = arith.constant 3 : i32
    %dma_wait3A_901 = arith.constant 24 : i32
    %dma_wait3A_902 = arith.constant 0 : i32
    %dma_wait3A_903 = tpu.memref_slice %arg8[%dma_wait3A_901, %dma_wait3A_902] : memref<64x129xf32, #tpu.memory_space<vmem>> -> memref<8x128xf32, #tpu.memory_space<vmem>>
    %dma_wait3A_904 = arith.constant 0 : i32
    %dma_wait3A_905 = arith.constant 0 : i32
    %dma_wait3A_906 = tpu.memref_slice %arg4[%dma_wait3A_899, %dma_wait3A_900, %add3A, %dma_wait3A_904, %dma_wait3A_905] : memref<50x8x32x8x128xf32, #tpu.memory_space<hbm>> -> memref<1x1x1x8x128xf32, #tpu.memory_space<hbm>>
    %dma_wait3A_907 = tpu.memref_squeeze %dma_wait3A_906 : memref<1x1x1x8x128xf32, #tpu.memory_space<hbm>> -> memref<8x128xf32, #tpu.memory_space<hbm>>
    %dma_wait3A_908 = arith.constant 0 : i32
    %dma_wait3A_909 = arith.constant 0 : i32
    %dma_wait3A_910 = tpu.memref_slice %arg4[%dma_wait3A_899, %dma_wait3A_900, %add3A, %dma_wait3A_908, %dma_wait3A_909] : memref<50x8x32x8x128xf32, #tpu.memory_space<hbm>> -> memref<1x1x1x8x128xf32, #tpu.memory_space<hbm>>
    %dma_wait3A_911 = tpu.memref_squeeze %dma_wait3A_910 : memref<1x1x1x8x128xf32, #tpu.memory_space<hbm>> -> memref<8x128xf32, #tpu.memory_space<hbm>>
    %dma_wait3A_912 = arith.constant 24 : i32
    %dma_wait3A_913 = arith.constant 0 : i32
    %dma_wait3A_914 = tpu.memref_slice %arg8[%dma_wait3A_912, %dma_wait3A_913] : memref<64x129xf32, #tpu.memory_space<vmem>> -> memref<8x128xf32, #tpu.memory_space<vmem>>
    tpu.wait_dma2 semaphore(%arg12 : memref<!tpu.dma_semaphore, #tpu.memory_space<semaphore_mem>>) src(%dma_wait3A_914 : memref<8x128xf32, #tpu.memory_space<vmem>>) dst(%dma_wait3A_911 : memref<8x128xf32, #tpu.memory_space<hbm>>)
    %dma_wait3A_915 = arith.constant 0 : i32
    %dma_wait3A_916 = arith.constant 4 : i32
    %dma_wait3A_917 = arith.constant 32 : i32
    %dma_wait3A_918 = arith.constant 0 : i32
    %dma_wait3A_919 = tpu.memref_slice %arg8[%dma_wait3A_917, %dma_wait3A_918] : memref<64x129xf32, #tpu.memory_space<vmem>> -> memref<8x128xf32, #tpu.memory_space<vmem>>
    %dma_wait3A_920 = arith.constant 0 : i32
    %dma_wait3A_921 = arith.constant 0 : i32
    %dma_wait3A_922 = tpu.memref_slice %arg4[%dma_wait3A_915, %dma_wait3A_916, %add3A, %dma_wait3A_920, %dma_wait3A_921] : memref<50x8x32x8x128xf32, #tpu.memory_space<hbm>> -> memref<1x1x1x8x128xf32, #tpu.memory_space<hbm>>
    %dma_wait3A_923 = tpu.memref_squeeze %dma_wait3A_922 : memref<1x1x1x8x128xf32, #tpu.memory_space<hbm>> -> memref<8x128xf32, #tpu.memory_space<hbm>>
    %dma_wait3A_924 = arith.constant 0 : i32
    %dma_wait3A_925 = arith.constant 0 : i32
    %dma_wait3A_926 = tpu.memref_slice %arg4[%dma_wait3A_915, %dma_wait3A_916, %add3A, %dma_wait3A_924, %dma_wait3A_925] : memref<50x8x32x8x128xf32, #tpu.memory_space<hbm>> -> memref<1x1x1x8x128xf32, #tpu.memory_space<hbm>>
    %dma_wait3A_927 = tpu.memref_squeeze %dma_wait3A_926 : memref<1x1x1x8x128xf32, #tpu.memory_space<hbm>> -> memref<8x128xf32, #tpu.memory_space<hbm>>
    %dma_wait3A_928 = arith.constant 32 : i32
    %dma_wait3A_929 = arith.constant 0 : i32
    %dma_wait3A_930 = tpu.memref_slice %arg8[%dma_wait3A_928, %dma_wait3A_929] : memref<64x129xf32, #tpu.memory_space<vmem>> -> memref<8x128xf32, #tpu.memory_space<vmem>>
    tpu.wait_dma2 semaphore(%arg12 : memref<!tpu.dma_semaphore, #tpu.memory_space<semaphore_mem>>) src(%dma_wait3A_930 : memref<8x128xf32, #tpu.memory_space<vmem>>) dst(%dma_wait3A_927 : memref<8x128xf32, #tpu.memory_space<hbm>>)
    %dma_wait3A_931 = arith.constant 0 : i32
    %dma_wait3A_932 = arith.constant 5 : i32
    %dma_wait3A_933 = arith.constant 40 : i32
    %dma_wait3A_934 = arith.constant 0 : i32
    %dma_wait3A_935 = tpu.memref_slice %arg8[%dma_wait3A_933, %dma_wait3A_934] : memref<64x129xf32, #tpu.memory_space<vmem>> -> memref<8x128xf32, #tpu.memory_space<vmem>>
    %dma_wait3A_936 = arith.constant 0 : i32
    %dma_wait3A_937 = arith.constant 0 : i32
    %dma_wait3A_938 = tpu.memref_slice %arg4[%dma_wait3A_931, %dma_wait3A_932, %add3A, %dma_wait3A_936, %dma_wait3A_937] : memref<50x8x32x8x128xf32, #tpu.memory_space<hbm>> -> memref<1x1x1x8x128xf32, #tpu.memory_space<hbm>>
    %dma_wait3A_939 = tpu.memref_squeeze %dma_wait3A_938 : memref<1x1x1x8x128xf32, #tpu.memory_space<hbm>> -> memref<8x128xf32, #tpu.memory_space<hbm>>
    %dma_wait3A_940 = arith.constant 0 : i32
    %dma_wait3A_941 = arith.constant 0 : i32
    %dma_wait3A_942 = tpu.memref_slice %arg4[%dma_wait3A_931, %dma_wait3A_932, %add3A, %dma_wait3A_940, %dma_wait3A_941] : memref<50x8x32x8x128xf32, #tpu.memory_space<hbm>> -> memref<1x1x1x8x128xf32, #tpu.memory_space<hbm>>
    %dma_wait3A_943 = tpu.memref_squeeze %dma_wait3A_942 : memref<1x1x1x8x128xf32, #tpu.memory_space<hbm>> -> memref<8x128xf32, #tpu.memory_space<hbm>>
    %dma_wait3A_944 = arith.constant 40 : i32
    %dma_wait3A_945 = arith.constant 0 : i32
    %dma_wait3A_946 = tpu.memref_slice %arg8[%dma_wait3A_944, %dma_wait3A_945] : memref<64x129xf32, #tpu.memory_space<vmem>> -> memref<8x128xf32, #tpu.memory_space<vmem>>
    tpu.wait_dma2 semaphore(%arg12 : memref<!tpu.dma_semaphore, #tpu.memory_space<semaphore_mem>>) src(%dma_wait3A_946 : memref<8x128xf32, #tpu.memory_space<vmem>>) dst(%dma_wait3A_943 : memref<8x128xf32, #tpu.memory_space<hbm>>)
    %dma_wait3A_947 = arith.constant 0 : i32
    %dma_wait3A_948 = arith.constant 6 : i32
    %dma_wait3A_949 = arith.constant 48 : i32
    %dma_wait3A_950 = arith.constant 0 : i32
    %dma_wait3A_951 = tpu.memref_slice %arg8[%dma_wait3A_949, %dma_wait3A_950] : memref<64x129xf32, #tpu.memory_space<vmem>> -> memref<8x128xf32, #tpu.memory_space<vmem>>
    %dma_wait3A_952 = arith.constant 0 : i32
    %dma_wait3A_953 = arith.constant 0 : i32
    %dma_wait3A_954 = tpu.memref_slice %arg4[%dma_wait3A_947, %dma_wait3A_948, %add3A, %dma_wait3A_952, %dma_wait3A_953] : memref<50x8x32x8x128xf32, #tpu.memory_space<hbm>> -> memref<1x1x1x8x128xf32, #tpu.memory_space<hbm>>
    %dma_wait3A_955 = tpu.memref_squeeze %dma_wait3A_954 : memref<1x1x1x8x128xf32, #tpu.memory_space<hbm>> -> memref<8x128xf32, #tpu.memory_space<hbm>>
    %dma_wait3A_956 = arith.constant 0 : i32
    %dma_wait3A_957 = arith.constant 0 : i32
    %dma_wait3A_958 = tpu.memref_slice %arg4[%dma_wait3A_947, %dma_wait3A_948, %add3A, %dma_wait3A_956, %dma_wait3A_957] : memref<50x8x32x8x128xf32, #tpu.memory_space<hbm>> -> memref<1x1x1x8x128xf32, #tpu.memory_space<hbm>>
    %dma_wait3A_959 = tpu.memref_squeeze %dma_wait3A_958 : memref<1x1x1x8x128xf32, #tpu.memory_space<hbm>> -> memref<8x128xf32, #tpu.memory_space<hbm>>
    %dma_wait3A_960 = arith.constant 48 : i32
    %dma_wait3A_961 = arith.constant 0 : i32
    %dma_wait3A_962 = tpu.memref_slice %arg8[%dma_wait3A_960, %dma_wait3A_961] : memref<64x129xf32, #tpu.memory_space<vmem>> -> memref<8x128xf32, #tpu.memory_space<vmem>>
    tpu.wait_dma2 semaphore(%arg12 : memref<!tpu.dma_semaphore, #tpu.memory_space<semaphore_mem>>) src(%dma_wait3A_962 : memref<8x128xf32, #tpu.memory_space<vmem>>) dst(%dma_wait3A_959 : memref<8x128xf32, #tpu.memory_space<hbm>>)
    %dma_wait3A_963 = arith.constant 0 : i32
    %dma_wait3A_964 = arith.constant 7 : i32
    %dma_wait3A_965 = arith.constant 56 : i32
    %dma_wait3A_966 = arith.constant 0 : i32
    %dma_wait3A_967 = tpu.memref_slice %arg8[%dma_wait3A_965, %dma_wait3A_966] : memref<64x129xf32, #tpu.memory_space<vmem>> -> memref<8x128xf32, #tpu.memory_space<vmem>>
    %dma_wait3A_968 = arith.constant 0 : i32
    %dma_wait3A_969 = arith.constant 0 : i32
    %dma_wait3A_970 = tpu.memref_slice %arg4[%dma_wait3A_963, %dma_wait3A_964, %add3A, %dma_wait3A_968, %dma_wait3A_969] : memref<50x8x32x8x128xf32, #tpu.memory_space<hbm>> -> memref<1x1x1x8x128xf32, #tpu.memory_space<hbm>>
    %dma_wait3A_971 = tpu.memref_squeeze %dma_wait3A_970 : memref<1x1x1x8x128xf32, #tpu.memory_space<hbm>> -> memref<8x128xf32, #tpu.memory_space<hbm>>
    %dma_wait3A_972 = arith.constant 0 : i32
    %dma_wait3A_973 = arith.constant 0 : i32
    %dma_wait3A_974 = tpu.memref_slice %arg4[%dma_wait3A_963, %dma_wait3A_964, %add3A, %dma_wait3A_972, %dma_wait3A_973] : memref<50x8x32x8x128xf32, #tpu.memory_space<hbm>> -> memref<1x1x1x8x128xf32, #tpu.memory_space<hbm>>
    %dma_wait3A_975 = tpu.memref_squeeze %dma_wait3A_974 : memref<1x1x1x8x128xf32, #tpu.memory_space<hbm>> -> memref<8x128xf32, #tpu.memory_space<hbm>>
    %dma_wait3A_976 = arith.constant 56 : i32
    %dma_wait3A_977 = arith.constant 0 : i32
    %dma_wait3A_978 = tpu.memref_slice %arg8[%dma_wait3A_976, %dma_wait3A_977] : memref<64x129xf32, #tpu.memory_space<vmem>> -> memref<8x128xf32, #tpu.memory_space<vmem>>
    tpu.wait_dma2 semaphore(%arg12 : memref<!tpu.dma_semaphore, #tpu.memory_space<semaphore_mem>>) src(%dma_wait3A_978 : memref<8x128xf32, #tpu.memory_space<vmem>>) dst(%dma_wait3A_975 : memref<8x128xf32, #tpu.memory_space<hbm>>)
    %dma_wait3A_979 = arith.constant 1 : i32
    %dma_wait3A_980 = arith.constant 0 : i32
    %dma_wait3A_981 = arith.constant 0 : i32
    %dma_wait3A_982 = arith.constant 0 : i32
    %dma_wait3A_983 = tpu.memref_slice %arg9[%dma_wait3A_981, %dma_wait3A_982] : memref<64x129xf32, #tpu.memory_space<vmem>> -> memref<8x128xf32, #tpu.memory_space<vmem>>
    %dma_wait3A_984 = arith.constant 0 : i32
    %dma_wait3A_985 = arith.constant 0 : i32
    %dma_wait3A_986 = tpu.memref_slice %arg4[%dma_wait3A_979, %dma_wait3A_980, %add3A, %dma_wait3A_984, %dma_wait3A_985] : memref<50x8x32x8x128xf32, #tpu.memory_space<hbm>> -> memref<1x1x1x8x128xf32, #tpu.memory_space<hbm>>
    %dma_wait3A_987 = tpu.memref_squeeze %dma_wait3A_986 : memref<1x1x1x8x128xf32, #tpu.memory_space<hbm>> -> memref<8x128xf32, #tpu.memory_space<hbm>>
    %dma_wait3A_988 = arith.constant 0 : i32
    %dma_wait3A_989 = arith.constant 0 : i32
    %dma_wait3A_990 = tpu.memref_slice %arg4[%dma_wait3A_979, %dma_wait3A_980, %add3A, %dma_wait3A_988, %dma_wait3A_989] : memref<50x8x32x8x128xf32, #tpu.memory_space<hbm>> -> memref<1x1x1x8x128xf32, #tpu.memory_space<hbm>>
    %dma_wait3A_991 = tpu.memref_squeeze %dma_wait3A_990 : memref<1x1x1x8x128xf32, #tpu.memory_space<hbm>> -> memref<8x128xf32, #tpu.memory_space<hbm>>
    %dma_wait3A_992 = arith.constant 0 : i32
    %dma_wait3A_993 = arith.constant 0 : i32
    %dma_wait3A_994 = tpu.memref_slice %arg9[%dma_wait3A_992, %dma_wait3A_993] : memref<64x129xf32, #tpu.memory_space<vmem>> -> memref<8x128xf32, #tpu.memory_space<vmem>>
    tpu.wait_dma2 semaphore(%arg13 : memref<!tpu.dma_semaphore, #tpu.memory_space<semaphore_mem>>) src(%dma_wait3A_994 : memref<8x128xf32, #tpu.memory_space<vmem>>) dst(%dma_wait3A_991 : memref<8x128xf32, #tpu.memory_space<hbm>>)
    %dma_wait3A_995 = arith.constant 1 : i32
    %dma_wait3A_996 = arith.constant 1 : i32
    %dma_wait3A_997 = arith.constant 8 : i32
    %dma_wait3A_998 = arith.constant 0 : i32
    %dma_wait3A_999 = tpu.memref_slice %arg9[%dma_wait3A_997, %dma_wait3A_998] : memref<64x129xf32, #tpu.memory_space<vmem>> -> memref<8x128xf32, #tpu.memory_space<vmem>>
    %dma_wait3A_1000 = arith.constant 0 : i32
    %dma_wait3A_1001 = arith.constant 0 : i32
    %dma_wait3A_1002 = tpu.memref_slice %arg4[%dma_wait3A_995, %dma_wait3A_996, %add3A, %dma_wait3A_1000, %dma_wait3A_1001] : memref<50x8x32x8x128xf32, #tpu.memory_space<hbm>> -> memref<1x1x1x8x128xf32, #tpu.memory_space<hbm>>
    %dma_wait3A_1003 = tpu.memref_squeeze %dma_wait3A_1002 : memref<1x1x1x8x128xf32, #tpu.memory_space<hbm>> -> memref<8x128xf32, #tpu.memory_space<hbm>>
    %dma_wait3A_1004 = arith.constant 0 : i32
    %dma_wait3A_1005 = arith.constant 0 : i32
    %dma_wait3A_1006 = tpu.memref_slice %arg4[%dma_wait3A_995, %dma_wait3A_996, %add3A, %dma_wait3A_1004, %dma_wait3A_1005] : memref<50x8x32x8x128xf32, #tpu.memory_space<hbm>> -> memref<1x1x1x8x128xf32, #tpu.memory_space<hbm>>
    %dma_wait3A_1007 = tpu.memref_squeeze %dma_wait3A_1006 : memref<1x1x1x8x128xf32, #tpu.memory_space<hbm>> -> memref<8x128xf32, #tpu.memory_space<hbm>>
    %dma_wait3A_1008 = arith.constant 8 : i32
    %dma_wait3A_1009 = arith.constant 0 : i32
    %dma_wait3A_1010 = tpu.memref_slice %arg9[%dma_wait3A_1008, %dma_wait3A_1009] : memref<64x129xf32, #tpu.memory_space<vmem>> -> memref<8x128xf32, #tpu.memory_space<vmem>>
    tpu.wait_dma2 semaphore(%arg13 : memref<!tpu.dma_semaphore, #tpu.memory_space<semaphore_mem>>) src(%dma_wait3A_1010 : memref<8x128xf32, #tpu.memory_space<vmem>>) dst(%dma_wait3A_1007 : memref<8x128xf32, #tpu.memory_space<hbm>>)
    %dma_wait3A_1011 = arith.constant 1 : i32
    %dma_wait3A_1012 = arith.constant 2 : i32
    %dma_wait3A_1013 = arith.constant 16 : i32
    %dma_wait3A_1014 = arith.constant 0 : i32
    %dma_wait3A_1015 = tpu.memref_slice %arg9[%dma_wait3A_1013, %dma_wait3A_1014] : memref<64x129xf32, #tpu.memory_space<vmem>> -> memref<8x128xf32, #tpu.memory_space<vmem>>
    %dma_wait3A_1016 = arith.constant 0 : i32
    %dma_wait3A_1017 = arith.constant 0 : i32
    %dma_wait3A_1018 = tpu.memref_slice %arg4[%dma_wait3A_1011, %dma_wait3A_1012, %add3A, %dma_wait3A_1016, %dma_wait3A_1017] : memref<50x8x32x8x128xf32, #tpu.memory_space<hbm>> -> memref<1x1x1x8x128xf32, #tpu.memory_space<hbm>>
    %dma_wait3A_1019 = tpu.memref_squeeze %dma_wait3A_1018 : memref<1x1x1x8x128xf32, #tpu.memory_space<hbm>> -> memref<8x128xf32, #tpu.memory_space<hbm>>
    %dma_wait3A_1020 = arith.constant 0 : i32
    %dma_wait3A_1021 = arith.constant 0 : i32
    %dma_wait3A_1022 = tpu.memref_slice %arg4[%dma_wait3A_1011, %dma_wait3A_1012, %add3A, %dma_wait3A_1020, %dma_wait3A_1021] : memref<50x8x32x8x128xf32, #tpu.memory_space<hbm>> -> memref<1x1x1x8x128xf32, #tpu.memory_space<hbm>>
    %dma_wait3A_1023 = tpu.memref_squeeze %dma_wait3A_1022 : memref<1x1x1x8x128xf32, #tpu.memory_space<hbm>> -> memref<8x128xf32, #tpu.memory_space<hbm>>
    %dma_wait3A_1024 = arith.constant 16 : i32
    %dma_wait3A_1025 = arith.constant 0 : i32
    %dma_wait3A_1026 = tpu.memref_slice %arg9[%dma_wait3A_1024, %dma_wait3A_1025] : memref<64x129xf32, #tpu.memory_space<vmem>> -> memref<8x128xf32, #tpu.memory_space<vmem>>
    tpu.wait_dma2 semaphore(%arg13 : memref<!tpu.dma_semaphore, #tpu.memory_space<semaphore_mem>>) src(%dma_wait3A_1026 : memref<8x128xf32, #tpu.memory_space<vmem>>) dst(%dma_wait3A_1023 : memref<8x128xf32, #tpu.memory_space<hbm>>)
    %dma_wait3A_1027 = arith.constant 1 : i32
    %dma_wait3A_1028 = arith.constant 3 : i32
    %dma_wait3A_1029 = arith.constant 24 : i32
    %dma_wait3A_1030 = arith.constant 0 : i32
    %dma_wait3A_1031 = tpu.memref_slice %arg9[%dma_wait3A_1029, %dma_wait3A_1030] : memref<64x129xf32, #tpu.memory_space<vmem>> -> memref<8x128xf32, #tpu.memory_space<vmem>>
    %dma_wait3A_1032 = arith.constant 0 : i32
    %dma_wait3A_1033 = arith.constant 0 : i32
    %dma_wait3A_1034 = tpu.memref_slice %arg4[%dma_wait3A_1027, %dma_wait3A_1028, %add3A, %dma_wait3A_1032, %dma_wait3A_1033] : memref<50x8x32x8x128xf32, #tpu.memory_space<hbm>> -> memref<1x1x1x8x128xf32, #tpu.memory_space<hbm>>
    %dma_wait3A_1035 = tpu.memref_squeeze %dma_wait3A_1034 : memref<1x1x1x8x128xf32, #tpu.memory_space<hbm>> -> memref<8x128xf32, #tpu.memory_space<hbm>>
    %dma_wait3A_1036 = arith.constant 0 : i32
    %dma_wait3A_1037 = arith.constant 0 : i32
    %dma_wait3A_1038 = tpu.memref_slice %arg4[%dma_wait3A_1027, %dma_wait3A_1028, %add3A, %dma_wait3A_1036, %dma_wait3A_1037] : memref<50x8x32x8x128xf32, #tpu.memory_space<hbm>> -> memref<1x1x1x8x128xf32, #tpu.memory_space<hbm>>
    %dma_wait3A_1039 = tpu.memref_squeeze %dma_wait3A_1038 : memref<1x1x1x8x128xf32, #tpu.memory_space<hbm>> -> memref<8x128xf32, #tpu.memory_space<hbm>>
    %dma_wait3A_1040 = arith.constant 24 : i32
    %dma_wait3A_1041 = arith.constant 0 : i32
    %dma_wait3A_1042 = tpu.memref_slice %arg9[%dma_wait3A_1040, %dma_wait3A_1041] : memref<64x129xf32, #tpu.memory_space<vmem>> -> memref<8x128xf32, #tpu.memory_space<vmem>>
    tpu.wait_dma2 semaphore(%arg13 : memref<!tpu.dma_semaphore, #tpu.memory_space<semaphore_mem>>) src(%dma_wait3A_1042 : memref<8x128xf32, #tpu.memory_space<vmem>>) dst(%dma_wait3A_1039 : memref<8x128xf32, #tpu.memory_space<hbm>>)
    %dma_wait3A_1043 = arith.constant 1 : i32
    %dma_wait3A_1044 = arith.constant 4 : i32
    %dma_wait3A_1045 = arith.constant 32 : i32
    %dma_wait3A_1046 = arith.constant 0 : i32
    %dma_wait3A_1047 = tpu.memref_slice %arg9[%dma_wait3A_1045, %dma_wait3A_1046] : memref<64x129xf32, #tpu.memory_space<vmem>> -> memref<8x128xf32, #tpu.memory_space<vmem>>
    %dma_wait3A_1048 = arith.constant 0 : i32
    %dma_wait3A_1049 = arith.constant 0 : i32
    %dma_wait3A_1050 = tpu.memref_slice %arg4[%dma_wait3A_1043, %dma_wait3A_1044, %add3A, %dma_wait3A_1048, %dma_wait3A_1049] : memref<50x8x32x8x128xf32, #tpu.memory_space<hbm>> -> memref<1x1x1x8x128xf32, #tpu.memory_space<hbm>>
    %dma_wait3A_1051 = tpu.memref_squeeze %dma_wait3A_1050 : memref<1x1x1x8x128xf32, #tpu.memory_space<hbm>> -> memref<8x128xf32, #tpu.memory_space<hbm>>
    %dma_wait3A_1052 = arith.constant 0 : i32
    %dma_wait3A_1053 = arith.constant 0 : i32
    %dma_wait3A_1054 = tpu.memref_slice %arg4[%dma_wait3A_1043, %dma_wait3A_1044, %add3A, %dma_wait3A_1052, %dma_wait3A_1053] : memref<50x8x32x8x128xf32, #tpu.memory_space<hbm>> -> memref<1x1x1x8x128xf32, #tpu.memory_space<hbm>>
    %dma_wait3A_1055 = tpu.memref_squeeze %dma_wait3A_1054 : memref<1x1x1x8x128xf32, #tpu.memory_space<hbm>> -> memref<8x128xf32, #tpu.memory_space<hbm>>
    %dma_wait3A_1056 = arith.constant 32 : i32
    %dma_wait3A_1057 = arith.constant 0 : i32
    %dma_wait3A_1058 = tpu.memref_slice %arg9[%dma_wait3A_1056, %dma_wait3A_1057] : memref<64x129xf32, #tpu.memory_space<vmem>> -> memref<8x128xf32, #tpu.memory_space<vmem>>
    tpu.wait_dma2 semaphore(%arg13 : memref<!tpu.dma_semaphore, #tpu.memory_space<semaphore_mem>>) src(%dma_wait3A_1058 : memref<8x128xf32, #tpu.memory_space<vmem>>) dst(%dma_wait3A_1055 : memref<8x128xf32, #tpu.memory_space<hbm>>)
    %dma_wait3A_1059 = arith.constant 1 : i32
    %dma_wait3A_1060 = arith.constant 5 : i32
    %dma_wait3A_1061 = arith.constant 40 : i32
    %dma_wait3A_1062 = arith.constant 0 : i32
    %dma_wait3A_1063 = tpu.memref_slice %arg9[%dma_wait3A_1061, %dma_wait3A_1062] : memref<64x129xf32, #tpu.memory_space<vmem>> -> memref<8x128xf32, #tpu.memory_space<vmem>>
    %dma_wait3A_1064 = arith.constant 0 : i32
    %dma_wait3A_1065 = arith.constant 0 : i32
    %dma_wait3A_1066 = tpu.memref_slice %arg4[%dma_wait3A_1059, %dma_wait3A_1060, %add3A, %dma_wait3A_1064, %dma_wait3A_1065] : memref<50x8x32x8x128xf32, #tpu.memory_space<hbm>> -> memref<1x1x1x8x128xf32, #tpu.memory_space<hbm>>
    %dma_wait3A_1067 = tpu.memref_squeeze %dma_wait3A_1066 : memref<1x1x1x8x128xf32, #tpu.memory_space<hbm>> -> memref<8x128xf32, #tpu.memory_space<hbm>>
    %dma_wait3A_1068 = arith.constant 0 : i32
    %dma_wait3A_1069 = arith.constant 0 : i32
    %dma_wait3A_1070 = tpu.memref_slice %arg4[%dma_wait3A_1059, %dma_wait3A_1060, %add3A, %dma_wait3A_1068, %dma_wait3A_1069] : memref<50x8x32x8x128xf32, #tpu.memory_space<hbm>> -> memref<1x1x1x8x128xf32, #tpu.memory_space<hbm>>
    %dma_wait3A_1071 = tpu.memref_squeeze %dma_wait3A_1070 : memref<1x1x1x8x128xf32, #tpu.memory_space<hbm>> -> memref<8x128xf32, #tpu.memory_space<hbm>>
    %dma_wait3A_1072 = arith.constant 40 : i32
    %dma_wait3A_1073 = arith.constant 0 : i32
    %dma_wait3A_1074 = tpu.memref_slice %arg9[%dma_wait3A_1072, %dma_wait3A_1073] : memref<64x129xf32, #tpu.memory_space<vmem>> -> memref<8x128xf32, #tpu.memory_space<vmem>>
    tpu.wait_dma2 semaphore(%arg13 : memref<!tpu.dma_semaphore, #tpu.memory_space<semaphore_mem>>) src(%dma_wait3A_1074 : memref<8x128xf32, #tpu.memory_space<vmem>>) dst(%dma_wait3A_1071 : memref<8x128xf32, #tpu.memory_space<hbm>>)
    %dma_wait3A_1075 = arith.constant 1 : i32
    %dma_wait3A_1076 = arith.constant 6 : i32
    %dma_wait3A_1077 = arith.constant 48 : i32
    %dma_wait3A_1078 = arith.constant 0 : i32
    %dma_wait3A_1079 = tpu.memref_slice %arg9[%dma_wait3A_1077, %dma_wait3A_1078] : memref<64x129xf32, #tpu.memory_space<vmem>> -> memref<8x128xf32, #tpu.memory_space<vmem>>
    %dma_wait3A_1080 = arith.constant 0 : i32
    %dma_wait3A_1081 = arith.constant 0 : i32
    %dma_wait3A_1082 = tpu.memref_slice %arg4[%dma_wait3A_1075, %dma_wait3A_1076, %add3A, %dma_wait3A_1080, %dma_wait3A_1081] : memref<50x8x32x8x128xf32, #tpu.memory_space<hbm>> -> memref<1x1x1x8x128xf32, #tpu.memory_space<hbm>>
    %dma_wait3A_1083 = tpu.memref_squeeze %dma_wait3A_1082 : memref<1x1x1x8x128xf32, #tpu.memory_space<hbm>> -> memref<8x128xf32, #tpu.memory_space<hbm>>
    %dma_wait3A_1084 = arith.constant 0 : i32
    %dma_wait3A_1085 = arith.constant 0 : i32
    %dma_wait3A_1086 = tpu.memref_slice %arg4[%dma_wait3A_1075, %dma_wait3A_1076, %add3A, %dma_wait3A_1084, %dma_wait3A_1085] : memref<50x8x32x8x128xf32, #tpu.memory_space<hbm>> -> memref<1x1x1x8x128xf32, #tpu.memory_space<hbm>>
    %dma_wait3A_1087 = tpu.memref_squeeze %dma_wait3A_1086 : memref<1x1x1x8x128xf32, #tpu.memory_space<hbm>> -> memref<8x128xf32, #tpu.memory_space<hbm>>
    %dma_wait3A_1088 = arith.constant 48 : i32
    %dma_wait3A_1089 = arith.constant 0 : i32
    %dma_wait3A_1090 = tpu.memref_slice %arg9[%dma_wait3A_1088, %dma_wait3A_1089] : memref<64x129xf32, #tpu.memory_space<vmem>> -> memref<8x128xf32, #tpu.memory_space<vmem>>
    tpu.wait_dma2 semaphore(%arg13 : memref<!tpu.dma_semaphore, #tpu.memory_space<semaphore_mem>>) src(%dma_wait3A_1090 : memref<8x128xf32, #tpu.memory_space<vmem>>) dst(%dma_wait3A_1087 : memref<8x128xf32, #tpu.memory_space<hbm>>)
    %dma_wait3A_1091 = arith.constant 1 : i32
    %dma_wait3A_1092 = arith.constant 7 : i32
    %dma_wait3A_1093 = arith.constant 56 : i32
    %dma_wait3A_1094 = arith.constant 0 : i32
    %dma_wait3A_1095 = tpu.memref_slice %arg9[%dma_wait3A_1093, %dma_wait3A_1094] : memref<64x129xf32, #tpu.memory_space<vmem>> -> memref<8x128xf32, #tpu.memory_space<vmem>>
    %dma_wait3A_1096 = arith.constant 0 : i32
    %dma_wait3A_1097 = arith.constant 0 : i32
    %dma_wait3A_1098 = tpu.memref_slice %arg4[%dma_wait3A_1091, %dma_wait3A_1092, %add3A, %dma_wait3A_1096, %dma_wait3A_1097] : memref<50x8x32x8x128xf32, #tpu.memory_space<hbm>> -> memref<1x1x1x8x128xf32, #tpu.memory_space<hbm>>
    %dma_wait3A_1099 = tpu.memref_squeeze %dma_wait3A_1098 : memref<1x1x1x8x128xf32, #tpu.memory_space<hbm>> -> memref<8x128xf32, #tpu.memory_space<hbm>>
    %dma_wait3A_1100 = arith.constant 0 : i32
    %dma_wait3A_1101 = arith.constant 0 : i32
    %dma_wait3A_1102 = tpu.memref_slice %arg4[%dma_wait3A_1091, %dma_wait3A_1092, %add3A, %dma_wait3A_1100, %dma_wait3A_1101] : memref<50x8x32x8x128xf32, #tpu.memory_space<hbm>> -> memref<1x1x1x8x128xf32, #tpu.memory_space<hbm>>
    %dma_wait3A_1103 = tpu.memref_squeeze %dma_wait3A_1102 : memref<1x1x1x8x128xf32, #tpu.memory_space<hbm>> -> memref<8x128xf32, #tpu.memory_space<hbm>>
    %dma_wait3A_1104 = arith.constant 56 : i32
    %dma_wait3A_1105 = arith.constant 0 : i32
    %dma_wait3A_1106 = tpu.memref_slice %arg9[%dma_wait3A_1104, %dma_wait3A_1105] : memref<64x129xf32, #tpu.memory_space<vmem>> -> memref<8x128xf32, #tpu.memory_space<vmem>>
    tpu.wait_dma2 semaphore(%arg13 : memref<!tpu.dma_semaphore, #tpu.memory_space<semaphore_mem>>) src(%dma_wait3A_1106 : memref<8x128xf32, #tpu.memory_space<vmem>>) dst(%dma_wait3A_1103 : memref<8x128xf32, #tpu.memory_space<hbm>>)
    return
  }
}

</mosaic_0001>

<sc_bundles>
// kernel: kernel.3.cloned.1.call-start
scs
__scs_entry_jumppad:
0x0: {  	(pc) =	sbr.rel $0x88, $3  }
0x1: {  	(tag) =	ssettag $0x0;
	lr =	simm.s32 $0x1  }
0x2: {  	[smem:$0x3F9F] =	sst lr;
	_ =	strace $0xD0000000  }
0x3: {  	_ = 	snop  }
0x4: {  	_ = 	snop  }
0x5: {  	_ = 	snop  }
0x6: {  	_ = 	snop  }
0x7: {  	_ = 	snop  }
__scs_overlays_trampoline_lowered:
0x8: {  	[smem:$0x3FAE] =	sst s0  }
0x9: {  	[smem:$0x3FAF] =	sst s1  }
0xa: {  	[smem:$0x3FB0] =	sst s2  }
0xb: {  	[smem:$0x3FB1] =	sst s3  }
0xc: {  	[smem:$0x3FB2] =	sst s4  }
0xd: {  	[smem:$0x3FB3] =	sst s5  }
0xe: {  	[smem:$0x3FB4] =	sst s6  }
0xf: {  	[smem:$0x3FB5] =	sst s7  }
0x10: {  	[smem:$0x3FB6] =	sst s8  }
0x11: {  	[smem:$0x3FB7] =	sst s9;
	s0 =	simm.s32 @!p0 $0x0  }
0x12: {  	s1 =	sld [smem:$0x3F9D];
	s0 =	simm.s32 @p0 $0x1  }
0x13: {  	[smem:$0x3FB8] =	sst s0;
	s0 =	simm.s32 @!p1 $0x0  }
0x14: {  	s2 =	sld [smem:$0x3F9C];
	s0 =	simm.s32 @p1 $0x1  }
0x15: {  	[smem:$0x3FB9] =	sst s0;
	s0 =	simm.s32 @!p2 $0x0  }
0x16: {  	s3 =	sld [smem:$0x3FDB];
	s0 =	simm.s32 @p2 $0x1  }
0x17: {  	s4 =	simm.s32 $0x1BF5;
	[smem:$0x3FBB] =	sst s0  }
0x18: {  	s0 =	sld [smem:$0x3F9E];
	_ =	swait.ge [sflag:s4], $0x0  }
0x19: {  	s7 =	sld [smem:$0x3F9F]  }
0x1a: {  	s8 =	sadd.s32 $0xFFFFE003, lr  }
0x1b: {  	s9 =	sadd.s32 $0xFFFFFEF7, lr;
	s5 =	simm.s32 $0xFFFFFFFF;
	p2 =	slt.u32 s8, $0xFFFFF086  }
0x1c: {  	p1 =	slt.u32 s9, $0xF7A;
	s5 =	simm.s32 @!p2 $0x0  }
0x1d: {  	s5 =	simm.s32 @p1 $0x1;
	p0 =	seq.s32 s7, s2  }
0x1e: {  	s7 =	smul.u32 @!p0 $0xF7A, s2;
	p2 =	seq.s32 @!p0 s5, $0x0  }
0x1f: {  	s9 =	smul.u32 $0xF7A, s1;
	s8 =	simm.s32 @!p0 $0x1BF5;
	p2 =	por !p2, p0  }
0x20: {  	[sflag:s8] =	ssyncset.s32 @!p0 $0xFFFFF086;
	s6 =	sadd.s32 @!p0 s3, s7;
	s7 =	simm.s32 @!p0 $0x108  }
0x21: {  	s3 =	sadd.s32 s3, s9;
	s6 =	sadd.s32 @!p0 $0x88, s6;
	s7 =	simm.s32 @p2 $0x1082  }
0x22: {  	[simem:s7], [sflag:s8] =	dma.local @!p0 [hbm:s6], $0xF7A  }
0x23: {  	s9 =	sor.u32 $0xD0000000, s2;
	s6 =	simm.s32 $0x108;
	_ =	swait.ge @!p0 [sflag:s8], $0x0  }
0x24: {  	s3 =	sadd.s32 $0x88, s3;
	s6 =	simm.s32 @!p1 $0x1082;
	[sflag:s4] =	ssyncset.s32 $0xFFFFF086  }
0x25: {  	[simem:s6], [sflag:s4] =	dma.local [hbm:s3], $0xF7A  }
0x26: {  	[smem:$0x3F9F] =	sst s1;
	(tag) =	ssettag s2;
	_ =	strace s9  }
0x27: {  	s1 =	sld [smem:$0x3FAF]  }
0x28: {  	s2 =	sld [smem:$0x3FB0]  }
0x29: {  	s4 =	sld [smem:$0x3FB2]  }
0x2a: {  	p0 =	seq.s32 s5, $0x0;
	s5 =	sld [smem:$0x3FB3]  }
0x2b: {  	s6 =	sld [smem:$0x3FB4]  }
0x2c: {  	s7 =	sld [smem:$0x3FB5]  }
0x2d: {  	s3 =	simm.s32 $0x108;
	s8 =	sld [smem:$0x3FB6]  }
0x2e: {  	s3 =	simm.s32 @!p0 $0x1082;
	s9 =	sld [smem:$0x3FB7]  }
0x2f: {  	lr =	sadd.s32 s0, s3;
	s0 =	sld [smem:$0x3FAE]  }
0x30: {  	s3 =	sld [smem:$0x3FB1]  }
0x31: {  	[smem:$0x3FBA] =	sst s10  }
0x32: {  	s10 =	sld [smem:$0x3FB8];
	_ =	sdelay $0x3  }
0x33: {  	p0 =	seq.s32 s10, $0x1;
	s10 =	sld [smem:$0x3FBA];
	_ =	sdelay $0x3  }
0x34: {  	[smem:$0x3FBA] =	sst s10  }
0x35: {  	s10 =	sld [smem:$0x3FB9];
	_ =	sdelay $0x3  }
0x36: {  	p1 =	seq.s32 s10, $0x1;
	s10 =	sld [smem:$0x3FBA];
	_ =	sdelay $0x3  }
0x37: {  	[smem:$0x3FBA] =	sst s10  }
0x38: {  	s10 =	sld [smem:$0x3FBB]  }
0x39: {  	_ = 	snop;
	(pc) =	sbr.ind lr, $3  }
0x3a: {  	_ = 	snop  }
0x3b: {  	_ = 	snop  }
0x3c: {  	p2 =	seq.s32 s10, $0x1;
	s10 =	sld [smem:$0x3FBA]  }
0x3d: {  	_ =	shalt  }
0x3e: {  	_ =	shalt  }
0x3f: {  	_ =	shalt  }
0x40: {  	_ =	shalt  }
0x41: {  	_ =	shalt  }
0x42: {  	_ =	shalt  }
0x43: {  	_ =	shalt  }
0x44: {  	_ =	shalt  }
0x45: {  	_ =	shalt  }
0x46: {  	_ =	shalt  }
0x47: {  	_ =	shalt  }
0x48: {  	_ =	shalt  }
0x49: {  	_ =	shalt  }
0x4a: {  	_ =	shalt  }
0x4b: {  	_ =	shalt  }
0x4c: {  	_ =	shalt  }
0x4d: {  	_ =	shalt  }
0x4e: {  	_ =	shalt  }
0x4f: {  	_ =	shalt  }
0x50: {  	_ =	shalt  }
0x51: {  	_ =	shalt  }
0x52: {  	_ =	shalt  }
0x53: {  	_ =	shalt  }
0x54: {  	_ =	shalt  }
0x55: {  	_ =	shalt  }
0x56: {  	_ =	shalt  }
0x57: {  	_ =	shalt  }
0x58: {  	_ =	shalt  }
0x59: {  	_ =	shalt  }
0x5a: {  	_ =	shalt  }
0x5b: {  	_ =	shalt  }
0x5c: {  	_ =	shalt  }
0x5d: {  	_ =	shalt  }
0x5e: {  	_ =	shalt  }
0x5f: {  	_ =	shalt  }
0x60: {  	_ =	shalt  }
0x61: {  	_ =	shalt  }
0x62: {  	_ =	shalt  }
0x63: {  	_ =	shalt  }
0x64: {  	_ =	shalt  }
0x65: {  	_ =	shalt  }
0x66: {  	_ =	shalt  }
0x67: {  	_ =	shalt  }
0x68: {  	_ =	shalt  }
0x69: {  	_ =	shalt  }
0x6a: {  	_ =	shalt  }
0x6b: {  	_ =	shalt  }
0x6c: {  	_ =	shalt  }
0x6d: {  	_ =	shalt  }
0x6e: {  	_ =	shalt  }
0x6f: {  	_ =	shalt  }
0x70: {  	_ =	shalt  }
0x71: {  	_ =	shalt  }
0x72: {  	_ =	shalt  }
0x73: {  	_ =	shalt  }
0x74: {  	_ =	shalt  }
0x75: {  	_ =	shalt  }
0x76: {  	_ =	shalt  }
0x77: {  	_ =	shalt  }
0x78: {  	_ =	shalt  }
0x79: {  	_ =	shalt  }
0x7a: {  	_ =	shalt  }
0x7b: {  	_ =	shalt  }
0x7c: {  	_ =	shalt  }
0x7d: {  	_ =	shalt  }
0x7e: {  	_ =	shalt  }
0x7f: {  	_ =	shalt  }
0x80: {  	_ =	shalt  }
0x81: {  	_ =	shalt  }
0x82: {  	_ =	shalt  }
0x83: {  	_ =	shalt  }
0x84: {  	_ =	shalt  }
0x85: {  	_ =	shalt  }
0x86: {  	_ =	shalt  }
0x87: {  	_ =	shalt  }
.Lfunc_end0:
.L_simem_size_0:
called_computation_lowered:
.L_overlay_start_0:
0x88: {  	s2 =	sld [smem:$0x3FD9]  }
0x89: {  	s3 =	sld [smem:$0x3FFE];
	_ =	sdelay $0x1  }
0x8a: {  	s1 =	srdreg.scid  }
0x8b: {  	s0 =	sand.u32 $0x1, s1  }
0x8c: {  	s17 =	sshll.u32 s0, $0xA;
	s2 =	sadd.s32 s3, s2  }
0x8d: {  	s2 =	sadd.s32 s2, s17  }
0x8e: {  	[smem:$0x3FC6] =	sst s2  }
0x8f: {  	_ = 	snop  }
0x90: {  	s2 =	sld [smem:$0x3FD0];
	(tm) =	ssettm $0x1  }
0x91: {  	s18 =	sld [smem:$0x3FFB];
	_ =	sdelay $0x3  }
0x92: {  	_ =	strace s18  }
0x93: {  	s3 =	sld [smem:$0x3FFC];
	_ =	sdelay $0x3  }
0x94: {  	_ =	strace s3  }
0x95: {  	s3 =	sld [smem:$0x3FFD];
	_ =	sdelay $0x3  }
0x96: {  	_ =	strace s3  }
0x97: {  	_ =	strace $0x8FFFFFFF  }
0x98: {  	s19 =	sld [smem:$0x3FDB];
	_ =	sdelay $0x1  }
0x99: {  	s4 =	simm.s32 $_scs_section_size  }
0x9a: {  	s5 =	simm.s32 $_size__tile_overlayer_lowered;
	s6 =	simm.s32 $_tile_overlayer_lowered  }
0x9b: {  	s22 =	simm.s32 $0x1BFF;
	s21 =	sshll.u32 s6, $0x1;
	s3 =	sadd.s32 s4, s19  }
0x9c: {  	s7 =	simm.s32 $0x0;
	s20 =	sshll.u32 s5, $0x1;
	s5 =	sadd.s32 s21, s3  }
0x9d: {  	[timem:s7], [sflag:s22] =	dma.local [hbm:s5], s20  }
0x9e: {  	_ =	swait.ge [sflag:s22], s20  }
0x9f: {  	s4 =	ssub.s32 $0x0, s20;
	[sflag:s22] =	ssyncset.done $0x0  }
0xa0: {  	[sflag:s22] =	ssyncadd.s32 s4;
	_ =	sdelay $0x1  }
0xa1: {  	s23 =	simm.s32 $0x1B8B  }
0xa2: {  	_ =	swait.ge [sflag:s23], $0x1  }
0xa3: {  	[sflag:s23] =	ssyncset.done $0x0  }
0xa4: {  	s25 =	simm.s32 $0x1B8E;
	s24 =	sld [smem:$0x3FFE];
	[sflag:s23] =	ssyncadd.s32 $0xFFFFFFFF  }
0xa5: {  	s26 =	simm.s32 $execute0_lowered;
	[smem:$0x3FD2] =	sst s25  }
0xa6: {  	s5 =	sshll.u32 s26, $0x1;
	_ =	strace $0x80000046;
	[dreg:$0x1] =	wrdreg $0xFFFFFFFF  }
0xa7: {  	s28 =	simm.s32 $_size_execute0_lowered;
	s3 =	sadd.s32 s3, s5;
	[dreg:$0x0] =	wrdreg $0x0  }
0xa8: {  	s5 =	sshll.u32 s28, $0x1;
	[dreg:$0x2] =	wrdreg s3  }
0xa9: {  	[dreg:$0x3] =	wrdreg s5  }
0xaa: {  	[dreg:$0x4] =	wrdreg $0xC0  }
0xab: {  	_ =	task [dreg:s7], $0x5FFFF  }
0xac: {  	[dreg:$0x1] =	wrdreg $0xFFFFFFFF  }
0xad: {  	[dreg:$0x0] =	wrdreg $0x60  }
0xae: {  	[dreg:$0x2] =	wrdreg s24  }
0xaf: {  	[dreg:$0x3] =	wrdreg s2  }
0xb0: {  	[dreg:$0x4] =	wrdreg $0x9  }
0xb1: {  	_ =	task.clear_ibuf [dreg:s7], $0x5FFFF;
	_ =	strace $0x90000046  }
0xb2: {  	s29 =	simm.s32 $0x9;
	_ =	strace $0x80000048  }
0xb3: {  	_ =	swait.ge [sflag:s29], $0x1  }
0xb4: {  	[sflag:s29] =	ssyncadd.s32 $0xFFFFFFFF  }
0xb5: {  	_ =	strace $0x90000048  }
0xb6: {  	_ =	sfence  }
0xb7: {  	s30 =	sld [smem:$0x0];
	_ =	sdelay $0x2  }
0xb8: {  	s31 =	sshll.u32 s1, $0xD;
	s1 =	sshrl.u32 s1, $0x2  }
0xb9: {  	s3 =	sand.u32 $0x4000, s31;
	s1 =	sadd.s32 s1, s30  }
0xba: {  	s0 =	sor.u32 s3, s0;
	s1 =	sshll.u32 s1, $0x11  }
0xbb: {  	s0 =	sor.u32 s1, s0  }
0xbc: {  	s0 =	sadd.s32 $0x8F2B, s0  }
0xbd: {  	[sflag:s0] =	ssyncadd.remote.s32 $0x1  }
0xbe: {  	_ =	sfence.sel $0xFFFF  }
0xbf: {  	[dreg:$0x0] =	wrdreg $0xFFFFFFFF;
	(pc) =	sbr.abs _section_cstart, $3  }
0xc0: {  	[dreg:$0x1] =	wrdreg $0xFFFFFFFF  }
0xc1: {  	_ =	task.clear_ibuf [dreg:s7], $0x2FFFF;
	_ =	strace $0x9FFFFFFF  }
0xc2: {  	(tm) =	ssettm $0x7FFFFFFF  }
0xc3: {  	_ =	shalt  }
tec
execute0_lowered:
.L_overlay_start_1:
0x0: {  	(tag) =	ssettag $0x1  }
0x1: {  	s0 =	rddreg [dreg:$0x0]  }
0x2: {  	s1 =	srdreg.scid;
	s7 =	rddreg [dreg:$0x1];
	s3 =	simm.s32 $0x0  }
0x3: {  	s2 =	stileid.u32;
	[smem:$0x7FF] =	sst s3;
	s11 =	sadd.s32 $0x1000, s7  }
0x4: {  	s12 =	sadd.s32 $0x2000, s7;
	_ =	strace $0x80000047;
	[dreg:$0xc] =	wrdreg s11  }
0x5: {  	s1 =	sand.u32 $0x1, s1;
	s13 =	sadd.s32 $0x3000, s7;
	[dreg:$0xe] =	wrdreg s12  }
0x6: {  	s2 =	sshll.u32 s2, $0x1;
	s14 =	sadd.s32 $0x4000, s7;
	[dreg:$0x11] =	wrdreg s13  }
0x7: {  	s8 =	sadd.s32 $0x5000, s7;
	s15 =	sadd.s32 $0x6000, s7;
	[dreg:$0x12] =	wrdreg s14  }
0x8: {  	s9 =	sadd.s32 $0x7000, s7;
	s17 =	sadd.s32 $0x8000, s7;
	[dreg:$0x15] =	wrdreg s8  }
0x9: {  	s2 =	sor.u32 s1, s2;
	s1 =	ssub.s32 $0x2, s1;
	[dreg:$0x17] =	wrdreg s15  }
0xa: {  	[dreg:$0x18] =	wrdreg s9;
	s4 =	smul.u32 $0x320, s2;
	s5 =	sshrl.u32 s1, $0x1  }
0xb: {  	[dreg:$0x1b] =	wrdreg s17;
	s31 =	ssub.s32 s1, s5  }
0xc: {  	s6 =	sadd.s32 s4, s0;
	s4 =	sadd.s32 $0x6800, s0;
	s0 =	smax.u32 s31, $0x1  }
0xd: {  	s10 =	sadd.s32 $0x400, s6;
	s6 =	sshll.u32 s2, $0x7;
	[dreg:$0xf] =	wrdreg s0  }
0xe: {  	[dreg:$0x3] =	wrdreg s10;
	s1 =	sadd.s32 s6, s11  }
0xf: {  	s5 =	sadd.s32 s6, s14;
	[dreg:$0x5] =	wrdreg s1  }
0x10: {  	s8 =	sadd.s32 s6, s8;
	[dreg:$0x8] =	wrdreg s5  }
0x11: {  	s18 =	sadd.s32 $0x9000, s7;
	s16 =	sadd.s32 s6, s9;
	[dreg:$0x9] =	wrdreg s8  }
0x12: {  	s20 =	sadd.s32 $0xA000, s7;
	s19 =	sadd.s32 s6, s18;
	[dreg:$0xb] =	wrdreg s16  }
0x13: {  	s21 =	sadd.s32 $0xB000, s7;
	s0 =	sadd.s32 s6, s20;
	[dreg:$0x10] =	wrdreg s19  }
0x14: {  	s26 =	sadd.s32 $0xE000, s7;
	s22 =	sadd.s32 s6, s21;
	[dreg:$0x13] =	wrdreg s0  }
0x15: {  	s31 =	sadd.s32 s6, s26;
	[dreg:$0x14] =	wrdreg s22  }
0x16: {  	s2 =	sadd.s32 s7, s6;
	[dreg:$0x1a] =	wrdreg s31  }
0x17: {  	s1 =	sadd.s32 s6, s12;
	[dreg:$0x4] =	wrdreg s2  }
0x18: {  	s23 =	sadd.s32 $0xC000, s7;
	s8 =	sadd.s32 s6, s15;
	[dreg:$0x6] =	wrdreg s1  }
0x19: {  	s0 =	sadd.s32 s6, s23;
	[dreg:$0xa] =	wrdreg s8  }
0x1a: {  	s9 =	sadd.s32 $0x180000, s2;
	[dreg:$0x16] =	wrdreg s0  }
0x1b: {  	s10 =	sadd.s32 $0x181000, s2;
	[dreg:$0x1d] =	wrdreg s9  }
0x1c: {  	s11 =	sadd.s32 $0x182000, s2;
	[dreg:$0x1e] =	wrdreg s10  }
0x1d: {  	s12 =	sadd.s32 $0x183000, s2;
	[dreg:$0x1f] =	wrdreg s11  }
0x1e: {  	s15 =	sadd.s32 $0x185000, s2;
	[smem:$0x7F1] =	sst s12  }
0x1f: {  	s30 =	simm.s32 $0x80;
	s16 =	sadd.s32 $0x186000, s2;
	[smem:$0x7F3] =	sst s15  }
0x20: {  	s28 =	smov.u32 s18;
	s18 =	sadd.s32 $0x188000, s2;
	[smem:$0x7F4] =	sst s16  }
0x21: {  	v0 =	vlaneseq.u32;
	s24 =	sadd.s32 $0xD000, s7;
	s19 =	sadd.s32 $0x189000, s2;
	[smem:$0x7F6] =	sst s18  }
0x22: {  	v0 =	vmul.u32 $0x88, v0;
	s29 =	smov.u32 s20;
	s20 =	sadd.s32 $0x18A000, s2;
	[smem:$0x7F7] =	sst s19  }
0x23: {  	v1 =	vimm.s32 $0x0;
	vm0 =	vcmask $0x300;
	s25 =	smov.u32 s24;
	s22 =	sadd.s32 $0x18C000, s2;
	[smem:$0x7F8] =	sst s20  }
0x24: {  	v1 =	vsel vm0, $0x3, v1;
	v2 =	vadd.s32 $0x880, v0;
	s5 =	smov.u32 s23;
	s23 =	sadd.s32 $0x18D000, s2;
	[smem:$0x7FA] =	sst s22  }
0x25: {  	v3 =	vadd.s32 $0x1100, v0;
	v4 =	vadd.s32 $0x1980, v0;
	v5 =	vor.u32 $0x1, v0;
	s14 =	smov.u32 s26;
	s26 =	sadd.s32 $0x18E000, s2;
	[smem:$0x7FB] =	sst s23  }
0x26: {  	v6 =	vadd.s32 $0x881, v0;
	v7 =	vadd.s32 $0x1101, v0;
	v8 =	vadd.s32 $0x1981, v0;
	s31 =	sadd.s32 $0x18F000, s2;
	s1 =	sadd.s32 s6, s13;
	[smem:$0x7FC] =	sst s26  }
0x27: {  	v9 =	vor.u32 $0x2, v0;
	v10 =	vadd.s32 $0x882, v0;
	v11 =	vadd.s32 $0x1102, v0;
	s8 =	sadd.s32 s6, s17;
	s0 =	sadd.s32 s6, s24;
	[smem:$0x7FD] =	sst s31  }
0x28: {  	v12 =	vadd.s32 $0x1982, v0;
	v13 =	vor.u32 $0x3, v0;
	v14 =	vadd.s32 $0x883, v0;
	s13 =	sadd.s32 $0x184000, s2;
	s17 =	sadd.s32 $0x187000, s2;
	[dreg:$0x7] =	wrdreg s1  }
0x29: {  	v15 =	vadd.s32 $0x1103, v0;
	v16 =	vadd.s32 $0x1983, v0;
	v17 =	vor.u32 $0x4, v0;
	s9 =	simm.s32 $0x1;
	s11 =	simm.s32 $0x5900;
	[dreg:$0xd] =	wrdreg s8  }
0x2a: {  	v18 =	vadd.s32 $0x884, v0;
	v19 =	vadd.s32 $0x1104, v0;
	v20 =	vadd.s32 $0x1984, v0;
	s23 =	simm.s32 $0x7B00;
	s20 =	simm.s32 $0x3;
	[dreg:$0x19] =	wrdreg s0  }
0x2b: {  	v21 =	vor.u32 $0x5, v0;
	v22 =	vadd.s32 $0x885, v0;
	v23 =	vadd.s32 $0x1105, v0;
	s26 =	simm.s32 $0x4;
	s1 =	smov.u32 s21;
	[smem:$0x7F2] =	sst s13  }
0x2c: {  	v24 =	vadd.s32 $0x1985, v0;
	v25 =	vor.u32 $0x6, v0;
	v26 =	vadd.s32 $0x886, v0;
	s8 =	sadd.s32 $0xF000, s7;
	[smem:$0x7F5] =	sst s17;
	s21 =	sadd.s32 $0x18B000, s2  }
0x2d: {  	v27 =	vadd.s32 $0x1106, v0;
	v28 =	vadd.s32 $0x1986, v0;
	v29 =	vor.u32 $0x7, v0;
	s24 =	smov.u32 s8;
	s0 =	sadd.s32 s6, s8;
	[smem:$0x7F9] =	sst s21  }
0x2e: {  	v30 =	vadd.s32 $0x887, v0;
	v31 =	vadd.s32 $0x1107, v0;
	v32 =	vadd.s32 $0x1987, v0;
	s21 =	simm.s32 $0x2;
	s8 =	simm.s32 $0x0;
	[dreg:$0x1c] =	wrdreg s0  }
.LBB2_1:
0x2f: {  	[smem:$0x7F0] =	sst s8  }
0x30: {  	s0 =	rddreg [dreg:$0x3];
	s22 =	simm.s32 $0x5;
	s31 =	simm.s32 $0x1900  }
0x31: {  	[tilespmem:s3], [sflag:$0x5] =	stream.linear.gather [hbm4b:s0+s3], $0x1900, $0x38;
	[tilespmem:$0x9D00] =	vst v63  }
0x32: {  	s7 =	simm.s32 $0x1;
	s8 =	simm.s32 $0x3;
	_ =	swait.ge [sflag:s22], $0x1900  }
0x33: {  	s10 =	simm.s32 $0x4;
	s12 =	simm.s32 $0x5;
	[sflag:s22] =	ssyncset.done $0x0  }
0x34: {  	v33 =	vmov s3;
	s13 =	simm.s32 $0x6;
	v34 =	vmov s7;
	s7 =	simm.s32 $0x7;
	v36 =	vmov s8;
	[sflag:s22] =	ssyncadd.s32 $0xFFFFE700  }
0x35: {  	v33 =	vshrl.u32 v33, $0x3;
	v37 =	vmov s10;
	v39 =	vmov s12;
	[tilespmem:s31], [sflag:$0x1] =	stream.indirect.gather [hbm4b:s4+s30], $0x40, s3, s30, $0xb8;
	[tilespmem:$0x9D00] =	vst v63  }
0x36: {  	s2 =	simm.s32 $0x3900;
	v40 =	vmov s13;
	v38 =	vmov s7;
	v33 =	vshll.u32 v33, v1  }
0x37: {  	v34 =	vshrl.u32 v34, $0x3;
	v36 =	vshrl.u32 v36, $0x3;
	v38 =	vshrl.u32 v38, $0x3;
	[tilespmem:s2], [sflag:$0x2] =	stream.indirect.gather [hbm4b:s4+s30], $0x40, s30, s30, $0xb8;
	[tilespmem:$0x9D00] =	vst v63  }
0x38: {  	v37 =	vshrl.u32 v37, $0x3;
	v55 =	vshrl.u32 v39, $0x3;
	v38 =	vshll.u32 v38, v1;
	_ =	swait.ge [sflag:s9], $0x2000  }
0x39: {  	v40 =	vshrl.u32 v40, $0x3;
	v33 =	vbroadcast v33, $0x0;
	v38 =	vbroadcast v38, $0x0;
	[sflag:s9] =	ssyncset.done $0x0  }
0x3a: {  	s0 =	simm.s32 $0x1A00;
	v34 =	vshll.u32 v34, v1;
	v53 =	vshll.u32 v36, v1;
	v54 =	vshll.u32 v37, v1;
	[sflag:s9] =	ssyncadd.s32 $0xFFFFE000  }
0x3b: {  	v36 =	vshll.u32 v55, v1;
	v45 =	vbroadcast v34, $0x0;
	s2 =	simm.s32 $0x2;
	v42 =	vadd.s32 v29, v38;
	v41 =	vld [tilespmem:s0+$0xC0]  }
0x3c: {  	v34 =	vbroadcast v54, $0x0;
	v44 =	vadd.s32 v0, v33;
	v35 =	vmov s2;
	v43 =	vld [tilespmem:s0+$0xFFFFFF00]  }
0x3d: {  	v37 =	vbroadcast v36, $0x0;
	v47 =	vadd.s32 v5, v45;
	v35 =	vshrl.u32 v35, $0x3;
	v46 =	vld [tilespmem:s0+$0xFFFFFF40]  }
0x3e: {  	v52 =	vshll.u32 v35, v1;
	v35 =	vbroadcast v53, $0x0;
	v53 =	vadd.s32 v17, v34;
	v51 =	vld [tilespmem:s0+$0x0]  }
0x3f: {  	v56 =	vshll.u32 v40, v1;
	v60 =	vadd.s32 v21, v37;
	v52 =	vbroadcast v52, $0x0;
	v59 =	vld [tilespmem:s0+$0x40]  }
0x40: {  	v36 =	vbroadcast v56, $0x0;
	v39 =	vld [tilespmem:s0+$0xFFFFFFC0];
	v50 =	vadd.s32 v13, v35;
	[tilespmem:v42+s11+$0x0] =	vst.idx.msk $0xffff, v41  }
0x41: {  	v48 =	vld [tilespmem:s0+$0xFFFFFF80];
	v49 =	vadd.s32 v9, v52;
	[tilespmem:v44+s11+$0x0] =	vst.idx.msk $0xffff, v43  }
0x42: {  	v62 =	vadd.s32 v25, v36;
	v61 =	vld [tilespmem:s0+$0x80];
	[tilespmem:v47+s11+$0x0] =	vst.idx.msk $0xffff, v46  }
0x43: {  	v58 =	vadd.s32 v30, v38;
	[tilespmem:v53+s11+$0x0] =	vst.idx.msk $0xffff, v51;
	v57 =	vld [tilespmem:s0+$0xD0]  }
0x44: {  	v63 =	vadd.s32 v6, v45;
	[tilespmem:v60+s11+$0x0] =	vst.idx.msk $0xffff, v59;
	v47 =	vld [tilespmem:s0+$0xFFFFFF50]  }
0x45: {  	v46 =	vadd.s32 v22, v37;
	[tilespmem:v50+s11+$0x0] =	vst.idx.msk $0xffff, v39;
	v44 =	vld [tilespmem:s0+$0x50]  }
0x46: {  	v56 =	vadd.s32 v14, v35;
	[tilespmem:v49+s11+$0x0] =	vst.idx.msk $0xffff, v48;
	v50 =	vld [tilespmem:s0+$0xFFFFFFD0]  }
0x47: {  	v55 =	vadd.s32 v10, v52;
	[tilespmem:v62+s11+$0x0] =	vst.idx.msk $0xffff, v61;
	v54 =	vld [tilespmem:s0+$0xFFFFFF90]  }
0x48: {  	v59 =	vadd.s32 v18, v34;
	[tilespmem:v58+s11+$0x0] =	vst.idx.msk $0xffff, v57;
	v58 =	vld [tilespmem:s0+$0x10]  }
0x49: {  	v57 =	vadd.s32 v31, v38;
	[tilespmem:v63+s11+$0x0] =	vst.idx.msk $0xffff, v47;
	v40 =	vld [tilespmem:s0+$0xE0]  }
0x4a: {  	v60 =	vadd.s32 v26, v36;
	v63 =	vld [tilespmem:s0+$0x90];
	[tilespmem:v46+s11+$0x0] =	vst.idx.msk $0xffff, v44  }
0x4b: {  	v62 =	vadd.s32 v2, v33;
	v61 =	vld [tilespmem:s0+$0xFFFFFF10];
	[tilespmem:v56+s11+$0x0] =	vst.idx.msk $0xffff, v50  }
0x4c: {  	v51 =	vadd.s32 v7, v45;
	v50 =	vld [tilespmem:s0+$0xFFFFFF60];
	[tilespmem:v55+s11+$0x0] =	vst.idx.msk $0xffff, v54  }
0x4d: {  	v56 =	vadd.s32 v11, v52;
	v55 =	vld [tilespmem:s0+$0xFFFFFFA0];
	[tilespmem:v59+s11+$0x0] =	vst.idx.msk $0xffff, v58  }
0x4e: {  	v58 =	vadd.s32 v15, v35;
	[tilespmem:v57+s11+$0x0] =	vst.idx.msk $0xffff, v40;
	v57 =	vld [tilespmem:s0+$0xFFFFFFE0]  }
0x4f: {  	[tilespmem:v60+s11+$0x0] =	vst.idx.msk $0xffff, v63;
	v60 =	vadd.s32 v19, v34;
	v59 =	vld [tilespmem:s0+$0x20]  }
0x50: {  	s16 =	simm.s32 $0x9;
	v38 =	vadd.s32 v32, v38;
	[tilespmem:v62+s11+$0x0] =	vst.idx.msk $0xffff, v61;
	v54 =	vld [tilespmem:s0+$0xF0]  }
0x51: {  	s15 =	simm.s32 $0x8;
	v41 =	vadd.s32 v23, v37;
	v53 =	vmov s16;
	[tilespmem:v51+s11+$0x0] =	vst.idx.msk $0xffff, v50;
	v40 =	vld [tilespmem:s0+$0x60]  }
0x52: {  	s18 =	simm.s32 $0xB;
	s19 =	simm.s32 $0xC;
	v43 =	vadd.s32 v27, v36;
	v48 =	vadd.s32 v3, v33;
	v63 =	vmov s15;
	v42 =	vld [tilespmem:s0+$0xA0];
	[tilespmem:v56+s11+$0x0] =	vst.idx.msk $0xffff, v55  }
0x53: {  	s31 =	simm.s32 $0xE;
	v44 =	vmov s18;
	v47 =	vmov s19;
	v46 =	vld [tilespmem:s0+$0xFFFFFF20];
	v39 =	vshrl.u32 v63, $0x3;
	[tilespmem:v58+s11+$0x0] =	vst.idx.msk $0xffff, v57  }
0x54: {  	s17 =	simm.s32 $0xA;
	s22 =	simm.s32 $0xD;
	v51 =	vadd.s32 v8, v45;
	v49 =	vld [tilespmem:s0+$0xFFFFFF70];
	v45 =	vshll.u32 v39, v1;
	v39 =	vmov s31;
	[tilespmem:v60+s11+$0x0] =	vst.idx.msk $0xffff, v59  }
0x55: {  	s7 =	simm.s32 $0xF;
	s2 =	simm.s32 $0x10;
	v52 =	vadd.s32 v12, v52;
	v50 =	vld [tilespmem:s0+$0xFFFFFFB0];
	[tilespmem:v38+s11+$0x0] =	vst.idx.msk $0xffff, v54;
	v54 =	vmov s17;
	v38 =	vmov s22  }
.LBB2_2:
0x56: {  	p0 =	slt.u32 s2, $0x78;
	v53 =	vshrl.u32 v53, $0x3;
	v55 =	vmov s7;
	v56 =	vld [tilespmem:s0+$0xFFFFFFF0];
	v35 =	vadd.s32 v16, v35;
	[tilespmem:v41+s11+$0x0] =	vst.idx.msk $0xffff, v40  }
0x57: {  	v40 =	vshrl.u32 v54, $0x3;
	v34 =	vadd.s32 v20, v34;
	v41 =	vshrl.u32 v55, $0x3;
	v54 =	vld [tilespmem:s0+$0x30];
	[tilespmem:v43+s11+$0x0] =	vst.idx.msk $0xffff, v42  }
0x58: {  	v37 =	vadd.s32 v24, v37;
	v42 =	vshrl.u32 v44, $0x3;
	v41 =	vshll.u32 v41, v1;
	[tilespmem:v48+s11+$0x0] =	vst.idx.msk $0xffff, v46;
	v43 =	vld [tilespmem:s0+$0x70]  }
0x59: {  	v36 =	vadd.s32 v28, v36;
	v44 =	vshrl.u32 v47, $0x3;
	v41 =	vbroadcast v41, $0x0;
	[tilespmem:v51+s11+$0x0] =	vst.idx.msk $0xffff, v49;
	v46 =	vld [tilespmem:s0+$0xB0]  }
0x5a: {  	v47 =	vshll.u32 v53, v1;
	v49 =	vadd.s32 v4, v33;
	v33 =	vbroadcast v45, $0x0;
	v48 =	vld [tilespmem:s0+$0xFFFFFF30];
	[tilespmem:v52+s11+$0x0] =	vst.idx.msk $0xffff, v50;
	s0 =	sadd.s32 $0x200, s0  }
0x5b: {  	v40 =	vshll.u32 v40, v1;
	v45 =	vbroadcast v47, $0x0;
	v47 =	vld [tilespmem:s0+$0xC0];
	v50 =	vadd.s32 v29, v41;
	[tilespmem:v35+s11+$0x0] =	vst.idx.msk $0xffff, v56  }
0x5c: {  	v55 =	vbroadcast v40, $0x0;
	v52 =	vadd.s32 v0, v33;
	v35 =	vshll.u32 v42, v1;
	v51 =	vld [tilespmem:s0+$0xFFFFFF00];
	[tilespmem:v34+s11+$0x0] =	vst.idx.msk $0xffff, v54  }
0x5d: {  	v42 =	vadd.s32 v5, v45;
	v35 =	vbroadcast v35, $0x0;
	v34 =	vshll.u32 v44, v1;
	v40 =	vld [tilespmem:s0+$0xFFFFFF40];
	[tilespmem:v37+s11+$0x0] =	vst.idx.msk $0xffff, v43  }
0x5e: {  	v44 =	vadd.s32 v9, v55;
	v34 =	vbroadcast v34, $0x0;
	v37 =	vshrl.u32 v38, $0x3;
	v43 =	vld [tilespmem:s0+$0xFFFFFF80];
	[tilespmem:v36+s11+$0x0] =	vst.idx.msk $0xffff, v46  }
0x5f: {  	v39 =	vshrl.u32 v39, $0x3;
	v46 =	vadd.s32 v13, v35;
	v36 =	vshll.u32 v37, v1;
	v38 =	vld [tilespmem:s0+$0xFFFFFFC0];
	[tilespmem:v49+s11+$0x0] =	vst.idx.msk $0xffff, v48  }
0x60: {  	v49 =	vadd.s32 v17, v34;
	v37 =	vbroadcast v36, $0x0;
	v36 =	vshll.u32 v39, v1;
	v48 =	vld [tilespmem:s0+$0x0];
	[tilespmem:v50+s11+$0x0] =	vst.idx.msk $0xffff, v47  }
0x61: {  	v36 =	vbroadcast v36, $0x0;
	v47 =	vadd.s32 v30, v41;
	[tilespmem:v52+s11+$0x0] =	vst.idx.msk $0xffff, v51;
	v39 =	vld [tilespmem:s0+$0xD0]  }
0x62: {  	[tilespmem:v42+s11+$0x0] =	vst.idx.msk $0xffff, v40;
	v40 =	vld [tilespmem:s0+$0x40];
	v42 =	vadd.s32 v21, v37  }
0x63: {  	[tilespmem:v44+s11+$0x0] =	vst.idx.msk $0xffff, v43;
	v43 =	vld [tilespmem:s0+$0x80];
	v44 =	vadd.s32 v25, v36  }
0x64: {  	v51 =	vadd.s32 v6, v45;
	v50 =	vld [tilespmem:s0+$0xFFFFFF50];
	[tilespmem:v46+s11+$0x0] =	vst.idx.msk $0xffff, v38  }
0x65: {  	v46 =	vadd.s32 v10, v55;
	v38 =	vld [tilespmem:s0+$0xFFFFFF90];
	[tilespmem:v49+s11+$0x0] =	vst.idx.msk $0xffff, v48  }
0x66: {  	v49 =	vadd.s32 v14, v35;
	v48 =	vld [tilespmem:s0+$0xFFFFFFD0];
	[tilespmem:v47+s11+$0x0] =	vst.idx.msk $0xffff, v39  }
0x67: {  	[tilespmem:v42+s11+$0x0] =	vst.idx.msk $0xffff, v40;
	v39 =	vld [tilespmem:s0+$0xE0];
	v40 =	vadd.s32 v31, v41  }
0x68: {  	v47 =	vadd.s32 v18, v34;
	v42 =	vld [tilespmem:s0+$0x10];
	[tilespmem:v44+s11+$0x0] =	vst.idx.msk $0xffff, v43  }
0x69: {  	v44 =	vadd.s32 v22, v37;
	[tilespmem:v51+s11+$0x0] =	vst.idx.msk $0xffff, v50;
	v43 =	vld [tilespmem:s0+$0x50]  }
0x6a: {  	[tilespmem:v46+s11+$0x0] =	vst.idx.msk $0xffff, v38;
	v38 =	vld [tilespmem:s0+$0x90];
	v46 =	vadd.s32 v26, v36  }
0x6b: {  	v51 =	vadd.s32 v2, v33;
	v50 =	vld [tilespmem:s0+$0xFFFFFF10];
	[tilespmem:v49+s11+$0x0] =	vst.idx.msk $0xffff, v48  }
0x6c: {  	v49 =	vadd.s32 v7, v45;
	v48 =	vld [tilespmem:s0+$0xFFFFFF60];
	[tilespmem:v40+s11+$0x0] =	vst.idx.msk $0xffff, v39  }
0x6d: {  	[tilespmem:v47+s11+$0x0] =	vst.idx.msk $0xffff, v42;
	v39 =	vld [tilespmem:s0+$0xF0];
	v47 =	vadd.s32 v32, v41  }
0x6e: {  	v56 =	vadd.s32 v11, v55;
	v52 =	vld [tilespmem:s0+$0xFFFFFFA0];
	[tilespmem:v44+s11+$0x0] =	vst.idx.msk $0xffff, v43  }
0x6f: {  	v58 =	vadd.s32 v15, v35;
	v57 =	vld [tilespmem:s0+$0xFFFFFFE0];
	[tilespmem:v46+s11+$0x0] =	vst.idx.msk $0xffff, v38  }
0x70: {  	v60 =	vadd.s32 v19, v34;
	[tilespmem:v51+s11+$0x0] =	vst.idx.msk $0xffff, v50;
	v59 =	vld [tilespmem:s0+$0x20]  }
.Ltmp0:
0x71: {  	s7 =	sadd.s32 $0x1, s2;
	v41 =	vadd.s32 v23, v37;
	v38 =	vmov s2;
	[tilespmem:v49+s11+$0x0] =	vst.idx.msk $0xffff, v48;
	v40 =	vld [tilespmem:s0+$0x60];
	(pc) =	sbr.rel @p0 .LBB2_2-.Ltmp0, $4  }
0x72: {  	s8 =	sadd.s32 $0x3, s2;
	v53 =	vmov s7;
	s7 =	sadd.s32 $0x2, s2;
	v43 =	vadd.s32 v27, v36;
	v50 =	vshrl.u32 v38, $0x3;
	v42 =	vld [tilespmem:s0+$0xA0];
	[tilespmem:v47+s11+$0x0] =	vst.idx.msk $0xffff, v39  }
0x73: {  	v54 =	vmov s7;
	s7 =	sadd.s32 $0x4, s2;
	v44 =	vmov s8;
	s8 =	sadd.s32 $0x5, s2;
	v48 =	vadd.s32 v3, v33;
	v46 =	vld [tilespmem:s0+$0xFFFFFF20];
	[tilespmem:v56+s11+$0x0] =	vst.idx.msk $0xffff, v52  }
0x74: {  	v38 =	vmov s8;
	v51 =	vadd.s32 v8, v45;
	v47 =	vmov s7;
	s7 =	sadd.s32 $0x6, s2;
	v49 =	vld [tilespmem:s0+$0xFFFFFF70];
	[tilespmem:v58+s11+$0x0] =	vst.idx.msk $0xffff, v57  }
0x75: {  	v45 =	vshll.u32 v50, v1;
	v39 =	vmov s7;
	s7 =	sadd.s32 $0x7, s2;
	s2 =	sadd.s32 $0x8, s2;
	v52 =	vadd.s32 v12, v55;
	v50 =	vld [tilespmem:s0+$0xFFFFFFB0];
	[tilespmem:v60+s11+$0x0] =	vst.idx.msk $0xffff, v59  }
0x76: {  	_ =	sdelay $0x2  }
0x77: {  	v53 =	vshrl.u32 v53, $0x3  }
0x78: {  	v55 =	vmov s7;
	v56 =	vld [tilespmem:s0+$0xFFFFFFF0];
	v35 =	vadd.s32 v16, v35;
	[tilespmem:v41+s11+$0x0] =	vst.idx.msk $0xffff, v40;
	v34 =	vadd.s32 v20, v34  }
0x79: {  	v61 =	vshrl.u32 v54, $0x3;
	v63 =	vld [tilespmem:s0+$0x30];
	v37 =	vadd.s32 v24, v37;
	v36 =	vadd.s32 v28, v36;
	[tilespmem:v43+s11+$0x0] =	vst.idx.msk $0xffff, v42  }
0x7a: {  	v45 =	vbroadcast v45, $0x0;
	v33 =	vadd.s32 v4, v33;
	v62 =	vshrl.u32 v55, $0x3;
	v43 =	vld [tilespmem:s0+$0x70];
	[tilespmem:v48+s11+$0x0] =	vst.idx.msk $0xffff, v46  }
0x7b: {  	s17 =	sadd.s32 $0x200, s0;
	v38 =	vshrl.u32 v38, $0x3;
	v55 =	vshrl.u32 v44, $0x3;
	v41 =	vshll.u32 v62, v1;
	v46 =	vld [tilespmem:s0+$0xB0];
	[tilespmem:v51+s11+$0x0] =	vst.idx.msk $0xffff, v49  }
0x7c: {  	v40 =	vshll.u32 v61, v1;
	v60 =	vld [tilespmem:s17+$0xFFFFFF00];
	v61 =	vadd.s32 v0, v45;
	v41 =	vbroadcast v41, $0x0;
	[tilespmem:v52+s11+$0x0] =	vst.idx.msk $0xffff, v50  }
0x7d: {  	v44 =	vshrl.u32 v47, $0x3;
	v57 =	vshll.u32 v53, v1;
	v40 =	vbroadcast v40, $0x0;
	v48 =	vld [tilespmem:s0+$0xFFFFFF30];
	[tilespmem:v35+s11+$0x0] =	vst.idx.msk $0xffff, v56  }
0x7e: {  	v58 =	vld [tilespmem:s17+$0xC0];
	v47 =	vbroadcast v57, $0x0;
	v42 =	vshll.u32 v55, v1;
	v59 =	vadd.s32 v29, v41;
	[tilespmem:v34+s11+$0x0] =	vst.idx.msk $0xffff, v63  }
0x7f: {  	v54 =	vld [tilespmem:s17+$0xFFFFFF80];
	v44 =	vshll.u32 v44, v1;
	v42 =	vbroadcast v42, $0x0;
	v55 =	vadd.s32 v9, v40;
	[tilespmem:v37+s11+$0x0] =	vst.idx.msk $0xffff, v43  }
0x80: {  	v38 =	vshll.u32 v38, v1;
	v62 =	vld [tilespmem:s17+$0xFFFFFF40];
	v44 =	vbroadcast v44, $0x0;
	v63 =	vadd.s32 v5, v47;
	[tilespmem:v36+s11+$0x0] =	vst.idx.msk $0xffff, v46  }
0x81: {  	v39 =	vshrl.u32 v39, $0x3;
	v38 =	vbroadcast v38, $0x0;
	v36 =	vld [tilespmem:s17+$0xFFFFFFC0];
	v46 =	vadd.s32 v13, v42;
	[tilespmem:v61+s11+$0x0] =	vst.idx.msk $0xffff, v60  }
0x82: {  	v39 =	vshll.u32 v39, v1;
	[tilespmem:v33+s11+$0x0] =	vst.idx.msk $0xffff, v48;
	v33 =	vld [tilespmem:s17+$0x0];
	v48 =	vadd.s32 v17, v44  }
0x83: {  	v35 =	vbroadcast v39, $0x0;
	[tilespmem:v59+s11+$0x0] =	vst.idx.msk $0xffff, v58;
	v58 =	vld [tilespmem:s17+$0x40];
	v59 =	vadd.s32 v21, v38  }
0x84: {  	v57 =	vadd.s32 v30, v41;
	[tilespmem:v55+s11+$0x0] =	vst.idx.msk $0xffff, v54;
	v56 =	vld [tilespmem:s17+$0xD0]  }
0x85: {  	v60 =	vld [tilespmem:s17+$0x80];
	v61 =	vadd.s32 v25, v35;
	[tilespmem:v63+s11+$0x0] =	vst.idx.msk $0xffff, v62  }
0x86: {  	v55 =	vadd.s32 v10, v40;
	v54 =	vld [tilespmem:s17+$0xFFFFFF90];
	[tilespmem:v46+s11+$0x0] =	vst.idx.msk $0xffff, v36  }
0x87: {  	v63 =	vadd.s32 v6, v47;
	v62 =	vld [tilespmem:s17+$0xFFFFFF50];
	[tilespmem:v48+s11+$0x0] =	vst.idx.msk $0xffff, v33  }
0x88: {  	v33 =	vld [tilespmem:s17+$0xFFFFFFD0];
	v48 =	vadd.s32 v14, v42;
	[tilespmem:v59+s11+$0x0] =	vst.idx.msk $0xffff, v58  }
0x89: {  	[tilespmem:v57+s11+$0x0] =	vst.idx.msk $0xffff, v56;
	v56 =	vld [tilespmem:s17+$0x10];
	v57 =	vadd.s32 v18, v44  }
0x8a: {  	[tilespmem:v61+s11+$0x0] =	vst.idx.msk $0xffff, v60;
	v59 =	vadd.s32 v22, v38;
	v58 =	vld [tilespmem:s17+$0x50]  }
0x8b: {  	v39 =	vadd.s32 v31, v41;
	[tilespmem:v55+s11+$0x0] =	vst.idx.msk $0xffff, v54;
	v34 =	vld [tilespmem:s17+$0xE0]  }
0x8c: {  	v61 =	vadd.s32 v26, v35;
	v60 =	vld [tilespmem:s17+$0x90];
	[tilespmem:v63+s11+$0x0] =	vst.idx.msk $0xffff, v62  }
0x8d: {  	v62 =	vld [tilespmem:s17+$0xFFFFFF10];
	v63 =	vadd.s32 v2, v45;
	[tilespmem:v48+s11+$0x0] =	vst.idx.msk $0xffff, v33  }
0x8e: {  	v55 =	vadd.s32 v7, v47;
	v54 =	vld [tilespmem:s17+$0xFFFFFF60];
	[tilespmem:v57+s11+$0x0] =	vst.idx.msk $0xffff, v56  }
0x8f: {  	v56 =	vadd.s32 v32, v41;
	v41 =	vld [tilespmem:s17+$0xFFFFFFA0];
	v57 =	vadd.s32 v11, v40;
	[tilespmem:v59+s11+$0x0] =	vst.idx.msk $0xffff, v58  }
0x90: {  	v37 =	vld [tilespmem:s17+$0xFFFFFFE0];
	v58 =	vadd.s32 v15, v42;
	[tilespmem:v39+s11+$0x0] =	vst.idx.msk $0xffff, v34  }
0x91: {  	[tilespmem:v61+s11+$0x0] =	vst.idx.msk $0xffff, v60;
	v34 =	vld [tilespmem:s17+$0xF0]  }
0x92: {  	v60 =	vadd.s32 v19, v44;
	[tilespmem:v63+s11+$0x0] =	vst.idx.msk $0xffff, v62;
	v59 =	vld [tilespmem:s17+$0x20]  }
0x93: {  	v62 =	vadd.s32 v23, v38;
	[tilespmem:v55+s11+$0x0] =	vst.idx.msk $0xffff, v54;
	v61 =	vld [tilespmem:s17+$0x60]  }
0x94: {  	v63 =	vld [tilespmem:s17+$0xA0];
	v54 =	vadd.s32 v27, v35;
	[tilespmem:v57+s11+$0x0] =	vst.idx.msk $0xffff, v41  }
0x95: {  	v47 =	vadd.s32 v8, v47;
	v57 =	vld [tilespmem:s17+$0xFFFFFF70];
	[tilespmem:v58+s11+$0x0] =	vst.idx.msk $0xffff, v37  }
0x96: {  	v55 =	vld [tilespmem:s17+$0xFFFFFF20];
	[tilespmem:v56+s11+$0x0] =	vst.idx.msk $0xffff, v34;
	v56 =	vadd.s32 v3, v45  }
0x97: {  	v40 =	vadd.s32 v12, v40;
	v58 =	vld [tilespmem:s17+$0xFFFFFFB0];
	[tilespmem:v60+s11+$0x0] =	vst.idx.msk $0xffff, v59  }
0x98: {  	v42 =	vadd.s32 v16, v42;
	v59 =	vld [tilespmem:s17+$0xFFFFFFF0];
	[tilespmem:v62+s11+$0x0] =	vst.idx.msk $0xffff, v61  }
0x99: {  	v61 =	vadd.s32 v20, v44;
	[tilespmem:v54+s11+$0x0] =	vst.idx.msk $0xffff, v63;
	v60 =	vld [tilespmem:s17+$0x30]  }
0x9a: {  	v38 =	vadd.s32 v24, v38;
	v62 =	vld [tilespmem:s17+$0x70];
	[tilespmem:v47+s11+$0x0] =	vst.idx.msk $0xffff, v57  }
0x9b: {  	v35 =	vadd.s32 v28, v35;
	v63 =	vld [tilespmem:s17+$0xB0];
	[tilespmem:v56+s11+$0x0] =	vst.idx.msk $0xffff, v55  }
0x9c: {  	v49 =	vadd.s32 v4, v45;
	[tilespmem:v40+s11+$0x0] =	vst.idx.msk $0xffff, v58;
	v48 =	vld [tilespmem:s17+$0xFFFFFF30]  }
0x9d: {  	[tilespmem:v42+s11+$0x0] =	vst.idx.msk $0xffff, v59  }
0x9e: {  	[tilespmem:v61+s11+$0x0] =	vst.idx.msk $0xffff, v60  }
0x9f: {  	[tilespmem:v38+s11+$0x0] =	vst.idx.msk $0xffff, v62  }
0xa0: {  	[tilespmem:v35+s11+$0x0] =	vst.idx.msk $0xffff, v63  }
0xa1: {  	s18 =	simm.s32 $0x1900;
	s2 =	simm.s32 $0x100;
	[tilespmem:v49+s11+$0x0] =	vst.idx.msk $0xffff, v48  }
0xa2: {  	[tilespmem:s18], [sflag:$0x1] =	stream.indirect.gather [hbm4b:s4+s30], $0x40, s2, s30, $0xb8;
	[tilespmem:$0x9D00] =	vst v63  }
0xa3: {  	s0 =	simm.s32 $0x0;
	s7 =	rddreg [dreg:$0x4]  }
0xa4: {  	[hbm4b:s7+s0] =	stream.linear.scatter [tilespmem:s11], [sflag:$0x3], $0x80, $0x38;
	[tilespmem:$0x9D00] =	vst v63  }
0xa5: {  	s8 =	simm.s32 $0x5988;
	s19 =	sadd.s32 $0x10, s7  }
0xa6: {  	[hbm4b:s19+s0] =	stream.linear.scatter [tilespmem:s8], [sflag:$0x3], $0x80, $0x38;
	[tilespmem:$0x9D00] =	vst v63  }
0xa7: {  	s31 =	simm.s32 $0x5A10;
	s22 =	sadd.s32 $0x20, s7  }
0xa8: {  	[hbm4b:s22+s0] =	stream.linear.scatter [tilespmem:s31], [sflag:$0x3], $0x80, $0x38;
	[tilespmem:$0x9D00] =	vst v63  }
0xa9: {  	s12 =	simm.s32 $0x5A98;
	s10 =	sadd.s32 $0x30, s7  }
0xaa: {  	[hbm4b:s10+s0] =	stream.linear.scatter [tilespmem:s12], [sflag:$0x3], $0x80, $0x38;
	[tilespmem:$0x9D00] =	vst v63  }
0xab: {  	s15 =	simm.s32 $0x5B20;
	s13 =	sadd.s32 $0x40, s7  }
0xac: {  	[hbm4b:s13+s0] =	stream.linear.scatter [tilespmem:s15], [sflag:$0x3], $0x80, $0x38;
	[tilespmem:$0x9D00] =	vst v63  }
0xad: {  	s17 =	simm.s32 $0x5BA8;
	s16 =	sadd.s32 $0x50, s7  }
0xae: {  	[hbm4b:s16+s0] =	stream.linear.scatter [tilespmem:s17], [sflag:$0x3], $0x80, $0x38;
	[tilespmem:$0x9D00] =	vst v63  }
0xaf: {  	s18 =	sadd.s32 $0x60, s7;
	s19 =	simm.s32 $0x5C30  }
0xb0: {  	[hbm4b:s18+s0] =	stream.linear.scatter [tilespmem:s19], [sflag:$0x3], $0x80, $0x38;
	[tilespmem:$0x9D00] =	vst v63  }
0xb1: {  	s22 =	sadd.s32 $0x70, s7;
	s31 =	simm.s32 $0x5CB8  }
0xb2: {  	[hbm4b:s22+s0] =	stream.linear.scatter [tilespmem:s31], [sflag:$0x3], $0x80, $0x38;
	[tilespmem:$0x9D00] =	vst v63  }
0xb3: {  	s8 =	simm.s32 $0x5D40;
	s7 =	rddreg [dreg:$0x5]  }
0xb4: {  	[hbm4b:s7+s0] =	stream.linear.scatter [tilespmem:s8], [sflag:$0x3], $0x80, $0x38;
	[tilespmem:$0x9D00] =	vst v63  }
0xb5: {  	s10 =	sadd.s32 $0x10, s7;
	s12 =	simm.s32 $0x5DC8  }
0xb6: {  	[hbm4b:s10+s0] =	stream.linear.scatter [tilespmem:s12], [sflag:$0x3], $0x80, $0x38;
	[tilespmem:$0x9D00] =	vst v63  }
0xb7: {  	s13 =	sadd.s32 $0x20, s7;
	s15 =	simm.s32 $0x5E50  }
0xb8: {  	[hbm4b:s13+s0] =	stream.linear.scatter [tilespmem:s15], [sflag:$0x3], $0x80, $0x38;
	[tilespmem:$0x9D00] =	vst v63  }
0xb9: {  	s16 =	sadd.s32 $0x30, s7;
	s17 =	simm.s32 $0x5ED8  }
0xba: {  	[hbm4b:s16+s0] =	stream.linear.scatter [tilespmem:s17], [sflag:$0x3], $0x80, $0x38;
	[tilespmem:$0x9D00] =	vst v63  }
0xbb: {  	s18 =	sadd.s32 $0x40, s7;
	s19 =	simm.s32 $0x5F60  }
0xbc: {  	[hbm4b:s18+s0] =	stream.linear.scatter [tilespmem:s19], [sflag:$0x3], $0x80, $0x38;
	[tilespmem:$0x9D00] =	vst v63  }
0xbd: {  	s22 =	sadd.s32 $0x50, s7;
	s31 =	simm.s32 $0x5FE8  }
0xbe: {  	[hbm4b:s22+s0] =	stream.linear.scatter [tilespmem:s31], [sflag:$0x3], $0x80, $0x38;
	[tilespmem:$0x9D00] =	vst v63  }
0xbf: {  	s8 =	sadd.s32 $0x60, s7;
	s10 =	simm.s32 $0x6070  }
0xc0: {  	[hbm4b:s8+s0] =	stream.linear.scatter [tilespmem:s10], [sflag:$0x3], $0x80, $0x38;
	[tilespmem:$0x9D00] =	vst v63  }
0xc1: {  	s12 =	sadd.s32 $0x70, s7;
	s13 =	simm.s32 $0x60F8  }
0xc2: {  	[hbm4b:s12+s0] =	stream.linear.scatter [tilespmem:s13], [sflag:$0x3], $0x80, $0x38;
	[tilespmem:$0x9D00] =	vst v63  }
0xc3: {  	s7 =	rddreg [dreg:$0x6];
	s15 =	simm.s32 $0x6180  }
0xc4: {  	[hbm4b:s7+s0] =	stream.linear.scatter [tilespmem:s15], [sflag:$0x3], $0x80, $0x38;
	[tilespmem:$0x9D00] =	vst v63  }
0xc5: {  	s16 =	sadd.s32 $0x10, s7;
	s17 =	simm.s32 $0x6208  }
0xc6: {  	[hbm4b:s16+s0] =	stream.linear.scatter [tilespmem:s17], [sflag:$0x3], $0x80, $0x38;
	[tilespmem:$0x9D00] =	vst v63  }
0xc7: {  	s18 =	sadd.s32 $0x20, s7;
	s19 =	simm.s32 $0x6290  }
0xc8: {  	[hbm4b:s18+s0] =	stream.linear.scatter [tilespmem:s19], [sflag:$0x3], $0x80, $0x38;
	[tilespmem:$0x9D00] =	vst v63  }
0xc9: {  	s22 =	sadd.s32 $0x30, s7;
	s31 =	simm.s32 $0x6318  }
0xca: {  	[hbm4b:s22+s0] =	stream.linear.scatter [tilespmem:s31], [sflag:$0x3], $0x80, $0x38;
	[tilespmem:$0x9D00] =	vst v63  }
0xcb: {  	s8 =	sadd.s32 $0x40, s7;
	s10 =	simm.s32 $0x63A0  }
0xcc: {  	[hbm4b:s8+s0] =	stream.linear.scatter [tilespmem:s10], [sflag:$0x3], $0x80, $0x38;
	[tilespmem:$0x9D00] =	vst v63  }
0xcd: {  	s12 =	sadd.s32 $0x50, s7;
	s13 =	simm.s32 $0x6428  }
0xce: {  	[hbm4b:s12+s0] =	stream.linear.scatter [tilespmem:s13], [sflag:$0x3], $0x80, $0x38;
	[tilespmem:$0x9D00] =	vst v63  }
0xcf: {  	s15 =	sadd.s32 $0x60, s7;
	s16 =	simm.s32 $0x64B0  }
0xd0: {  	[hbm4b:s15+s0] =	stream.linear.scatter [tilespmem:s16], [sflag:$0x3], $0x80, $0x38;
	[tilespmem:$0x9D00] =	vst v63  }
0xd1: {  	s17 =	sadd.s32 $0x70, s7;
	s18 =	simm.s32 $0x6538  }
0xd2: {  	[hbm4b:s17+s0] =	stream.linear.scatter [tilespmem:s18], [sflag:$0x3], $0x80, $0x38;
	[tilespmem:$0x9D00] =	vst v63  }
0xd3: {  	s7 =	rddreg [dreg:$0x7];
	s19 =	simm.s32 $0x65C0  }
0xd4: {  	[hbm4b:s7+s0] =	stream.linear.scatter [tilespmem:s19], [sflag:$0x3], $0x80, $0x38;
	[tilespmem:$0x9D00] =	vst v63  }
0xd5: {  	s22 =	sadd.s32 $0x10, s7;
	s31 =	simm.s32 $0x6648  }
0xd6: {  	[hbm4b:s22+s0] =	stream.linear.scatter [tilespmem:s31], [sflag:$0x3], $0x80, $0x38;
	[tilespmem:$0x9D00] =	vst v63  }
0xd7: {  	s10 =	sadd.s32 $0x20, s7;
	s12 =	simm.s32 $0x66D0  }
0xd8: {  	[hbm4b:s10+s0] =	stream.linear.scatter [tilespmem:s12], [sflag:$0x3], $0x80, $0x38;
	[tilespmem:$0x9D00] =	vst v63  }
0xd9: {  	s13 =	sadd.s32 $0x30, s7;
	s15 =	simm.s32 $0x6758  }
0xda: {  	[hbm4b:s13+s0] =	stream.linear.scatter [tilespmem:s15], [sflag:$0x3], $0x80, $0x38;
	[tilespmem:$0x9D00] =	vst v63  }
0xdb: {  	s16 =	sadd.s32 $0x40, s7;
	s17 =	simm.s32 $0x67E0  }
0xdc: {  	[hbm4b:s16+s0] =	stream.linear.scatter [tilespmem:s17], [sflag:$0x3], $0x80, $0x38;
	[tilespmem:$0x9D00] =	vst v63  }
0xdd: {  	s18 =	sadd.s32 $0x50, s7;
	s19 =	simm.s32 $0x6868  }
0xde: {  	[hbm4b:s18+s0] =	stream.linear.scatter [tilespmem:s19], [sflag:$0x3], $0x80, $0x38;
	[tilespmem:$0x9D00] =	vst v63  }
0xdf: {  	s22 =	sadd.s32 $0x60, s7;
	s31 =	simm.s32 $0x68F0  }
0xe0: {  	[hbm4b:s22+s0] =	stream.linear.scatter [tilespmem:s31], [sflag:$0x3], $0x80, $0x38;
	[tilespmem:$0x9D00] =	vst v63  }
0xe1: {  	s8 =	sadd.s32 $0x70, s7;
	s10 =	simm.s32 $0x6978  }
0xe2: {  	[hbm4b:s8+s0] =	stream.linear.scatter [tilespmem:s10], [sflag:$0x3], $0x80, $0x38;
	[tilespmem:$0x9D00] =	vst v63  }
0xe3: {  	s7 =	rddreg [dreg:$0x8];
	s12 =	simm.s32 $0x6A00  }
0xe4: {  	[hbm4b:s7+s0] =	stream.linear.scatter [tilespmem:s12], [sflag:$0x3], $0x80, $0x38;
	[tilespmem:$0x9D00] =	vst v63  }
0xe5: {  	s13 =	sadd.s32 $0x10, s7;
	s15 =	simm.s32 $0x6A88  }
0xe6: {  	[hbm4b:s13+s0] =	stream.linear.scatter [tilespmem:s15], [sflag:$0x3], $0x80, $0x38;
	[tilespmem:$0x9D00] =	vst v63  }
0xe7: {  	s16 =	sadd.s32 $0x20, s7;
	s17 =	simm.s32 $0x6B10  }
0xe8: {  	[hbm4b:s16+s0] =	stream.linear.scatter [tilespmem:s17], [sflag:$0x3], $0x80, $0x38;
	[tilespmem:$0x9D00] =	vst v63  }
0xe9: {  	s18 =	sadd.s32 $0x30, s7;
	s19 =	simm.s32 $0x6B98  }
0xea: {  	[hbm4b:s18+s0] =	stream.linear.scatter [tilespmem:s19], [sflag:$0x3], $0x80, $0x38;
	[tilespmem:$0x9D00] =	vst v63  }
0xeb: {  	s22 =	sadd.s32 $0x40, s7;
	s31 =	simm.s32 $0x6C20  }
0xec: {  	[hbm4b:s22+s0] =	stream.linear.scatter [tilespmem:s31], [sflag:$0x3], $0x80, $0x38;
	[tilespmem:$0x9D00] =	vst v63  }
0xed: {  	s8 =	sadd.s32 $0x50, s7;
	s10 =	simm.s32 $0x6CA8  }
0xee: {  	[hbm4b:s8+s0] =	stream.linear.scatter [tilespmem:s10], [sflag:$0x3], $0x80, $0x38;
	[tilespmem:$0x9D00] =	vst v63  }
0xef: {  	s12 =	sadd.s32 $0x60, s7;
	s13 =	simm.s32 $0x6D30  }
0xf0: {  	[hbm4b:s12+s0] =	stream.linear.scatter [tilespmem:s13], [sflag:$0x3], $0x80, $0x38;
	[tilespmem:$0x9D00] =	vst v63  }
0xf1: {  	s15 =	sadd.s32 $0x70, s7;
	s16 =	simm.s32 $0x6DB8  }
0xf2: {  	[hbm4b:s15+s0] =	stream.linear.scatter [tilespmem:s16], [sflag:$0x3], $0x80, $0x38;
	[tilespmem:$0x9D00] =	vst v63  }
0xf3: {  	s7 =	rddreg [dreg:$0x9];
	s17 =	simm.s32 $0x6E40  }
0xf4: {  	[hbm4b:s7+s0] =	stream.linear.scatter [tilespmem:s17], [sflag:$0x3], $0x80, $0x38;
	[tilespmem:$0x9D00] =	vst v63  }
0xf5: {  	s18 =	sadd.s32 $0x10, s7;
	s19 =	simm.s32 $0x6EC8  }
0xf6: {  	[hbm4b:s18+s0] =	stream.linear.scatter [tilespmem:s19], [sflag:$0x3], $0x80, $0x38;
	[tilespmem:$0x9D00] =	vst v63  }
0xf7: {  	s22 =	sadd.s32 $0x20, s7;
	s31 =	simm.s32 $0x6F50  }
0xf8: {  	[hbm4b:s22+s0] =	stream.linear.scatter [tilespmem:s31], [sflag:$0x3], $0x80, $0x38;
	[tilespmem:$0x9D00] =	vst v63  }
0xf9: {  	s10 =	sadd.s32 $0x30, s7;
	s12 =	simm.s32 $0x6FD8  }
0xfa: {  	[hbm4b:s10+s0] =	stream.linear.scatter [tilespmem:s12], [sflag:$0x3], $0x80, $0x38;
	[tilespmem:$0x9D00] =	vst v63  }
0xfb: {  	s13 =	sadd.s32 $0x40, s7;
	s15 =	simm.s32 $0x7060  }
0xfc: {  	[hbm4b:s13+s0] =	stream.linear.scatter [tilespmem:s15], [sflag:$0x3], $0x80, $0x38;
	[tilespmem:$0x9D00] =	vst v63  }
0xfd: {  	s16 =	sadd.s32 $0x50, s7;
	s17 =	simm.s32 $0x70E8  }
0xfe: {  	[hbm4b:s16+s0] =	stream.linear.scatter [tilespmem:s17], [sflag:$0x3], $0x80, $0x38;
	[tilespmem:$0x9D00] =	vst v63  }
0xff: {  	s18 =	sadd.s32 $0x60, s7;
	s19 =	simm.s32 $0x7170  }
0x100: {  	[hbm4b:s18+s0] =	stream.linear.scatter [tilespmem:s19], [sflag:$0x3], $0x80, $0x38;
	[tilespmem:$0x9D00] =	vst v63  }
0x101: {  	s22 =	sadd.s32 $0x70, s7;
	s31 =	simm.s32 $0x71F8  }
0x102: {  	[hbm4b:s22+s0] =	stream.linear.scatter [tilespmem:s31], [sflag:$0x3], $0x80, $0x38;
	[tilespmem:$0x9D00] =	vst v63  }
0x103: {  	s8 =	simm.s32 $0x7280;
	s7 =	rddreg [dreg:$0xa]  }
0x104: {  	[hbm4b:s7+s0] =	stream.linear.scatter [tilespmem:s8], [sflag:$0x3], $0x80, $0x38;
	[tilespmem:$0x9D00] =	vst v63  }
0x105: {  	s10 =	sadd.s32 $0x10, s7;
	s12 =	simm.s32 $0x7308  }
0x106: {  	[hbm4b:s10+s0] =	stream.linear.scatter [tilespmem:s12], [sflag:$0x3], $0x80, $0x38;
	[tilespmem:$0x9D00] =	vst v63  }
0x107: {  	s13 =	sadd.s32 $0x20, s7;
	s15 =	simm.s32 $0x7390  }
0x108: {  	[hbm4b:s13+s0] =	stream.linear.scatter [tilespmem:s15], [sflag:$0x3], $0x80, $0x38;
	[tilespmem:$0x9D00] =	vst v63  }
0x109: {  	s16 =	sadd.s32 $0x30, s7;
	s17 =	simm.s32 $0x7418  }
0x10a: {  	[hbm4b:s16+s0] =	stream.linear.scatter [tilespmem:s17], [sflag:$0x3], $0x80, $0x38;
	[tilespmem:$0x9D00] =	vst v63  }
0x10b: {  	s18 =	sadd.s32 $0x40, s7;
	s19 =	simm.s32 $0x74A0  }
0x10c: {  	[hbm4b:s18+s0] =	stream.linear.scatter [tilespmem:s19], [sflag:$0x3], $0x80, $0x38;
	[tilespmem:$0x9D00] =	vst v63  }
0x10d: {  	s22 =	sadd.s32 $0x50, s7;
	s31 =	simm.s32 $0x7528  }
0x10e: {  	[hbm4b:s22+s0] =	stream.linear.scatter [tilespmem:s31], [sflag:$0x3], $0x80, $0x38;
	[tilespmem:$0x9D00] =	vst v63  }
0x10f: {  	s8 =	sadd.s32 $0x60, s7;
	s10 =	simm.s32 $0x75B0  }
0x110: {  	[hbm4b:s8+s0] =	stream.linear.scatter [tilespmem:s10], [sflag:$0x3], $0x80, $0x38;
	[tilespmem:$0x9D00] =	vst v63  }
0x111: {  	s12 =	sadd.s32 $0x70, s7;
	s13 =	simm.s32 $0x7638  }
0x112: {  	[hbm4b:s12+s0] =	stream.linear.scatter [tilespmem:s13], [sflag:$0x3], $0x80, $0x38;
	[tilespmem:$0x9D00] =	vst v63  }
0x113: {  	s7 =	rddreg [dreg:$0xb];
	s15 =	simm.s32 $0x76C0  }
0x114: {  	[hbm4b:s7+s0] =	stream.linear.scatter [tilespmem:s15], [sflag:$0x3], $0x80, $0x38;
	[tilespmem:$0x9D00] =	vst v63  }
0x115: {  	s16 =	sadd.s32 $0x10, s7;
	s17 =	simm.s32 $0x7748  }
0x116: {  	[hbm4b:s16+s0] =	stream.linear.scatter [tilespmem:s17], [sflag:$0x3], $0x80, $0x38;
	[tilespmem:$0x9D00] =	vst v63  }
0x117: {  	s18 =	sadd.s32 $0x20, s7;
	s19 =	simm.s32 $0x77D0  }
0x118: {  	[hbm4b:s18+s0] =	stream.linear.scatter [tilespmem:s19], [sflag:$0x3], $0x80, $0x38;
	[tilespmem:$0x9D00] =	vst v63  }
0x119: {  	s22 =	sadd.s32 $0x30, s7;
	s31 =	simm.s32 $0x7858;
	s10 =	sadd.s32 $0x40, s7  }
0x11a: {  	[hbm4b:s22+s0] =	stream.linear.scatter [tilespmem:s31], [sflag:$0x3], $0x80, $0x38;
	[tilespmem:$0x9D00] =	vst v63  }
0x11b: {  	s8 =	simm.s32 $0x4;
	s12 =	simm.s32 $0x78E0;
	s13 =	sadd.s32 $0x50, s7  }
0x11c: {  	v50 =	vmov s0;
	[hbm4b:s10+s0] =	stream.linear.scatter [tilespmem:s12], [sflag:$0x3], $0x80, $0x38;
	[tilespmem:$0x9D00] =	vst v63  }
0x11d: {  	v33 =	vshrl.u32 v50, $0x3;
	s15 =	simm.s32 $0x7968;
	s16 =	sadd.s32 $0x60, s7;
	s17 =	simm.s32 $0x79F0  }
0x11e: {  	v33 =	vshll.u32 v33, v1;
	[hbm4b:s13+s0] =	stream.linear.scatter [tilespmem:s15], [sflag:$0x3], $0x80, $0x38;
	[tilespmem:$0x9D00] =	vst v63  }
0x11f: {  	v33 =	vbroadcast v33, $0x0;
	v54 =	vmov s8;
	s18 =	sadd.s32 $0x70, s7;
	s19 =	simm.s32 $0x7A78;
	s10 =	simm.s32 $0x7  }
0x120: {  	v37 =	vshrl.u32 v54, $0x3;
	[hbm4b:s16+s0] =	stream.linear.scatter [tilespmem:s17], [sflag:$0x3], $0x80, $0x38;
	[tilespmem:$0x9D00] =	vst v63  }
0x121: {  	v57 =	vadd.s32 v0, v33;
	v61 =	vshll.u32 v37, v1;
	s7 =	simm.s32 $0x3;
	s22 =	simm.s32 $0x1;
	s31 =	simm.s32 $0x2;
	v55 =	vmov s10  }
0x122: {  	v53 =	vmov s7;
	v51 =	vmov s22;
	v38 =	vshrl.u32 v55, $0x3;
	[hbm4b:s18+s0] =	stream.linear.scatter [tilespmem:s19], [sflag:$0x3], $0x80, $0x38;
	[tilespmem:$0x9D00] =	vst v63  }
0x123: {  	v52 =	vmov s31;
	v34 =	vshrl.u32 v51, $0x3;
	v38 =	vshll.u32 v38, v1;
	_ =	swait.ge [sflag:s21], $0x2000  }
0x124: {  	v35 =	vshrl.u32 v52, $0x3;
	v34 =	vshll.u32 v34, v1;
	v38 =	vbroadcast v38, $0x0;
	[sflag:s21] =	ssyncset.done $0x0  }
0x125: {  	v36 =	vshrl.u32 v53, $0x3;
	v56 =	vshll.u32 v35, v1;
	v45 =	vbroadcast v34, $0x0;
	s0 =	simm.s32 $0x3A00;
	[sflag:s21] =	ssyncadd.s32 $0xFFFFE000  }
0x126: {  	v58 =	vshll.u32 v36, v1;
	s12 =	simm.s32 $0x5;
	v53 =	vbroadcast v56, $0x0;
	v42 =	vadd.s32 v29, v38;
	v41 =	vld [tilespmem:s0+$0xC0]  }
0x127: {  	v39 =	vmov s12;
	v35 =	vbroadcast v58, $0x0;
	s13 =	simm.s32 $0x6;
	v60 =	vadd.s32 v5, v45;
	v59 =	vld [tilespmem:s0+$0xFFFFFF40]  }
0x128: {  	v55 =	vshrl.u32 v39, $0x3;
	v40 =	vmov s13;
	v63 =	vadd.s32 v9, v53;
	v62 =	vld [tilespmem:s0+$0xFFFFFF80]  }
0x129: {  	v34 =	vbroadcast v61, $0x0;
	v36 =	vshll.u32 v55, v1;
	v40 =	vshrl.u32 v40, $0x3;
	v43 =	vld [tilespmem:s0+$0xFFFFFF00]  }
0x12a: {  	v50 =	vadd.s32 v13, v35;
	v37 =	vbroadcast v36, $0x0;
	v56 =	vshll.u32 v40, v1;
	v39 =	vld [tilespmem:s0+$0xFFFFFFC0]  }
0x12b: {  	v52 =	vadd.s32 v17, v34;
	v36 =	vbroadcast v56, $0x0;
	v51 =	vld [tilespmem:s0+$0x0];
	[tilespmem:v42+s23+$0x0] =	vst.idx.msk $0xffff, v41  }
0x12c: {  	[tilespmem:v60+s23+$0x0] =	vst.idx.msk $0xffff, v59;
	v59 =	vld [tilespmem:s0+$0x40];
	v60 =	vadd.s32 v21, v37  }
0x12d: {  	v61 =	vld [tilespmem:s0+$0x80];
	[tilespmem:v63+s23+$0x0] =	vst.idx.msk $0xffff, v62;
	v62 =	vadd.s32 v25, v36  }
0x12e: {  	v58 =	vadd.s32 v30, v38;
	[tilespmem:v57+s23+$0x0] =	vst.idx.msk $0xffff, v43;
	v57 =	vld [tilespmem:s0+$0xD0]  }
0x12f: {  	v63 =	vadd.s32 v6, v45;
	[tilespmem:v50+s23+$0x0] =	vst.idx.msk $0xffff, v39;
	v47 =	vld [tilespmem:s0+$0xFFFFFF50]  }
0x130: {  	v55 =	vadd.s32 v10, v53;
	[tilespmem:v52+s23+$0x0] =	vst.idx.msk $0xffff, v51;
	v54 =	vld [tilespmem:s0+$0xFFFFFF90]  }
0x131: {  	v56 =	vadd.s32 v14, v35;
	v50 =	vld [tilespmem:s0+$0xFFFFFFD0];
	[tilespmem:v60+s23+$0x0] =	vst.idx.msk $0xffff, v59  }
0x132: {  	[tilespmem:v62+s23+$0x0] =	vst.idx.msk $0xffff, v61;
	v61 =	vld [tilespmem:s0+$0xFFFFFF10];
	v62 =	vadd.s32 v2, v33  }
0x133: {  	v59 =	vadd.s32 v18, v34;
	[tilespmem:v58+s23+$0x0] =	vst.idx.msk $0xffff, v57;
	v58 =	vld [tilespmem:s0+$0x10]  }
0x134: {  	v57 =	vadd.s32 v31, v38;
	[tilespmem:v63+s23+$0x0] =	vst.idx.msk $0xffff, v47;
	v40 =	vld [tilespmem:s0+$0xE0]  }
0x135: {  	v46 =	vadd.s32 v22, v37;
	v44 =	vld [tilespmem:s0+$0x50];
	[tilespmem:v55+s23+$0x0] =	vst.idx.msk $0xffff, v54  }
0x136: {  	v60 =	vadd.s32 v26, v36;
	v63 =	vld [tilespmem:s0+$0x90];
	[tilespmem:v56+s23+$0x0] =	vst.idx.msk $0xffff, v50  }
0x137: {  	v51 =	vadd.s32 v7, v45;
	v50 =	vld [tilespmem:s0+$0xFFFFFF60];
	[tilespmem:v62+s23+$0x0] =	vst.idx.msk $0xffff, v61  }
0x138: {  	v56 =	vadd.s32 v11, v53;
	v55 =	vld [tilespmem:s0+$0xFFFFFFA0];
	[tilespmem:v59+s23+$0x0] =	vst.idx.msk $0xffff, v58  }
0x139: {  	v58 =	vadd.s32 v15, v35;
	[tilespmem:v57+s23+$0x0] =	vst.idx.msk $0xffff, v40;
	v57 =	vld [tilespmem:s0+$0xFFFFFFE0]  }
0x13a: {  	v38 =	vadd.s32 v32, v38;
	[tilespmem:v46+s23+$0x0] =	vst.idx.msk $0xffff, v44;
	v52 =	vld [tilespmem:s0+$0xF0]  }
0x13b: {  	[tilespmem:v60+s23+$0x0] =	vst.idx.msk $0xffff, v63;
	v60 =	vadd.s32 v19, v34;
	v59 =	vld [tilespmem:s0+$0x20]  }
0x13c: {  	v48 =	vadd.s32 v3, v33;
	s17 =	simm.s32 $0xA;
	s19 =	simm.s32 $0xC;
	v41 =	vadd.s32 v23, v37;
	[tilespmem:v51+s23+$0x0] =	vst.idx.msk $0xffff, v50;
	v40 =	vld [tilespmem:s0+$0x60]  }
0x13d: {  	s15 =	simm.s32 $0x8;
	s18 =	simm.s32 $0xB;
	v43 =	vadd.s32 v27, v36;
	v54 =	vmov s17;
	v47 =	vmov s19;
	v42 =	vld [tilespmem:s0+$0xA0];
	[tilespmem:v56+s23+$0x0] =	vst.idx.msk $0xffff, v55  }
0x13e: {  	s16 =	simm.s32 $0x9;
	v53 =	vadd.s32 v12, v53;
	v63 =	vmov s15;
	v44 =	vmov s18;
	v46 =	vld [tilespmem:s0+$0xFFFFFF20];
	[tilespmem:v58+s23+$0x0] =	vst.idx.msk $0xffff, v57  }
0x13f: {  	s22 =	simm.s32 $0xD;
	s31 =	simm.s32 $0xE;
	v39 =	vshrl.u32 v63, $0x3;
	v51 =	vmov s16;
	v49 =	vld [tilespmem:s0+$0xFFFFFF70];
	[tilespmem:v38+s23+$0x0] =	vst.idx.msk $0xffff, v52;
	v52 =	vadd.s32 v8, v45  }
0x140: {  	s2 =	simm.s32 $0x10;
	s7 =	simm.s32 $0xF;
	v50 =	vld [tilespmem:s0+$0xFFFFFFB0];
	[tilespmem:v60+s23+$0x0] =	vst.idx.msk $0xffff, v59;
	v38 =	vmov s22;
	v45 =	vshll.u32 v39, v1;
	v39 =	vmov s31  }
.LBB2_4:
0x141: {  	p0 =	slt.u32 s2, $0x78;
	v51 =	vshrl.u32 v51, $0x3;
	v55 =	vmov s7;
	v56 =	vld [tilespmem:s0+$0xFFFFFFF0];
	v35 =	vadd.s32 v16, v35;
	[tilespmem:v41+s23+$0x0] =	vst.idx.msk $0xffff, v40  }
0x142: {  	v40 =	vshrl.u32 v54, $0x3;
	v34 =	vadd.s32 v20, v34;
	v41 =	vshrl.u32 v55, $0x3;
	v54 =	vld [tilespmem:s0+$0x30];
	[tilespmem:v43+s23+$0x0] =	vst.idx.msk $0xffff, v42  }
0x143: {  	v37 =	vadd.s32 v24, v37;
	v42 =	vshrl.u32 v44, $0x3;
	v41 =	vshll.u32 v41, v1;
	[tilespmem:v48+s23+$0x0] =	vst.idx.msk $0xffff, v46;
	v43 =	vld [tilespmem:s0+$0x70]  }
0x144: {  	v36 =	vadd.s32 v28, v36;
	v44 =	vshrl.u32 v47, $0x3;
	v41 =	vbroadcast v41, $0x0;
	[tilespmem:v52+s23+$0x0] =	vst.idx.msk $0xffff, v49;
	v46 =	vld [tilespmem:s0+$0xB0]  }
0x145: {  	v47 =	vshll.u32 v51, v1;
	v49 =	vadd.s32 v4, v33;
	v33 =	vbroadcast v45, $0x0;
	v48 =	vld [tilespmem:s0+$0xFFFFFF30];
	[tilespmem:v53+s23+$0x0] =	vst.idx.msk $0xffff, v50;
	s0 =	sadd.s32 $0x200, s0  }
0x146: {  	v40 =	vshll.u32 v40, v1;
	v45 =	vbroadcast v47, $0x0;
	v47 =	vld [tilespmem:s0+$0xC0];
	v50 =	vadd.s32 v29, v41;
	[tilespmem:v35+s23+$0x0] =	vst.idx.msk $0xffff, v56  }
0x147: {  	v53 =	vbroadcast v40, $0x0;
	v52 =	vadd.s32 v0, v33;
	v35 =	vshll.u32 v42, v1;
	v51 =	vld [tilespmem:s0+$0xFFFFFF00];
	[tilespmem:v34+s23+$0x0] =	vst.idx.msk $0xffff, v54  }
0x148: {  	v42 =	vadd.s32 v5, v45;
	v35 =	vbroadcast v35, $0x0;
	v34 =	vshll.u32 v44, v1;
	v40 =	vld [tilespmem:s0+$0xFFFFFF40];
	[tilespmem:v37+s23+$0x0] =	vst.idx.msk $0xffff, v43  }
0x149: {  	v44 =	vadd.s32 v9, v53;
	v34 =	vbroadcast v34, $0x0;
	v37 =	vshrl.u32 v38, $0x3;
	v43 =	vld [tilespmem:s0+$0xFFFFFF80];
	[tilespmem:v36+s23+$0x0] =	vst.idx.msk $0xffff, v46  }
0x14a: {  	v39 =	vshrl.u32 v39, $0x3;
	v46 =	vadd.s32 v13, v35;
	v36 =	vshll.u32 v37, v1;
	v38 =	vld [tilespmem:s0+$0xFFFFFFC0];
	[tilespmem:v49+s23+$0x0] =	vst.idx.msk $0xffff, v48  }
0x14b: {  	v49 =	vadd.s32 v17, v34;
	v37 =	vbroadcast v36, $0x0;
	v36 =	vshll.u32 v39, v1;
	v48 =	vld [tilespmem:s0+$0x0];
	[tilespmem:v50+s23+$0x0] =	vst.idx.msk $0xffff, v47  }
0x14c: {  	v36 =	vbroadcast v36, $0x0;
	v47 =	vadd.s32 v30, v41;
	[tilespmem:v52+s23+$0x0] =	vst.idx.msk $0xffff, v51;
	v39 =	vld [tilespmem:s0+$0xD0]  }
0x14d: {  	[tilespmem:v42+s23+$0x0] =	vst.idx.msk $0xffff, v40;
	v40 =	vld [tilespmem:s0+$0x40];
	v42 =	vadd.s32 v21, v37  }
0x14e: {  	[tilespmem:v44+s23+$0x0] =	vst.idx.msk $0xffff, v43;
	v43 =	vld [tilespmem:s0+$0x80];
	v44 =	vadd.s32 v25, v36  }
0x14f: {  	v51 =	vadd.s32 v6, v45;
	v50 =	vld [tilespmem:s0+$0xFFFFFF50];
	[tilespmem:v46+s23+$0x0] =	vst.idx.msk $0xffff, v38  }
0x150: {  	v46 =	vadd.s32 v10, v53;
	v38 =	vld [tilespmem:s0+$0xFFFFFF90];
	[tilespmem:v49+s23+$0x0] =	vst.idx.msk $0xffff, v48  }
0x151: {  	v49 =	vadd.s32 v14, v35;
	v48 =	vld [tilespmem:s0+$0xFFFFFFD0];
	[tilespmem:v47+s23+$0x0] =	vst.idx.msk $0xffff, v39  }
0x152: {  	[tilespmem:v42+s23+$0x0] =	vst.idx.msk $0xffff, v40;
	v39 =	vld [tilespmem:s0+$0xE0];
	v40 =	vadd.s32 v31, v41  }
0x153: {  	v47 =	vadd.s32 v18, v34;
	v42 =	vld [tilespmem:s0+$0x10];
	[tilespmem:v44+s23+$0x0] =	vst.idx.msk $0xffff, v43  }
0x154: {  	v44 =	vadd.s32 v22, v37;
	[tilespmem:v51+s23+$0x0] =	vst.idx.msk $0xffff, v50;
	v43 =	vld [tilespmem:s0+$0x50]  }
0x155: {  	[tilespmem:v46+s23+$0x0] =	vst.idx.msk $0xffff, v38;
	v38 =	vld [tilespmem:s0+$0x90];
	v46 =	vadd.s32 v26, v36  }
0x156: {  	v51 =	vadd.s32 v2, v33;
	v50 =	vld [tilespmem:s0+$0xFFFFFF10];
	[tilespmem:v49+s23+$0x0] =	vst.idx.msk $0xffff, v48  }
0x157: {  	v49 =	vadd.s32 v7, v45;
	v48 =	vld [tilespmem:s0+$0xFFFFFF60];
	[tilespmem:v40+s23+$0x0] =	vst.idx.msk $0xffff, v39  }
0x158: {  	[tilespmem:v47+s23+$0x0] =	vst.idx.msk $0xffff, v42;
	v39 =	vld [tilespmem:s0+$0xF0];
	v47 =	vadd.s32 v32, v41  }
0x159: {  	v55 =	vadd.s32 v11, v53;
	v52 =	vld [tilespmem:s0+$0xFFFFFFA0];
	[tilespmem:v44+s23+$0x0] =	vst.idx.msk $0xffff, v43  }
0x15a: {  	v57 =	vadd.s32 v15, v35;
	v56 =	vld [tilespmem:s0+$0xFFFFFFE0];
	[tilespmem:v46+s23+$0x0] =	vst.idx.msk $0xffff, v38  }
0x15b: {  	v59 =	vadd.s32 v19, v34;
	[tilespmem:v51+s23+$0x0] =	vst.idx.msk $0xffff, v50;
	v58 =	vld [tilespmem:s0+$0x20]  }
.Ltmp1:
0x15c: {  	s7 =	sadd.s32 $0x1, s2;
	v41 =	vadd.s32 v23, v37;
	v38 =	vmov s2;
	[tilespmem:v49+s23+$0x0] =	vst.idx.msk $0xffff, v48;
	v40 =	vld [tilespmem:s0+$0x60];
	(pc) =	sbr.rel @p0 .LBB2_4-.Ltmp1, $4  }
0x15d: {  	s8 =	sadd.s32 $0x3, s2;
	v43 =	vadd.s32 v27, v36;
	v50 =	vshrl.u32 v38, $0x3;
	v51 =	vmov s7;
	s7 =	sadd.s32 $0x2, s2;
	v42 =	vld [tilespmem:s0+$0xA0];
	[tilespmem:v47+s23+$0x0] =	vst.idx.msk $0xffff, v39  }
0x15e: {  	v44 =	vmov s8;
	s8 =	sadd.s32 $0x5, s2;
	v54 =	vmov s7;
	s7 =	sadd.s32 $0x4, s2;
	v48 =	vadd.s32 v3, v33;
	v46 =	vld [tilespmem:s0+$0xFFFFFF20];
	[tilespmem:v55+s23+$0x0] =	vst.idx.msk $0xffff, v52  }
0x15f: {  	v38 =	vmov s8;
	v47 =	vmov s7;
	s7 =	sadd.s32 $0x6, s2;
	v52 =	vadd.s32 v8, v45;
	v49 =	vld [tilespmem:s0+$0xFFFFFF70];
	[tilespmem:v57+s23+$0x0] =	vst.idx.msk $0xffff, v56  }
0x160: {  	v53 =	vadd.s32 v12, v53;
	v45 =	vshll.u32 v50, v1;
	v39 =	vmov s7;
	s7 =	sadd.s32 $0x7, s2;
	s2 =	sadd.s32 $0x8, s2;
	v50 =	vld [tilespmem:s0+$0xFFFFFFB0];
	[tilespmem:v59+s23+$0x0] =	vst.idx.msk $0xffff, v58  }
0x161: {  	_ =	sdelay $0x2  }
0x162: {  	v55 =	vmov s7  }
0x163: {  	v51 =	vshrl.u32 v51, $0x3;
	v56 =	vld [tilespmem:s0+$0xFFFFFFF0];
	v35 =	vadd.s32 v16, v35;
	[tilespmem:v41+s23+$0x0] =	vst.idx.msk $0xffff, v40;
	v57 =	vshrl.u32 v54, $0x3  }
0x164: {  	v59 =	vld [tilespmem:s0+$0x30];
	v34 =	vadd.s32 v20, v34;
	v60 =	vshrl.u32 v44, $0x3;
	v58 =	vshrl.u32 v55, $0x3;
	[tilespmem:v43+s23+$0x0] =	vst.idx.msk $0xffff, v42  }
0x165: {  	v37 =	vadd.s32 v24, v37;
	v62 =	vshrl.u32 v47, $0x3;
	v61 =	vld [tilespmem:s0+$0x70];
	v41 =	vshll.u32 v58, v1;
	[tilespmem:v48+s23+$0x0] =	vst.idx.msk $0xffff, v46  }
0x166: {  	v36 =	vadd.s32 v28, v36;
	v45 =	vbroadcast v45, $0x0;
	v63 =	vld [tilespmem:s0+$0xB0];
	v41 =	vbroadcast v41, $0x0;
	[tilespmem:v52+s23+$0x0] =	vst.idx.msk $0xffff, v49  }
0x167: {  	v33 =	vadd.s32 v4, v33;
	s16 =	sadd.s32 $0x200, s0;
	v38 =	vshrl.u32 v38, $0x3;
	v55 =	vshll.u32 v51, v1;
	v48 =	vld [tilespmem:s0+$0xFFFFFF30];
	[tilespmem:v53+s23+$0x0] =	vst.idx.msk $0xffff, v50  }
0x168: {  	v40 =	vshll.u32 v57, v1;
	v47 =	vbroadcast v55, $0x0;
	v49 =	vld [tilespmem:s16+$0xC0];
	v50 =	vadd.s32 v29, v41;
	[tilespmem:v35+s23+$0x0] =	vst.idx.msk $0xffff, v56  }
0x169: {  	v42 =	vshll.u32 v60, v1;
	v40 =	vbroadcast v40, $0x0;
	v35 =	vld [tilespmem:s16+$0xFFFFFF00];
	v56 =	vadd.s32 v0, v45;
	[tilespmem:v34+s23+$0x0] =	vst.idx.msk $0xffff, v59  }
0x16a: {  	v57 =	vld [tilespmem:s16+$0xFFFFFF40];
	v44 =	vshll.u32 v62, v1;
	v42 =	vbroadcast v42, $0x0;
	v58 =	vadd.s32 v5, v47;
	[tilespmem:v37+s23+$0x0] =	vst.idx.msk $0xffff, v61  }
0x16b: {  	v38 =	vshll.u32 v38, v1;
	v44 =	vbroadcast v44, $0x0;
	v60 =	vadd.s32 v9, v40;
	v59 =	vld [tilespmem:s16+$0xFFFFFF80];
	[tilespmem:v36+s23+$0x0] =	vst.idx.msk $0xffff, v63  }
0x16c: {  	v38 =	vbroadcast v38, $0x0;
	v62 =	vadd.s32 v13, v42;
	v61 =	vld [tilespmem:s16+$0xFFFFFFC0];
	[tilespmem:v33+s23+$0x0] =	vst.idx.msk $0xffff, v48  }
0x16d: {  	v39 =	vshrl.u32 v39, $0x3;
	v63 =	vadd.s32 v17, v44;
	v33 =	vld [tilespmem:s16+$0x0];
	[tilespmem:v50+s23+$0x0] =	vst.idx.msk $0xffff, v49  }
0x16e: {  	v39 =	vshll.u32 v39, v1;
	v34 =	vld [tilespmem:s16+$0x40];
	[tilespmem:v56+s23+$0x0] =	vst.idx.msk $0xffff, v35;
	v56 =	vadd.s32 v21, v38  }
0x16f: {  	[tilespmem:v58+s23+$0x0] =	vst.idx.msk $0xffff, v57;
	v35 =	vbroadcast v39, $0x0;
	v49 =	vadd.s32 v30, v41;
	v39 =	vld [tilespmem:s16+$0xD0]  }
0x170: {  	[tilespmem:v60+s23+$0x0] =	vst.idx.msk $0xffff, v59;
	v59 =	vld [tilespmem:s16+$0xFFFFFF50];
	v60 =	vadd.s32 v6, v47  }
0x171: {  	v57 =	vld [tilespmem:s16+$0x80];
	[tilespmem:v62+s23+$0x0] =	vst.idx.msk $0xffff, v61;
	v58 =	vadd.s32 v25, v35  }
0x172: {  	v61 =	vld [tilespmem:s16+$0xFFFFFF90];
	v62 =	vadd.s32 v10, v40;
	[tilespmem:v63+s23+$0x0] =	vst.idx.msk $0xffff, v33  }
0x173: {  	v33 =	vld [tilespmem:s16+$0xFFFFFFD0];
	v63 =	vadd.s32 v14, v42;
	[tilespmem:v56+s23+$0x0] =	vst.idx.msk $0xffff, v34  }
0x174: {  	v56 =	vadd.s32 v18, v44;
	[tilespmem:v49+s23+$0x0] =	vst.idx.msk $0xffff, v39;
	v49 =	vld [tilespmem:s16+$0x10]  }
0x175: {  	[tilespmem:v60+s23+$0x0] =	vst.idx.msk $0xffff, v59;
	v39 =	vadd.s32 v31, v41;
	v34 =	vld [tilespmem:s16+$0xE0]  }
0x176: {  	[tilespmem:v58+s23+$0x0] =	vst.idx.msk $0xffff, v57;
	v57 =	vld [tilespmem:s16+$0x50];
	v58 =	vadd.s32 v22, v38  }
0x177: {  	[tilespmem:v62+s23+$0x0] =	vst.idx.msk $0xffff, v61;
	v61 =	vld [tilespmem:s16+$0xFFFFFF10];
	v62 =	vadd.s32 v2, v45  }
0x178: {  	v60 =	vadd.s32 v26, v35;
	v59 =	vld [tilespmem:s16+$0x90];
	[tilespmem:v63+s23+$0x0] =	vst.idx.msk $0xffff, v33  }
0x179: {  	v55 =	vadd.s32 v11, v40;
	v54 =	vadd.s32 v32, v41;
	v41 =	vld [tilespmem:s16+$0xFFFFFFA0];
	[tilespmem:v56+s23+$0x0] =	vst.idx.msk $0xffff, v49  }
0x17a: {  	v53 =	vadd.s32 v7, v47;
	v63 =	vld [tilespmem:s16+$0xFFFFFF60];
	[tilespmem:v39+s23+$0x0] =	vst.idx.msk $0xffff, v34  }
0x17b: {  	v56 =	vld [tilespmem:s16+$0xFFFFFFE0];
	[tilespmem:v58+s23+$0x0] =	vst.idx.msk $0xffff, v57;
	v57 =	vadd.s32 v15, v42  }
0x17c: {  	[tilespmem:v62+s23+$0x0] =	vst.idx.msk $0xffff, v61;
	v34 =	vld [tilespmem:s16+$0xF0]  }
0x17d: {  	v58 =	vld [tilespmem:s16+$0x20];
	[tilespmem:v60+s23+$0x0] =	vst.idx.msk $0xffff, v59;
	v59 =	vadd.s32 v19, v44  }
0x17e: {  	v61 =	vadd.s32 v23, v38;
	[tilespmem:v55+s23+$0x0] =	vst.idx.msk $0xffff, v41;
	v60 =	vld [tilespmem:s16+$0x60]  }
0x17f: {  	[tilespmem:v53+s23+$0x0] =	vst.idx.msk $0xffff, v63;
	v63 =	vadd.s32 v27, v35;
	v62 =	vld [tilespmem:s16+$0xA0]  }
0x180: {  	v47 =	vadd.s32 v8, v47;
	v55 =	vld [tilespmem:s16+$0xFFFFFF70];
	[tilespmem:v57+s23+$0x0] =	vst.idx.msk $0xffff, v56  }
0x181: {  	v53 =	vld [tilespmem:s16+$0xFFFFFF20];
	[tilespmem:v54+s23+$0x0] =	vst.idx.msk $0xffff, v34;
	v54 =	vadd.s32 v3, v45  }
0x182: {  	v40 =	vadd.s32 v12, v40;
	v56 =	vld [tilespmem:s16+$0xFFFFFFB0];
	[tilespmem:v59+s23+$0x0] =	vst.idx.msk $0xffff, v58  }
0x183: {  	v42 =	vadd.s32 v16, v42;
	v57 =	vld [tilespmem:s16+$0xFFFFFFF0];
	[tilespmem:v61+s23+$0x0] =	vst.idx.msk $0xffff, v60  }
0x184: {  	v59 =	vadd.s32 v20, v44;
	v58 =	vld [tilespmem:s16+$0x30];
	[tilespmem:v63+s23+$0x0] =	vst.idx.msk $0xffff, v62  }
0x185: {  	v38 =	vadd.s32 v24, v38;
	v60 =	vld [tilespmem:s16+$0x70];
	[tilespmem:v47+s23+$0x0] =	vst.idx.msk $0xffff, v55  }
0x186: {  	v35 =	vadd.s32 v28, v35;
	v61 =	vld [tilespmem:s16+$0xB0];
	[tilespmem:v54+s23+$0x0] =	vst.idx.msk $0xffff, v53  }
0x187: {  	v63 =	vadd.s32 v4, v45;
	[tilespmem:v40+s23+$0x0] =	vst.idx.msk $0xffff, v56;
	v62 =	vld [tilespmem:s16+$0xFFFFFF30]  }
0x188: {  	[tilespmem:v42+s23+$0x0] =	vst.idx.msk $0xffff, v57  }
0x189: {  	[tilespmem:v59+s23+$0x0] =	vst.idx.msk $0xffff, v58  }
0x18a: {  	[tilespmem:v38+s23+$0x0] =	vst.idx.msk $0xffff, v60  }
0x18b: {  	[tilespmem:v35+s23+$0x0] =	vst.idx.msk $0xffff, v61  }
0x18c: {  	s17 =	simm.s32 $0x3900;
	s2 =	simm.s32 $0x180;
	[tilespmem:v63+s23+$0x0] =	vst.idx.msk $0xffff, v62  }
0x18d: {  	[tilespmem:s17], [sflag:$0x2] =	stream.indirect.gather [hbm4b:s4+s30], $0x40, s2, s30, $0xb8;
	[tilespmem:$0x9D00] =	vst v63  }
0x18e: {  	s2 =	rddreg [dreg:$0xd]  }
0x18f: {  	[hbm4b:s2+s3] =	stream.linear.scatter [tilespmem:s23], [sflag:$0x4], $0x80, $0x38;
	[tilespmem:$0x9D00] =	vst v63  }
0x190: {  	s19 =	simm.s32 $0x7B88;
	s18 =	sadd.s32 $0x10, s2  }
0x191: {  	[hbm4b:s18+s3] =	stream.linear.scatter [tilespmem:s19], [sflag:$0x4], $0x80, $0x38;
	[tilespmem:$0x9D00] =	vst v63  }
0x192: {  	s31 =	simm.s32 $0x7C10;
	s22 =	sadd.s32 $0x20, s2  }
0x193: {  	[hbm4b:s22+s3] =	stream.linear.scatter [tilespmem:s31], [sflag:$0x4], $0x80, $0x38;
	[tilespmem:$0x9D00] =	vst v63  }
0x194: {  	s10 =	simm.s32 $0x7C98;
	s8 =	sadd.s32 $0x30, s2  }
0x195: {  	[hbm4b:s8+s3] =	stream.linear.scatter [tilespmem:s10], [sflag:$0x4], $0x80, $0x38;
	[tilespmem:$0x9D00] =	vst v63  }
0x196: {  	s13 =	simm.s32 $0x7D20;
	s12 =	sadd.s32 $0x40, s2  }
0x197: {  	[hbm4b:s12+s3] =	stream.linear.scatter [tilespmem:s13], [sflag:$0x4], $0x80, $0x38;
	[tilespmem:$0x9D00] =	vst v63  }
0x198: {  	s16 =	simm.s32 $0x7DA8;
	s15 =	sadd.s32 $0x50, s2  }
0x199: {  	[hbm4b:s15+s3] =	stream.linear.scatter [tilespmem:s16], [sflag:$0x4], $0x80, $0x38;
	[tilespmem:$0x9D00] =	vst v63  }
0x19a: {  	s17 =	sadd.s32 $0x60, s2;
	s18 =	simm.s32 $0x7E30  }
0x19b: {  	[hbm4b:s17+s3] =	stream.linear.scatter [tilespmem:s18], [sflag:$0x4], $0x80, $0x38;
	[tilespmem:$0x9D00] =	vst v63  }
0x19c: {  	s19 =	sadd.s32 $0x70, s2;
	s22 =	simm.s32 $0x7EB8  }
0x19d: {  	[hbm4b:s19+s3] =	stream.linear.scatter [tilespmem:s22], [sflag:$0x4], $0x80, $0x38;
	[tilespmem:$0x9D00] =	vst v63  }
0x19e: {  	s2 =	rddreg [dreg:$0x10];
	s31 =	simm.s32 $0x7F40  }
0x19f: {  	[hbm4b:s2+s3] =	stream.linear.scatter [tilespmem:s31], [sflag:$0x4], $0x80, $0x38;
	[tilespmem:$0x9D00] =	vst v63  }
0x1a0: {  	s7 =	sadd.s32 $0x10, s2;
	s8 =	simm.s32 $0x7FC8  }
0x1a1: {  	[hbm4b:s7+s3] =	stream.linear.scatter [tilespmem:s8], [sflag:$0x4], $0x80, $0x38;
	[tilespmem:$0x9D00] =	vst v63  }
0x1a2: {  	s10 =	sadd.s32 $0x20, s2;
	s12 =	simm.s32 $0x8050  }
0x1a3: {  	[hbm4b:s10+s3] =	stream.linear.scatter [tilespmem:s12], [sflag:$0x4], $0x80, $0x38;
	[tilespmem:$0x9D00] =	vst v63  }
0x1a4: {  	s13 =	sadd.s32 $0x30, s2;
	s15 =	simm.s32 $0x80D8  }
0x1a5: {  	[hbm4b:s13+s3] =	stream.linear.scatter [tilespmem:s15], [sflag:$0x4], $0x80, $0x38;
	[tilespmem:$0x9D00] =	vst v63  }
0x1a6: {  	s16 =	sadd.s32 $0x40, s2;
	s17 =	simm.s32 $0x8160  }
0x1a7: {  	[hbm4b:s16+s3] =	stream.linear.scatter [tilespmem:s17], [sflag:$0x4], $0x80, $0x38;
	[tilespmem:$0x9D00] =	vst v63  }
0x1a8: {  	s18 =	sadd.s32 $0x50, s2;
	s19 =	simm.s32 $0x81E8  }
0x1a9: {  	[hbm4b:s18+s3] =	stream.linear.scatter [tilespmem:s19], [sflag:$0x4], $0x80, $0x38;
	[tilespmem:$0x9D00] =	vst v63  }
0x1aa: {  	s22 =	sadd.s32 $0x60, s2;
	s31 =	simm.s32 $0x8270  }
0x1ab: {  	[hbm4b:s22+s3] =	stream.linear.scatter [tilespmem:s31], [sflag:$0x4], $0x80, $0x38;
	[tilespmem:$0x9D00] =	vst v63  }
0x1ac: {  	s8 =	sadd.s32 $0x70, s2;
	s10 =	simm.s32 $0x82F8  }
0x1ad: {  	[hbm4b:s8+s3] =	stream.linear.scatter [tilespmem:s10], [sflag:$0x4], $0x80, $0x38;
	[tilespmem:$0x9D00] =	vst v63  }
0x1ae: {  	s2 =	rddreg [dreg:$0x13];
	s12 =	simm.s32 $0x8380  }
0x1af: {  	[hbm4b:s2+s3] =	stream.linear.scatter [tilespmem:s12], [sflag:$0x4], $0x80, $0x38;
	[tilespmem:$0x9D00] =	vst v63  }
0x1b0: {  	s13 =	sadd.s32 $0x10, s2;
	s15 =	simm.s32 $0x8408  }
0x1b1: {  	[hbm4b:s13+s3] =	stream.linear.scatter [tilespmem:s15], [sflag:$0x4], $0x80, $0x38;
	[tilespmem:$0x9D00] =	vst v63  }
0x1b2: {  	s16 =	sadd.s32 $0x20, s2;
	s17 =	simm.s32 $0x8490  }
0x1b3: {  	[hbm4b:s16+s3] =	stream.linear.scatter [tilespmem:s17], [sflag:$0x4], $0x80, $0x38;
	[tilespmem:$0x9D00] =	vst v63  }
0x1b4: {  	s18 =	sadd.s32 $0x30, s2;
	s19 =	simm.s32 $0x8518  }
0x1b5: {  	[hbm4b:s18+s3] =	stream.linear.scatter [tilespmem:s19], [sflag:$0x4], $0x80, $0x38;
	[tilespmem:$0x9D00] =	vst v63  }
0x1b6: {  	s22 =	sadd.s32 $0x40, s2;
	s31 =	simm.s32 $0x85A0  }
0x1b7: {  	[hbm4b:s22+s3] =	stream.linear.scatter [tilespmem:s31], [sflag:$0x4], $0x80, $0x38;
	[tilespmem:$0x9D00] =	vst v63  }
0x1b8: {  	s8 =	sadd.s32 $0x50, s2;
	s10 =	simm.s32 $0x8628  }
0x1b9: {  	[hbm4b:s8+s3] =	stream.linear.scatter [tilespmem:s10], [sflag:$0x4], $0x80, $0x38;
	[tilespmem:$0x9D00] =	vst v63  }
0x1ba: {  	s12 =	sadd.s32 $0x60, s2;
	s13 =	simm.s32 $0x86B0  }
0x1bb: {  	[hbm4b:s12+s3] =	stream.linear.scatter [tilespmem:s13], [sflag:$0x4], $0x80, $0x38;
	[tilespmem:$0x9D00] =	vst v63  }
0x1bc: {  	s15 =	sadd.s32 $0x70, s2;
	s16 =	simm.s32 $0x8738  }
0x1bd: {  	[hbm4b:s15+s3] =	stream.linear.scatter [tilespmem:s16], [sflag:$0x4], $0x80, $0x38;
	[tilespmem:$0x9D00] =	vst v63  }
0x1be: {  	s2 =	rddreg [dreg:$0x14];
	s17 =	simm.s32 $0x87C0  }
0x1bf: {  	[hbm4b:s2+s3] =	stream.linear.scatter [tilespmem:s17], [sflag:$0x4], $0x80, $0x38;
	[tilespmem:$0x9D00] =	vst v63  }
0x1c0: {  	s18 =	sadd.s32 $0x10, s2;
	s19 =	simm.s32 $0x8848  }
0x1c1: {  	[hbm4b:s18+s3] =	stream.linear.scatter [tilespmem:s19], [sflag:$0x4], $0x80, $0x38;
	[tilespmem:$0x9D00] =	vst v63  }
0x1c2: {  	s22 =	sadd.s32 $0x20, s2;
	s31 =	simm.s32 $0x88D0  }
0x1c3: {  	[hbm4b:s22+s3] =	stream.linear.scatter [tilespmem:s31], [sflag:$0x4], $0x80, $0x38;
	[tilespmem:$0x9D00] =	vst v63  }
0x1c4: {  	s8 =	sadd.s32 $0x30, s2;
	s10 =	simm.s32 $0x8958  }
0x1c5: {  	[hbm4b:s8+s3] =	stream.linear.scatter [tilespmem:s10], [sflag:$0x4], $0x80, $0x38;
	[tilespmem:$0x9D00] =	vst v63  }
0x1c6: {  	s12 =	sadd.s32 $0x40, s2;
	s13 =	simm.s32 $0x89E0  }
0x1c7: {  	[hbm4b:s12+s3] =	stream.linear.scatter [tilespmem:s13], [sflag:$0x4], $0x80, $0x38;
	[tilespmem:$0x9D00] =	vst v63  }
0x1c8: {  	s15 =	sadd.s32 $0x50, s2;
	s16 =	simm.s32 $0x8A68  }
0x1c9: {  	[hbm4b:s15+s3] =	stream.linear.scatter [tilespmem:s16], [sflag:$0x4], $0x80, $0x38;
	[tilespmem:$0x9D00] =	vst v63  }
0x1ca: {  	s17 =	sadd.s32 $0x60, s2;
	s18 =	simm.s32 $0x8AF0  }
0x1cb: {  	[hbm4b:s17+s3] =	stream.linear.scatter [tilespmem:s18], [sflag:$0x4], $0x80, $0x38;
	[tilespmem:$0x9D00] =	vst v63  }
0x1cc: {  	s19 =	sadd.s32 $0x70, s2;
	s22 =	simm.s32 $0x8B78  }
0x1cd: {  	[hbm4b:s19+s3] =	stream.linear.scatter [tilespmem:s22], [sflag:$0x4], $0x80, $0x38;
	[tilespmem:$0x9D00] =	vst v63  }
0x1ce: {  	s2 =	rddreg [dreg:$0x16];
	s31 =	simm.s32 $0x8C00  }
0x1cf: {  	[hbm4b:s2+s3] =	stream.linear.scatter [tilespmem:s31], [sflag:$0x4], $0x80, $0x38;
	[tilespmem:$0x9D00] =	vst v63  }
0x1d0: {  	s7 =	sadd.s32 $0x10, s2;
	s8 =	simm.s32 $0x8C88  }
0x1d1: {  	[hbm4b:s7+s3] =	stream.linear.scatter [tilespmem:s8], [sflag:$0x4], $0x80, $0x38;
	[tilespmem:$0x9D00] =	vst v63  }
0x1d2: {  	s10 =	sadd.s32 $0x20, s2;
	s12 =	simm.s32 $0x8D10  }
0x1d3: {  	[hbm4b:s10+s3] =	stream.linear.scatter [tilespmem:s12], [sflag:$0x4], $0x80, $0x38;
	[tilespmem:$0x9D00] =	vst v63  }
0x1d4: {  	s13 =	sadd.s32 $0x30, s2;
	s15 =	simm.s32 $0x8D98  }
0x1d5: {  	[hbm4b:s13+s3] =	stream.linear.scatter [tilespmem:s15], [sflag:$0x4], $0x80, $0x38;
	[tilespmem:$0x9D00] =	vst v63  }
0x1d6: {  	s16 =	sadd.s32 $0x40, s2;
	s17 =	simm.s32 $0x8E20  }
0x1d7: {  	[hbm4b:s16+s3] =	stream.linear.scatter [tilespmem:s17], [sflag:$0x4], $0x80, $0x38;
	[tilespmem:$0x9D00] =	vst v63  }
0x1d8: {  	s18 =	sadd.s32 $0x50, s2;
	s19 =	simm.s32 $0x8EA8  }
0x1d9: {  	[hbm4b:s18+s3] =	stream.linear.scatter [tilespmem:s19], [sflag:$0x4], $0x80, $0x38;
	[tilespmem:$0x9D00] =	vst v63  }
0x1da: {  	s22 =	sadd.s32 $0x60, s2;
	s31 =	simm.s32 $0x8F30  }
0x1db: {  	[hbm4b:s22+s3] =	stream.linear.scatter [tilespmem:s31], [sflag:$0x4], $0x80, $0x38;
	[tilespmem:$0x9D00] =	vst v63  }
0x1dc: {  	s2 =	sadd.s32 $0x70, s2;
	s7 =	simm.s32 $0x8FB8  }
0x1dd: {  	[hbm4b:s2+s3] =	stream.linear.scatter [tilespmem:s7], [sflag:$0x4], $0x80, $0x38;
	[tilespmem:$0x9D00] =	vst v63  }
0x1de: {  	s8 =	simm.s32 $0x9040;
	s2 =	rddreg [dreg:$0x19]  }
0x1df: {  	[hbm4b:s2+s3] =	stream.linear.scatter [tilespmem:s8], [sflag:$0x4], $0x80, $0x38;
	[tilespmem:$0x9D00] =	vst v63  }
0x1e0: {  	s12 =	simm.s32 $0x90C8;
	s10 =	sadd.s32 $0x10, s2  }
0x1e1: {  	[hbm4b:s10+s3] =	stream.linear.scatter [tilespmem:s12], [sflag:$0x4], $0x80, $0x38;
	[tilespmem:$0x9D00] =	vst v63  }
0x1e2: {  	s15 =	simm.s32 $0x9150;
	s13 =	sadd.s32 $0x20, s2  }
0x1e3: {  	[hbm4b:s13+s3] =	stream.linear.scatter [tilespmem:s15], [sflag:$0x4], $0x80, $0x38;
	[tilespmem:$0x9D00] =	vst v63  }
0x1e4: {  	s17 =	simm.s32 $0x91D8;
	s16 =	sadd.s32 $0x30, s2  }
0x1e5: {  	[hbm4b:s16+s3] =	stream.linear.scatter [tilespmem:s17], [sflag:$0x4], $0x80, $0x38;
	[tilespmem:$0x9D00] =	vst v63  }
0x1e6: {  	s19 =	simm.s32 $0x9260;
	s18 =	sadd.s32 $0x40, s2  }
0x1e7: {  	[hbm4b:s18+s3] =	stream.linear.scatter [tilespmem:s19], [sflag:$0x4], $0x80, $0x38;
	[tilespmem:$0x9D00] =	vst v63  }
0x1e8: {  	s31 =	simm.s32 $0x92E8;
	s22 =	sadd.s32 $0x50, s2  }
0x1e9: {  	[hbm4b:s22+s3] =	stream.linear.scatter [tilespmem:s31], [sflag:$0x4], $0x80, $0x38;
	[tilespmem:$0x9D00] =	vst v63  }
0x1ea: {  	s8 =	sadd.s32 $0x60, s2;
	s10 =	simm.s32 $0x9370  }
0x1eb: {  	[hbm4b:s8+s3] =	stream.linear.scatter [tilespmem:s10], [sflag:$0x4], $0x80, $0x38;
	[tilespmem:$0x9D00] =	vst v63  }
0x1ec: {  	s12 =	sadd.s32 $0x70, s2;
	s13 =	simm.s32 $0x93F8  }
0x1ed: {  	[hbm4b:s12+s3] =	stream.linear.scatter [tilespmem:s13], [sflag:$0x4], $0x80, $0x38;
	[tilespmem:$0x9D00] =	vst v63  }
0x1ee: {  	s2 =	rddreg [dreg:$0x1a];
	s15 =	simm.s32 $0x9480  }
0x1ef: {  	[hbm4b:s2+s3] =	stream.linear.scatter [tilespmem:s15], [sflag:$0x4], $0x80, $0x38;
	[tilespmem:$0x9D00] =	vst v63  }
0x1f0: {  	s16 =	sadd.s32 $0x10, s2;
	s17 =	simm.s32 $0x9508  }
0x1f1: {  	[hbm4b:s16+s3] =	stream.linear.scatter [tilespmem:s17], [sflag:$0x4], $0x80, $0x38;
	[tilespmem:$0x9D00] =	vst v63  }
0x1f2: {  	s18 =	sadd.s32 $0x20, s2;
	s19 =	simm.s32 $0x9590  }
0x1f3: {  	[hbm4b:s18+s3] =	stream.linear.scatter [tilespmem:s19], [sflag:$0x4], $0x80, $0x38;
	[tilespmem:$0x9D00] =	vst v63  }
0x1f4: {  	s22 =	sadd.s32 $0x30, s2;
	s31 =	simm.s32 $0x9618  }
0x1f5: {  	[hbm4b:s22+s3] =	stream.linear.scatter [tilespmem:s31], [sflag:$0x4], $0x80, $0x38;
	[tilespmem:$0x9D00] =	vst v63  }
0x1f6: {  	s8 =	sadd.s32 $0x40, s2;
	s10 =	simm.s32 $0x96A0  }
0x1f7: {  	[hbm4b:s8+s3] =	stream.linear.scatter [tilespmem:s10], [sflag:$0x4], $0x80, $0x38;
	[tilespmem:$0x9D00] =	vst v63  }
0x1f8: {  	s12 =	sadd.s32 $0x50, s2;
	s13 =	simm.s32 $0x9728  }
0x1f9: {  	[hbm4b:s12+s3] =	stream.linear.scatter [tilespmem:s13], [sflag:$0x4], $0x80, $0x38;
	[tilespmem:$0x9D00] =	vst v63  }
0x1fa: {  	s15 =	sadd.s32 $0x60, s2;
	s16 =	simm.s32 $0x97B0  }
0x1fb: {  	[hbm4b:s15+s3] =	stream.linear.scatter [tilespmem:s16], [sflag:$0x4], $0x80, $0x38;
	[tilespmem:$0x9D00] =	vst v63  }
0x1fc: {  	s17 =	sadd.s32 $0x70, s2;
	s18 =	simm.s32 $0x9838  }
0x1fd: {  	[hbm4b:s17+s3] =	stream.linear.scatter [tilespmem:s18], [sflag:$0x4], $0x80, $0x38;
	[tilespmem:$0x9D00] =	vst v63  }
0x1fe: {  	s2 =	rddreg [dreg:$0x1c];
	s19 =	simm.s32 $0x98C0  }
0x1ff: {  	[hbm4b:s2+s3] =	stream.linear.scatter [tilespmem:s19], [sflag:$0x4], $0x80, $0x38;
	[tilespmem:$0x9D00] =	vst v63  }
0x200: {  	s22 =	sadd.s32 $0x10, s2;
	s31 =	simm.s32 $0x9948  }
0x201: {  	[hbm4b:s22+s3] =	stream.linear.scatter [tilespmem:s31], [sflag:$0x4], $0x80, $0x38;
	[tilespmem:$0x9D00] =	vst v63  }
0x202: {  	s7 =	sadd.s32 $0x20, s2;
	s8 =	simm.s32 $0x99D0  }
0x203: {  	[hbm4b:s7+s3] =	stream.linear.scatter [tilespmem:s8], [sflag:$0x4], $0x80, $0x38;
	[tilespmem:$0x9D00] =	vst v63  }
0x204: {  	s10 =	sadd.s32 $0x30, s2;
	s12 =	simm.s32 $0x9A58  }
0x205: {  	[hbm4b:s10+s3] =	stream.linear.scatter [tilespmem:s12], [sflag:$0x4], $0x80, $0x38;
	[tilespmem:$0x9D00] =	vst v63  }
0x206: {  	s13 =	sadd.s32 $0x40, s2;
	s15 =	simm.s32 $0x9AE0  }
0x207: {  	[hbm4b:s13+s3] =	stream.linear.scatter [tilespmem:s15], [sflag:$0x4], $0x80, $0x38;
	[tilespmem:$0x9D00] =	vst v63  }
0x208: {  	s16 =	sadd.s32 $0x50, s2;
	s17 =	simm.s32 $0x9B68  }
0x209: {  	[hbm4b:s16+s3] =	stream.linear.scatter [tilespmem:s17], [sflag:$0x4], $0x80, $0x38;
	[tilespmem:$0x9D00] =	vst v63  }
0x20a: {  	s18 =	sadd.s32 $0x60, s2;
	s19 =	simm.s32 $0x9BF0  }
0x20b: {  	[hbm4b:s18+s3] =	stream.linear.scatter [tilespmem:s19], [sflag:$0x4], $0x80, $0x38;
	[tilespmem:$0x9D00] =	vst v63  }
0x20c: {  	s22 =	sadd.s32 $0x70, s2;
	s31 =	simm.s32 $0x9C78;
	s8 =	simm.s32 $0x1  }
0x20d: {  	[hbm4b:s22+s3] =	stream.linear.scatter [tilespmem:s31], [sflag:$0x4], $0x80, $0x38;
	[tilespmem:$0x9D00] =	vst v63  }
.LBB2_6:
0x20e: {  	_ =	swait.ge [sflag:s9], $0x2000  }
0x20f: {  	[sflag:s9] =	ssyncset.done $0x0  }
0x210: {  	[sflag:s9] =	ssyncadd.s32 $0xFFFFE000  }
0x211: {  	_ =	swait.ge [sflag:s20], $0x400  }
0x212: {  	[sflag:s20] =	ssyncset.done $0x0  }
0x213: {  	[sflag:s20] =	ssyncadd.s32 $0xFFFFFC00  }
0x214: {  	_ =	swait.ge [sflag:s20], $0x400  }
0x215: {  	[sflag:s20] =	ssyncset.done $0x0  }
0x216: {  	[sflag:s20] =	ssyncadd.s32 $0xFFFFFC00  }
0x217: {  	_ =	swait.ge [sflag:s20], $0x400  }
0x218: {  	[sflag:s20] =	ssyncset.done $0x0  }
0x219: {  	[sflag:s20] =	ssyncadd.s32 $0xFFFFFC00  }
0x21a: {  	_ =	swait.ge [sflag:s20], $0x400  }
0x21b: {  	[sflag:s20] =	ssyncset.done $0x0  }
0x21c: {  	[sflag:s20] =	ssyncadd.s32 $0xFFFFFC00  }
0x21d: {  	_ =	swait.ge [sflag:s20], $0x400  }
0x21e: {  	[sflag:s20] =	ssyncset.done $0x0  }
0x21f: {  	[sflag:s20] =	ssyncadd.s32 $0xFFFFFC00  }
0x220: {  	s0 =	simm.s32 $0x0;
	s19 =	simm.s32 $0x1;
	_ =	swait.ge [sflag:s20], $0x400  }
0x221: {  	s2 =	simm.s32 $0x2;
	s22 =	simm.s32 $0x3;
	[sflag:s20] =	ssyncset.done $0x0  }
0x222: {  	s10 =	simm.s32 $0x4;
	s7 =	simm.s32 $0x7;
	v33 =	vmov s0;
	v34 =	vmov s19;
	[sflag:s20] =	ssyncadd.s32 $0xFFFFFC00  }
0x223: {  	s12 =	simm.s32 $0x5;
	s13 =	simm.s32 $0x6;
	v35 =	vmov s2;
	v36 =	vmov s22;
	v37 =	vmov s10;
	_ =	swait.ge [sflag:s20], $0x400  }
0x224: {  	v38 =	vmov s7;
	v39 =	vmov s12;
	v40 =	vmov s13;
	[sflag:s20] =	ssyncset.done $0x0  }
0x225: {  	v33 =	vshrl.u32 v33, $0x3;
	v38 =	vshrl.u32 v38, $0x3;
	v34 =	vshrl.u32 v34, $0x3;
	[sflag:s20] =	ssyncadd.s32 $0xFFFFFC00  }
0x226: {  	v35 =	vshrl.u32 v35, $0x3;
	v36 =	vshrl.u32 v36, $0x3;
	v38 =	vshll.u32 v38, v1;
	_ =	swait.ge [sflag:s20], $0x400  }
0x227: {  	v37 =	vshrl.u32 v37, $0x3;
	v33 =	vshll.u32 v33, v1;
	v38 =	vbroadcast v38, $0x0;
	[sflag:s20] =	ssyncset.done $0x0  }
0x228: {  	s31 =	simm.s32 $0x1A00;
	v62 =	vshrl.u32 v39, $0x3;
	v34 =	vshll.u32 v34, v1;
	v33 =	vbroadcast v33, $0x0;
	[sflag:s20] =	ssyncadd.s32 $0xFFFFFC00  }
0x229: {  	v59 =	vshll.u32 v35, v1;
	v48 =	vbroadcast v34, $0x0;
	v42 =	vadd.s32 v29, v38;
	v41 =	vld [tilespmem:s31+$0xC0]  }
0x22a: {  	v60 =	vshll.u32 v36, v1;
	v54 =	vbroadcast v59, $0x0;
	v44 =	vadd.s32 v0, v33;
	v43 =	vld [tilespmem:s31+$0xFFFFFF00]  }
0x22b: {  	v61 =	vshll.u32 v37, v1;
	v35 =	vbroadcast v60, $0x0;
	v46 =	vadd.s32 v5, v48;
	v45 =	vld [tilespmem:s31+$0xFFFFFF40]  }
0x22c: {  	v36 =	vshll.u32 v62, v1;
	v34 =	vbroadcast v61, $0x0;
	v49 =	vadd.s32 v9, v54;
	v47 =	vld [tilespmem:s31+$0xFFFFFF80]  }
0x22d: {  	v40 =	vshrl.u32 v40, $0x3;
	v37 =	vbroadcast v36, $0x0;
	v50 =	vadd.s32 v13, v35;
	v63 =	vld [tilespmem:s31+$0xFFFFFFC0]  }
0x22e: {  	v56 =	vshll.u32 v40, v1;
	v52 =	vadd.s32 v17, v34;
	v51 =	vld [tilespmem:s31+$0x0];
	[tilespmem:v42+s11+$0x0] =	vst.idx.msk $0xffff, v41  }
0x22f: {  	v36 =	vbroadcast v56, $0x0;
	v59 =	vadd.s32 v21, v37;
	v58 =	vld [tilespmem:s31+$0x40];
	[tilespmem:v44+s11+$0x0] =	vst.idx.msk $0xffff, v43  }
0x230: {  	v57 =	vadd.s32 v30, v38;
	[tilespmem:v46+s11+$0x0] =	vst.idx.msk $0xffff, v45;
	v40 =	vld [tilespmem:s31+$0xD0]  }
0x231: {  	v61 =	vadd.s32 v25, v36;
	v60 =	vld [tilespmem:s31+$0x80];
	[tilespmem:v49+s11+$0x0] =	vst.idx.msk $0xffff, v47  }
0x232: {  	v62 =	vadd.s32 v6, v48;
	[tilespmem:v50+s11+$0x0] =	vst.idx.msk $0xffff, v63;
	v46 =	vld [tilespmem:s31+$0xFFFFFF50]  }
0x233: {  	v55 =	vadd.s32 v10, v54;
	[tilespmem:v52+s11+$0x0] =	vst.idx.msk $0xffff, v51;
	v63 =	vld [tilespmem:s31+$0xFFFFFF90]  }
0x234: {  	v56 =	vadd.s32 v14, v35;
	[tilespmem:v59+s11+$0x0] =	vst.idx.msk $0xffff, v58;
	v50 =	vld [tilespmem:s31+$0xFFFFFFD0]  }
0x235: {  	v59 =	vadd.s32 v18, v34;
	v58 =	vld [tilespmem:s31+$0x10];
	[tilespmem:v57+s11+$0x0] =	vst.idx.msk $0xffff, v40  }
0x236: {  	[tilespmem:v61+s11+$0x0] =	vst.idx.msk $0xffff, v60;
	v57 =	vadd.s32 v31, v38;
	v40 =	vld [tilespmem:s31+$0xE0]  }
0x237: {  	v45 =	vadd.s32 v22, v37;
	v44 =	vld [tilespmem:s31+$0x50];
	[tilespmem:v62+s11+$0x0] =	vst.idx.msk $0xffff, v46  }
0x238: {  	v60 =	vadd.s32 v26, v36;
	[tilespmem:v55+s11+$0x0] =	vst.idx.msk $0xffff, v63;
	v63 =	vld [tilespmem:s31+$0x90]  }
0x239: {  	v61 =	vld [tilespmem:s31+$0xFFFFFF10];
	v62 =	vadd.s32 v2, v33;
	[tilespmem:v56+s11+$0x0] =	vst.idx.msk $0xffff, v50  }
0x23a: {  	[tilespmem:v59+s11+$0x0] =	vst.idx.msk $0xffff, v58  }
0x23b: {  	v51 =	vadd.s32 v7, v48;
	v50 =	vld [tilespmem:s31+$0xFFFFFF60];
	[tilespmem:v57+s11+$0x0] =	vst.idx.msk $0xffff, v40  }
0x23c: {  	v38 =	vadd.s32 v32, v38;
	[tilespmem:v45+s11+$0x0] =	vst.idx.msk $0xffff, v44;
	v52 =	vld [tilespmem:s31+$0xF0]  }
0x23d: {  	v56 =	vadd.s32 v11, v54;
	v55 =	vld [tilespmem:s31+$0xFFFFFFA0];
	[tilespmem:v60+s11+$0x0] =	vst.idx.msk $0xffff, v63  }
0x23e: {  	s15 =	sshll.u32 s8, $0x10;
	s17 =	simm.s32 $0x8;
	s16 =	rddreg [dreg:$0x1];
	[tilespmem:v62+s11+$0x0] =	vst.idx.msk $0xffff, v61  }
0x23f: {  	s2 =	sor.u32 s6, s15;
	s22 =	simm.s32 $0x9;
	v58 =	vadd.s32 v15, v35;
	v57 =	vld [tilespmem:s31+$0xFFFFFFE0];
	s18 =	rddreg [dreg:$0xc]  }
0x240: {  	s0 =	simm.s32 $0xC;
	s16 =	sadd.s32 s16, s2;
	s19 =	rddreg [dreg:$0xe];
	[tilespmem:v51+s11+$0x0] =	vst.idx.msk $0xffff, v50  }
0x241: {  	v59 =	vld [tilespmem:s31+$0x20];
	v60 =	vadd.s32 v19, v34;
	v63 =	vmov s17;
	s17 =	simm.s32 $0xA;
	s13 =	sadd.s32 s2, s18;
	s15 =	rddreg [dreg:$0x11];
	[tilespmem:v38+s11+$0x0] =	vst.idx.msk $0xffff, v52  }
0x242: {  	v41 =	vadd.s32 v23, v37;
	v40 =	vld [tilespmem:s31+$0x60];
	s12 =	sadd.s32 s2, s19;
	s10 =	sadd.s32 s2, s15;
	s18 =	rddreg [dreg:$0x12];
	[tilespmem:v56+s11+$0x0] =	vst.idx.msk $0xffff, v55  }
0x243: {  	v49 =	vmov s22;
	v43 =	vadd.s32 v27, v36;
	v47 =	vmov s0;
	v42 =	vld [tilespmem:s31+$0xA0];
	s15 =	simm.s32 $0xB;
	s7 =	sadd.s32 s2, s18;
	s19 =	rddreg [dreg:$0x15]  }
0x244: {  	v46 =	vadd.s32 v3, v33;
	v54 =	vadd.s32 v12, v54;
	v53 =	vmov s17;
	v45 =	vld [tilespmem:s31+$0xFFFFFF20];
	s18 =	simm.s32 $0xD;
	s22 =	rddreg [dreg:$0x17];
	[tilespmem:v58+s11+$0x0] =	vst.idx.msk $0xffff, v57;
	s17 =	sadd.s32 s2, s19  }
0x245: {  	v39 =	vshrl.u32 v63, $0x3;
	v50 =	vld [tilespmem:s31+$0xFFFFFF70];
	v44 =	vmov s15;
	v52 =	vadd.s32 v8, v48;
	s15 =	sadd.s32 s2, s22;
	s19 =	simm.s32 $0xE;
	s22 =	rddreg [dreg:$0x18]  }
0x246: {  	v48 =	vshll.u32 v39, v1;
	v51 =	vld [tilespmem:s31+$0xFFFFFFB0];
	v38 =	vmov s18;
	s18 =	simm.s32 $0x10;
	[tilespmem:v60+s11+$0x0] =	vst.idx.msk $0xffff, v59;
	s0 =	sadd.s32 s2, s22;
	v39 =	vmov s19;
	s19 =	simm.s32 $0xF  }
.LBB2_7:
0x247: {  	p0 =	slt.u32 s18, $0x78;
	v49 =	vshrl.u32 v49, $0x3;
	v55 =	vmov s19;
	v56 =	vld [tilespmem:s31+$0xFFFFFFF0];
	v35 =	vadd.s32 v16, v35;
	[tilespmem:v41+s11+$0x0] =	vst.idx.msk $0xffff, v40  }
0x248: {  	v40 =	vshrl.u32 v53, $0x3;
	v34 =	vadd.s32 v20, v34;
	v41 =	vshrl.u32 v55, $0x3;
	v53 =	vld [tilespmem:s31+$0x30];
	[tilespmem:v43+s11+$0x0] =	vst.idx.msk $0xffff, v42  }
0x249: {  	v37 =	vadd.s32 v24, v37;
	v42 =	vshrl.u32 v44, $0x3;
	v41 =	vshll.u32 v41, v1;
	[tilespmem:v46+s11+$0x0] =	vst.idx.msk $0xffff, v45;
	v43 =	vld [tilespmem:s31+$0x70]  }
0x24a: {  	v36 =	vadd.s32 v28, v36;
	v44 =	vshrl.u32 v47, $0x3;
	v41 =	vbroadcast v41, $0x0;
	[tilespmem:v52+s11+$0x0] =	vst.idx.msk $0xffff, v50;
	v45 =	vld [tilespmem:s31+$0xB0]  }
0x24b: {  	v46 =	vshll.u32 v49, v1;
	v49 =	vadd.s32 v4, v33;
	v33 =	vbroadcast v48, $0x0;
	v47 =	vld [tilespmem:s31+$0xFFFFFF30];
	[tilespmem:v54+s11+$0x0] =	vst.idx.msk $0xffff, v51;
	s31 =	sadd.s32 $0x200, s31  }
0x24c: {  	v40 =	vshll.u32 v40, v1;
	v48 =	vbroadcast v46, $0x0;
	v46 =	vld [tilespmem:s31+$0xC0];
	v50 =	vadd.s32 v29, v41;
	[tilespmem:v35+s11+$0x0] =	vst.idx.msk $0xffff, v56  }
0x24d: {  	v52 =	vadd.s32 v0, v33;
	v54 =	vbroadcast v40, $0x0;
	v35 =	vshll.u32 v42, v1;
	v51 =	vld [tilespmem:s31+$0xFFFFFF00];
	[tilespmem:v34+s11+$0x0] =	vst.idx.msk $0xffff, v53  }
0x24e: {  	v42 =	vadd.s32 v5, v48;
	v35 =	vbroadcast v35, $0x0;
	v34 =	vshll.u32 v44, v1;
	v40 =	vld [tilespmem:s31+$0xFFFFFF40];
	[tilespmem:v37+s11+$0x0] =	vst.idx.msk $0xffff, v43  }
0x24f: {  	v44 =	vadd.s32 v9, v54;
	v34 =	vbroadcast v34, $0x0;
	v37 =	vshrl.u32 v38, $0x3;
	v43 =	vld [tilespmem:s31+$0xFFFFFF80];
	[tilespmem:v36+s11+$0x0] =	vst.idx.msk $0xffff, v45  }
0x250: {  	v39 =	vshrl.u32 v39, $0x3;
	v45 =	vadd.s32 v13, v35;
	v36 =	vshll.u32 v37, v1;
	v38 =	vld [tilespmem:s31+$0xFFFFFFC0];
	[tilespmem:v49+s11+$0x0] =	vst.idx.msk $0xffff, v47  }
0x251: {  	v49 =	vadd.s32 v17, v34;
	v37 =	vbroadcast v36, $0x0;
	v36 =	vshll.u32 v39, v1;
	v47 =	vld [tilespmem:s31+$0x0];
	[tilespmem:v50+s11+$0x0] =	vst.idx.msk $0xffff, v46  }
0x252: {  	v36 =	vbroadcast v36, $0x0;
	v46 =	vadd.s32 v30, v41;
	[tilespmem:v52+s11+$0x0] =	vst.idx.msk $0xffff, v51;
	v39 =	vld [tilespmem:s31+$0xD0]  }
0x253: {  	[tilespmem:v42+s11+$0x0] =	vst.idx.msk $0xffff, v40;
	v40 =	vld [tilespmem:s31+$0x40];
	v42 =	vadd.s32 v21, v37  }
0x254: {  	[tilespmem:v44+s11+$0x0] =	vst.idx.msk $0xffff, v43;
	v43 =	vld [tilespmem:s31+$0x80];
	v44 =	vadd.s32 v25, v36  }
0x255: {  	v51 =	vadd.s32 v6, v48;
	v50 =	vld [tilespmem:s31+$0xFFFFFF50];
	[tilespmem:v45+s11+$0x0] =	vst.idx.msk $0xffff, v38  }
0x256: {  	v45 =	vadd.s32 v10, v54;
	v38 =	vld [tilespmem:s31+$0xFFFFFF90];
	[tilespmem:v49+s11+$0x0] =	vst.idx.msk $0xffff, v47  }
0x257: {  	v49 =	vadd.s32 v14, v35;
	v47 =	vld [tilespmem:s31+$0xFFFFFFD0];
	[tilespmem:v46+s11+$0x0] =	vst.idx.msk $0xffff, v39  }
0x258: {  	[tilespmem:v42+s11+$0x0] =	vst.idx.msk $0xffff, v40;
	v39 =	vld [tilespmem:s31+$0xE0];
	v40 =	vadd.s32 v31, v41  }
0x259: {  	v46 =	vadd.s32 v18, v34;
	v42 =	vld [tilespmem:s31+$0x10];
	[tilespmem:v44+s11+$0x0] =	vst.idx.msk $0xffff, v43  }
0x25a: {  	v44 =	vadd.s32 v22, v37;
	[tilespmem:v51+s11+$0x0] =	vst.idx.msk $0xffff, v50;
	v43 =	vld [tilespmem:s31+$0x50]  }
0x25b: {  	[tilespmem:v45+s11+$0x0] =	vst.idx.msk $0xffff, v38;
	v38 =	vld [tilespmem:s31+$0x90];
	v45 =	vadd.s32 v26, v36  }
0x25c: {  	v51 =	vadd.s32 v2, v33;
	v50 =	vld [tilespmem:s31+$0xFFFFFF10];
	[tilespmem:v49+s11+$0x0] =	vst.idx.msk $0xffff, v47  }
0x25d: {  	v49 =	vadd.s32 v7, v48;
	v47 =	vld [tilespmem:s31+$0xFFFFFF60];
	[tilespmem:v40+s11+$0x0] =	vst.idx.msk $0xffff, v39  }
0x25e: {  	[tilespmem:v46+s11+$0x0] =	vst.idx.msk $0xffff, v42;
	v39 =	vld [tilespmem:s31+$0xF0];
	v46 =	vadd.s32 v32, v41  }
0x25f: {  	v55 =	vadd.s32 v11, v54;
	v52 =	vld [tilespmem:s31+$0xFFFFFFA0];
	[tilespmem:v44+s11+$0x0] =	vst.idx.msk $0xffff, v43  }
0x260: {  	v57 =	vadd.s32 v15, v35;
	v56 =	vld [tilespmem:s31+$0xFFFFFFE0];
	[tilespmem:v45+s11+$0x0] =	vst.idx.msk $0xffff, v38  }
0x261: {  	v59 =	vadd.s32 v19, v34;
	[tilespmem:v51+s11+$0x0] =	vst.idx.msk $0xffff, v50;
	v58 =	vld [tilespmem:s31+$0x20]  }
.Ltmp2:
0x262: {  	s19 =	sadd.s32 $0x1, s18;
	v41 =	vadd.s32 v23, v37;
	v38 =	vmov s18;
	[tilespmem:v49+s11+$0x0] =	vst.idx.msk $0xffff, v47;
	v40 =	vld [tilespmem:s31+$0x60];
	(pc) =	sbr.rel @p0 .LBB2_7-.Ltmp2, $4  }
0x263: {  	s22 =	sadd.s32 $0x3, s18;
	v43 =	vadd.s32 v27, v36;
	v51 =	vshrl.u32 v38, $0x3;
	v49 =	vmov s19;
	s19 =	sadd.s32 $0x2, s18;
	v42 =	vld [tilespmem:s31+$0xA0];
	[tilespmem:v46+s11+$0x0] =	vst.idx.msk $0xffff, v39  }
0x264: {  	v44 =	vmov s22;
	s22 =	sadd.s32 $0x5, s18;
	v53 =	vmov s19;
	s19 =	sadd.s32 $0x4, s18;
	v46 =	vadd.s32 v3, v33;
	v45 =	vld [tilespmem:s31+$0xFFFFFF20];
	[tilespmem:v55+s11+$0x0] =	vst.idx.msk $0xffff, v52  }
0x265: {  	v38 =	vmov s22;
	v47 =	vmov s19;
	s19 =	sadd.s32 $0x6, s18;
	v52 =	vadd.s32 v8, v48;
	v50 =	vld [tilespmem:s31+$0xFFFFFF70];
	[tilespmem:v57+s11+$0x0] =	vst.idx.msk $0xffff, v56  }
0x266: {  	v54 =	vadd.s32 v12, v54;
	v48 =	vshll.u32 v51, v1;
	v39 =	vmov s19;
	s19 =	sadd.s32 $0x7, s18;
	s18 =	sadd.s32 $0x8, s18;
	v51 =	vld [tilespmem:s31+$0xFFFFFFB0];
	[tilespmem:v59+s11+$0x0] =	vst.idx.msk $0xffff, v58  }
0x267: {  	_ =	sdelay $0x2  }
0x268: {  	v49 =	vshrl.u32 v49, $0x3;
	v35 =	vadd.s32 v16, v35  }
0x269: {  	v55 =	vmov s19;
	v56 =	vld [tilespmem:s31+$0xFFFFFFF0];
	[tilespmem:v41+s11+$0x0] =	vst.idx.msk $0xffff, v40;
	v34 =	vadd.s32 v20, v34;
	v37 =	vadd.s32 v24, v37  }
0x26a: {  	v61 =	vshrl.u32 v53, $0x3;
	v63 =	vld [tilespmem:s31+$0x30];
	v36 =	vadd.s32 v28, v36;
	v33 =	vadd.s32 v4, v33;
	[tilespmem:v43+s11+$0x0] =	vst.idx.msk $0xffff, v42  }
0x26b: {  	v38 =	vshrl.u32 v38, $0x3;
	v39 =	vshrl.u32 v39, $0x3;
	v62 =	vshrl.u32 v55, $0x3;
	v43 =	vld [tilespmem:s31+$0x70];
	[tilespmem:v46+s11+$0x0] =	vst.idx.msk $0xffff, v45  }
0x26c: {  	v55 =	vshrl.u32 v44, $0x3;
	v40 =	vshll.u32 v61, v1;
	v57 =	vld [tilespmem:s31+$0xB0];
	v46 =	vbroadcast v48, $0x0;
	[tilespmem:v52+s11+$0x0] =	vst.idx.msk $0xffff, v50  }
0x26d: {  	s18 =	sadd.s32 $0x200, s31;
	v44 =	vshrl.u32 v47, $0x3;
	v41 =	vshll.u32 v62, v1;
	v40 =	vbroadcast v40, $0x0;
	v59 =	vld [tilespmem:s31+$0xFFFFFF30];
	[tilespmem:v54+s11+$0x0] =	vst.idx.msk $0xffff, v51  }
0x26e: {  	v58 =	vshll.u32 v49, v1;
	v60 =	vld [tilespmem:s18+$0xFFFFFF00];
	v41 =	vbroadcast v41, $0x0;
	v61 =	vadd.s32 v0, v46;
	[tilespmem:v35+s11+$0x0] =	vst.idx.msk $0xffff, v56  }
0x26f: {  	v47 =	vbroadcast v58, $0x0;
	v42 =	vshll.u32 v55, v1;
	v54 =	vld [tilespmem:s18+$0xFFFFFF80];
	v55 =	vadd.s32 v9, v40;
	[tilespmem:v34+s11+$0x0] =	vst.idx.msk $0xffff, v63  }
0x270: {  	v49 =	vld [tilespmem:s18+$0xC0];
	v39 =	vshll.u32 v39, v1;
	v42 =	vbroadcast v42, $0x0;
	v50 =	vadd.s32 v29, v41;
	[tilespmem:v37+s11+$0x0] =	vst.idx.msk $0xffff, v43  }
0x271: {  	v62 =	vld [tilespmem:s18+$0xFFFFFF40];
	v44 =	vshll.u32 v44, v1;
	v63 =	vadd.s32 v5, v47;
	v35 =	vbroadcast v39, $0x0;
	[tilespmem:v36+s11+$0x0] =	vst.idx.msk $0xffff, v57  }
0x272: {  	v38 =	vshll.u32 v38, v1;
	v44 =	vbroadcast v44, $0x0;
	v56 =	vld [tilespmem:s18+$0xFFFFFFC0];
	v57 =	vadd.s32 v13, v42;
	[tilespmem:v33+s11+$0x0] =	vst.idx.msk $0xffff, v59  }
0x273: {  	v38 =	vbroadcast v38, $0x0;
	v37 =	vld [tilespmem:s18+$0x80];
	v43 =	vadd.s32 v25, v35;
	[tilespmem:v61+s11+$0x0] =	vst.idx.msk $0xffff, v60  }
0x274: {  	v58 =	vld [tilespmem:s18+$0x0];
	v59 =	vadd.s32 v17, v44;
	[tilespmem:v55+s11+$0x0] =	vst.idx.msk $0xffff, v54  }
0x275: {  	v60 =	vld [tilespmem:s18+$0x40];
	v61 =	vadd.s32 v21, v38;
	[tilespmem:v50+s11+$0x0] =	vst.idx.msk $0xffff, v49  }
0x276: {  	v49 =	vadd.s32 v30, v41;
	[tilespmem:v63+s11+$0x0] =	vst.idx.msk $0xffff, v62;
	v39 =	vld [tilespmem:s18+$0xD0]  }
0x277: {  	v63 =	vadd.s32 v6, v47;
	v62 =	vld [tilespmem:s18+$0xFFFFFF50];
	[tilespmem:v57+s11+$0x0] =	vst.idx.msk $0xffff, v56  }
0x278: {  	[tilespmem:v43+s11+$0x0] =	vst.idx.msk $0xffff, v37  }
0x279: {  	v56 =	vld [tilespmem:s18+$0xFFFFFF90];
	v57 =	vadd.s32 v10, v40;
	[tilespmem:v59+s11+$0x0] =	vst.idx.msk $0xffff, v58  }
0x27a: {  	v58 =	vld [tilespmem:s18+$0xFFFFFFD0];
	v59 =	vadd.s32 v14, v42;
	[tilespmem:v61+s11+$0x0] =	vst.idx.msk $0xffff, v60  }
0x27b: {  	v60 =	vld [tilespmem:s18+$0x10];
	v61 =	vadd.s32 v18, v44;
	[tilespmem:v49+s11+$0x0] =	vst.idx.msk $0xffff, v39  }
0x27c: {  	v37 =	vld [tilespmem:s18+$0x50];
	[tilespmem:v63+s11+$0x0] =	vst.idx.msk $0xffff, v62;
	v62 =	vadd.s32 v22, v38  }
0x27d: {  	v39 =	vadd.s32 v31, v41;
	v34 =	vld [tilespmem:s18+$0xE0]  }
0x27e: {  	v36 =	vld [tilespmem:s18+$0x90];
	v63 =	vadd.s32 v26, v35;
	[tilespmem:v57+s11+$0x0] =	vst.idx.msk $0xffff, v56  }
0x27f: {  	v56 =	vld [tilespmem:s18+$0xFFFFFF10];
	v57 =	vadd.s32 v2, v46;
	[tilespmem:v59+s11+$0x0] =	vst.idx.msk $0xffff, v58  }
0x280: {  	v58 =	vld [tilespmem:s18+$0xFFFFFF60];
	v59 =	vadd.s32 v7, v47;
	[tilespmem:v61+s11+$0x0] =	vst.idx.msk $0xffff, v60  }
0x281: {  	v60 =	vadd.s32 v32, v41;
	v41 =	vld [tilespmem:s18+$0xFFFFFFA0];
	v61 =	vadd.s32 v11, v40;
	[tilespmem:v62+s11+$0x0] =	vst.idx.msk $0xffff, v37  }
0x282: {  	v37 =	vld [tilespmem:s18+$0xFFFFFFE0];
	v62 =	vadd.s32 v15, v42;
	[tilespmem:v39+s11+$0x0] =	vst.idx.msk $0xffff, v34  }
0x283: {  	[tilespmem:v63+s11+$0x0] =	vst.idx.msk $0xffff, v36;
	v34 =	vld [tilespmem:s18+$0xF0]  }
0x284: {  	v54 =	vadd.s32 v19, v44;
	v63 =	vld [tilespmem:s18+$0x20];
	[tilespmem:v57+s11+$0x0] =	vst.idx.msk $0xffff, v56  }
0x285: {  	v55 =	vld [tilespmem:s18+$0x60];
	v56 =	vadd.s32 v23, v38;
	[tilespmem:v59+s11+$0x0] =	vst.idx.msk $0xffff, v58  }
0x286: {  	v57 =	vld [tilespmem:s18+$0xA0];
	v58 =	vadd.s32 v27, v35;
	[tilespmem:v61+s11+$0x0] =	vst.idx.msk $0xffff, v41  }
0x287: {  	v47 =	vadd.s32 v8, v47;
	v61 =	vld [tilespmem:s18+$0xFFFFFF70];
	[tilespmem:v62+s11+$0x0] =	vst.idx.msk $0xffff, v37  }
0x288: {  	v59 =	vld [tilespmem:s18+$0xFFFFFF20];
	[tilespmem:v60+s11+$0x0] =	vst.idx.msk $0xffff, v34;
	v60 =	vadd.s32 v3, v46  }
0x289: {  	v40 =	vadd.s32 v12, v40;
	v62 =	vld [tilespmem:s18+$0xFFFFFFB0];
	[tilespmem:v54+s11+$0x0] =	vst.idx.msk $0xffff, v63  }
0x28a: {  	v42 =	vadd.s32 v16, v42;
	v63 =	vld [tilespmem:s18+$0xFFFFFFF0];
	[tilespmem:v56+s11+$0x0] =	vst.idx.msk $0xffff, v55  }
0x28b: {  	v52 =	vadd.s32 v20, v44;
	v49 =	vld [tilespmem:s18+$0x30];
	[tilespmem:v58+s11+$0x0] =	vst.idx.msk $0xffff, v57  }
0x28c: {  	v38 =	vadd.s32 v24, v38;
	v53 =	vld [tilespmem:s18+$0x70];
	[tilespmem:v47+s11+$0x0] =	vst.idx.msk $0xffff, v61  }
0x28d: {  	v35 =	vadd.s32 v28, v35;
	v54 =	vld [tilespmem:s18+$0xB0];
	[tilespmem:v60+s11+$0x0] =	vst.idx.msk $0xffff, v59  }
0x28e: {  	v56 =	vadd.s32 v4, v46;
	[tilespmem:v40+s11+$0x0] =	vst.idx.msk $0xffff, v62;
	v55 =	vld [tilespmem:s18+$0xFFFFFF30]  }
0x28f: {  	[tilespmem:v42+s11+$0x0] =	vst.idx.msk $0xffff, v63  }
0x290: {  	[tilespmem:v52+s11+$0x0] =	vst.idx.msk $0xffff, v49  }
0x291: {  	s19 =	sshll.u32 s8, $0x8;
	[tilespmem:v38+s11+$0x0] =	vst.idx.msk $0xffff, v53  }
0x292: {  	s31 =	sand.u32 $0x3FFFFF00, s19;
	[tilespmem:v35+s11+$0x0] =	vst.idx.msk $0xffff, v54  }
0x293: {  	s22 =	simm.s32 $0x1900;
	s18 =	sadd.s32 $0x100, s31;
	[tilespmem:v56+s11+$0x0] =	vst.idx.msk $0xffff, v55  }
0x294: {  	[tilespmem:s22], [sflag:$0x1] =	stream.indirect.gather [hbm4b:s4+s30], $0x40, s18, s30, $0xb8;
	[tilespmem:$0x9D00] =	vst v63  }
0x295: {  	s18 =	simm.s32 $0x0  }
0x296: {  	[hbm4b:s16+s18] =	stream.linear.scatter [tilespmem:s11], [sflag:$0x3], $0x80, $0x38;
	[tilespmem:$0x9D00] =	vst v63  }
0x297: {  	s19 =	sadd.s32 $0x10, s16;
	s22 =	simm.s32 $0x5988  }
0x298: {  	[hbm4b:s19+s18] =	stream.linear.scatter [tilespmem:s22], [sflag:$0x3], $0x80, $0x38;
	[tilespmem:$0x9D00] =	vst v63  }
0x299: {  	s19 =	sadd.s32 $0x20, s16;
	s22 =	simm.s32 $0x5A10  }
0x29a: {  	[hbm4b:s19+s18] =	stream.linear.scatter [tilespmem:s22], [sflag:$0x3], $0x80, $0x38;
	[tilespmem:$0x9D00] =	vst v63  }
0x29b: {  	s19 =	sadd.s32 $0x30, s16;
	s22 =	simm.s32 $0x5A98  }
0x29c: {  	[hbm4b:s19+s18] =	stream.linear.scatter [tilespmem:s22], [sflag:$0x3], $0x80, $0x38;
	[tilespmem:$0x9D00] =	vst v63  }
0x29d: {  	s19 =	sadd.s32 $0x40, s16;
	s22 =	simm.s32 $0x5B20  }
0x29e: {  	[hbm4b:s19+s18] =	stream.linear.scatter [tilespmem:s22], [sflag:$0x3], $0x80, $0x38;
	[tilespmem:$0x9D00] =	vst v63  }
0x29f: {  	s19 =	sadd.s32 $0x50, s16;
	s22 =	simm.s32 $0x5BA8  }
0x2a0: {  	[hbm4b:s19+s18] =	stream.linear.scatter [tilespmem:s22], [sflag:$0x3], $0x80, $0x38;
	[tilespmem:$0x9D00] =	vst v63  }
0x2a1: {  	s19 =	sadd.s32 $0x60, s16;
	s22 =	simm.s32 $0x5C30  }
0x2a2: {  	[hbm4b:s19+s18] =	stream.linear.scatter [tilespmem:s22], [sflag:$0x3], $0x80, $0x38;
	[tilespmem:$0x9D00] =	vst v63  }
0x2a3: {  	s19 =	sadd.s32 $0x70, s16;
	s22 =	simm.s32 $0x5CB8  }
0x2a4: {  	[hbm4b:s19+s18] =	stream.linear.scatter [tilespmem:s22], [sflag:$0x3], $0x80, $0x38;
	[tilespmem:$0x9D00] =	vst v63  }
0x2a5: {  	s22 =	simm.s32 $0x5D40  }
0x2a6: {  	[hbm4b:s13+s18] =	stream.linear.scatter [tilespmem:s22], [sflag:$0x3], $0x80, $0x38;
	[tilespmem:$0x9D00] =	vst v63  }
0x2a7: {  	s19 =	sadd.s32 $0x10, s13;
	s22 =	simm.s32 $0x5DC8  }
0x2a8: {  	[hbm4b:s19+s18] =	stream.linear.scatter [tilespmem:s22], [sflag:$0x3], $0x80, $0x38;
	[tilespmem:$0x9D00] =	vst v63  }
0x2a9: {  	s19 =	sadd.s32 $0x20, s13;
	s22 =	simm.s32 $0x5E50  }
0x2aa: {  	[hbm4b:s19+s18] =	stream.linear.scatter [tilespmem:s22], [sflag:$0x3], $0x80, $0x38;
	[tilespmem:$0x9D00] =	vst v63  }
0x2ab: {  	s19 =	sadd.s32 $0x30, s13;
	s22 =	simm.s32 $0x5ED8  }
0x2ac: {  	[hbm4b:s19+s18] =	stream.linear.scatter [tilespmem:s22], [sflag:$0x3], $0x80, $0x38;
	[tilespmem:$0x9D00] =	vst v63  }
0x2ad: {  	s19 =	sadd.s32 $0x40, s13;
	s22 =	simm.s32 $0x5F60  }
0x2ae: {  	[hbm4b:s19+s18] =	stream.linear.scatter [tilespmem:s22], [sflag:$0x3], $0x80, $0x38;
	[tilespmem:$0x9D00] =	vst v63  }
0x2af: {  	s19 =	sadd.s32 $0x50, s13;
	s22 =	simm.s32 $0x5FE8  }
0x2b0: {  	[hbm4b:s19+s18] =	stream.linear.scatter [tilespmem:s22], [sflag:$0x3], $0x80, $0x38;
	[tilespmem:$0x9D00] =	vst v63  }
0x2b1: {  	s19 =	sadd.s32 $0x60, s13;
	s22 =	simm.s32 $0x6070  }
0x2b2: {  	[hbm4b:s19+s18] =	stream.linear.scatter [tilespmem:s22], [sflag:$0x3], $0x80, $0x38;
	[tilespmem:$0x9D00] =	vst v63  }
0x2b3: {  	s19 =	sadd.s32 $0x70, s13;
	s22 =	simm.s32 $0x60F8  }
0x2b4: {  	[hbm4b:s19+s18] =	stream.linear.scatter [tilespmem:s22], [sflag:$0x3], $0x80, $0x38;
	[tilespmem:$0x9D00] =	vst v63  }
0x2b5: {  	s16 =	simm.s32 $0x6180  }
0x2b6: {  	[hbm4b:s12+s18] =	stream.linear.scatter [tilespmem:s16], [sflag:$0x3], $0x80, $0x38;
	[tilespmem:$0x9D00] =	vst v63  }
0x2b7: {  	s19 =	sadd.s32 $0x10, s12;
	s22 =	simm.s32 $0x6208  }
0x2b8: {  	[hbm4b:s19+s18] =	stream.linear.scatter [tilespmem:s22], [sflag:$0x3], $0x80, $0x38;
	[tilespmem:$0x9D00] =	vst v63  }
0x2b9: {  	s19 =	sadd.s32 $0x20, s12;
	s22 =	simm.s32 $0x6290  }
0x2ba: {  	[hbm4b:s19+s18] =	stream.linear.scatter [tilespmem:s22], [sflag:$0x3], $0x80, $0x38;
	[tilespmem:$0x9D00] =	vst v63  }
0x2bb: {  	s19 =	sadd.s32 $0x30, s12;
	s22 =	simm.s32 $0x6318  }
0x2bc: {  	[hbm4b:s19+s18] =	stream.linear.scatter [tilespmem:s22], [sflag:$0x3], $0x80, $0x38;
	[tilespmem:$0x9D00] =	vst v63  }
0x2bd: {  	s19 =	sadd.s32 $0x40, s12;
	s22 =	simm.s32 $0x63A0  }
0x2be: {  	[hbm4b:s19+s18] =	stream.linear.scatter [tilespmem:s22], [sflag:$0x3], $0x80, $0x38;
	[tilespmem:$0x9D00] =	vst v63  }
0x2bf: {  	s19 =	sadd.s32 $0x50, s12;
	s22 =	simm.s32 $0x6428  }
0x2c0: {  	[hbm4b:s19+s18] =	stream.linear.scatter [tilespmem:s22], [sflag:$0x3], $0x80, $0x38;
	[tilespmem:$0x9D00] =	vst v63  }
0x2c1: {  	s19 =	sadd.s32 $0x60, s12;
	s22 =	simm.s32 $0x64B0  }
0x2c2: {  	[hbm4b:s19+s18] =	stream.linear.scatter [tilespmem:s22], [sflag:$0x3], $0x80, $0x38;
	[tilespmem:$0x9D00] =	vst v63  }
0x2c3: {  	s16 =	sadd.s32 $0x70, s12;
	s19 =	simm.s32 $0x6538  }
0x2c4: {  	[hbm4b:s16+s18] =	stream.linear.scatter [tilespmem:s19], [sflag:$0x3], $0x80, $0x38;
	[tilespmem:$0x9D00] =	vst v63  }
0x2c5: {  	s22 =	simm.s32 $0x65C0  }
0x2c6: {  	[hbm4b:s10+s18] =	stream.linear.scatter [tilespmem:s22], [sflag:$0x3], $0x80, $0x38;
	[tilespmem:$0x9D00] =	vst v63  }
0x2c7: {  	s13 =	sadd.s32 $0x10, s10;
	s16 =	simm.s32 $0x6648  }
0x2c8: {  	[hbm4b:s13+s18] =	stream.linear.scatter [tilespmem:s16], [sflag:$0x3], $0x80, $0x38;
	[tilespmem:$0x9D00] =	vst v63  }
0x2c9: {  	s19 =	sadd.s32 $0x20, s10;
	s22 =	simm.s32 $0x66D0  }
0x2ca: {  	[hbm4b:s19+s18] =	stream.linear.scatter [tilespmem:s22], [sflag:$0x3], $0x80, $0x38;
	[tilespmem:$0x9D00] =	vst v63  }
0x2cb: {  	s13 =	sadd.s32 $0x30, s10;
	s16 =	simm.s32 $0x6758  }
0x2cc: {  	[hbm4b:s13+s18] =	stream.linear.scatter [tilespmem:s16], [sflag:$0x3], $0x80, $0x38;
	[tilespmem:$0x9D00] =	vst v63  }
0x2cd: {  	s19 =	sadd.s32 $0x40, s10;
	s22 =	simm.s32 $0x67E0  }
0x2ce: {  	[hbm4b:s19+s18] =	stream.linear.scatter [tilespmem:s22], [sflag:$0x3], $0x80, $0x38;
	[tilespmem:$0x9D00] =	vst v63  }
0x2cf: {  	s13 =	sadd.s32 $0x50, s10;
	s16 =	simm.s32 $0x6868  }
0x2d0: {  	[hbm4b:s13+s18] =	stream.linear.scatter [tilespmem:s16], [sflag:$0x3], $0x80, $0x38;
	[tilespmem:$0x9D00] =	vst v63  }
0x2d1: {  	s19 =	sadd.s32 $0x60, s10;
	s22 =	simm.s32 $0x68F0  }
0x2d2: {  	[hbm4b:s19+s18] =	stream.linear.scatter [tilespmem:s22], [sflag:$0x3], $0x80, $0x38;
	[tilespmem:$0x9D00] =	vst v63  }
0x2d3: {  	s12 =	sadd.s32 $0x70, s10;
	s13 =	simm.s32 $0x6978  }
0x2d4: {  	[hbm4b:s12+s18] =	stream.linear.scatter [tilespmem:s13], [sflag:$0x3], $0x80, $0x38;
	[tilespmem:$0x9D00] =	vst v63  }
0x2d5: {  	s16 =	simm.s32 $0x6A00  }
0x2d6: {  	[hbm4b:s7+s18] =	stream.linear.scatter [tilespmem:s16], [sflag:$0x3], $0x80, $0x38;
	[tilespmem:$0x9D00] =	vst v63  }
0x2d7: {  	s19 =	sadd.s32 $0x10, s7;
	s22 =	simm.s32 $0x6A88  }
0x2d8: {  	[hbm4b:s19+s18] =	stream.linear.scatter [tilespmem:s22], [sflag:$0x3], $0x80, $0x38;
	[tilespmem:$0x9D00] =	vst v63  }
0x2d9: {  	s13 =	sadd.s32 $0x20, s7;
	s16 =	simm.s32 $0x6B10  }
0x2da: {  	[hbm4b:s13+s18] =	stream.linear.scatter [tilespmem:s16], [sflag:$0x3], $0x80, $0x38;
	[tilespmem:$0x9D00] =	vst v63  }
0x2db: {  	s19 =	sadd.s32 $0x30, s7;
	s22 =	simm.s32 $0x6B98  }
0x2dc: {  	[hbm4b:s19+s18] =	stream.linear.scatter [tilespmem:s22], [sflag:$0x3], $0x80, $0x38;
	[tilespmem:$0x9D00] =	vst v63  }
0x2dd: {  	s13 =	sadd.s32 $0x40, s7;
	s16 =	simm.s32 $0x6C20  }
0x2de: {  	[hbm4b:s13+s18] =	stream.linear.scatter [tilespmem:s16], [sflag:$0x3], $0x80, $0x38;
	[tilespmem:$0x9D00] =	vst v63  }
0x2df: {  	s19 =	sadd.s32 $0x50, s7;
	s22 =	simm.s32 $0x6CA8  }
0x2e0: {  	[hbm4b:s19+s18] =	stream.linear.scatter [tilespmem:s22], [sflag:$0x3], $0x80, $0x38;
	[tilespmem:$0x9D00] =	vst v63  }
0x2e1: {  	s13 =	sadd.s32 $0x60, s7;
	s16 =	simm.s32 $0x6D30  }
0x2e2: {  	[hbm4b:s13+s18] =	stream.linear.scatter [tilespmem:s16], [sflag:$0x3], $0x80, $0x38;
	[tilespmem:$0x9D00] =	vst v63  }
0x2e3: {  	s19 =	sadd.s32 $0x70, s7;
	s22 =	simm.s32 $0x6DB8  }
0x2e4: {  	[hbm4b:s19+s18] =	stream.linear.scatter [tilespmem:s22], [sflag:$0x3], $0x80, $0x38;
	[tilespmem:$0x9D00] =	vst v63  }
0x2e5: {  	s12 =	simm.s32 $0x6E40  }
0x2e6: {  	[hbm4b:s17+s18] =	stream.linear.scatter [tilespmem:s12], [sflag:$0x3], $0x80, $0x38;
	[tilespmem:$0x9D00] =	vst v63  }
0x2e7: {  	s13 =	sadd.s32 $0x10, s17;
	s16 =	simm.s32 $0x6EC8  }
0x2e8: {  	[hbm4b:s13+s18] =	stream.linear.scatter [tilespmem:s16], [sflag:$0x3], $0x80, $0x38;
	[tilespmem:$0x9D00] =	vst v63  }
0x2e9: {  	s19 =	sadd.s32 $0x20, s17;
	s22 =	simm.s32 $0x6F50  }
0x2ea: {  	[hbm4b:s19+s18] =	stream.linear.scatter [tilespmem:s22], [sflag:$0x3], $0x80, $0x38;
	[tilespmem:$0x9D00] =	vst v63  }
0x2eb: {  	s10 =	sadd.s32 $0x30, s17;
	s12 =	simm.s32 $0x6FD8  }
0x2ec: {  	[hbm4b:s10+s18] =	stream.linear.scatter [tilespmem:s12], [sflag:$0x3], $0x80, $0x38;
	[tilespmem:$0x9D00] =	vst v63  }
0x2ed: {  	s13 =	sadd.s32 $0x40, s17;
	s16 =	simm.s32 $0x7060  }
0x2ee: {  	[hbm4b:s13+s18] =	stream.linear.scatter [tilespmem:s16], [sflag:$0x3], $0x80, $0x38;
	[tilespmem:$0x9D00] =	vst v63  }
0x2ef: {  	s19 =	sadd.s32 $0x50, s17;
	s22 =	simm.s32 $0x70E8  }
0x2f0: {  	[hbm4b:s19+s18] =	stream.linear.scatter [tilespmem:s22], [sflag:$0x3], $0x80, $0x38;
	[tilespmem:$0x9D00] =	vst v63  }
0x2f1: {  	s10 =	sadd.s32 $0x60, s17;
	s12 =	simm.s32 $0x7170  }
0x2f2: {  	[hbm4b:s10+s18] =	stream.linear.scatter [tilespmem:s12], [sflag:$0x3], $0x80, $0x38;
	[tilespmem:$0x9D00] =	vst v63  }
0x2f3: {  	s13 =	sadd.s32 $0x70, s17;
	s16 =	simm.s32 $0x71F8  }
0x2f4: {  	[hbm4b:s13+s18] =	stream.linear.scatter [tilespmem:s16], [sflag:$0x3], $0x80, $0x38;
	[tilespmem:$0x9D00] =	vst v63  }
0x2f5: {  	s17 =	simm.s32 $0x7280  }
0x2f6: {  	[hbm4b:s15+s18] =	stream.linear.scatter [tilespmem:s17], [sflag:$0x3], $0x80, $0x38;
	[tilespmem:$0x9D00] =	vst v63  }
0x2f7: {  	s19 =	sadd.s32 $0x10, s15;
	s22 =	simm.s32 $0x7308  }
0x2f8: {  	[hbm4b:s19+s18] =	stream.linear.scatter [tilespmem:s22], [sflag:$0x3], $0x80, $0x38;
	[tilespmem:$0x9D00] =	vst v63  }
0x2f9: {  	s12 =	sadd.s32 $0x20, s15;
	s13 =	simm.s32 $0x7390  }
0x2fa: {  	[hbm4b:s12+s18] =	stream.linear.scatter [tilespmem:s13], [sflag:$0x3], $0x80, $0x38;
	[tilespmem:$0x9D00] =	vst v63  }
0x2fb: {  	s16 =	sadd.s32 $0x30, s15;
	s17 =	simm.s32 $0x7418  }
0x2fc: {  	[hbm4b:s16+s18] =	stream.linear.scatter [tilespmem:s17], [sflag:$0x3], $0x80, $0x38;
	[tilespmem:$0x9D00] =	vst v63  }
0x2fd: {  	s19 =	sadd.s32 $0x40, s15;
	s22 =	simm.s32 $0x74A0  }
0x2fe: {  	[hbm4b:s19+s18] =	stream.linear.scatter [tilespmem:s22], [sflag:$0x3], $0x80, $0x38;
	[tilespmem:$0x9D00] =	vst v63  }
0x2ff: {  	s12 =	sadd.s32 $0x50, s15;
	s13 =	simm.s32 $0x7528  }
0x300: {  	[hbm4b:s12+s18] =	stream.linear.scatter [tilespmem:s13], [sflag:$0x3], $0x80, $0x38;
	[tilespmem:$0x9D00] =	vst v63  }
0x301: {  	s16 =	sadd.s32 $0x60, s15;
	s17 =	simm.s32 $0x75B0  }
0x302: {  	[hbm4b:s16+s18] =	stream.linear.scatter [tilespmem:s17], [sflag:$0x3], $0x80, $0x38;
	[tilespmem:$0x9D00] =	vst v63  }
0x303: {  	s19 =	sadd.s32 $0x70, s15;
	s22 =	simm.s32 $0x7638  }
0x304: {  	[hbm4b:s19+s18] =	stream.linear.scatter [tilespmem:s22], [sflag:$0x3], $0x80, $0x38;
	[tilespmem:$0x9D00] =	vst v63  }
0x305: {  	s12 =	simm.s32 $0x76C0  }
0x306: {  	[hbm4b:s0+s18] =	stream.linear.scatter [tilespmem:s12], [sflag:$0x3], $0x80, $0x38;
	[tilespmem:$0x9D00] =	vst v63  }
0x307: {  	s15 =	simm.s32 $0x7748;
	s13 =	sadd.s32 $0x10, s0  }
0x308: {  	[hbm4b:s13+s18] =	stream.linear.scatter [tilespmem:s15], [sflag:$0x3], $0x80, $0x38;
	[tilespmem:$0x9D00] =	vst v63  }
0x309: {  	s16 =	sadd.s32 $0x20, s0;
	s17 =	simm.s32 $0x77D0  }
0x30a: {  	[hbm4b:s16+s18] =	stream.linear.scatter [tilespmem:s17], [sflag:$0x3], $0x80, $0x38;
	[tilespmem:$0x9D00] =	vst v63  }
0x30b: {  	s19 =	sadd.s32 $0x30, s0;
	s22 =	simm.s32 $0x7858  }
0x30c: {  	[hbm4b:s19+s18] =	stream.linear.scatter [tilespmem:s22], [sflag:$0x3], $0x80, $0x38;
	[tilespmem:$0x9D00] =	vst v63  }
0x30d: {  	s10 =	sadd.s32 $0x40, s0;
	s12 =	simm.s32 $0x78E0  }
0x30e: {  	[hbm4b:s10+s18] =	stream.linear.scatter [tilespmem:s12], [sflag:$0x3], $0x80, $0x38;
	[tilespmem:$0x9D00] =	vst v63  }
0x30f: {  	s13 =	sadd.s32 $0x50, s0;
	s15 =	simm.s32 $0x7968  }
0x310: {  	[hbm4b:s13+s18] =	stream.linear.scatter [tilespmem:s15], [sflag:$0x3], $0x80, $0x38;
	[tilespmem:$0x9D00] =	vst v63  }
0x311: {  	s16 =	sadd.s32 $0x60, s0;
	s17 =	simm.s32 $0x79F0  }
0x312: {  	[hbm4b:s16+s18] =	stream.linear.scatter [tilespmem:s17], [sflag:$0x3], $0x80, $0x38;
	[tilespmem:$0x9D00] =	vst v63  }
0x313: {  	s19 =	sadd.s32 $0x70, s0;
	s22 =	simm.s32 $0x7A78  }
0x314: {  	[hbm4b:s19+s18] =	stream.linear.scatter [tilespmem:s22], [sflag:$0x3], $0x80, $0x38;
	[tilespmem:$0x9D00] =	vst v63  }
0x315: {  	_ =	swait.ge [sflag:s21], $0x2000  }
0x316: {  	[sflag:s21] =	ssyncset.done $0x0  }
0x317: {  	[sflag:s21] =	ssyncadd.s32 $0xFFFFE000  }
0x318: {  	_ =	swait.ge [sflag:s26], $0x400  }
0x319: {  	[sflag:s26] =	ssyncset.done $0x0  }
0x31a: {  	[sflag:s26] =	ssyncadd.s32 $0xFFFFFC00  }
0x31b: {  	_ =	swait.ge [sflag:s26], $0x400  }
0x31c: {  	[sflag:s26] =	ssyncset.done $0x0  }
0x31d: {  	[sflag:s26] =	ssyncadd.s32 $0xFFFFFC00  }
0x31e: {  	_ =	swait.ge [sflag:s26], $0x400  }
0x31f: {  	[sflag:s26] =	ssyncset.done $0x0  }
0x320: {  	[sflag:s26] =	ssyncadd.s32 $0xFFFFFC00  }
0x321: {  	_ =	swait.ge [sflag:s26], $0x400  }
0x322: {  	[sflag:s26] =	ssyncset.done $0x0  }
0x323: {  	[sflag:s26] =	ssyncadd.s32 $0xFFFFFC00  }
0x324: {  	_ =	swait.ge [sflag:s26], $0x400  }
0x325: {  	[sflag:s26] =	ssyncset.done $0x0  }
0x326: {  	[sflag:s26] =	ssyncadd.s32 $0xFFFFFC00  }
0x327: {  	_ =	swait.ge [sflag:s26], $0x400  }
0x328: {  	[sflag:s26] =	ssyncset.done $0x0  }
0x329: {  	v57 =	vmov s18;
	s10 =	simm.s32 $0x1;
	[sflag:s26] =	ssyncadd.s32 $0xFFFFFC00  }
0x32a: {  	v33 =	vshrl.u32 v57, $0x3;
	s12 =	simm.s32 $0x2;
	v58 =	vmov s10;
	s16 =	simm.s32 $0x7;
	_ =	swait.ge [sflag:s26], $0x400  }
0x32b: {  	v59 =	vmov s12;
	s13 =	simm.s32 $0x3;
	v34 =	vshrl.u32 v58, $0x3;
	v62 =	vmov s16;
	[sflag:s26] =	ssyncset.done $0x0  }
0x32c: {  	s15 =	simm.s32 $0x4;
	v35 =	vshrl.u32 v59, $0x3;
	v60 =	vmov s13;
	v38 =	vshrl.u32 v62, $0x3;
	[sflag:s26] =	ssyncadd.s32 $0xFFFFFC00  }
0x32d: {  	v61 =	vmov s15;
	v34 =	vshll.u32 v34, v1;
	v38 =	vshll.u32 v38, v1;
	_ =	swait.ge [sflag:s26], $0x400  }
0x32e: {  	v56 =	vshll.u32 v35, v1;
	v36 =	vshrl.u32 v60, $0x3;
	s18 =	simm.s32 $0x6;
	v38 =	vbroadcast v38, $0x0;
	[sflag:s26] =	ssyncset.done $0x0  }
0x32f: {  	s17 =	simm.s32 $0x5;
	v37 =	vshrl.u32 v61, $0x3;
	v48 =	vbroadcast v34, $0x0;
	v40 =	vmov s18;
	s18 =	simm.s32 $0x3A00;
	[sflag:s26] =	ssyncadd.s32 $0xFFFFFC00  }
0x330: {  	v54 =	vbroadcast v56, $0x0;
	v63 =	vmov s17;
	v42 =	vadd.s32 v29, v38;
	v41 =	vld [tilespmem:s18+$0xC0]  }
0x331: {  	v57 =	vshll.u32 v36, v1;
	v59 =	vshll.u32 v37, v1;
	v58 =	vadd.s32 v5, v48;
	v45 =	vld [tilespmem:s18+$0xFFFFFF40]  }
0x332: {  	v35 =	vbroadcast v57, $0x0;
	v61 =	vadd.s32 v9, v54;
	v62 =	vshrl.u32 v63, $0x3;
	v60 =	vld [tilespmem:s18+$0xFFFFFF80]  }
0x333: {  	v34 =	vbroadcast v59, $0x0;
	v36 =	vshll.u32 v62, v1;
	v40 =	vshrl.u32 v40, $0x3  }
0x334: {  	v63 =	vadd.s32 v13, v35;
	v37 =	vbroadcast v36, $0x0;
	v56 =	vshll.u32 v40, v1;
	v39 =	vld [tilespmem:s18+$0xFFFFFFC0]  }
0x335: {  	v52 =	vadd.s32 v17, v34;
	v36 =	vbroadcast v56, $0x0;
	v51 =	vld [tilespmem:s18+$0x0];
	[tilespmem:v42+s23+$0x0] =	vst.idx.msk $0xffff, v41  }
0x336: {  	v59 =	vadd.s32 v21, v37;
	[tilespmem:v58+s23+$0x0] =	vst.idx.msk $0xffff, v45;
	v58 =	vld [tilespmem:s18+$0x40]  }
0x337: {  	v33 =	vshll.u32 v33, v1;
	[tilespmem:v61+s23+$0x0] =	vst.idx.msk $0xffff, v60;
	v60 =	vld [tilespmem:s18+$0x80];
	v61 =	vadd.s32 v25, v36  }
0x338: {  	v33 =	vbroadcast v33, $0x0;
	v57 =	vadd.s32 v30, v38;
	v40 =	vld [tilespmem:s18+$0xD0]  }
0x339: {  	v55 =	vadd.s32 v10, v54;
	[tilespmem:v63+s23+$0x0] =	vst.idx.msk $0xffff, v39;
	v63 =	vld [tilespmem:s18+$0xFFFFFF90]  }
0x33a: {  	v44 =	vadd.s32 v0, v33;
	v43 =	vld [tilespmem:s18+$0xFFFFFF00];
	[tilespmem:v52+s23+$0x0] =	vst.idx.msk $0xffff, v51  }
0x33b: {  	v62 =	vadd.s32 v6, v48;
	v46 =	vld [tilespmem:s18+$0xFFFFFF50];
	[tilespmem:v59+s23+$0x0] =	vst.idx.msk $0xffff, v58  }
0x33c: {  	v56 =	vadd.s32 v14, v35;
	v50 =	vld [tilespmem:s18+$0xFFFFFFD0];
	[tilespmem:v61+s23+$0x0] =	vst.idx.msk $0xffff, v60  }
0x33d: {  	v58 =	vld [tilespmem:s18+$0x10];
	v59 =	vadd.s32 v18, v34;
	[tilespmem:v57+s23+$0x0] =	vst.idx.msk $0xffff, v40  }
0x33e: {  	v60 =	vadd.s32 v26, v36;
	[tilespmem:v55+s23+$0x0] =	vst.idx.msk $0xffff, v63;
	v63 =	vld [tilespmem:s18+$0x90]  }
0x33f: {  	[tilespmem:v44+s23+$0x0] =	vst.idx.msk $0xffff, v43;
	v57 =	vadd.s32 v31, v38;
	v40 =	vld [tilespmem:s18+$0xE0]  }
0x340: {  	v45 =	vadd.s32 v22, v37;
	[tilespmem:v62+s23+$0x0] =	vst.idx.msk $0xffff, v46;
	v44 =	vld [tilespmem:s18+$0x50]  }
0x341: {  	v61 =	vld [tilespmem:s18+$0xFFFFFF10];
	v62 =	vadd.s32 v2, v33;
	[tilespmem:v56+s23+$0x0] =	vst.idx.msk $0xffff, v50  }
0x342: {  	v51 =	vadd.s32 v7, v48;
	v50 =	vld [tilespmem:s18+$0xFFFFFF60];
	[tilespmem:v59+s23+$0x0] =	vst.idx.msk $0xffff, v58  }
0x343: {  	v56 =	vadd.s32 v11, v54;
	v55 =	vld [tilespmem:s18+$0xFFFFFFA0];
	[tilespmem:v60+s23+$0x0] =	vst.idx.msk $0xffff, v63  }
0x344: {  	v59 =	vld [tilespmem:s18+$0x20];
	v60 =	vadd.s32 v19, v34;
	[tilespmem:v57+s23+$0x0] =	vst.idx.msk $0xffff, v40  }
0x345: {  	s7 =	simm.s32 $0x9;
	v38 =	vadd.s32 v32, v38;
	[tilespmem:v45+s23+$0x0] =	vst.idx.msk $0xffff, v44;
	v52 =	vld [tilespmem:s18+$0xF0]  }
0x346: {  	v49 =	vmov s7;
	s7 =	sadd.s32 s2, s5;
	v58 =	vadd.s32 v15, v35;
	v57 =	vld [tilespmem:s18+$0xFFFFFFE0];
	s19 =	rddreg [dreg:$0x1b];
	[tilespmem:v62+s23+$0x0] =	vst.idx.msk $0xffff, v61  }
0x347: {  	s0 =	sadd.s32 s2, s24;
	s12 =	sadd.s32 s2, s29;
	s15 =	simm.s32 $0xA;
	v41 =	vadd.s32 v23, v37;
	v40 =	vld [tilespmem:s18+$0x60];
	[tilespmem:v51+s23+$0x0] =	vst.idx.msk $0xffff, v50  }
0x348: {  	s10 =	sadd.s32 s2, s1;
	v53 =	vmov s15;
	s17 =	simm.s32 $0xB;
	s22 =	simm.s32 $0x8;
	v43 =	vadd.s32 v27, v36;
	v46 =	vadd.s32 v3, v33;
	v42 =	vld [tilespmem:s18+$0xA0];
	[tilespmem:v56+s23+$0x0] =	vst.idx.msk $0xffff, v55  }
0x349: {  	s13 =	sadd.s32 s2, s28;
	s15 =	sadd.s32 s2, s14;
	v54 =	vadd.s32 v12, v54;
	v63 =	vmov s22;
	v44 =	vmov s17;
	s22 =	simm.s32 $0xD;
	v45 =	vld [tilespmem:s18+$0xFFFFFF20];
	[tilespmem:v60+s23+$0x0] =	vst.idx.msk $0xffff, v59  }
0x34a: {  	v39 =	vshrl.u32 v63, $0x3;
	s16 =	sadd.s32 s2, s19;
	s19 =	simm.s32 $0xC;
	v50 =	vld [tilespmem:s18+$0xFFFFFF70];
	[tilespmem:v38+s23+$0x0] =	vst.idx.msk $0xffff, v52;
	v38 =	vmov s22;
	s22 =	simm.s32 $0xE;
	v52 =	vadd.s32 v8, v48  }
0x34b: {  	s17 =	sadd.s32 s2, s25;
	s2 =	simm.s32 $0x10;
	v51 =	vld [tilespmem:s18+$0xFFFFFFB0];
	v47 =	vmov s19;
	s19 =	simm.s32 $0xF;
	[tilespmem:v58+s23+$0x0] =	vst.idx.msk $0xffff, v57;
	v48 =	vshll.u32 v39, v1;
	v39 =	vmov s22  }
.LBB2_9:
0x34c: {  	p0 =	slt.u32 s2, $0x78;
	v49 =	vshrl.u32 v49, $0x3;
	v55 =	vmov s19;
	v56 =	vld [tilespmem:s18+$0xFFFFFFF0];
	v35 =	vadd.s32 v16, v35;
	[tilespmem:v41+s23+$0x0] =	vst.idx.msk $0xffff, v40  }
0x34d: {  	v40 =	vshrl.u32 v53, $0x3;
	v34 =	vadd.s32 v20, v34;
	v41 =	vshrl.u32 v55, $0x3;
	v53 =	vld [tilespmem:s18+$0x30];
	[tilespmem:v43+s23+$0x0] =	vst.idx.msk $0xffff, v42  }
0x34e: {  	v37 =	vadd.s32 v24, v37;
	v42 =	vshrl.u32 v44, $0x3;
	v41 =	vshll.u32 v41, v1;
	[tilespmem:v46+s23+$0x0] =	vst.idx.msk $0xffff, v45;
	v43 =	vld [tilespmem:s18+$0x70]  }
0x34f: {  	v36 =	vadd.s32 v28, v36;
	v44 =	vshrl.u32 v47, $0x3;
	v41 =	vbroadcast v41, $0x0;
	[tilespmem:v52+s23+$0x0] =	vst.idx.msk $0xffff, v50;
	v45 =	vld [tilespmem:s18+$0xB0]  }
0x350: {  	v46 =	vshll.u32 v49, v1;
	v49 =	vadd.s32 v4, v33;
	v33 =	vbroadcast v48, $0x0;
	v47 =	vld [tilespmem:s18+$0xFFFFFF30];
	[tilespmem:v54+s23+$0x0] =	vst.idx.msk $0xffff, v51;
	s18 =	sadd.s32 $0x200, s18  }
0x351: {  	v40 =	vshll.u32 v40, v1;
	v48 =	vbroadcast v46, $0x0;
	v46 =	vld [tilespmem:s18+$0xC0];
	v50 =	vadd.s32 v29, v41;
	[tilespmem:v35+s23+$0x0] =	vst.idx.msk $0xffff, v56  }
0x352: {  	v52 =	vadd.s32 v0, v33;
	v54 =	vbroadcast v40, $0x0;
	v35 =	vshll.u32 v42, v1;
	v51 =	vld [tilespmem:s18+$0xFFFFFF00];
	[tilespmem:v34+s23+$0x0] =	vst.idx.msk $0xffff, v53  }
0x353: {  	v42 =	vadd.s32 v5, v48;
	v35 =	vbroadcast v35, $0x0;
	v34 =	vshll.u32 v44, v1;
	v40 =	vld [tilespmem:s18+$0xFFFFFF40];
	[tilespmem:v37+s23+$0x0] =	vst.idx.msk $0xffff, v43  }
0x354: {  	v44 =	vadd.s32 v9, v54;
	v34 =	vbroadcast v34, $0x0;
	v37 =	vshrl.u32 v38, $0x3;
	v43 =	vld [tilespmem:s18+$0xFFFFFF80];
	[tilespmem:v36+s23+$0x0] =	vst.idx.msk $0xffff, v45  }
0x355: {  	v39 =	vshrl.u32 v39, $0x3;
	v45 =	vadd.s32 v13, v35;
	v36 =	vshll.u32 v37, v1;
	v38 =	vld [tilespmem:s18+$0xFFFFFFC0];
	[tilespmem:v49+s23+$0x0] =	vst.idx.msk $0xffff, v47  }
0x356: {  	v49 =	vadd.s32 v17, v34;
	v37 =	vbroadcast v36, $0x0;
	v36 =	vshll.u32 v39, v1;
	v47 =	vld [tilespmem:s18+$0x0];
	[tilespmem:v50+s23+$0x0] =	vst.idx.msk $0xffff, v46  }
0x357: {  	v36 =	vbroadcast v36, $0x0;
	v46 =	vadd.s32 v30, v41;
	[tilespmem:v52+s23+$0x0] =	vst.idx.msk $0xffff, v51;
	v39 =	vld [tilespmem:s18+$0xD0]  }
0x358: {  	[tilespmem:v42+s23+$0x0] =	vst.idx.msk $0xffff, v40;
	v40 =	vld [tilespmem:s18+$0x40];
	v42 =	vadd.s32 v21, v37  }
0x359: {  	[tilespmem:v44+s23+$0x0] =	vst.idx.msk $0xffff, v43;
	v43 =	vld [tilespmem:s18+$0x80];
	v44 =	vadd.s32 v25, v36  }
0x35a: {  	v51 =	vadd.s32 v6, v48;
	v50 =	vld [tilespmem:s18+$0xFFFFFF50];
	[tilespmem:v45+s23+$0x0] =	vst.idx.msk $0xffff, v38  }
0x35b: {  	v45 =	vadd.s32 v10, v54;
	v38 =	vld [tilespmem:s18+$0xFFFFFF90];
	[tilespmem:v49+s23+$0x0] =	vst.idx.msk $0xffff, v47  }
0x35c: {  	v49 =	vadd.s32 v14, v35;
	v47 =	vld [tilespmem:s18+$0xFFFFFFD0];
	[tilespmem:v46+s23+$0x0] =	vst.idx.msk $0xffff, v39  }
0x35d: {  	[tilespmem:v42+s23+$0x0] =	vst.idx.msk $0xffff, v40;
	v39 =	vld [tilespmem:s18+$0xE0];
	v40 =	vadd.s32 v31, v41  }
0x35e: {  	v46 =	vadd.s32 v18, v34;
	v42 =	vld [tilespmem:s18+$0x10];
	[tilespmem:v44+s23+$0x0] =	vst.idx.msk $0xffff, v43  }
0x35f: {  	v44 =	vadd.s32 v22, v37;
	[tilespmem:v51+s23+$0x0] =	vst.idx.msk $0xffff, v50;
	v43 =	vld [tilespmem:s18+$0x50]  }
0x360: {  	[tilespmem:v45+s23+$0x0] =	vst.idx.msk $0xffff, v38;
	v38 =	vld [tilespmem:s18+$0x90];
	v45 =	vadd.s32 v26, v36  }
0x361: {  	v51 =	vadd.s32 v2, v33;
	v50 =	vld [tilespmem:s18+$0xFFFFFF10];
	[tilespmem:v49+s23+$0x0] =	vst.idx.msk $0xffff, v47  }
0x362: {  	v49 =	vadd.s32 v7, v48;
	v47 =	vld [tilespmem:s18+$0xFFFFFF60];
	[tilespmem:v40+s23+$0x0] =	vst.idx.msk $0xffff, v39  }
0x363: {  	[tilespmem:v46+s23+$0x0] =	vst.idx.msk $0xffff, v42;
	v39 =	vld [tilespmem:s18+$0xF0];
	v46 =	vadd.s32 v32, v41  }
0x364: {  	v55 =	vadd.s32 v11, v54;
	v52 =	vld [tilespmem:s18+$0xFFFFFFA0];
	[tilespmem:v44+s23+$0x0] =	vst.idx.msk $0xffff, v43  }
0x365: {  	v57 =	vadd.s32 v15, v35;
	v56 =	vld [tilespmem:s18+$0xFFFFFFE0];
	[tilespmem:v45+s23+$0x0] =	vst.idx.msk $0xffff, v38  }
0x366: {  	v59 =	vadd.s32 v19, v34;
	[tilespmem:v51+s23+$0x0] =	vst.idx.msk $0xffff, v50;
	v58 =	vld [tilespmem:s18+$0x20]  }
.Ltmp3:
0x367: {  	s19 =	sadd.s32 $0x1, s2;
	v41 =	vadd.s32 v23, v37;
	v38 =	vmov s2;
	[tilespmem:v49+s23+$0x0] =	vst.idx.msk $0xffff, v47;
	v40 =	vld [tilespmem:s18+$0x60];
	(pc) =	sbr.rel @p0 .LBB2_9-.Ltmp3, $4  }
0x368: {  	s22 =	sadd.s32 $0x3, s2;
	v43 =	vadd.s32 v27, v36;
	v51 =	vshrl.u32 v38, $0x3;
	v49 =	vmov s19;
	s19 =	sadd.s32 $0x2, s2;
	v42 =	vld [tilespmem:s18+$0xA0];
	[tilespmem:v46+s23+$0x0] =	vst.idx.msk $0xffff, v39  }
0x369: {  	v44 =	vmov s22;
	s22 =	sadd.s32 $0x5, s2;
	v53 =	vmov s19;
	s19 =	sadd.s32 $0x4, s2;
	v46 =	vadd.s32 v3, v33;
	v45 =	vld [tilespmem:s18+$0xFFFFFF20];
	[tilespmem:v55+s23+$0x0] =	vst.idx.msk $0xffff, v52  }
0x36a: {  	v38 =	vmov s22;
	v47 =	vmov s19;
	s19 =	sadd.s32 $0x6, s2;
	v52 =	vadd.s32 v8, v48;
	v50 =	vld [tilespmem:s18+$0xFFFFFF70];
	[tilespmem:v57+s23+$0x0] =	vst.idx.msk $0xffff, v56  }
0x36b: {  	v54 =	vadd.s32 v12, v54;
	v48 =	vshll.u32 v51, v1;
	v39 =	vmov s19;
	s19 =	sadd.s32 $0x7, s2;
	s2 =	sadd.s32 $0x8, s2;
	v51 =	vld [tilespmem:s18+$0xFFFFFFB0];
	[tilespmem:v59+s23+$0x0] =	vst.idx.msk $0xffff, v58  }
0x36c: {  	_ =	sdelay $0x2  }
0x36d: {  	v55 =	vmov s19  }
0x36e: {  	v49 =	vshrl.u32 v49, $0x3;
	v56 =	vld [tilespmem:s18+$0xFFFFFFF0];
	v35 =	vadd.s32 v16, v35;
	[tilespmem:v41+s23+$0x0] =	vst.idx.msk $0xffff, v40;
	v40 =	vshrl.u32 v53, $0x3  }
0x36f: {  	v57 =	vld [tilespmem:s18+$0x30];
	v34 =	vadd.s32 v20, v34;
	v58 =	vshrl.u32 v44, $0x3;
	v63 =	vshrl.u32 v55, $0x3;
	[tilespmem:v43+s23+$0x0] =	vst.idx.msk $0xffff, v42  }
0x370: {  	v37 =	vadd.s32 v24, v37;
	v60 =	vshrl.u32 v47, $0x3;
	v59 =	vld [tilespmem:s18+$0x70];
	v41 =	vshll.u32 v63, v1;
	[tilespmem:v46+s23+$0x0] =	vst.idx.msk $0xffff, v45  }
0x371: {  	v36 =	vadd.s32 v28, v36;
	v33 =	vadd.s32 v4, v33;
	v61 =	vld [tilespmem:s18+$0xB0];
	v41 =	vbroadcast v41, $0x0;
	[tilespmem:v52+s23+$0x0] =	vst.idx.msk $0xffff, v50  }
0x372: {  	s2 =	sadd.s32 $0x200, s18;
	v38 =	vshrl.u32 v38, $0x3;
	v62 =	vshll.u32 v49, v1;
	v46 =	vbroadcast v48, $0x0;
	v63 =	vld [tilespmem:s18+$0xFFFFFF30];
	[tilespmem:v54+s23+$0x0] =	vst.idx.msk $0xffff, v51  }
0x373: {  	v40 =	vshll.u32 v40, v1;
	v49 =	vld [tilespmem:s2+$0xC0];
	v47 =	vbroadcast v62, $0x0;
	v50 =	vadd.s32 v29, v41;
	[tilespmem:v35+s23+$0x0] =	vst.idx.msk $0xffff, v56  }
0x374: {  	v42 =	vshll.u32 v58, v1;
	v40 =	vbroadcast v40, $0x0;
	v35 =	vld [tilespmem:s2+$0xFFFFFF00];
	v56 =	vadd.s32 v0, v46;
	[tilespmem:v34+s23+$0x0] =	vst.idx.msk $0xffff, v57  }
0x375: {  	v44 =	vshll.u32 v60, v1;
	v42 =	vbroadcast v42, $0x0;
	v58 =	vadd.s32 v5, v47;
	v57 =	vld [tilespmem:s2+$0xFFFFFF40];
	[tilespmem:v37+s23+$0x0] =	vst.idx.msk $0xffff, v59  }
0x376: {  	v38 =	vshll.u32 v38, v1;
	v44 =	vbroadcast v44, $0x0;
	v60 =	vadd.s32 v9, v40;
	v59 =	vld [tilespmem:s2+$0xFFFFFF80];
	[tilespmem:v36+s23+$0x0] =	vst.idx.msk $0xffff, v61  }
0x377: {  	v38 =	vbroadcast v38, $0x0;
	v62 =	vadd.s32 v13, v42;
	v61 =	vld [tilespmem:s2+$0xFFFFFFC0];
	[tilespmem:v33+s23+$0x0] =	vst.idx.msk $0xffff, v63  }
0x378: {  	v39 =	vshrl.u32 v39, $0x3;
	v33 =	vld [tilespmem:s2+$0x0];
	v63 =	vadd.s32 v17, v44;
	[tilespmem:v50+s23+$0x0] =	vst.idx.msk $0xffff, v49  }
0x379: {  	v39 =	vshll.u32 v39, v1;
	v34 =	vld [tilespmem:s2+$0x40];
	[tilespmem:v56+s23+$0x0] =	vst.idx.msk $0xffff, v35;
	v56 =	vadd.s32 v21, v38  }
0x37a: {  	v35 =	vbroadcast v39, $0x0;
	v49 =	vadd.s32 v30, v41;
	[tilespmem:v58+s23+$0x0] =	vst.idx.msk $0xffff, v57;
	v39 =	vld [tilespmem:s2+$0xD0]  }
0x37b: {  	[tilespmem:v60+s23+$0x0] =	vst.idx.msk $0xffff, v59;
	v59 =	vld [tilespmem:s2+$0xFFFFFF50];
	v60 =	vadd.s32 v6, v47  }
0x37c: {  	v57 =	vld [tilespmem:s2+$0x80];
	v58 =	vadd.s32 v25, v35;
	[tilespmem:v62+s23+$0x0] =	vst.idx.msk $0xffff, v61  }
0x37d: {  	v61 =	vld [tilespmem:s2+$0xFFFFFF90];
	v62 =	vadd.s32 v10, v40;
	[tilespmem:v63+s23+$0x0] =	vst.idx.msk $0xffff, v33  }
0x37e: {  	v33 =	vld [tilespmem:s2+$0xFFFFFFD0];
	v63 =	vadd.s32 v14, v42;
	[tilespmem:v56+s23+$0x0] =	vst.idx.msk $0xffff, v34  }
0x37f: {  	v56 =	vadd.s32 v18, v44;
	[tilespmem:v49+s23+$0x0] =	vst.idx.msk $0xffff, v39;
	v49 =	vld [tilespmem:s2+$0x10]  }
0x380: {  	v39 =	vadd.s32 v31, v41;
	[tilespmem:v60+s23+$0x0] =	vst.idx.msk $0xffff, v59;
	v34 =	vld [tilespmem:s2+$0xE0]  }
0x381: {  	[tilespmem:v58+s23+$0x0] =	vst.idx.msk $0xffff, v57;
	v57 =	vld [tilespmem:s2+$0x50];
	v58 =	vadd.s32 v22, v38  }
0x382: {  	[tilespmem:v62+s23+$0x0] =	vst.idx.msk $0xffff, v61;
	v61 =	vld [tilespmem:s2+$0xFFFFFF10];
	v62 =	vadd.s32 v2, v46  }
0x383: {  	v60 =	vadd.s32 v26, v35;
	v59 =	vld [tilespmem:s2+$0x90];
	[tilespmem:v63+s23+$0x0] =	vst.idx.msk $0xffff, v33  }
0x384: {  	v53 =	vadd.s32 v7, v47;
	v63 =	vld [tilespmem:s2+$0xFFFFFF60];
	[tilespmem:v56+s23+$0x0] =	vst.idx.msk $0xffff, v49  }
0x385: {  	v55 =	vadd.s32 v11, v40;
	v54 =	vadd.s32 v32, v41;
	v41 =	vld [tilespmem:s2+$0xFFFFFFA0];
	[tilespmem:v39+s23+$0x0] =	vst.idx.msk $0xffff, v34  }
0x386: {  	v56 =	vld [tilespmem:s2+$0xFFFFFFE0];
	[tilespmem:v58+s23+$0x0] =	vst.idx.msk $0xffff, v57;
	v57 =	vadd.s32 v15, v42  }
0x387: {  	[tilespmem:v62+s23+$0x0] =	vst.idx.msk $0xffff, v61;
	v34 =	vld [tilespmem:s2+$0xF0]  }
0x388: {  	v58 =	vld [tilespmem:s2+$0x20];
	[tilespmem:v60+s23+$0x0] =	vst.idx.msk $0xffff, v59;
	v59 =	vadd.s32 v19, v44  }
0x389: {  	v61 =	vadd.s32 v23, v38;
	[tilespmem:v53+s23+$0x0] =	vst.idx.msk $0xffff, v63;
	v60 =	vld [tilespmem:s2+$0x60]  }
0x38a: {  	v63 =	vadd.s32 v27, v35;
	[tilespmem:v55+s23+$0x0] =	vst.idx.msk $0xffff, v41;
	v62 =	vld [tilespmem:s2+$0xA0]  }
0x38b: {  	v47 =	vadd.s32 v8, v47;
	v55 =	vld [tilespmem:s2+$0xFFFFFF70];
	[tilespmem:v57+s23+$0x0] =	vst.idx.msk $0xffff, v56  }
0x38c: {  	v53 =	vld [tilespmem:s2+$0xFFFFFF20];
	[tilespmem:v54+s23+$0x0] =	vst.idx.msk $0xffff, v34;
	v54 =	vadd.s32 v3, v46  }
0x38d: {  	v40 =	vadd.s32 v12, v40;
	v56 =	vld [tilespmem:s2+$0xFFFFFFB0];
	[tilespmem:v59+s23+$0x0] =	vst.idx.msk $0xffff, v58  }
0x38e: {  	v42 =	vadd.s32 v16, v42;
	v57 =	vld [tilespmem:s2+$0xFFFFFFF0];
	[tilespmem:v61+s23+$0x0] =	vst.idx.msk $0xffff, v60  }
0x38f: {  	v59 =	vadd.s32 v20, v44;
	v58 =	vld [tilespmem:s2+$0x30];
	[tilespmem:v63+s23+$0x0] =	vst.idx.msk $0xffff, v62  }
0x390: {  	v38 =	vadd.s32 v24, v38;
	v60 =	vld [tilespmem:s2+$0x70];
	[tilespmem:v47+s23+$0x0] =	vst.idx.msk $0xffff, v55  }
0x391: {  	v35 =	vadd.s32 v28, v35;
	v61 =	vld [tilespmem:s2+$0xB0];
	[tilespmem:v54+s23+$0x0] =	vst.idx.msk $0xffff, v53  }
0x392: {  	v63 =	vadd.s32 v4, v46;
	[tilespmem:v40+s23+$0x0] =	vst.idx.msk $0xffff, v56;
	v62 =	vld [tilespmem:s2+$0xFFFFFF30]  }
0x393: {  	[tilespmem:v42+s23+$0x0] =	vst.idx.msk $0xffff, v57  }
0x394: {  	[tilespmem:v59+s23+$0x0] =	vst.idx.msk $0xffff, v58  }
0x395: {  	[tilespmem:v38+s23+$0x0] =	vst.idx.msk $0xffff, v60  }
0x396: {  	[tilespmem:v35+s23+$0x0] =	vst.idx.msk $0xffff, v61  }
0x397: {  	s19 =	simm.s32 $0x3900;
	s18 =	sadd.s32 $0x180, s31;
	[tilespmem:v63+s23+$0x0] =	vst.idx.msk $0xffff, v62  }
0x398: {  	[tilespmem:s19], [sflag:$0x2] =	stream.indirect.gather [hbm4b:s4+s30], $0x40, s18, s30, $0xb8;
	[tilespmem:$0x9D00] =	vst v63  }
0x399: {  	_ = 	snop  }
0x39a: {  	[hbm4b:s16+s3] =	stream.linear.scatter [tilespmem:s23], [sflag:$0x4], $0x80, $0x38;
	[tilespmem:$0x9D00] =	vst v63  }
0x39b: {  	s22 =	sadd.s32 $0x10, s16;
	s31 =	simm.s32 $0x7B88  }
0x39c: {  	[hbm4b:s22+s3] =	stream.linear.scatter [tilespmem:s31], [sflag:$0x4], $0x80, $0x38;
	[tilespmem:$0x9D00] =	vst v63  }
0x39d: {  	s18 =	sadd.s32 $0x20, s16;
	s19 =	simm.s32 $0x7C10  }
0x39e: {  	[hbm4b:s18+s3] =	stream.linear.scatter [tilespmem:s19], [sflag:$0x4], $0x80, $0x38;
	[tilespmem:$0x9D00] =	vst v63  }
0x39f: {  	s22 =	sadd.s32 $0x30, s16;
	s31 =	simm.s32 $0x7C98  }
0x3a0: {  	[hbm4b:s22+s3] =	stream.linear.scatter [tilespmem:s31], [sflag:$0x4], $0x80, $0x38;
	[tilespmem:$0x9D00] =	vst v63  }
0x3a1: {  	s18 =	sadd.s32 $0x40, s16;
	s19 =	simm.s32 $0x7D20  }
0x3a2: {  	[hbm4b:s18+s3] =	stream.linear.scatter [tilespmem:s19], [sflag:$0x4], $0x80, $0x38;
	[tilespmem:$0x9D00] =	vst v63  }
0x3a3: {  	s22 =	sadd.s32 $0x50, s16;
	s31 =	simm.s32 $0x7DA8  }
0x3a4: {  	[hbm4b:s22+s3] =	stream.linear.scatter [tilespmem:s31], [sflag:$0x4], $0x80, $0x38;
	[tilespmem:$0x9D00] =	vst v63  }
0x3a5: {  	s18 =	sadd.s32 $0x60, s16;
	s19 =	simm.s32 $0x7E30  }
0x3a6: {  	[hbm4b:s18+s3] =	stream.linear.scatter [tilespmem:s19], [sflag:$0x4], $0x80, $0x38;
	[tilespmem:$0x9D00] =	vst v63  }
0x3a7: {  	s22 =	sadd.s32 $0x70, s16;
	s31 =	simm.s32 $0x7EB8  }
0x3a8: {  	[hbm4b:s22+s3] =	stream.linear.scatter [tilespmem:s31], [sflag:$0x4], $0x80, $0x38;
	[tilespmem:$0x9D00] =	vst v63  }
0x3a9: {  	s16 =	simm.s32 $0x7F40  }
0x3aa: {  	[hbm4b:s13+s3] =	stream.linear.scatter [tilespmem:s16], [sflag:$0x4], $0x80, $0x38;
	[tilespmem:$0x9D00] =	vst v63  }
0x3ab: {  	s18 =	sadd.s32 $0x10, s13;
	s19 =	simm.s32 $0x7FC8  }
0x3ac: {  	[hbm4b:s18+s3] =	stream.linear.scatter [tilespmem:s19], [sflag:$0x4], $0x80, $0x38;
	[tilespmem:$0x9D00] =	vst v63  }
0x3ad: {  	s22 =	sadd.s32 $0x20, s13;
	s31 =	simm.s32 $0x8050  }
0x3ae: {  	[hbm4b:s22+s3] =	stream.linear.scatter [tilespmem:s31], [sflag:$0x4], $0x80, $0x38;
	[tilespmem:$0x9D00] =	vst v63  }
0x3af: {  	s18 =	sadd.s32 $0x30, s13;
	s19 =	simm.s32 $0x80D8  }
0x3b0: {  	[hbm4b:s18+s3] =	stream.linear.scatter [tilespmem:s19], [sflag:$0x4], $0x80, $0x38;
	[tilespmem:$0x9D00] =	vst v63  }
0x3b1: {  	s22 =	sadd.s32 $0x40, s13;
	s31 =	simm.s32 $0x8160  }
0x3b2: {  	[hbm4b:s22+s3] =	stream.linear.scatter [tilespmem:s31], [sflag:$0x4], $0x80, $0x38;
	[tilespmem:$0x9D00] =	vst v63  }
0x3b3: {  	s18 =	sadd.s32 $0x50, s13;
	s19 =	simm.s32 $0x81E8  }
0x3b4: {  	[hbm4b:s18+s3] =	stream.linear.scatter [tilespmem:s19], [sflag:$0x4], $0x80, $0x38;
	[tilespmem:$0x9D00] =	vst v63  }
0x3b5: {  	s22 =	sadd.s32 $0x60, s13;
	s31 =	simm.s32 $0x8270  }
0x3b6: {  	[hbm4b:s22+s3] =	stream.linear.scatter [tilespmem:s31], [sflag:$0x4], $0x80, $0x38;
	[tilespmem:$0x9D00] =	vst v63  }
0x3b7: {  	s16 =	sadd.s32 $0x70, s13;
	s18 =	simm.s32 $0x82F8  }
0x3b8: {  	[hbm4b:s16+s3] =	stream.linear.scatter [tilespmem:s18], [sflag:$0x4], $0x80, $0x38;
	[tilespmem:$0x9D00] =	vst v63  }
0x3b9: {  	s19 =	simm.s32 $0x8380  }
0x3ba: {  	[hbm4b:s12+s3] =	stream.linear.scatter [tilespmem:s19], [sflag:$0x4], $0x80, $0x38;
	[tilespmem:$0x9D00] =	vst v63  }
0x3bb: {  	s22 =	sadd.s32 $0x10, s12;
	s31 =	simm.s32 $0x8408  }
0x3bc: {  	[hbm4b:s22+s3] =	stream.linear.scatter [tilespmem:s31], [sflag:$0x4], $0x80, $0x38;
	[tilespmem:$0x9D00] =	vst v63  }
0x3bd: {  	s13 =	sadd.s32 $0x20, s12;
	s16 =	simm.s32 $0x8490  }
0x3be: {  	[hbm4b:s13+s3] =	stream.linear.scatter [tilespmem:s16], [sflag:$0x4], $0x80, $0x38;
	[tilespmem:$0x9D00] =	vst v63  }
0x3bf: {  	s18 =	sadd.s32 $0x30, s12;
	s19 =	simm.s32 $0x8518  }
0x3c0: {  	[hbm4b:s18+s3] =	stream.linear.scatter [tilespmem:s19], [sflag:$0x4], $0x80, $0x38;
	[tilespmem:$0x9D00] =	vst v63  }
0x3c1: {  	s22 =	sadd.s32 $0x40, s12;
	s31 =	simm.s32 $0x85A0  }
0x3c2: {  	[hbm4b:s22+s3] =	stream.linear.scatter [tilespmem:s31], [sflag:$0x4], $0x80, $0x38;
	[tilespmem:$0x9D00] =	vst v63  }
0x3c3: {  	s13 =	sadd.s32 $0x50, s12;
	s16 =	simm.s32 $0x8628  }
0x3c4: {  	[hbm4b:s13+s3] =	stream.linear.scatter [tilespmem:s16], [sflag:$0x4], $0x80, $0x38;
	[tilespmem:$0x9D00] =	vst v63  }
0x3c5: {  	s18 =	sadd.s32 $0x60, s12;
	s19 =	simm.s32 $0x86B0  }
0x3c6: {  	[hbm4b:s18+s3] =	stream.linear.scatter [tilespmem:s19], [sflag:$0x4], $0x80, $0x38;
	[tilespmem:$0x9D00] =	vst v63  }
0x3c7: {  	s22 =	sadd.s32 $0x70, s12;
	s31 =	simm.s32 $0x8738  }
0x3c8: {  	[hbm4b:s22+s3] =	stream.linear.scatter [tilespmem:s31], [sflag:$0x4], $0x80, $0x38;
	[tilespmem:$0x9D00] =	vst v63  }
0x3c9: {  	s12 =	simm.s32 $0x87C0  }
0x3ca: {  	[hbm4b:s10+s3] =	stream.linear.scatter [tilespmem:s12], [sflag:$0x4], $0x80, $0x38;
	[tilespmem:$0x9D00] =	vst v63  }
0x3cb: {  	s13 =	sadd.s32 $0x10, s10;
	s16 =	simm.s32 $0x8848  }
0x3cc: {  	[hbm4b:s13+s3] =	stream.linear.scatter [tilespmem:s16], [sflag:$0x4], $0x80, $0x38;
	[tilespmem:$0x9D00] =	vst v63  }
0x3cd: {  	s18 =	sadd.s32 $0x20, s10;
	s19 =	simm.s32 $0x88D0  }
0x3ce: {  	[hbm4b:s18+s3] =	stream.linear.scatter [tilespmem:s19], [sflag:$0x4], $0x80, $0x38;
	[tilespmem:$0x9D00] =	vst v63  }
0x3cf: {  	s22 =	sadd.s32 $0x30, s10;
	s31 =	simm.s32 $0x8958  }
0x3d0: {  	[hbm4b:s22+s3] =	stream.linear.scatter [tilespmem:s31], [sflag:$0x4], $0x80, $0x38;
	[tilespmem:$0x9D00] =	vst v63  }
0x3d1: {  	s13 =	sadd.s32 $0x40, s10;
	s16 =	simm.s32 $0x89E0  }
0x3d2: {  	[hbm4b:s13+s3] =	stream.linear.scatter [tilespmem:s16], [sflag:$0x4], $0x80, $0x38;
	[tilespmem:$0x9D00] =	vst v63  }
0x3d3: {  	s18 =	sadd.s32 $0x50, s10;
	s19 =	simm.s32 $0x8A68  }
0x3d4: {  	[hbm4b:s18+s3] =	stream.linear.scatter [tilespmem:s19], [sflag:$0x4], $0x80, $0x38;
	[tilespmem:$0x9D00] =	vst v63  }
0x3d5: {  	s22 =	sadd.s32 $0x60, s10;
	s31 =	simm.s32 $0x8AF0  }
0x3d6: {  	[hbm4b:s22+s3] =	stream.linear.scatter [tilespmem:s31], [sflag:$0x4], $0x80, $0x38;
	[tilespmem:$0x9D00] =	vst v63  }
0x3d7: {  	s12 =	sadd.s32 $0x70, s10;
	s13 =	simm.s32 $0x8B78  }
0x3d8: {  	[hbm4b:s12+s3] =	stream.linear.scatter [tilespmem:s13], [sflag:$0x4], $0x80, $0x38;
	[tilespmem:$0x9D00] =	vst v63  }
0x3d9: {  	s16 =	simm.s32 $0x8C00  }
0x3da: {  	[hbm4b:s7+s3] =	stream.linear.scatter [tilespmem:s16], [sflag:$0x4], $0x80, $0x38;
	[tilespmem:$0x9D00] =	vst v63  }
0x3db: {  	s18 =	sadd.s32 $0x10, s7;
	s19 =	simm.s32 $0x8C88  }
0x3dc: {  	[hbm4b:s18+s3] =	stream.linear.scatter [tilespmem:s19], [sflag:$0x4], $0x80, $0x38;
	[tilespmem:$0x9D00] =	vst v63  }
0x3dd: {  	s22 =	sadd.s32 $0x20, s7;
	s31 =	simm.s32 $0x8D10  }
0x3de: {  	[hbm4b:s22+s3] =	stream.linear.scatter [tilespmem:s31], [sflag:$0x4], $0x80, $0x38;
	[tilespmem:$0x9D00] =	vst v63  }
0x3df: {  	s10 =	sadd.s32 $0x30, s7;
	s12 =	simm.s32 $0x8D98  }
0x3e0: {  	[hbm4b:s10+s3] =	stream.linear.scatter [tilespmem:s12], [sflag:$0x4], $0x80, $0x38;
	[tilespmem:$0x9D00] =	vst v63  }
0x3e1: {  	s13 =	sadd.s32 $0x40, s7;
	s16 =	simm.s32 $0x8E20  }
0x3e2: {  	[hbm4b:s13+s3] =	stream.linear.scatter [tilespmem:s16], [sflag:$0x4], $0x80, $0x38;
	[tilespmem:$0x9D00] =	vst v63  }
0x3e3: {  	s18 =	sadd.s32 $0x50, s7;
	s19 =	simm.s32 $0x8EA8  }
0x3e4: {  	[hbm4b:s18+s3] =	stream.linear.scatter [tilespmem:s19], [sflag:$0x4], $0x80, $0x38;
	[tilespmem:$0x9D00] =	vst v63  }
0x3e5: {  	s22 =	sadd.s32 $0x60, s7;
	s31 =	simm.s32 $0x8F30  }
0x3e6: {  	[hbm4b:s22+s3] =	stream.linear.scatter [tilespmem:s31], [sflag:$0x4], $0x80, $0x38;
	[tilespmem:$0x9D00] =	vst v63  }
0x3e7: {  	s7 =	sadd.s32 $0x70, s7;
	s10 =	simm.s32 $0x8FB8  }
0x3e8: {  	[hbm4b:s7+s3] =	stream.linear.scatter [tilespmem:s10], [sflag:$0x4], $0x80, $0x38;
	[tilespmem:$0x9D00] =	vst v63  }
0x3e9: {  	s12 =	simm.s32 $0x9040  }
0x3ea: {  	[hbm4b:s17+s3] =	stream.linear.scatter [tilespmem:s12], [sflag:$0x4], $0x80, $0x38;
	[tilespmem:$0x9D00] =	vst v63  }
0x3eb: {  	s13 =	sadd.s32 $0x10, s17;
	s16 =	simm.s32 $0x90C8  }
0x3ec: {  	[hbm4b:s13+s3] =	stream.linear.scatter [tilespmem:s16], [sflag:$0x4], $0x80, $0x38;
	[tilespmem:$0x9D00] =	vst v63  }
0x3ed: {  	s18 =	sadd.s32 $0x20, s17;
	s19 =	simm.s32 $0x9150  }
0x3ee: {  	[hbm4b:s18+s3] =	stream.linear.scatter [tilespmem:s19], [sflag:$0x4], $0x80, $0x38;
	[tilespmem:$0x9D00] =	vst v63  }
0x3ef: {  	s22 =	sadd.s32 $0x30, s17;
	s31 =	simm.s32 $0x91D8  }
0x3f0: {  	[hbm4b:s22+s3] =	stream.linear.scatter [tilespmem:s31], [sflag:$0x4], $0x80, $0x38;
	[tilespmem:$0x9D00] =	vst v63  }
0x3f1: {  	s10 =	sadd.s32 $0x40, s17;
	s12 =	simm.s32 $0x9260  }
0x3f2: {  	[hbm4b:s10+s3] =	stream.linear.scatter [tilespmem:s12], [sflag:$0x4], $0x80, $0x38;
	[tilespmem:$0x9D00] =	vst v63  }
0x3f3: {  	s13 =	sadd.s32 $0x50, s17;
	s16 =	simm.s32 $0x92E8  }
0x3f4: {  	[hbm4b:s13+s3] =	stream.linear.scatter [tilespmem:s16], [sflag:$0x4], $0x80, $0x38;
	[tilespmem:$0x9D00] =	vst v63  }
0x3f5: {  	s18 =	sadd.s32 $0x60, s17;
	s19 =	simm.s32 $0x9370  }
0x3f6: {  	[hbm4b:s18+s3] =	stream.linear.scatter [tilespmem:s19], [sflag:$0x4], $0x80, $0x38;
	[tilespmem:$0x9D00] =	vst v63  }
0x3f7: {  	s22 =	sadd.s32 $0x70, s17;
	s31 =	simm.s32 $0x93F8  }
0x3f8: {  	[hbm4b:s22+s3] =	stream.linear.scatter [tilespmem:s31], [sflag:$0x4], $0x80, $0x38;
	[tilespmem:$0x9D00] =	vst v63  }
0x3f9: {  	s10 =	simm.s32 $0x9480  }
0x3fa: {  	[hbm4b:s15+s3] =	stream.linear.scatter [tilespmem:s10], [sflag:$0x4], $0x80, $0x38;
	[tilespmem:$0x9D00] =	vst v63  }
0x3fb: {  	s12 =	sadd.s32 $0x10, s15;
	s13 =	simm.s32 $0x9508  }
0x3fc: {  	[hbm4b:s12+s3] =	stream.linear.scatter [tilespmem:s13], [sflag:$0x4], $0x80, $0x38;
	[tilespmem:$0x9D00] =	vst v63  }
0x3fd: {  	s17 =	simm.s32 $0x9590;
	s16 =	sadd.s32 $0x20, s15  }
0x3fe: {  	[hbm4b:s16+s3] =	stream.linear.scatter [tilespmem:s17], [sflag:$0x4], $0x80, $0x38;
	[tilespmem:$0x9D00] =	vst v63  }
0x3ff: {  	s18 =	sadd.s32 $0x30, s15;
	s19 =	simm.s32 $0x9618  }
0x400: {  	[hbm4b:s18+s3] =	stream.linear.scatter [tilespmem:s19], [sflag:$0x4], $0x80, $0x38;
	[tilespmem:$0x9D00] =	vst v63  }
0x401: {  	s22 =	sadd.s32 $0x40, s15;
	s31 =	simm.s32 $0x96A0  }
0x402: {  	[hbm4b:s22+s3] =	stream.linear.scatter [tilespmem:s31], [sflag:$0x4], $0x80, $0x38;
	[tilespmem:$0x9D00] =	vst v63  }
0x403: {  	s7 =	sadd.s32 $0x50, s15;
	s10 =	simm.s32 $0x9728  }
0x404: {  	[hbm4b:s7+s3] =	stream.linear.scatter [tilespmem:s10], [sflag:$0x4], $0x80, $0x38;
	[tilespmem:$0x9D00] =	vst v63  }
0x405: {  	s12 =	sadd.s32 $0x60, s15;
	s13 =	simm.s32 $0x97B0  }
0x406: {  	[hbm4b:s12+s3] =	stream.linear.scatter [tilespmem:s13], [sflag:$0x4], $0x80, $0x38;
	[tilespmem:$0x9D00] =	vst v63  }
0x407: {  	s15 =	sadd.s32 $0x70, s15;
	s16 =	simm.s32 $0x9838  }
0x408: {  	[hbm4b:s15+s3] =	stream.linear.scatter [tilespmem:s16], [sflag:$0x4], $0x80, $0x38;
	[tilespmem:$0x9D00] =	vst v63  }
0x409: {  	s17 =	simm.s32 $0x98C0  }
0x40a: {  	[hbm4b:s0+s3] =	stream.linear.scatter [tilespmem:s17], [sflag:$0x4], $0x80, $0x38;
	[tilespmem:$0x9D00] =	vst v63  }
0x40b: {  	s18 =	sadd.s32 $0x10, s0;
	s19 =	simm.s32 $0x9948  }
0x40c: {  	[hbm4b:s18+s3] =	stream.linear.scatter [tilespmem:s19], [sflag:$0x4], $0x80, $0x38;
	[tilespmem:$0x9D00] =	vst v63  }
0x40d: {  	s22 =	sadd.s32 $0x20, s0;
	s31 =	simm.s32 $0x99D0  }
0x40e: {  	[hbm4b:s22+s3] =	stream.linear.scatter [tilespmem:s31], [sflag:$0x4], $0x80, $0x38;
	[tilespmem:$0x9D00] =	vst v63  }
0x40f: {  	s10 =	sadd.s32 $0x30, s0;
	s12 =	simm.s32 $0x9A58  }
0x410: {  	[hbm4b:s10+s3] =	stream.linear.scatter [tilespmem:s12], [sflag:$0x4], $0x80, $0x38;
	[tilespmem:$0x9D00] =	vst v63  }
0x411: {  	s8 =	sadd.s32 $0x1, s8;
	s13 =	sadd.s32 $0x40, s0;
	s15 =	simm.s32 $0x9AE0  }
0x412: {  	[hbm4b:s13+s3] =	stream.linear.scatter [tilespmem:s15], [sflag:$0x4], $0x80, $0x38;
	[tilespmem:$0x9D00] =	vst v63  }
0x413: {  	p0 =	sne.s32 s8, $0x18;
	s16 =	sadd.s32 $0x50, s0;
	s17 =	simm.s32 $0x9B68  }
0x414: {  	[hbm4b:s16+s3] =	stream.linear.scatter [tilespmem:s17], [sflag:$0x4], $0x80, $0x38;
	[tilespmem:$0x9D00] =	vst v63  }
.Ltmp4:
0x415: {  	_ = 	snop;
	(pc) =	sbr.rel @p0 .LBB2_6-.Ltmp4, $4  }
0x416: {  	s18 =	sadd.s32 $0x60, s0;
	s19 =	simm.s32 $0x9BF0  }
0x417: {  	[hbm4b:s18+s3] =	stream.linear.scatter [tilespmem:s19], [sflag:$0x4], $0x80, $0x38;
	[tilespmem:$0x9D00] =	vst v63  }
0x418: {  	s22 =	sadd.s32 $0x70, s0;
	s31 =	simm.s32 $0x9C78  }
0x419: {  	[hbm4b:s22+s3] =	stream.linear.scatter [tilespmem:s31], [sflag:$0x4], $0x80, $0x38;
	[tilespmem:$0x9D00] =	vst v63  }
0x41a: {  	_ =	swait.ge [sflag:s9], $0x2000  }
0x41b: {  	[sflag:s9] =	ssyncset.done $0x0  }
0x41c: {  	[sflag:s9] =	ssyncadd.s32 $0xFFFFE000  }
0x41d: {  	_ =	swait.ge [sflag:s20], $0x400  }
0x41e: {  	[sflag:s20] =	ssyncset.done $0x0  }
0x41f: {  	[sflag:s20] =	ssyncadd.s32 $0xFFFFFC00  }
0x420: {  	_ =	swait.ge [sflag:s20], $0x400  }
0x421: {  	[sflag:s20] =	ssyncset.done $0x0  }
0x422: {  	[sflag:s20] =	ssyncadd.s32 $0xFFFFFC00  }
0x423: {  	_ =	swait.ge [sflag:s20], $0x400  }
0x424: {  	[sflag:s20] =	ssyncset.done $0x0  }
0x425: {  	[sflag:s20] =	ssyncadd.s32 $0xFFFFFC00  }
0x426: {  	_ =	swait.ge [sflag:s20], $0x400  }
0x427: {  	[sflag:s20] =	ssyncset.done $0x0  }
0x428: {  	[sflag:s20] =	ssyncadd.s32 $0xFFFFFC00  }
0x429: {  	_ =	swait.ge [sflag:s20], $0x400  }
0x42a: {  	[sflag:s20] =	ssyncset.done $0x0  }
0x42b: {  	[sflag:s20] =	ssyncadd.s32 $0xFFFFFC00  }
0x42c: {  	s2 =	simm.s32 $0x0;
	s31 =	simm.s32 $0x1;
	_ =	swait.ge [sflag:s20], $0x400  }
0x42d: {  	s7 =	simm.s32 $0x2;
	s8 =	simm.s32 $0x3;
	[sflag:s20] =	ssyncset.done $0x0  }
0x42e: {  	s10 =	simm.s32 $0x7;
	s12 =	simm.s32 $0x5;
	v33 =	vmov s2;
	v34 =	vmov s31;
	v35 =	vmov s7;
	[sflag:s20] =	ssyncadd.s32 $0xFFFFFC00  }
0x42f: {  	s13 =	simm.s32 $0x6;
	v36 =	vmov s8;
	s8 =	simm.s32 $0x4;
	v38 =	vmov s10;
	v39 =	vmov s12;
	_ =	swait.ge [sflag:s20], $0x400  }
0x430: {  	v40 =	vmov s13;
	v33 =	vshrl.u32 v33, $0x3;
	v37 =	vmov s8;
	[sflag:s20] =	ssyncset.done $0x0  }
0x431: {  	v38 =	vshrl.u32 v38, $0x3;
	v34 =	vshrl.u32 v34, $0x3;
	v35 =	vshrl.u32 v35, $0x3;
	[sflag:s20] =	ssyncadd.s32 $0xFFFFFC00  }
0x432: {  	v36 =	vshrl.u32 v36, $0x3;
	v55 =	vshrl.u32 v39, $0x3;
	v38 =	vshll.u32 v38, v1;
	_ =	swait.ge [sflag:s20], $0x400  }
0x433: {  	v40 =	vshrl.u32 v40, $0x3;
	v33 =	vshll.u32 v33, v1;
	v38 =	vbroadcast v38, $0x0;
	[sflag:s20] =	ssyncset.done $0x0  }
0x434: {  	s0 =	simm.s32 $0x1A00;
	v37 =	vshrl.u32 v37, $0x3;
	v34 =	vshll.u32 v34, v1;
	v33 =	vbroadcast v33, $0x0;
	[sflag:s20] =	ssyncadd.s32 $0xFFFFFC00  }
0x435: {  	v52 =	vshll.u32 v35, v1;
	v45 =	vbroadcast v34, $0x0;
	v42 =	vadd.s32 v29, v38;
	v41 =	vld [tilespmem:s0+$0xC0]  }
0x436: {  	v53 =	vshll.u32 v36, v1;
	v52 =	vbroadcast v52, $0x0;
	v44 =	vadd.s32 v0, v33;
	v43 =	vld [tilespmem:s0+$0xFFFFFF00]  }
0x437: {  	v35 =	vbroadcast v53, $0x0;
	v54 =	vshll.u32 v37, v1;
	v47 =	vadd.s32 v5, v45;
	v46 =	vld [tilespmem:s0+$0xFFFFFF40]  }
0x438: {  	v36 =	vshll.u32 v55, v1;
	v34 =	vbroadcast v54, $0x0;
	v49 =	vadd.s32 v9, v52;
	v48 =	vld [tilespmem:s0+$0xFFFFFF80]  }
0x439: {  	v56 =	vshll.u32 v40, v1;
	v37 =	vbroadcast v36, $0x0;
	v50 =	vadd.s32 v13, v35;
	v39 =	vld [tilespmem:s0+$0xFFFFFFC0]  }
0x43a: {  	v36 =	vbroadcast v56, $0x0;
	v53 =	vadd.s32 v17, v34;
	v51 =	vld [tilespmem:s0+$0x0];
	[tilespmem:v42+s11+$0x0] =	vst.idx.msk $0xffff, v41  }
0x43b: {  	v60 =	vadd.s32 v21, v37;
	v59 =	vld [tilespmem:s0+$0x40];
	[tilespmem:v44+s11+$0x0] =	vst.idx.msk $0xffff, v43  }
0x43c: {  	v62 =	vadd.s32 v25, v36;
	v61 =	vld [tilespmem:s0+$0x80];
	[tilespmem:v47+s11+$0x0] =	vst.idx.msk $0xffff, v46  }
0x43d: {  	v58 =	vadd.s32 v30, v38;
	[tilespmem:v49+s11+$0x0] =	vst.idx.msk $0xffff, v48;
	v57 =	vld [tilespmem:s0+$0xD0]  }
0x43e: {  	v63 =	vadd.s32 v6, v45;
	[tilespmem:v50+s11+$0x0] =	vst.idx.msk $0xffff, v39;
	v47 =	vld [tilespmem:s0+$0xFFFFFF50]  }
0x43f: {  	v55 =	vadd.s32 v10, v52;
	[tilespmem:v53+s11+$0x0] =	vst.idx.msk $0xffff, v51;
	v54 =	vld [tilespmem:s0+$0xFFFFFF90]  }
0x440: {  	v56 =	vadd.s32 v14, v35;
	[tilespmem:v60+s11+$0x0] =	vst.idx.msk $0xffff, v59;
	v50 =	vld [tilespmem:s0+$0xFFFFFFD0]  }
0x441: {  	[tilespmem:v62+s11+$0x0] =	vst.idx.msk $0xffff, v61;
	v46 =	vadd.s32 v22, v37;
	v44 =	vld [tilespmem:s0+$0x50]  }
0x442: {  	v59 =	vadd.s32 v18, v34;
	[tilespmem:v58+s11+$0x0] =	vst.idx.msk $0xffff, v57;
	v58 =	vld [tilespmem:s0+$0x10]  }
0x443: {  	v57 =	vadd.s32 v31, v38;
	[tilespmem:v63+s11+$0x0] =	vst.idx.msk $0xffff, v47;
	v40 =	vld [tilespmem:s0+$0xE0]  }
0x444: {  	v60 =	vadd.s32 v26, v36;
	[tilespmem:v55+s11+$0x0] =	vst.idx.msk $0xffff, v54;
	v63 =	vld [tilespmem:s0+$0x90]  }
0x445: {  	v62 =	vadd.s32 v2, v33;
	v61 =	vld [tilespmem:s0+$0xFFFFFF10];
	[tilespmem:v56+s11+$0x0] =	vst.idx.msk $0xffff, v50  }
0x446: {  	v51 =	vadd.s32 v7, v45;
	[tilespmem:v46+s11+$0x0] =	vst.idx.msk $0xffff, v44;
	v50 =	vld [tilespmem:s0+$0xFFFFFF60]  }
0x447: {  	v56 =	vadd.s32 v11, v52;
	v55 =	vld [tilespmem:s0+$0xFFFFFFA0];
	[tilespmem:v59+s11+$0x0] =	vst.idx.msk $0xffff, v58  }
0x448: {  	v58 =	vadd.s32 v15, v35;
	[tilespmem:v57+s11+$0x0] =	vst.idx.msk $0xffff, v40;
	v57 =	vld [tilespmem:s0+$0xFFFFFFE0]  }
0x449: {  	[tilespmem:v60+s11+$0x0] =	vst.idx.msk $0xffff, v63;
	v60 =	vadd.s32 v19, v34;
	v59 =	vld [tilespmem:s0+$0x20]  }
0x44a: {  	s16 =	simm.s32 $0x9;
	v38 =	vadd.s32 v32, v38;
	[tilespmem:v62+s11+$0x0] =	vst.idx.msk $0xffff, v61;
	v54 =	vld [tilespmem:s0+$0xF0]  }
0x44b: {  	s15 =	simm.s32 $0x8;
	v41 =	vadd.s32 v23, v37;
	v53 =	vmov s16;
	[tilespmem:v51+s11+$0x0] =	vst.idx.msk $0xffff, v50;
	v40 =	vld [tilespmem:s0+$0x60]  }
0x44c: {  	s18 =	simm.s32 $0xB;
	s19 =	simm.s32 $0xC;
	v43 =	vadd.s32 v27, v36;
	v48 =	vadd.s32 v3, v33;
	v63 =	vmov s15;
	v42 =	vld [tilespmem:s0+$0xA0];
	[tilespmem:v56+s11+$0x0] =	vst.idx.msk $0xffff, v55  }
0x44d: {  	s31 =	simm.s32 $0xE;
	v44 =	vmov s18;
	v47 =	vmov s19;
	v46 =	vld [tilespmem:s0+$0xFFFFFF20];
	v39 =	vshrl.u32 v63, $0x3;
	[tilespmem:v58+s11+$0x0] =	vst.idx.msk $0xffff, v57  }
0x44e: {  	s17 =	simm.s32 $0xA;
	s22 =	simm.s32 $0xD;
	v51 =	vadd.s32 v8, v45;
	v49 =	vld [tilespmem:s0+$0xFFFFFF70];
	v45 =	vshll.u32 v39, v1;
	v39 =	vmov s31;
	[tilespmem:v60+s11+$0x0] =	vst.idx.msk $0xffff, v59  }
0x44f: {  	s7 =	simm.s32 $0xF;
	s2 =	simm.s32 $0x10;
	v52 =	vadd.s32 v12, v52;
	v50 =	vld [tilespmem:s0+$0xFFFFFFB0];
	[tilespmem:v38+s11+$0x0] =	vst.idx.msk $0xffff, v54;
	v54 =	vmov s17;
	v38 =	vmov s22  }
.LBB2_12:
0x450: {  	p0 =	slt.u32 s2, $0x78;
	v53 =	vshrl.u32 v53, $0x3;
	v55 =	vmov s7;
	v56 =	vld [tilespmem:s0+$0xFFFFFFF0];
	v35 =	vadd.s32 v16, v35;
	[tilespmem:v41+s11+$0x0] =	vst.idx.msk $0xffff, v40  }
0x451: {  	v40 =	vshrl.u32 v54, $0x3;
	v34 =	vadd.s32 v20, v34;
	v41 =	vshrl.u32 v55, $0x3;
	v54 =	vld [tilespmem:s0+$0x30];
	[tilespmem:v43+s11+$0x0] =	vst.idx.msk $0xffff, v42  }
0x452: {  	v37 =	vadd.s32 v24, v37;
	v42 =	vshrl.u32 v44, $0x3;
	v41 =	vshll.u32 v41, v1;
	[tilespmem:v48+s11+$0x0] =	vst.idx.msk $0xffff, v46;
	v43 =	vld [tilespmem:s0+$0x70]  }
0x453: {  	v36 =	vadd.s32 v28, v36;
	v44 =	vshrl.u32 v47, $0x3;
	v41 =	vbroadcast v41, $0x0;
	[tilespmem:v51+s11+$0x0] =	vst.idx.msk $0xffff, v49;
	v46 =	vld [tilespmem:s0+$0xB0]  }
0x454: {  	v47 =	vshll.u32 v53, v1;
	v49 =	vadd.s32 v4, v33;
	v33 =	vbroadcast v45, $0x0;
	v48 =	vld [tilespmem:s0+$0xFFFFFF30];
	[tilespmem:v52+s11+$0x0] =	vst.idx.msk $0xffff, v50;
	s0 =	sadd.s32 $0x200, s0  }
0x455: {  	v40 =	vshll.u32 v40, v1;
	v45 =	vbroadcast v47, $0x0;
	v47 =	vld [tilespmem:s0+$0xC0];
	v50 =	vadd.s32 v29, v41;
	[tilespmem:v35+s11+$0x0] =	vst.idx.msk $0xffff, v56  }
0x456: {  	v55 =	vbroadcast v40, $0x0;
	v52 =	vadd.s32 v0, v33;
	v35 =	vshll.u32 v42, v1;
	v51 =	vld [tilespmem:s0+$0xFFFFFF00];
	[tilespmem:v34+s11+$0x0] =	vst.idx.msk $0xffff, v54  }
0x457: {  	v42 =	vadd.s32 v5, v45;
	v35 =	vbroadcast v35, $0x0;
	v34 =	vshll.u32 v44, v1;
	v40 =	vld [tilespmem:s0+$0xFFFFFF40];
	[tilespmem:v37+s11+$0x0] =	vst.idx.msk $0xffff, v43  }
0x458: {  	v44 =	vadd.s32 v9, v55;
	v34 =	vbroadcast v34, $0x0;
	v37 =	vshrl.u32 v38, $0x3;
	v43 =	vld [tilespmem:s0+$0xFFFFFF80];
	[tilespmem:v36+s11+$0x0] =	vst.idx.msk $0xffff, v46  }
0x459: {  	v39 =	vshrl.u32 v39, $0x3;
	v46 =	vadd.s32 v13, v35;
	v36 =	vshll.u32 v37, v1;
	v38 =	vld [tilespmem:s0+$0xFFFFFFC0];
	[tilespmem:v49+s11+$0x0] =	vst.idx.msk $0xffff, v48  }
0x45a: {  	v49 =	vadd.s32 v17, v34;
	v37 =	vbroadcast v36, $0x0;
	v36 =	vshll.u32 v39, v1;
	v48 =	vld [tilespmem:s0+$0x0];
	[tilespmem:v50+s11+$0x0] =	vst.idx.msk $0xffff, v47  }
0x45b: {  	v36 =	vbroadcast v36, $0x0;
	v47 =	vadd.s32 v30, v41;
	[tilespmem:v52+s11+$0x0] =	vst.idx.msk $0xffff, v51;
	v39 =	vld [tilespmem:s0+$0xD0]  }
0x45c: {  	[tilespmem:v42+s11+$0x0] =	vst.idx.msk $0xffff, v40;
	v40 =	vld [tilespmem:s0+$0x40];
	v42 =	vadd.s32 v21, v37  }
0x45d: {  	[tilespmem:v44+s11+$0x0] =	vst.idx.msk $0xffff, v43;
	v43 =	vld [tilespmem:s0+$0x80];
	v44 =	vadd.s32 v25, v36  }
0x45e: {  	v51 =	vadd.s32 v6, v45;
	v50 =	vld [tilespmem:s0+$0xFFFFFF50];
	[tilespmem:v46+s11+$0x0] =	vst.idx.msk $0xffff, v38  }
0x45f: {  	v46 =	vadd.s32 v10, v55;
	v38 =	vld [tilespmem:s0+$0xFFFFFF90];
	[tilespmem:v49+s11+$0x0] =	vst.idx.msk $0xffff, v48  }
0x460: {  	v49 =	vadd.s32 v14, v35;
	v48 =	vld [tilespmem:s0+$0xFFFFFFD0];
	[tilespmem:v47+s11+$0x0] =	vst.idx.msk $0xffff, v39  }
0x461: {  	[tilespmem:v42+s11+$0x0] =	vst.idx.msk $0xffff, v40;
	v39 =	vld [tilespmem:s0+$0xE0];
	v40 =	vadd.s32 v31, v41  }
0x462: {  	v47 =	vadd.s32 v18, v34;
	v42 =	vld [tilespmem:s0+$0x10];
	[tilespmem:v44+s11+$0x0] =	vst.idx.msk $0xffff, v43  }
0x463: {  	v44 =	vadd.s32 v22, v37;
	[tilespmem:v51+s11+$0x0] =	vst.idx.msk $0xffff, v50;
	v43 =	vld [tilespmem:s0+$0x50]  }
0x464: {  	[tilespmem:v46+s11+$0x0] =	vst.idx.msk $0xffff, v38;
	v38 =	vld [tilespmem:s0+$0x90];
	v46 =	vadd.s32 v26, v36  }
0x465: {  	v51 =	vadd.s32 v2, v33;
	v50 =	vld [tilespmem:s0+$0xFFFFFF10];
	[tilespmem:v49+s11+$0x0] =	vst.idx.msk $0xffff, v48  }
0x466: {  	v49 =	vadd.s32 v7, v45;
	v48 =	vld [tilespmem:s0+$0xFFFFFF60];
	[tilespmem:v40+s11+$0x0] =	vst.idx.msk $0xffff, v39  }
0x467: {  	[tilespmem:v47+s11+$0x0] =	vst.idx.msk $0xffff, v42;
	v39 =	vld [tilespmem:s0+$0xF0];
	v47 =	vadd.s32 v32, v41  }
0x468: {  	v56 =	vadd.s32 v11, v55;
	v52 =	vld [tilespmem:s0+$0xFFFFFFA0];
	[tilespmem:v44+s11+$0x0] =	vst.idx.msk $0xffff, v43  }
0x469: {  	v58 =	vadd.s32 v15, v35;
	v57 =	vld [tilespmem:s0+$0xFFFFFFE0];
	[tilespmem:v46+s11+$0x0] =	vst.idx.msk $0xffff, v38  }
0x46a: {  	v60 =	vadd.s32 v19, v34;
	[tilespmem:v51+s11+$0x0] =	vst.idx.msk $0xffff, v50;
	v59 =	vld [tilespmem:s0+$0x20]  }
.Ltmp5:
0x46b: {  	s7 =	sadd.s32 $0x1, s2;
	v41 =	vadd.s32 v23, v37;
	v38 =	vmov s2;
	[tilespmem:v49+s11+$0x0] =	vst.idx.msk $0xffff, v48;
	v40 =	vld [tilespmem:s0+$0x60];
	(pc) =	sbr.rel @p0 .LBB2_12-.Ltmp5, $4  }
0x46c: {  	s8 =	sadd.s32 $0x3, s2;
	v53 =	vmov s7;
	s7 =	sadd.s32 $0x2, s2;
	v43 =	vadd.s32 v27, v36;
	v50 =	vshrl.u32 v38, $0x3;
	v42 =	vld [tilespmem:s0+$0xA0];
	[tilespmem:v47+s11+$0x0] =	vst.idx.msk $0xffff, v39  }
0x46d: {  	v54 =	vmov s7;
	s7 =	sadd.s32 $0x4, s2;
	v44 =	vmov s8;
	s8 =	sadd.s32 $0x5, s2;
	v48 =	vadd.s32 v3, v33;
	v46 =	vld [tilespmem:s0+$0xFFFFFF20];
	[tilespmem:v56+s11+$0x0] =	vst.idx.msk $0xffff, v52  }
0x46e: {  	v38 =	vmov s8;
	v51 =	vadd.s32 v8, v45;
	v47 =	vmov s7;
	s7 =	sadd.s32 $0x6, s2;
	v49 =	vld [tilespmem:s0+$0xFFFFFF70];
	[tilespmem:v58+s11+$0x0] =	vst.idx.msk $0xffff, v57  }
0x46f: {  	v45 =	vshll.u32 v50, v1;
	v39 =	vmov s7;
	s7 =	sadd.s32 $0x7, s2;
	s2 =	sadd.s32 $0x8, s2;
	v52 =	vadd.s32 v12, v55;
	v50 =	vld [tilespmem:s0+$0xFFFFFFB0];
	[tilespmem:v60+s11+$0x0] =	vst.idx.msk $0xffff, v59  }
0x470: {  	_ =	sdelay $0x2  }
0x471: {  	v53 =	vshrl.u32 v53, $0x3  }
0x472: {  	v55 =	vmov s7;
	v56 =	vld [tilespmem:s0+$0xFFFFFFF0];
	v35 =	vadd.s32 v16, v35;
	[tilespmem:v41+s11+$0x0] =	vst.idx.msk $0xffff, v40;
	v34 =	vadd.s32 v20, v34  }
0x473: {  	v61 =	vshrl.u32 v54, $0x3;
	v63 =	vld [tilespmem:s0+$0x30];
	v37 =	vadd.s32 v24, v37;
	v36 =	vadd.s32 v28, v36;
	[tilespmem:v43+s11+$0x0] =	vst.idx.msk $0xffff, v42  }
0x474: {  	v45 =	vbroadcast v45, $0x0;
	v33 =	vadd.s32 v4, v33;
	v62 =	vshrl.u32 v55, $0x3;
	v43 =	vld [tilespmem:s0+$0x70];
	[tilespmem:v48+s11+$0x0] =	vst.idx.msk $0xffff, v46  }
0x475: {  	s18 =	sadd.s32 $0x200, s0;
	v38 =	vshrl.u32 v38, $0x3;
	v55 =	vshrl.u32 v44, $0x3;
	v41 =	vshll.u32 v62, v1;
	v46 =	vld [tilespmem:s0+$0xB0];
	[tilespmem:v51+s11+$0x0] =	vst.idx.msk $0xffff, v49  }
0x476: {  	v40 =	vshll.u32 v61, v1;
	v60 =	vld [tilespmem:s18+$0xFFFFFF00];
	v61 =	vadd.s32 v0, v45;
	v41 =	vbroadcast v41, $0x0;
	[tilespmem:v52+s11+$0x0] =	vst.idx.msk $0xffff, v50  }
0x477: {  	v44 =	vshrl.u32 v47, $0x3;
	v57 =	vshll.u32 v53, v1;
	v40 =	vbroadcast v40, $0x0;
	v48 =	vld [tilespmem:s0+$0xFFFFFF30];
	[tilespmem:v35+s11+$0x0] =	vst.idx.msk $0xffff, v56  }
0x478: {  	v58 =	vld [tilespmem:s18+$0xC0];
	v47 =	vbroadcast v57, $0x0;
	v42 =	vshll.u32 v55, v1;
	v59 =	vadd.s32 v29, v41;
	[tilespmem:v34+s11+$0x0] =	vst.idx.msk $0xffff, v63  }
0x479: {  	v54 =	vld [tilespmem:s18+$0xFFFFFF80];
	v44 =	vshll.u32 v44, v1;
	v42 =	vbroadcast v42, $0x0;
	v55 =	vadd.s32 v9, v40;
	[tilespmem:v37+s11+$0x0] =	vst.idx.msk $0xffff, v43  }
0x47a: {  	v38 =	vshll.u32 v38, v1;
	v62 =	vld [tilespmem:s18+$0xFFFFFF40];
	v44 =	vbroadcast v44, $0x0;
	v63 =	vadd.s32 v5, v47;
	[tilespmem:v36+s11+$0x0] =	vst.idx.msk $0xffff, v46  }
0x47b: {  	v39 =	vshrl.u32 v39, $0x3;
	v38 =	vbroadcast v38, $0x0;
	v36 =	vld [tilespmem:s18+$0xFFFFFFC0];
	v46 =	vadd.s32 v13, v42;
	[tilespmem:v61+s11+$0x0] =	vst.idx.msk $0xffff, v60  }
0x47c: {  	v39 =	vshll.u32 v39, v1;
	[tilespmem:v33+s11+$0x0] =	vst.idx.msk $0xffff, v48;
	v33 =	vld [tilespmem:s18+$0x0];
	v48 =	vadd.s32 v17, v44  }
0x47d: {  	v35 =	vbroadcast v39, $0x0;
	[tilespmem:v59+s11+$0x0] =	vst.idx.msk $0xffff, v58;
	v58 =	vld [tilespmem:s18+$0x40];
	v59 =	vadd.s32 v21, v38  }
0x47e: {  	v57 =	vadd.s32 v30, v41;
	[tilespmem:v55+s11+$0x0] =	vst.idx.msk $0xffff, v54;
	v56 =	vld [tilespmem:s18+$0xD0]  }
0x47f: {  	v60 =	vld [tilespmem:s18+$0x80];
	v61 =	vadd.s32 v25, v35;
	[tilespmem:v63+s11+$0x0] =	vst.idx.msk $0xffff, v62  }
0x480: {  	v55 =	vadd.s32 v10, v40;
	v54 =	vld [tilespmem:s18+$0xFFFFFF90];
	[tilespmem:v46+s11+$0x0] =	vst.idx.msk $0xffff, v36  }
0x481: {  	v63 =	vadd.s32 v6, v47;
	v62 =	vld [tilespmem:s18+$0xFFFFFF50];
	[tilespmem:v48+s11+$0x0] =	vst.idx.msk $0xffff, v33  }
0x482: {  	v33 =	vld [tilespmem:s18+$0xFFFFFFD0];
	v48 =	vadd.s32 v14, v42;
	[tilespmem:v59+s11+$0x0] =	vst.idx.msk $0xffff, v58  }
0x483: {  	[tilespmem:v57+s11+$0x0] =	vst.idx.msk $0xffff, v56;
	v56 =	vld [tilespmem:s18+$0x10];
	v57 =	vadd.s32 v18, v44  }
0x484: {  	[tilespmem:v61+s11+$0x0] =	vst.idx.msk $0xffff, v60;
	v59 =	vadd.s32 v22, v38;
	v58 =	vld [tilespmem:s18+$0x50]  }
0x485: {  	v39 =	vadd.s32 v31, v41;
	[tilespmem:v55+s11+$0x0] =	vst.idx.msk $0xffff, v54;
	v34 =	vld [tilespmem:s18+$0xE0]  }
0x486: {  	v61 =	vadd.s32 v26, v35;
	v60 =	vld [tilespmem:s18+$0x90];
	[tilespmem:v63+s11+$0x0] =	vst.idx.msk $0xffff, v62  }
0x487: {  	v62 =	vld [tilespmem:s18+$0xFFFFFF10];
	v63 =	vadd.s32 v2, v45;
	[tilespmem:v48+s11+$0x0] =	vst.idx.msk $0xffff, v33  }
0x488: {  	v55 =	vadd.s32 v7, v47;
	v54 =	vld [tilespmem:s18+$0xFFFFFF60];
	[tilespmem:v57+s11+$0x0] =	vst.idx.msk $0xffff, v56  }
0x489: {  	v56 =	vadd.s32 v32, v41;
	v41 =	vld [tilespmem:s18+$0xFFFFFFA0];
	v57 =	vadd.s32 v11, v40;
	[tilespmem:v59+s11+$0x0] =	vst.idx.msk $0xffff, v58  }
0x48a: {  	v37 =	vld [tilespmem:s18+$0xFFFFFFE0];
	v58 =	vadd.s32 v15, v42;
	[tilespmem:v39+s11+$0x0] =	vst.idx.msk $0xffff, v34  }
0x48b: {  	[tilespmem:v61+s11+$0x0] =	vst.idx.msk $0xffff, v60;
	v34 =	vld [tilespmem:s18+$0xF0]  }
0x48c: {  	v60 =	vadd.s32 v19, v44;
	[tilespmem:v63+s11+$0x0] =	vst.idx.msk $0xffff, v62;
	v59 =	vld [tilespmem:s18+$0x20]  }
0x48d: {  	v62 =	vadd.s32 v23, v38;
	[tilespmem:v55+s11+$0x0] =	vst.idx.msk $0xffff, v54;
	v61 =	vld [tilespmem:s18+$0x60]  }
0x48e: {  	v63 =	vld [tilespmem:s18+$0xA0];
	v54 =	vadd.s32 v27, v35;
	[tilespmem:v57+s11+$0x0] =	vst.idx.msk $0xffff, v41  }
0x48f: {  	v47 =	vadd.s32 v8, v47;
	v57 =	vld [tilespmem:s18+$0xFFFFFF70];
	[tilespmem:v58+s11+$0x0] =	vst.idx.msk $0xffff, v37  }
0x490: {  	v55 =	vld [tilespmem:s18+$0xFFFFFF20];
	[tilespmem:v56+s11+$0x0] =	vst.idx.msk $0xffff, v34;
	v56 =	vadd.s32 v3, v45  }
0x491: {  	v40 =	vadd.s32 v12, v40;
	v58 =	vld [tilespmem:s18+$0xFFFFFFB0];
	[tilespmem:v60+s11+$0x0] =	vst.idx.msk $0xffff, v59  }
0x492: {  	v42 =	vadd.s32 v16, v42;
	v59 =	vld [tilespmem:s18+$0xFFFFFFF0];
	[tilespmem:v62+s11+$0x0] =	vst.idx.msk $0xffff, v61  }
0x493: {  	v61 =	vadd.s32 v20, v44;
	[tilespmem:v54+s11+$0x0] =	vst.idx.msk $0xffff, v63;
	v60 =	vld [tilespmem:s18+$0x30]  }
0x494: {  	v38 =	vadd.s32 v24, v38;
	v62 =	vld [tilespmem:s18+$0x70];
	[tilespmem:v47+s11+$0x0] =	vst.idx.msk $0xffff, v57  }
0x495: {  	v35 =	vadd.s32 v28, v35;
	v63 =	vld [tilespmem:s18+$0xB0];
	[tilespmem:v56+s11+$0x0] =	vst.idx.msk $0xffff, v55  }
0x496: {  	v49 =	vadd.s32 v4, v45;
	[tilespmem:v40+s11+$0x0] =	vst.idx.msk $0xffff, v58;
	v48 =	vld [tilespmem:s18+$0xFFFFFF30]  }
0x497: {  	[tilespmem:v42+s11+$0x0] =	vst.idx.msk $0xffff, v59  }
0x498: {  	[tilespmem:v61+s11+$0x0] =	vst.idx.msk $0xffff, v60  }
0x499: {  	[tilespmem:v38+s11+$0x0] =	vst.idx.msk $0xffff, v62  }
0x49a: {  	[tilespmem:v35+s11+$0x0] =	vst.idx.msk $0xffff, v63  }
0x49b: {  	[tilespmem:v49+s11+$0x0] =	vst.idx.msk $0xffff, v48  }
0x49c: {  	s2 =	simm.s32 $0x0;
	s7 =	rddreg [dreg:$0x1d]  }
0x49d: {  	[hbm4b:s7+s2] =	stream.linear.scatter [tilespmem:s11], [sflag:$0x3], $0x80, $0x38;
	[tilespmem:$0x9D00] =	vst v63  }
0x49e: {  	s8 =	simm.s32 $0x5988;
	s19 =	sadd.s32 $0x10, s7  }
0x49f: {  	[hbm4b:s19+s2] =	stream.linear.scatter [tilespmem:s8], [sflag:$0x3], $0x80, $0x38;
	[tilespmem:$0x9D00] =	vst v63  }
0x4a0: {  	s31 =	simm.s32 $0x5A10;
	s22 =	sadd.s32 $0x20, s7  }
0x4a1: {  	[hbm4b:s22+s2] =	stream.linear.scatter [tilespmem:s31], [sflag:$0x3], $0x80, $0x38;
	[tilespmem:$0x9D00] =	vst v63  }
0x4a2: {  	s12 =	simm.s32 $0x5A98;
	s10 =	sadd.s32 $0x30, s7  }
0x4a3: {  	[hbm4b:s10+s2] =	stream.linear.scatter [tilespmem:s12], [sflag:$0x3], $0x80, $0x38;
	[tilespmem:$0x9D00] =	vst v63  }
0x4a4: {  	s15 =	simm.s32 $0x5B20;
	s13 =	sadd.s32 $0x40, s7  }
0x4a5: {  	[hbm4b:s13+s2] =	stream.linear.scatter [tilespmem:s15], [sflag:$0x3], $0x80, $0x38;
	[tilespmem:$0x9D00] =	vst v63  }
0x4a6: {  	s17 =	simm.s32 $0x5BA8;
	s16 =	sadd.s32 $0x50, s7  }
0x4a7: {  	[hbm4b:s16+s2] =	stream.linear.scatter [tilespmem:s17], [sflag:$0x3], $0x80, $0x38;
	[tilespmem:$0x9D00] =	vst v63  }
0x4a8: {  	s18 =	sadd.s32 $0x60, s7;
	s19 =	simm.s32 $0x5C30  }
0x4a9: {  	[hbm4b:s18+s2] =	stream.linear.scatter [tilespmem:s19], [sflag:$0x3], $0x80, $0x38;
	[tilespmem:$0x9D00] =	vst v63  }
0x4aa: {  	s22 =	sadd.s32 $0x70, s7;
	s31 =	simm.s32 $0x5CB8  }
0x4ab: {  	[hbm4b:s22+s2] =	stream.linear.scatter [tilespmem:s31], [sflag:$0x3], $0x80, $0x38;
	[tilespmem:$0x9D00] =	vst v63  }
0x4ac: {  	s8 =	simm.s32 $0x5D40;
	s7 =	rddreg [dreg:$0x1e]  }
0x4ad: {  	[hbm4b:s7+s2] =	stream.linear.scatter [tilespmem:s8], [sflag:$0x3], $0x80, $0x38;
	[tilespmem:$0x9D00] =	vst v63  }
0x4ae: {  	s10 =	sadd.s32 $0x10, s7;
	s12 =	simm.s32 $0x5DC8  }
0x4af: {  	[hbm4b:s10+s2] =	stream.linear.scatter [tilespmem:s12], [sflag:$0x3], $0x80, $0x38;
	[tilespmem:$0x9D00] =	vst v63  }
0x4b0: {  	s13 =	sadd.s32 $0x20, s7;
	s15 =	simm.s32 $0x5E50  }
0x4b1: {  	[hbm4b:s13+s2] =	stream.linear.scatter [tilespmem:s15], [sflag:$0x3], $0x80, $0x38;
	[tilespmem:$0x9D00] =	vst v63  }
0x4b2: {  	s16 =	sadd.s32 $0x30, s7;
	s17 =	simm.s32 $0x5ED8  }
0x4b3: {  	[hbm4b:s16+s2] =	stream.linear.scatter [tilespmem:s17], [sflag:$0x3], $0x80, $0x38;
	[tilespmem:$0x9D00] =	vst v63  }
0x4b4: {  	s18 =	sadd.s32 $0x40, s7;
	s19 =	simm.s32 $0x5F60  }
0x4b5: {  	[hbm4b:s18+s2] =	stream.linear.scatter [tilespmem:s19], [sflag:$0x3], $0x80, $0x38;
	[tilespmem:$0x9D00] =	vst v63  }
0x4b6: {  	s22 =	sadd.s32 $0x50, s7;
	s31 =	simm.s32 $0x5FE8  }
0x4b7: {  	[hbm4b:s22+s2] =	stream.linear.scatter [tilespmem:s31], [sflag:$0x3], $0x80, $0x38;
	[tilespmem:$0x9D00] =	vst v63  }
0x4b8: {  	s8 =	sadd.s32 $0x60, s7;
	s10 =	simm.s32 $0x6070  }
0x4b9: {  	[hbm4b:s8+s2] =	stream.linear.scatter [tilespmem:s10], [sflag:$0x3], $0x80, $0x38;
	[tilespmem:$0x9D00] =	vst v63  }
0x4ba: {  	s12 =	sadd.s32 $0x70, s7;
	s13 =	simm.s32 $0x60F8  }
0x4bb: {  	[hbm4b:s12+s2] =	stream.linear.scatter [tilespmem:s13], [sflag:$0x3], $0x80, $0x38;
	[tilespmem:$0x9D00] =	vst v63  }
0x4bc: {  	s7 =	rddreg [dreg:$0x1f];
	s15 =	simm.s32 $0x6180  }
0x4bd: {  	[hbm4b:s7+s2] =	stream.linear.scatter [tilespmem:s15], [sflag:$0x3], $0x80, $0x38;
	[tilespmem:$0x9D00] =	vst v63  }
0x4be: {  	s16 =	sadd.s32 $0x10, s7;
	s17 =	simm.s32 $0x6208  }
0x4bf: {  	[hbm4b:s16+s2] =	stream.linear.scatter [tilespmem:s17], [sflag:$0x3], $0x80, $0x38;
	[tilespmem:$0x9D00] =	vst v63  }
0x4c0: {  	s18 =	sadd.s32 $0x20, s7;
	s19 =	simm.s32 $0x6290  }
0x4c1: {  	[hbm4b:s18+s2] =	stream.linear.scatter [tilespmem:s19], [sflag:$0x3], $0x80, $0x38;
	[tilespmem:$0x9D00] =	vst v63  }
0x4c2: {  	s22 =	sadd.s32 $0x30, s7;
	s31 =	simm.s32 $0x6318  }
0x4c3: {  	[hbm4b:s22+s2] =	stream.linear.scatter [tilespmem:s31], [sflag:$0x3], $0x80, $0x38;
	[tilespmem:$0x9D00] =	vst v63  }
0x4c4: {  	s8 =	sadd.s32 $0x40, s7;
	s10 =	simm.s32 $0x63A0  }
0x4c5: {  	[hbm4b:s8+s2] =	stream.linear.scatter [tilespmem:s10], [sflag:$0x3], $0x80, $0x38;
	[tilespmem:$0x9D00] =	vst v63  }
0x4c6: {  	s12 =	sadd.s32 $0x50, s7;
	s13 =	simm.s32 $0x6428  }
0x4c7: {  	[hbm4b:s12+s2] =	stream.linear.scatter [tilespmem:s13], [sflag:$0x3], $0x80, $0x38;
	[tilespmem:$0x9D00] =	vst v63  }
0x4c8: {  	s15 =	sadd.s32 $0x60, s7;
	s16 =	simm.s32 $0x64B0  }
0x4c9: {  	[hbm4b:s15+s2] =	stream.linear.scatter [tilespmem:s16], [sflag:$0x3], $0x80, $0x38;
	[tilespmem:$0x9D00] =	vst v63  }
0x4ca: {  	s17 =	sadd.s32 $0x70, s7;
	s7 =	sld [smem:$0x7F1];
	s18 =	simm.s32 $0x6538  }
0x4cb: {  	[hbm4b:s17+s2] =	stream.linear.scatter [tilespmem:s18], [sflag:$0x3], $0x80, $0x38;
	[tilespmem:$0x9D00] =	vst v63  }
0x4cc: {  	s19 =	simm.s32 $0x65C0  }
0x4cd: {  	[hbm4b:s7+s2] =	stream.linear.scatter [tilespmem:s19], [sflag:$0x3], $0x80, $0x38;
	[tilespmem:$0x9D00] =	vst v63  }
0x4ce: {  	s22 =	sadd.s32 $0x10, s7;
	s31 =	simm.s32 $0x6648  }
0x4cf: {  	[hbm4b:s22+s2] =	stream.linear.scatter [tilespmem:s31], [sflag:$0x3], $0x80, $0x38;
	[tilespmem:$0x9D00] =	vst v63  }
0x4d0: {  	s10 =	sadd.s32 $0x20, s7;
	s12 =	simm.s32 $0x66D0  }
0x4d1: {  	[hbm4b:s10+s2] =	stream.linear.scatter [tilespmem:s12], [sflag:$0x3], $0x80, $0x38;
	[tilespmem:$0x9D00] =	vst v63  }
0x4d2: {  	s13 =	sadd.s32 $0x30, s7;
	s15 =	simm.s32 $0x6758  }
0x4d3: {  	[hbm4b:s13+s2] =	stream.linear.scatter [tilespmem:s15], [sflag:$0x3], $0x80, $0x38;
	[tilespmem:$0x9D00] =	vst v63  }
0x4d4: {  	s16 =	sadd.s32 $0x40, s7;
	s17 =	simm.s32 $0x67E0  }
0x4d5: {  	[hbm4b:s16+s2] =	stream.linear.scatter [tilespmem:s17], [sflag:$0x3], $0x80, $0x38;
	[tilespmem:$0x9D00] =	vst v63  }
0x4d6: {  	s18 =	sadd.s32 $0x50, s7;
	s19 =	simm.s32 $0x6868  }
0x4d7: {  	[hbm4b:s18+s2] =	stream.linear.scatter [tilespmem:s19], [sflag:$0x3], $0x80, $0x38;
	[tilespmem:$0x9D00] =	vst v63  }
0x4d8: {  	s22 =	sadd.s32 $0x60, s7;
	s31 =	simm.s32 $0x68F0  }
0x4d9: {  	[hbm4b:s22+s2] =	stream.linear.scatter [tilespmem:s31], [sflag:$0x3], $0x80, $0x38;
	[tilespmem:$0x9D00] =	vst v63  }
0x4da: {  	s8 =	sadd.s32 $0x70, s7;
	s7 =	sld [smem:$0x7F2];
	s10 =	simm.s32 $0x6978  }
0x4db: {  	[hbm4b:s8+s2] =	stream.linear.scatter [tilespmem:s10], [sflag:$0x3], $0x80, $0x38;
	[tilespmem:$0x9D00] =	vst v63  }
0x4dc: {  	s12 =	simm.s32 $0x6A00  }
0x4dd: {  	[hbm4b:s7+s2] =	stream.linear.scatter [tilespmem:s12], [sflag:$0x3], $0x80, $0x38;
	[tilespmem:$0x9D00] =	vst v63  }
0x4de: {  	s13 =	sadd.s32 $0x10, s7;
	s15 =	simm.s32 $0x6A88  }
0x4df: {  	[hbm4b:s13+s2] =	stream.linear.scatter [tilespmem:s15], [sflag:$0x3], $0x80, $0x38;
	[tilespmem:$0x9D00] =	vst v63  }
0x4e0: {  	s16 =	sadd.s32 $0x20, s7;
	s17 =	simm.s32 $0x6B10  }
0x4e1: {  	[hbm4b:s16+s2] =	stream.linear.scatter [tilespmem:s17], [sflag:$0x3], $0x80, $0x38;
	[tilespmem:$0x9D00] =	vst v63  }
0x4e2: {  	s18 =	sadd.s32 $0x30, s7;
	s19 =	simm.s32 $0x6B98  }
0x4e3: {  	[hbm4b:s18+s2] =	stream.linear.scatter [tilespmem:s19], [sflag:$0x3], $0x80, $0x38;
	[tilespmem:$0x9D00] =	vst v63  }
0x4e4: {  	s22 =	sadd.s32 $0x40, s7;
	s31 =	simm.s32 $0x6C20  }
0x4e5: {  	[hbm4b:s22+s2] =	stream.linear.scatter [tilespmem:s31], [sflag:$0x3], $0x80, $0x38;
	[tilespmem:$0x9D00] =	vst v63  }
0x4e6: {  	s8 =	sadd.s32 $0x50, s7;
	s10 =	simm.s32 $0x6CA8  }
0x4e7: {  	[hbm4b:s8+s2] =	stream.linear.scatter [tilespmem:s10], [sflag:$0x3], $0x80, $0x38;
	[tilespmem:$0x9D00] =	vst v63  }
0x4e8: {  	s12 =	sadd.s32 $0x60, s7;
	s13 =	simm.s32 $0x6D30  }
0x4e9: {  	[hbm4b:s12+s2] =	stream.linear.scatter [tilespmem:s13], [sflag:$0x3], $0x80, $0x38;
	[tilespmem:$0x9D00] =	vst v63  }
0x4ea: {  	s15 =	sadd.s32 $0x70, s7;
	s7 =	sld [smem:$0x7F3];
	s16 =	simm.s32 $0x6DB8  }
0x4eb: {  	[hbm4b:s15+s2] =	stream.linear.scatter [tilespmem:s16], [sflag:$0x3], $0x80, $0x38;
	[tilespmem:$0x9D00] =	vst v63  }
0x4ec: {  	s17 =	simm.s32 $0x6E40  }
0x4ed: {  	[hbm4b:s7+s2] =	stream.linear.scatter [tilespmem:s17], [sflag:$0x3], $0x80, $0x38;
	[tilespmem:$0x9D00] =	vst v63  }
0x4ee: {  	s18 =	sadd.s32 $0x10, s7;
	s19 =	simm.s32 $0x6EC8  }
0x4ef: {  	[hbm4b:s18+s2] =	stream.linear.scatter [tilespmem:s19], [sflag:$0x3], $0x80, $0x38;
	[tilespmem:$0x9D00] =	vst v63  }
0x4f0: {  	s22 =	sadd.s32 $0x20, s7;
	s31 =	simm.s32 $0x6F50  }
0x4f1: {  	[hbm4b:s22+s2] =	stream.linear.scatter [tilespmem:s31], [sflag:$0x3], $0x80, $0x38;
	[tilespmem:$0x9D00] =	vst v63  }
0x4f2: {  	s10 =	sadd.s32 $0x30, s7;
	s12 =	simm.s32 $0x6FD8  }
0x4f3: {  	[hbm4b:s10+s2] =	stream.linear.scatter [tilespmem:s12], [sflag:$0x3], $0x80, $0x38;
	[tilespmem:$0x9D00] =	vst v63  }
0x4f4: {  	s13 =	sadd.s32 $0x40, s7;
	s15 =	simm.s32 $0x7060  }
0x4f5: {  	[hbm4b:s13+s2] =	stream.linear.scatter [tilespmem:s15], [sflag:$0x3], $0x80, $0x38;
	[tilespmem:$0x9D00] =	vst v63  }
0x4f6: {  	s16 =	sadd.s32 $0x50, s7;
	s17 =	simm.s32 $0x70E8  }
0x4f7: {  	[hbm4b:s16+s2] =	stream.linear.scatter [tilespmem:s17], [sflag:$0x3], $0x80, $0x38;
	[tilespmem:$0x9D00] =	vst v63  }
0x4f8: {  	s18 =	sadd.s32 $0x60, s7;
	s19 =	simm.s32 $0x7170  }
0x4f9: {  	[hbm4b:s18+s2] =	stream.linear.scatter [tilespmem:s19], [sflag:$0x3], $0x80, $0x38;
	[tilespmem:$0x9D00] =	vst v63  }
0x4fa: {  	s22 =	sadd.s32 $0x70, s7;
	s31 =	simm.s32 $0x71F8;
	s7 =	sld [smem:$0x7F4]  }
0x4fb: {  	[hbm4b:s22+s2] =	stream.linear.scatter [tilespmem:s31], [sflag:$0x3], $0x80, $0x38;
	[tilespmem:$0x9D00] =	vst v63  }
0x4fc: {  	s8 =	simm.s32 $0x7280  }
0x4fd: {  	[hbm4b:s7+s2] =	stream.linear.scatter [tilespmem:s8], [sflag:$0x3], $0x80, $0x38;
	[tilespmem:$0x9D00] =	vst v63  }
0x4fe: {  	s12 =	simm.s32 $0x7308;
	s10 =	sadd.s32 $0x10, s7  }
0x4ff: {  	[hbm4b:s10+s2] =	stream.linear.scatter [tilespmem:s12], [sflag:$0x3], $0x80, $0x38;
	[tilespmem:$0x9D00] =	vst v63  }
0x500: {  	s13 =	sadd.s32 $0x20, s7;
	s15 =	simm.s32 $0x7390  }
0x501: {  	[hbm4b:s13+s2] =	stream.linear.scatter [tilespmem:s15], [sflag:$0x3], $0x80, $0x38;
	[tilespmem:$0x9D00] =	vst v63  }
0x502: {  	s16 =	sadd.s32 $0x30, s7;
	s17 =	simm.s32 $0x7418  }
0x503: {  	[hbm4b:s16+s2] =	stream.linear.scatter [tilespmem:s17], [sflag:$0x3], $0x80, $0x38;
	[tilespmem:$0x9D00] =	vst v63  }
0x504: {  	s18 =	sadd.s32 $0x40, s7;
	s19 =	simm.s32 $0x74A0  }
0x505: {  	[hbm4b:s18+s2] =	stream.linear.scatter [tilespmem:s19], [sflag:$0x3], $0x80, $0x38;
	[tilespmem:$0x9D00] =	vst v63  }
0x506: {  	s22 =	sadd.s32 $0x50, s7;
	s31 =	simm.s32 $0x7528  }
0x507: {  	[hbm4b:s22+s2] =	stream.linear.scatter [tilespmem:s31], [sflag:$0x3], $0x80, $0x38;
	[tilespmem:$0x9D00] =	vst v63  }
0x508: {  	s8 =	sadd.s32 $0x60, s7;
	s10 =	simm.s32 $0x75B0  }
0x509: {  	[hbm4b:s8+s2] =	stream.linear.scatter [tilespmem:s10], [sflag:$0x3], $0x80, $0x38;
	[tilespmem:$0x9D00] =	vst v63  }
0x50a: {  	s12 =	sadd.s32 $0x70, s7;
	s7 =	sld [smem:$0x7F5];
	s13 =	simm.s32 $0x7638  }
0x50b: {  	[hbm4b:s12+s2] =	stream.linear.scatter [tilespmem:s13], [sflag:$0x3], $0x80, $0x38;
	[tilespmem:$0x9D00] =	vst v63  }
0x50c: {  	s15 =	simm.s32 $0x76C0  }
0x50d: {  	[hbm4b:s7+s2] =	stream.linear.scatter [tilespmem:s15], [sflag:$0x3], $0x80, $0x38;
	[tilespmem:$0x9D00] =	vst v63  }
0x50e: {  	s16 =	sadd.s32 $0x10, s7;
	s17 =	simm.s32 $0x7748  }
0x50f: {  	[hbm4b:s16+s2] =	stream.linear.scatter [tilespmem:s17], [sflag:$0x3], $0x80, $0x38;
	[tilespmem:$0x9D00] =	vst v63  }
0x510: {  	s18 =	sadd.s32 $0x20, s7;
	s19 =	simm.s32 $0x77D0  }
0x511: {  	[hbm4b:s18+s2] =	stream.linear.scatter [tilespmem:s19], [sflag:$0x3], $0x80, $0x38;
	[tilespmem:$0x9D00] =	vst v63  }
0x512: {  	s22 =	sadd.s32 $0x30, s7;
	s31 =	simm.s32 $0x7858  }
0x513: {  	[hbm4b:s22+s2] =	stream.linear.scatter [tilespmem:s31], [sflag:$0x3], $0x80, $0x38;
	[tilespmem:$0x9D00] =	vst v63  }
0x514: {  	s8 =	sadd.s32 $0x40, s7;
	s10 =	simm.s32 $0x78E0  }
0x515: {  	[hbm4b:s8+s2] =	stream.linear.scatter [tilespmem:s10], [sflag:$0x3], $0x80, $0x38;
	[tilespmem:$0x9D00] =	vst v63  }
0x516: {  	s12 =	sadd.s32 $0x50, s7;
	s13 =	simm.s32 $0x7968  }
0x517: {  	[hbm4b:s12+s2] =	stream.linear.scatter [tilespmem:s13], [sflag:$0x3], $0x80, $0x38;
	[tilespmem:$0x9D00] =	vst v63  }
0x518: {  	s15 =	sadd.s32 $0x60, s7;
	s16 =	simm.s32 $0x79F0  }
0x519: {  	[hbm4b:s15+s2] =	stream.linear.scatter [tilespmem:s16], [sflag:$0x3], $0x80, $0x38;
	[tilespmem:$0x9D00] =	vst v63  }
0x51a: {  	s17 =	sadd.s32 $0x70, s7;
	s18 =	simm.s32 $0x7A78  }
0x51b: {  	[hbm4b:s17+s2] =	stream.linear.scatter [tilespmem:s18], [sflag:$0x3], $0x80, $0x38;
	[tilespmem:$0x9D00] =	vst v63  }
0x51c: {  	_ =	swait.ge [sflag:s21], $0x2000  }
0x51d: {  	[sflag:s21] =	ssyncset.done $0x0  }
0x51e: {  	[sflag:s21] =	ssyncadd.s32 $0xFFFFE000  }
0x51f: {  	_ =	swait.ge [sflag:s26], $0x400  }
0x520: {  	[sflag:s26] =	ssyncset.done $0x0  }
0x521: {  	[sflag:s26] =	ssyncadd.s32 $0xFFFFFC00  }
0x522: {  	_ =	swait.ge [sflag:s26], $0x400  }
0x523: {  	[sflag:s26] =	ssyncset.done $0x0  }
0x524: {  	[sflag:s26] =	ssyncadd.s32 $0xFFFFFC00  }
0x525: {  	_ =	swait.ge [sflag:s26], $0x400  }
0x526: {  	[sflag:s26] =	ssyncset.done $0x0  }
0x527: {  	[sflag:s26] =	ssyncadd.s32 $0xFFFFFC00  }
0x528: {  	_ =	swait.ge [sflag:s26], $0x400  }
0x529: {  	[sflag:s26] =	ssyncset.done $0x0  }
0x52a: {  	[sflag:s26] =	ssyncadd.s32 $0xFFFFFC00  }
0x52b: {  	_ =	swait.ge [sflag:s26], $0x400  }
0x52c: {  	v50 =	vmov s2;
	[sflag:s26] =	ssyncset.done $0x0  }
0x52d: {  	v33 =	vshrl.u32 v50, $0x3;
	[sflag:s26] =	ssyncadd.s32 $0xFFFFFC00  }
0x52e: {  	v33 =	vshll.u32 v33, v1;
	_ =	swait.ge [sflag:s26], $0x400  }
0x52f: {  	v33 =	vbroadcast v33, $0x0;
	[sflag:s26] =	ssyncset.done $0x0  }
0x530: {  	s19 =	simm.s32 $0x1;
	[sflag:s26] =	ssyncadd.s32 $0xFFFFFC00  }
0x531: {  	v57 =	vadd.s32 v0, v33;
	v51 =	vmov s19;
	s22 =	simm.s32 $0x2;
	s10 =	simm.s32 $0x7;
	_ =	swait.ge [sflag:s26], $0x400  }
0x532: {  	s31 =	simm.s32 $0x3;
	v34 =	vshrl.u32 v51, $0x3;
	v52 =	vmov s22;
	v55 =	vmov s10;
	[sflag:s26] =	ssyncset.done $0x0  }
0x533: {  	v53 =	vmov s31;
	v34 =	vshll.u32 v34, v1;
	v38 =	vshrl.u32 v55, $0x3;
	[sflag:s26] =	ssyncadd.s32 $0xFFFFFC00  }
0x534: {  	s8 =	simm.s32 $0x4;
	v35 =	vshrl.u32 v52, $0x3;
	v36 =	vshrl.u32 v53, $0x3;
	v38 =	vshll.u32 v38, v1;
	_ =	swait.ge [sflag:s26], $0x400  }
0x535: {  	v45 =	vbroadcast v34, $0x0;
	v54 =	vmov s8;
	v38 =	vbroadcast v38, $0x0;
	[sflag:s26] =	ssyncset.done $0x0  }
0x536: {  	s0 =	simm.s32 $0x3A00;
	v56 =	vshll.u32 v35, v1;
	v58 =	vshll.u32 v36, v1;
	v37 =	vshrl.u32 v54, $0x3;
	[sflag:s26] =	ssyncadd.s32 $0xFFFFFC00  }
0x537: {  	s12 =	simm.s32 $0x5;
	s13 =	simm.s32 $0x6;
	v52 =	vbroadcast v56, $0x0;
	v60 =	vadd.s32 v5, v45;
	v42 =	vadd.s32 v29, v38;
	v41 =	vld [tilespmem:s0+$0xC0]  }
0x538: {  	v35 =	vbroadcast v58, $0x0;
	v39 =	vmov s12;
	v40 =	vmov s13;
	v59 =	vld [tilespmem:s0+$0xFFFFFF40]  }
0x539: {  	v61 =	vshll.u32 v37, v1;
	v63 =	vadd.s32 v9, v52;
	v55 =	vshrl.u32 v39, $0x3;
	v62 =	vld [tilespmem:s0+$0xFFFFFF80]  }
0x53a: {  	v34 =	vbroadcast v61, $0x0;
	v40 =	vshrl.u32 v40, $0x3;
	v36 =	vshll.u32 v55, v1;
	v43 =	vld [tilespmem:s0+$0xFFFFFF00]  }
0x53b: {  	v50 =	vadd.s32 v13, v35;
	v56 =	vshll.u32 v40, v1;
	v37 =	vbroadcast v36, $0x0;
	v39 =	vld [tilespmem:s0+$0xFFFFFFC0]  }
0x53c: {  	v53 =	vadd.s32 v17, v34;
	v36 =	vbroadcast v56, $0x0;
	v51 =	vld [tilespmem:s0+$0x0];
	[tilespmem:v42+s23+$0x0] =	vst.idx.msk $0xffff, v41  }
0x53d: {  	[tilespmem:v60+s23+$0x0] =	vst.idx.msk $0xffff, v59;
	v59 =	vld [tilespmem:s0+$0x40];
	v60 =	vadd.s32 v21, v37  }
0x53e: {  	v61 =	vld [tilespmem:s0+$0x80];
	[tilespmem:v63+s23+$0x0] =	vst.idx.msk $0xffff, v62;
	v62 =	vadd.s32 v25, v36  }
0x53f: {  	v58 =	vadd.s32 v30, v38;
	[tilespmem:v57+s23+$0x0] =	vst.idx.msk $0xffff, v43;
	v57 =	vld [tilespmem:s0+$0xD0]  }
0x540: {  	v63 =	vadd.s32 v6, v45;
	[tilespmem:v50+s23+$0x0] =	vst.idx.msk $0xffff, v39;
	v47 =	vld [tilespmem:s0+$0xFFFFFF50]  }
0x541: {  	v55 =	vadd.s32 v10, v52;
	[tilespmem:v53+s23+$0x0] =	vst.idx.msk $0xffff, v51;
	v54 =	vld [tilespmem:s0+$0xFFFFFF90]  }
0x542: {  	v56 =	vadd.s32 v14, v35;
	v50 =	vld [tilespmem:s0+$0xFFFFFFD0];
	[tilespmem:v60+s23+$0x0] =	vst.idx.msk $0xffff, v59  }
0x543: {  	[tilespmem:v62+s23+$0x0] =	vst.idx.msk $0xffff, v61;
	v61 =	vld [tilespmem:s0+$0xFFFFFF10];
	v62 =	vadd.s32 v2, v33  }
0x544: {  	v59 =	vadd.s32 v18, v34;
	[tilespmem:v58+s23+$0x0] =	vst.idx.msk $0xffff, v57;
	v58 =	vld [tilespmem:s0+$0x10]  }
0x545: {  	v57 =	vadd.s32 v31, v38;
	[tilespmem:v63+s23+$0x0] =	vst.idx.msk $0xffff, v47;
	v40 =	vld [tilespmem:s0+$0xE0]  }
0x546: {  	v60 =	vadd.s32 v26, v36;
	[tilespmem:v55+s23+$0x0] =	vst.idx.msk $0xffff, v54;
	v63 =	vld [tilespmem:s0+$0x90]  }
0x547: {  	v46 =	vadd.s32 v22, v37;
	v44 =	vld [tilespmem:s0+$0x50];
	[tilespmem:v56+s23+$0x0] =	vst.idx.msk $0xffff, v50  }
0x548: {  	v51 =	vadd.s32 v7, v45;
	v50 =	vld [tilespmem:s0+$0xFFFFFF60];
	[tilespmem:v62+s23+$0x0] =	vst.idx.msk $0xffff, v61  }
0x549: {  	v56 =	vadd.s32 v11, v52;
	v55 =	vld [tilespmem:s0+$0xFFFFFFA0];
	[tilespmem:v59+s23+$0x0] =	vst.idx.msk $0xffff, v58  }
0x54a: {  	v58 =	vadd.s32 v15, v35;
	[tilespmem:v57+s23+$0x0] =	vst.idx.msk $0xffff, v40;
	v57 =	vld [tilespmem:s0+$0xFFFFFFE0]  }
0x54b: {  	[tilespmem:v60+s23+$0x0] =	vst.idx.msk $0xffff, v63;
	v60 =	vadd.s32 v19, v34;
	v59 =	vld [tilespmem:s0+$0x20]  }
0x54c: {  	v38 =	vadd.s32 v32, v38;
	[tilespmem:v46+s23+$0x0] =	vst.idx.msk $0xffff, v44;
	v54 =	vld [tilespmem:s0+$0xF0]  }
0x54d: {  	v48 =	vadd.s32 v3, v33;
	s15 =	simm.s32 $0x8;
	s16 =	simm.s32 $0x9;
	v41 =	vadd.s32 v23, v37;
	[tilespmem:v51+s23+$0x0] =	vst.idx.msk $0xffff, v50;
	v40 =	vld [tilespmem:s0+$0x60]  }
0x54e: {  	s19 =	simm.s32 $0xC;
	s18 =	simm.s32 $0xB;
	v53 =	vmov s16;
	v43 =	vadd.s32 v27, v36;
	v63 =	vmov s15;
	v42 =	vld [tilespmem:s0+$0xA0];
	[tilespmem:v56+s23+$0x0] =	vst.idx.msk $0xffff, v55  }
0x54f: {  	s31 =	simm.s32 $0xE;
	v47 =	vmov s19;
	v44 =	vmov s18;
	v46 =	vld [tilespmem:s0+$0xFFFFFF20];
	v39 =	vshrl.u32 v63, $0x3;
	[tilespmem:v58+s23+$0x0] =	vst.idx.msk $0xffff, v57  }
0x550: {  	s22 =	simm.s32 $0xD;
	s17 =	simm.s32 $0xA;
	v51 =	vadd.s32 v8, v45;
	v49 =	vld [tilespmem:s0+$0xFFFFFF70];
	v45 =	vshll.u32 v39, v1;
	v39 =	vmov s31;
	[tilespmem:v60+s23+$0x0] =	vst.idx.msk $0xffff, v59  }
0x551: {  	s7 =	simm.s32 $0xF;
	s2 =	simm.s32 $0x10;
	v52 =	vadd.s32 v12, v52;
	v50 =	vld [tilespmem:s0+$0xFFFFFFB0];
	[tilespmem:v38+s23+$0x0] =	vst.idx.msk $0xffff, v54;
	v54 =	vmov s17;
	v38 =	vmov s22  }
.LBB2_14:
0x552: {  	p0 =	slt.u32 s2, $0x78;
	v53 =	vshrl.u32 v53, $0x3;
	v55 =	vmov s7;
	v56 =	vld [tilespmem:s0+$0xFFFFFFF0];
	v35 =	vadd.s32 v16, v35;
	[tilespmem:v41+s23+$0x0] =	vst.idx.msk $0xffff, v40  }
0x553: {  	v40 =	vshrl.u32 v54, $0x3;
	v34 =	vadd.s32 v20, v34;
	v41 =	vshrl.u32 v55, $0x3;
	v54 =	vld [tilespmem:s0+$0x30];
	[tilespmem:v43+s23+$0x0] =	vst.idx.msk $0xffff, v42  }
0x554: {  	v37 =	vadd.s32 v24, v37;
	v42 =	vshrl.u32 v44, $0x3;
	v41 =	vshll.u32 v41, v1;
	[tilespmem:v48+s23+$0x0] =	vst.idx.msk $0xffff, v46;
	v43 =	vld [tilespmem:s0+$0x70]  }
0x555: {  	v36 =	vadd.s32 v28, v36;
	v44 =	vshrl.u32 v47, $0x3;
	v41 =	vbroadcast v41, $0x0;
	[tilespmem:v51+s23+$0x0] =	vst.idx.msk $0xffff, v49;
	v46 =	vld [tilespmem:s0+$0xB0]  }
0x556: {  	v47 =	vshll.u32 v53, v1;
	v49 =	vadd.s32 v4, v33;
	v33 =	vbroadcast v45, $0x0;
	v48 =	vld [tilespmem:s0+$0xFFFFFF30];
	[tilespmem:v52+s23+$0x0] =	vst.idx.msk $0xffff, v50;
	s0 =	sadd.s32 $0x200, s0  }
0x557: {  	v40 =	vshll.u32 v40, v1;
	v45 =	vbroadcast v47, $0x0;
	v47 =	vld [tilespmem:s0+$0xC0];
	v50 =	vadd.s32 v29, v41;
	[tilespmem:v35+s23+$0x0] =	vst.idx.msk $0xffff, v56  }
0x558: {  	v55 =	vbroadcast v40, $0x0;
	v52 =	vadd.s32 v0, v33;
	v35 =	vshll.u32 v42, v1;
	v51 =	vld [tilespmem:s0+$0xFFFFFF00];
	[tilespmem:v34+s23+$0x0] =	vst.idx.msk $0xffff, v54  }
0x559: {  	v42 =	vadd.s32 v5, v45;
	v35 =	vbroadcast v35, $0x0;
	v34 =	vshll.u32 v44, v1;
	v40 =	vld [tilespmem:s0+$0xFFFFFF40];
	[tilespmem:v37+s23+$0x0] =	vst.idx.msk $0xffff, v43  }
0x55a: {  	v44 =	vadd.s32 v9, v55;
	v34 =	vbroadcast v34, $0x0;
	v37 =	vshrl.u32 v38, $0x3;
	v43 =	vld [tilespmem:s0+$0xFFFFFF80];
	[tilespmem:v36+s23+$0x0] =	vst.idx.msk $0xffff, v46  }
0x55b: {  	v39 =	vshrl.u32 v39, $0x3;
	v46 =	vadd.s32 v13, v35;
	v36 =	vshll.u32 v37, v1;
	v38 =	vld [tilespmem:s0+$0xFFFFFFC0];
	[tilespmem:v49+s23+$0x0] =	vst.idx.msk $0xffff, v48  }
0x55c: {  	v49 =	vadd.s32 v17, v34;
	v37 =	vbroadcast v36, $0x0;
	v36 =	vshll.u32 v39, v1;
	v48 =	vld [tilespmem:s0+$0x0];
	[tilespmem:v50+s23+$0x0] =	vst.idx.msk $0xffff, v47  }
0x55d: {  	v36 =	vbroadcast v36, $0x0;
	v47 =	vadd.s32 v30, v41;
	[tilespmem:v52+s23+$0x0] =	vst.idx.msk $0xffff, v51;
	v39 =	vld [tilespmem:s0+$0xD0]  }
0x55e: {  	[tilespmem:v42+s23+$0x0] =	vst.idx.msk $0xffff, v40;
	v40 =	vld [tilespmem:s0+$0x40];
	v42 =	vadd.s32 v21, v37  }
0x55f: {  	[tilespmem:v44+s23+$0x0] =	vst.idx.msk $0xffff, v43;
	v43 =	vld [tilespmem:s0+$0x80];
	v44 =	vadd.s32 v25, v36  }
0x560: {  	v51 =	vadd.s32 v6, v45;
	v50 =	vld [tilespmem:s0+$0xFFFFFF50];
	[tilespmem:v46+s23+$0x0] =	vst.idx.msk $0xffff, v38  }
0x561: {  	v46 =	vadd.s32 v10, v55;
	v38 =	vld [tilespmem:s0+$0xFFFFFF90];
	[tilespmem:v49+s23+$0x0] =	vst.idx.msk $0xffff, v48  }
0x562: {  	v49 =	vadd.s32 v14, v35;
	v48 =	vld [tilespmem:s0+$0xFFFFFFD0];
	[tilespmem:v47+s23+$0x0] =	vst.idx.msk $0xffff, v39  }
0x563: {  	[tilespmem:v42+s23+$0x0] =	vst.idx.msk $0xffff, v40;
	v39 =	vld [tilespmem:s0+$0xE0];
	v40 =	vadd.s32 v31, v41  }
0x564: {  	v47 =	vadd.s32 v18, v34;
	v42 =	vld [tilespmem:s0+$0x10];
	[tilespmem:v44+s23+$0x0] =	vst.idx.msk $0xffff, v43  }
0x565: {  	v44 =	vadd.s32 v22, v37;
	[tilespmem:v51+s23+$0x0] =	vst.idx.msk $0xffff, v50;
	v43 =	vld [tilespmem:s0+$0x50]  }
0x566: {  	[tilespmem:v46+s23+$0x0] =	vst.idx.msk $0xffff, v38;
	v38 =	vld [tilespmem:s0+$0x90];
	v46 =	vadd.s32 v26, v36  }
0x567: {  	v51 =	vadd.s32 v2, v33;
	v50 =	vld [tilespmem:s0+$0xFFFFFF10];
	[tilespmem:v49+s23+$0x0] =	vst.idx.msk $0xffff, v48  }
0x568: {  	v49 =	vadd.s32 v7, v45;
	v48 =	vld [tilespmem:s0+$0xFFFFFF60];
	[tilespmem:v40+s23+$0x0] =	vst.idx.msk $0xffff, v39  }
0x569: {  	[tilespmem:v47+s23+$0x0] =	vst.idx.msk $0xffff, v42;
	v39 =	vld [tilespmem:s0+$0xF0];
	v47 =	vadd.s32 v32, v41  }
0x56a: {  	v56 =	vadd.s32 v11, v55;
	v52 =	vld [tilespmem:s0+$0xFFFFFFA0];
	[tilespmem:v44+s23+$0x0] =	vst.idx.msk $0xffff, v43  }
0x56b: {  	v58 =	vadd.s32 v15, v35;
	v57 =	vld [tilespmem:s0+$0xFFFFFFE0];
	[tilespmem:v46+s23+$0x0] =	vst.idx.msk $0xffff, v38  }
0x56c: {  	v60 =	vadd.s32 v19, v34;
	[tilespmem:v51+s23+$0x0] =	vst.idx.msk $0xffff, v50;
	v59 =	vld [tilespmem:s0+$0x20]  }
.Ltmp6:
0x56d: {  	s7 =	sadd.s32 $0x1, s2;
	v41 =	vadd.s32 v23, v37;
	v38 =	vmov s2;
	[tilespmem:v49+s23+$0x0] =	vst.idx.msk $0xffff, v48;
	v40 =	vld [tilespmem:s0+$0x60];
	(pc) =	sbr.rel @p0 .LBB2_14-.Ltmp6, $4  }
0x56e: {  	s8 =	sadd.s32 $0x3, s2;
	v53 =	vmov s7;
	s7 =	sadd.s32 $0x2, s2;
	v43 =	vadd.s32 v27, v36;
	v50 =	vshrl.u32 v38, $0x3;
	v42 =	vld [tilespmem:s0+$0xA0];
	[tilespmem:v47+s23+$0x0] =	vst.idx.msk $0xffff, v39  }
0x56f: {  	v54 =	vmov s7;
	s7 =	sadd.s32 $0x4, s2;
	v44 =	vmov s8;
	s8 =	sadd.s32 $0x5, s2;
	v48 =	vadd.s32 v3, v33;
	v46 =	vld [tilespmem:s0+$0xFFFFFF20];
	[tilespmem:v56+s23+$0x0] =	vst.idx.msk $0xffff, v52  }
0x570: {  	v38 =	vmov s8;
	v51 =	vadd.s32 v8, v45;
	v47 =	vmov s7;
	s7 =	sadd.s32 $0x6, s2;
	v49 =	vld [tilespmem:s0+$0xFFFFFF70];
	[tilespmem:v58+s23+$0x0] =	vst.idx.msk $0xffff, v57  }
0x571: {  	v45 =	vshll.u32 v50, v1;
	v39 =	vmov s7;
	s7 =	sadd.s32 $0x7, s2;
	s2 =	sadd.s32 $0x8, s2;
	v52 =	vadd.s32 v12, v55;
	v50 =	vld [tilespmem:s0+$0xFFFFFFB0];
	[tilespmem:v60+s23+$0x0] =	vst.idx.msk $0xffff, v59  }
0x572: {  	_ =	sdelay $0x2  }
0x573: {  	v53 =	vshrl.u32 v53, $0x3  }
0x574: {  	v55 =	vmov s7;
	v56 =	vld [tilespmem:s0+$0xFFFFFFF0];
	v35 =	vadd.s32 v16, v35;
	[tilespmem:v41+s23+$0x0] =	vst.idx.msk $0xffff, v40;
	v57 =	vshrl.u32 v54, $0x3  }
0x575: {  	v59 =	vld [tilespmem:s0+$0x30];
	v34 =	vadd.s32 v20, v34;
	v60 =	vshrl.u32 v44, $0x3;
	v58 =	vshrl.u32 v55, $0x3;
	[tilespmem:v43+s23+$0x0] =	vst.idx.msk $0xffff, v42  }
0x576: {  	v37 =	vadd.s32 v24, v37;
	v62 =	vshrl.u32 v47, $0x3;
	v61 =	vld [tilespmem:s0+$0x70];
	v41 =	vshll.u32 v58, v1;
	[tilespmem:v48+s23+$0x0] =	vst.idx.msk $0xffff, v46  }
0x577: {  	v36 =	vadd.s32 v28, v36;
	v45 =	vbroadcast v45, $0x0;
	v63 =	vld [tilespmem:s0+$0xB0];
	v41 =	vbroadcast v41, $0x0;
	[tilespmem:v51+s23+$0x0] =	vst.idx.msk $0xffff, v49  }
0x578: {  	v33 =	vadd.s32 v4, v33;
	s19 =	sadd.s32 $0x200, s0;
	v38 =	vshrl.u32 v38, $0x3;
	v55 =	vshll.u32 v53, v1;
	v48 =	vld [tilespmem:s0+$0xFFFFFF30];
	[tilespmem:v52+s23+$0x0] =	vst.idx.msk $0xffff, v50  }
0x579: {  	v40 =	vshll.u32 v57, v1;
	v47 =	vbroadcast v55, $0x0;
	v49 =	vld [tilespmem:s19+$0xC0];
	v50 =	vadd.s32 v29, v41;
	[tilespmem:v35+s23+$0x0] =	vst.idx.msk $0xffff, v56  }
0x57a: {  	v42 =	vshll.u32 v60, v1;
	v40 =	vbroadcast v40, $0x0;
	v35 =	vld [tilespmem:s19+$0xFFFFFF00];
	v56 =	vadd.s32 v0, v45;
	[tilespmem:v34+s23+$0x0] =	vst.idx.msk $0xffff, v59  }
0x57b: {  	v57 =	vld [tilespmem:s19+$0xFFFFFF40];
	v44 =	vshll.u32 v62, v1;
	v42 =	vbroadcast v42, $0x0;
	v58 =	vadd.s32 v5, v47;
	[tilespmem:v37+s23+$0x0] =	vst.idx.msk $0xffff, v61  }
0x57c: {  	v38 =	vshll.u32 v38, v1;
	v44 =	vbroadcast v44, $0x0;
	v60 =	vadd.s32 v9, v40;
	v59 =	vld [tilespmem:s19+$0xFFFFFF80];
	[tilespmem:v36+s23+$0x0] =	vst.idx.msk $0xffff, v63  }
0x57d: {  	v38 =	vbroadcast v38, $0x0;
	v62 =	vadd.s32 v13, v42;
	v61 =	vld [tilespmem:s19+$0xFFFFFFC0];
	[tilespmem:v33+s23+$0x0] =	vst.idx.msk $0xffff, v48  }
0x57e: {  	v39 =	vshrl.u32 v39, $0x3;
	v63 =	vadd.s32 v17, v44;
	v33 =	vld [tilespmem:s19+$0x0];
	[tilespmem:v50+s23+$0x0] =	vst.idx.msk $0xffff, v49  }
0x57f: {  	v39 =	vshll.u32 v39, v1;
	v34 =	vld [tilespmem:s19+$0x40];
	[tilespmem:v56+s23+$0x0] =	vst.idx.msk $0xffff, v35;
	v56 =	vadd.s32 v21, v38  }
0x580: {  	[tilespmem:v58+s23+$0x0] =	vst.idx.msk $0xffff, v57;
	v35 =	vbroadcast v39, $0x0;
	v49 =	vadd.s32 v30, v41;
	v39 =	vld [tilespmem:s19+$0xD0]  }
0x581: {  	[tilespmem:v60+s23+$0x0] =	vst.idx.msk $0xffff, v59;
	v59 =	vld [tilespmem:s19+$0xFFFFFF50];
	v60 =	vadd.s32 v6, v47  }
0x582: {  	v57 =	vld [tilespmem:s19+$0x80];
	[tilespmem:v62+s23+$0x0] =	vst.idx.msk $0xffff, v61;
	v58 =	vadd.s32 v25, v35  }
0x583: {  	v61 =	vld [tilespmem:s19+$0xFFFFFF90];
	v62 =	vadd.s32 v10, v40;
	[tilespmem:v63+s23+$0x0] =	vst.idx.msk $0xffff, v33  }
0x584: {  	v33 =	vld [tilespmem:s19+$0xFFFFFFD0];
	v63 =	vadd.s32 v14, v42;
	[tilespmem:v56+s23+$0x0] =	vst.idx.msk $0xffff, v34  }
0x585: {  	v56 =	vadd.s32 v18, v44;
	[tilespmem:v49+s23+$0x0] =	vst.idx.msk $0xffff, v39;
	v49 =	vld [tilespmem:s19+$0x10]  }
0x586: {  	[tilespmem:v60+s23+$0x0] =	vst.idx.msk $0xffff, v59;
	v39 =	vadd.s32 v31, v41;
	v34 =	vld [tilespmem:s19+$0xE0]  }
0x587: {  	[tilespmem:v58+s23+$0x0] =	vst.idx.msk $0xffff, v57;
	v57 =	vld [tilespmem:s19+$0x50];
	v58 =	vadd.s32 v22, v38  }
0x588: {  	[tilespmem:v62+s23+$0x0] =	vst.idx.msk $0xffff, v61;
	v61 =	vld [tilespmem:s19+$0xFFFFFF10];
	v62 =	vadd.s32 v2, v45  }
0x589: {  	v60 =	vadd.s32 v26, v35;
	v59 =	vld [tilespmem:s19+$0x90];
	[tilespmem:v63+s23+$0x0] =	vst.idx.msk $0xffff, v33  }
0x58a: {  	v55 =	vadd.s32 v11, v40;
	v54 =	vadd.s32 v32, v41;
	v41 =	vld [tilespmem:s19+$0xFFFFFFA0];
	[tilespmem:v56+s23+$0x0] =	vst.idx.msk $0xffff, v49  }
0x58b: {  	v53 =	vadd.s32 v7, v47;
	v63 =	vld [tilespmem:s19+$0xFFFFFF60];
	[tilespmem:v39+s23+$0x0] =	vst.idx.msk $0xffff, v34  }
0x58c: {  	v56 =	vld [tilespmem:s19+$0xFFFFFFE0];
	[tilespmem:v58+s23+$0x0] =	vst.idx.msk $0xffff, v57;
	v57 =	vadd.s32 v15, v42  }
0x58d: {  	[tilespmem:v62+s23+$0x0] =	vst.idx.msk $0xffff, v61;
	v34 =	vld [tilespmem:s19+$0xF0]  }
0x58e: {  	v58 =	vld [tilespmem:s19+$0x20];
	[tilespmem:v60+s23+$0x0] =	vst.idx.msk $0xffff, v59;
	v59 =	vadd.s32 v19, v44  }
0x58f: {  	v61 =	vadd.s32 v23, v38;
	[tilespmem:v55+s23+$0x0] =	vst.idx.msk $0xffff, v41;
	v60 =	vld [tilespmem:s19+$0x60]  }
0x590: {  	[tilespmem:v53+s23+$0x0] =	vst.idx.msk $0xffff, v63;
	v63 =	vadd.s32 v27, v35;
	v62 =	vld [tilespmem:s19+$0xA0]  }
0x591: {  	v47 =	vadd.s32 v8, v47;
	v55 =	vld [tilespmem:s19+$0xFFFFFF70];
	[tilespmem:v57+s23+$0x0] =	vst.idx.msk $0xffff, v56  }
0x592: {  	v53 =	vld [tilespmem:s19+$0xFFFFFF20];
	[tilespmem:v54+s23+$0x0] =	vst.idx.msk $0xffff, v34;
	v54 =	vadd.s32 v3, v45  }
0x593: {  	v40 =	vadd.s32 v12, v40;
	v56 =	vld [tilespmem:s19+$0xFFFFFFB0];
	[tilespmem:v59+s23+$0x0] =	vst.idx.msk $0xffff, v58  }
0x594: {  	v42 =	vadd.s32 v16, v42;
	v57 =	vld [tilespmem:s19+$0xFFFFFFF0];
	[tilespmem:v61+s23+$0x0] =	vst.idx.msk $0xffff, v60  }
0x595: {  	v59 =	vadd.s32 v20, v44;
	v58 =	vld [tilespmem:s19+$0x30];
	[tilespmem:v63+s23+$0x0] =	vst.idx.msk $0xffff, v62  }
0x596: {  	v38 =	vadd.s32 v24, v38;
	v60 =	vld [tilespmem:s19+$0x70];
	[tilespmem:v47+s23+$0x0] =	vst.idx.msk $0xffff, v55  }
0x597: {  	v35 =	vadd.s32 v28, v35;
	v61 =	vld [tilespmem:s19+$0xB0];
	[tilespmem:v54+s23+$0x0] =	vst.idx.msk $0xffff, v53  }
0x598: {  	v63 =	vadd.s32 v4, v45;
	[tilespmem:v40+s23+$0x0] =	vst.idx.msk $0xffff, v56;
	v62 =	vld [tilespmem:s19+$0xFFFFFF30]  }
0x599: {  	[tilespmem:v42+s23+$0x0] =	vst.idx.msk $0xffff, v57  }
0x59a: {  	[tilespmem:v59+s23+$0x0] =	vst.idx.msk $0xffff, v58  }
0x59b: {  	[tilespmem:v38+s23+$0x0] =	vst.idx.msk $0xffff, v60  }
0x59c: {  	[tilespmem:v35+s23+$0x0] =	vst.idx.msk $0xffff, v61  }
0x59d: {  	[tilespmem:v63+s23+$0x0] =	vst.idx.msk $0xffff, v62  }
0x59e: {  	s2 =	sld [smem:$0x7F6];
	_ =	sdelay $0x2  }
0x59f: {  	[hbm4b:s2+s3] =	stream.linear.scatter [tilespmem:s23], [sflag:$0x4], $0x80, $0x38;
	[tilespmem:$0x9D00] =	vst v63  }
0x5a0: {  	s31 =	simm.s32 $0x7B88;
	s22 =	sadd.s32 $0x10, s2  }
0x5a1: {  	[hbm4b:s22+s3] =	stream.linear.scatter [tilespmem:s31], [sflag:$0x4], $0x80, $0x38;
	[tilespmem:$0x9D00] =	vst v63  }
0x5a2: {  	s12 =	simm.s32 $0x7C10;
	s10 =	sadd.s32 $0x20, s2  }
0x5a3: {  	[hbm4b:s10+s3] =	stream.linear.scatter [tilespmem:s12], [sflag:$0x4], $0x80, $0x38;
	[tilespmem:$0x9D00] =	vst v63  }
0x5a4: {  	s15 =	simm.s32 $0x7C98;
	s13 =	sadd.s32 $0x30, s2  }
0x5a5: {  	[hbm4b:s13+s3] =	stream.linear.scatter [tilespmem:s15], [sflag:$0x4], $0x80, $0x38;
	[tilespmem:$0x9D00] =	vst v63  }
0x5a6: {  	s17 =	simm.s32 $0x7D20;
	s16 =	sadd.s32 $0x40, s2  }
0x5a7: {  	[hbm4b:s16+s3] =	stream.linear.scatter [tilespmem:s17], [sflag:$0x4], $0x80, $0x38;
	[tilespmem:$0x9D00] =	vst v63  }
0x5a8: {  	s19 =	simm.s32 $0x7DA8;
	s18 =	sadd.s32 $0x50, s2  }
0x5a9: {  	[hbm4b:s18+s3] =	stream.linear.scatter [tilespmem:s19], [sflag:$0x4], $0x80, $0x38;
	[tilespmem:$0x9D00] =	vst v63  }
0x5aa: {  	s22 =	sadd.s32 $0x60, s2;
	s31 =	simm.s32 $0x7E30  }
0x5ab: {  	[hbm4b:s22+s3] =	stream.linear.scatter [tilespmem:s31], [sflag:$0x4], $0x80, $0x38;
	[tilespmem:$0x9D00] =	vst v63  }
0x5ac: {  	s7 =	sadd.s32 $0x70, s2;
	s2 =	sld [smem:$0x7F7];
	s10 =	simm.s32 $0x7EB8  }
0x5ad: {  	[hbm4b:s7+s3] =	stream.linear.scatter [tilespmem:s10], [sflag:$0x4], $0x80, $0x38;
	[tilespmem:$0x9D00] =	vst v63  }
0x5ae: {  	s12 =	simm.s32 $0x7F40  }
0x5af: {  	[hbm4b:s2+s3] =	stream.linear.scatter [tilespmem:s12], [sflag:$0x4], $0x80, $0x38;
	[tilespmem:$0x9D00] =	vst v63  }
0x5b0: {  	s13 =	sadd.s32 $0x10, s2;
	s15 =	simm.s32 $0x7FC8  }
0x5b1: {  	[hbm4b:s13+s3] =	stream.linear.scatter [tilespmem:s15], [sflag:$0x4], $0x80, $0x38;
	[tilespmem:$0x9D00] =	vst v63  }
0x5b2: {  	s16 =	sadd.s32 $0x20, s2;
	s17 =	simm.s32 $0x8050  }
0x5b3: {  	[hbm4b:s16+s3] =	stream.linear.scatter [tilespmem:s17], [sflag:$0x4], $0x80, $0x38;
	[tilespmem:$0x9D00] =	vst v63  }
0x5b4: {  	s18 =	sadd.s32 $0x30, s2;
	s19 =	simm.s32 $0x80D8  }
0x5b5: {  	[hbm4b:s18+s3] =	stream.linear.scatter [tilespmem:s19], [sflag:$0x4], $0x80, $0x38;
	[tilespmem:$0x9D00] =	vst v63  }
0x5b6: {  	s22 =	sadd.s32 $0x40, s2;
	s31 =	simm.s32 $0x8160  }
0x5b7: {  	[hbm4b:s22+s3] =	stream.linear.scatter [tilespmem:s31], [sflag:$0x4], $0x80, $0x38;
	[tilespmem:$0x9D00] =	vst v63  }
0x5b8: {  	s7 =	sadd.s32 $0x50, s2;
	s10 =	simm.s32 $0x81E8  }
0x5b9: {  	[hbm4b:s7+s3] =	stream.linear.scatter [tilespmem:s10], [sflag:$0x4], $0x80, $0x38;
	[tilespmem:$0x9D00] =	vst v63  }
0x5ba: {  	s12 =	sadd.s32 $0x60, s2;
	s13 =	simm.s32 $0x8270  }
0x5bb: {  	[hbm4b:s12+s3] =	stream.linear.scatter [tilespmem:s13], [sflag:$0x4], $0x80, $0x38;
	[tilespmem:$0x9D00] =	vst v63  }
0x5bc: {  	s15 =	sadd.s32 $0x70, s2;
	s2 =	sld [smem:$0x7F8];
	s16 =	simm.s32 $0x82F8  }
0x5bd: {  	[hbm4b:s15+s3] =	stream.linear.scatter [tilespmem:s16], [sflag:$0x4], $0x80, $0x38;
	[tilespmem:$0x9D00] =	vst v63  }
0x5be: {  	s17 =	simm.s32 $0x8380  }
0x5bf: {  	[hbm4b:s2+s3] =	stream.linear.scatter [tilespmem:s17], [sflag:$0x4], $0x80, $0x38;
	[tilespmem:$0x9D00] =	vst v63  }
0x5c0: {  	s18 =	sadd.s32 $0x10, s2;
	s19 =	simm.s32 $0x8408  }
0x5c1: {  	[hbm4b:s18+s3] =	stream.linear.scatter [tilespmem:s19], [sflag:$0x4], $0x80, $0x38;
	[tilespmem:$0x9D00] =	vst v63  }
0x5c2: {  	s22 =	sadd.s32 $0x20, s2;
	s31 =	simm.s32 $0x8490  }
0x5c3: {  	[hbm4b:s22+s3] =	stream.linear.scatter [tilespmem:s31], [sflag:$0x4], $0x80, $0x38;
	[tilespmem:$0x9D00] =	vst v63  }
0x5c4: {  	s10 =	sadd.s32 $0x30, s2;
	s12 =	simm.s32 $0x8518  }
0x5c5: {  	[hbm4b:s10+s3] =	stream.linear.scatter [tilespmem:s12], [sflag:$0x4], $0x80, $0x38;
	[tilespmem:$0x9D00] =	vst v63  }
0x5c6: {  	s13 =	sadd.s32 $0x40, s2;
	s15 =	simm.s32 $0x85A0  }
0x5c7: {  	[hbm4b:s13+s3] =	stream.linear.scatter [tilespmem:s15], [sflag:$0x4], $0x80, $0x38;
	[tilespmem:$0x9D00] =	vst v63  }
0x5c8: {  	s16 =	sadd.s32 $0x50, s2;
	s17 =	simm.s32 $0x8628  }
0x5c9: {  	[hbm4b:s16+s3] =	stream.linear.scatter [tilespmem:s17], [sflag:$0x4], $0x80, $0x38;
	[tilespmem:$0x9D00] =	vst v63  }
0x5ca: {  	s18 =	sadd.s32 $0x60, s2;
	s19 =	simm.s32 $0x86B0  }
0x5cb: {  	[hbm4b:s18+s3] =	stream.linear.scatter [tilespmem:s19], [sflag:$0x4], $0x80, $0x38;
	[tilespmem:$0x9D00] =	vst v63  }
0x5cc: {  	s22 =	sadd.s32 $0x70, s2;
	s31 =	simm.s32 $0x8738;
	s2 =	sld [smem:$0x7F9]  }
0x5cd: {  	[hbm4b:s22+s3] =	stream.linear.scatter [tilespmem:s31], [sflag:$0x4], $0x80, $0x38;
	[tilespmem:$0x9D00] =	vst v63  }
0x5ce: {  	s7 =	simm.s32 $0x87C0  }
0x5cf: {  	[hbm4b:s2+s3] =	stream.linear.scatter [tilespmem:s7], [sflag:$0x4], $0x80, $0x38;
	[tilespmem:$0x9D00] =	vst v63  }
0x5d0: {  	s12 =	simm.s32 $0x8848;
	s10 =	sadd.s32 $0x10, s2  }
0x5d1: {  	[hbm4b:s10+s3] =	stream.linear.scatter [tilespmem:s12], [sflag:$0x4], $0x80, $0x38;
	[tilespmem:$0x9D00] =	vst v63  }
0x5d2: {  	s13 =	sadd.s32 $0x20, s2;
	s15 =	simm.s32 $0x88D0  }
0x5d3: {  	[hbm4b:s13+s3] =	stream.linear.scatter [tilespmem:s15], [sflag:$0x4], $0x80, $0x38;
	[tilespmem:$0x9D00] =	vst v63  }
0x5d4: {  	s16 =	sadd.s32 $0x30, s2;
	s17 =	simm.s32 $0x8958  }
0x5d5: {  	[hbm4b:s16+s3] =	stream.linear.scatter [tilespmem:s17], [sflag:$0x4], $0x80, $0x38;
	[tilespmem:$0x9D00] =	vst v63  }
0x5d6: {  	s18 =	sadd.s32 $0x40, s2;
	s19 =	simm.s32 $0x89E0  }
0x5d7: {  	[hbm4b:s18+s3] =	stream.linear.scatter [tilespmem:s19], [sflag:$0x4], $0x80, $0x38;
	[tilespmem:$0x9D00] =	vst v63  }
0x5d8: {  	s22 =	sadd.s32 $0x50, s2;
	s31 =	simm.s32 $0x8A68  }
0x5d9: {  	[hbm4b:s22+s3] =	stream.linear.scatter [tilespmem:s31], [sflag:$0x4], $0x80, $0x38;
	[tilespmem:$0x9D00] =	vst v63  }
0x5da: {  	s7 =	sadd.s32 $0x60, s2;
	s10 =	simm.s32 $0x8AF0  }
0x5db: {  	[hbm4b:s7+s3] =	stream.linear.scatter [tilespmem:s10], [sflag:$0x4], $0x80, $0x38;
	[tilespmem:$0x9D00] =	vst v63  }
0x5dc: {  	s12 =	sadd.s32 $0x70, s2;
	s2 =	sld [smem:$0x7FA];
	s13 =	simm.s32 $0x8B78  }
0x5dd: {  	[hbm4b:s12+s3] =	stream.linear.scatter [tilespmem:s13], [sflag:$0x4], $0x80, $0x38;
	[tilespmem:$0x9D00] =	vst v63  }
0x5de: {  	s15 =	simm.s32 $0x8C00  }
0x5df: {  	[hbm4b:s2+s3] =	stream.linear.scatter [tilespmem:s15], [sflag:$0x4], $0x80, $0x38;
	[tilespmem:$0x9D00] =	vst v63  }
0x5e0: {  	s16 =	sadd.s32 $0x10, s2;
	s17 =	simm.s32 $0x8C88  }
0x5e1: {  	[hbm4b:s16+s3] =	stream.linear.scatter [tilespmem:s17], [sflag:$0x4], $0x80, $0x38;
	[tilespmem:$0x9D00] =	vst v63  }
0x5e2: {  	s18 =	sadd.s32 $0x20, s2;
	s19 =	simm.s32 $0x8D10  }
0x5e3: {  	[hbm4b:s18+s3] =	stream.linear.scatter [tilespmem:s19], [sflag:$0x4], $0x80, $0x38;
	[tilespmem:$0x9D00] =	vst v63  }
0x5e4: {  	s22 =	sadd.s32 $0x30, s2;
	s31 =	simm.s32 $0x8D98  }
0x5e5: {  	[hbm4b:s22+s3] =	stream.linear.scatter [tilespmem:s31], [sflag:$0x4], $0x80, $0x38;
	[tilespmem:$0x9D00] =	vst v63  }
0x5e6: {  	s7 =	sadd.s32 $0x40, s2;
	s10 =	simm.s32 $0x8E20  }
0x5e7: {  	[hbm4b:s7+s3] =	stream.linear.scatter [tilespmem:s10], [sflag:$0x4], $0x80, $0x38;
	[tilespmem:$0x9D00] =	vst v63  }
0x5e8: {  	s12 =	sadd.s32 $0x50, s2;
	s13 =	simm.s32 $0x8EA8  }
0x5e9: {  	[hbm4b:s12+s3] =	stream.linear.scatter [tilespmem:s13], [sflag:$0x4], $0x80, $0x38;
	[tilespmem:$0x9D00] =	vst v63  }
0x5ea: {  	s15 =	sadd.s32 $0x60, s2;
	s16 =	simm.s32 $0x8F30  }
0x5eb: {  	[hbm4b:s15+s3] =	stream.linear.scatter [tilespmem:s16], [sflag:$0x4], $0x80, $0x38;
	[tilespmem:$0x9D00] =	vst v63  }
0x5ec: {  	s17 =	sadd.s32 $0x70, s2;
	s2 =	sld [smem:$0x7FB];
	s18 =	simm.s32 $0x8FB8  }
0x5ed: {  	[hbm4b:s17+s3] =	stream.linear.scatter [tilespmem:s18], [sflag:$0x4], $0x80, $0x38;
	[tilespmem:$0x9D00] =	vst v63  }
0x5ee: {  	s19 =	simm.s32 $0x9040  }
0x5ef: {  	[hbm4b:s2+s3] =	stream.linear.scatter [tilespmem:s19], [sflag:$0x4], $0x80, $0x38;
	[tilespmem:$0x9D00] =	vst v63  }
0x5f0: {  	s22 =	sadd.s32 $0x10, s2;
	s31 =	simm.s32 $0x90C8  }
0x5f1: {  	[hbm4b:s22+s3] =	stream.linear.scatter [tilespmem:s31], [sflag:$0x4], $0x80, $0x38;
	[tilespmem:$0x9D00] =	vst v63  }
0x5f2: {  	s10 =	sadd.s32 $0x20, s2;
	s12 =	simm.s32 $0x9150  }
0x5f3: {  	[hbm4b:s10+s3] =	stream.linear.scatter [tilespmem:s12], [sflag:$0x4], $0x80, $0x38;
	[tilespmem:$0x9D00] =	vst v63  }
0x5f4: {  	s13 =	sadd.s32 $0x30, s2;
	s15 =	simm.s32 $0x91D8  }
0x5f5: {  	[hbm4b:s13+s3] =	stream.linear.scatter [tilespmem:s15], [sflag:$0x4], $0x80, $0x38;
	[tilespmem:$0x9D00] =	vst v63  }
0x5f6: {  	s16 =	sadd.s32 $0x40, s2;
	s17 =	simm.s32 $0x9260  }
0x5f7: {  	[hbm4b:s16+s3] =	stream.linear.scatter [tilespmem:s17], [sflag:$0x4], $0x80, $0x38;
	[tilespmem:$0x9D00] =	vst v63  }
0x5f8: {  	s18 =	sadd.s32 $0x50, s2;
	s19 =	simm.s32 $0x92E8  }
0x5f9: {  	[hbm4b:s18+s3] =	stream.linear.scatter [tilespmem:s19], [sflag:$0x4], $0x80, $0x38;
	[tilespmem:$0x9D00] =	vst v63  }
0x5fa: {  	s22 =	sadd.s32 $0x60, s2;
	s31 =	simm.s32 $0x9370  }
0x5fb: {  	[hbm4b:s22+s3] =	stream.linear.scatter [tilespmem:s31], [sflag:$0x4], $0x80, $0x38;
	[tilespmem:$0x9D00] =	vst v63  }
0x5fc: {  	s7 =	sadd.s32 $0x70, s2;
	s2 =	sld [smem:$0x7FC];
	s10 =	simm.s32 $0x93F8  }
0x5fd: {  	[hbm4b:s7+s3] =	stream.linear.scatter [tilespmem:s10], [sflag:$0x4], $0x80, $0x38;
	[tilespmem:$0x9D00] =	vst v63  }
0x5fe: {  	s12 =	simm.s32 $0x9480  }
0x5ff: {  	[hbm4b:s2+s3] =	stream.linear.scatter [tilespmem:s12], [sflag:$0x4], $0x80, $0x38;
	[tilespmem:$0x9D00] =	vst v63  }
0x600: {  	s13 =	sadd.s32 $0x10, s2;
	s15 =	simm.s32 $0x9508  }
0x601: {  	[hbm4b:s13+s3] =	stream.linear.scatter [tilespmem:s15], [sflag:$0x4], $0x80, $0x38;
	[tilespmem:$0x9D00] =	vst v63  }
0x602: {  	s16 =	sadd.s32 $0x20, s2;
	s17 =	simm.s32 $0x9590  }
0x603: {  	[hbm4b:s16+s3] =	stream.linear.scatter [tilespmem:s17], [sflag:$0x4], $0x80, $0x38;
	[tilespmem:$0x9D00] =	vst v63  }
0x604: {  	s18 =	sadd.s32 $0x30, s2;
	s19 =	simm.s32 $0x9618  }
0x605: {  	[hbm4b:s18+s3] =	stream.linear.scatter [tilespmem:s19], [sflag:$0x4], $0x80, $0x38;
	[tilespmem:$0x9D00] =	vst v63  }
0x606: {  	s22 =	sadd.s32 $0x40, s2;
	s31 =	simm.s32 $0x96A0  }
0x607: {  	[hbm4b:s22+s3] =	stream.linear.scatter [tilespmem:s31], [sflag:$0x4], $0x80, $0x38;
	[tilespmem:$0x9D00] =	vst v63  }
0x608: {  	s7 =	sadd.s32 $0x50, s2;
	s10 =	simm.s32 $0x9728  }
0x609: {  	[hbm4b:s7+s3] =	stream.linear.scatter [tilespmem:s10], [sflag:$0x4], $0x80, $0x38;
	[tilespmem:$0x9D00] =	vst v63  }
0x60a: {  	s12 =	sadd.s32 $0x60, s2;
	s13 =	simm.s32 $0x97B0  }
0x60b: {  	[hbm4b:s12+s3] =	stream.linear.scatter [tilespmem:s13], [sflag:$0x4], $0x80, $0x38;
	[tilespmem:$0x9D00] =	vst v63  }
0x60c: {  	s15 =	sadd.s32 $0x70, s2;
	s2 =	sld [smem:$0x7FD];
	s16 =	simm.s32 $0x9838  }
0x60d: {  	[hbm4b:s15+s3] =	stream.linear.scatter [tilespmem:s16], [sflag:$0x4], $0x80, $0x38;
	[tilespmem:$0x9D00] =	vst v63  }
0x60e: {  	s17 =	simm.s32 $0x98C0  }
0x60f: {  	[hbm4b:s2+s3] =	stream.linear.scatter [tilespmem:s17], [sflag:$0x4], $0x80, $0x38;
	[tilespmem:$0x9D00] =	vst v63  }
0x610: {  	s18 =	sadd.s32 $0x10, s2;
	s19 =	simm.s32 $0x9948  }
0x611: {  	[hbm4b:s18+s3] =	stream.linear.scatter [tilespmem:s19], [sflag:$0x4], $0x80, $0x38;
	[tilespmem:$0x9D00] =	vst v63  }
0x612: {  	s22 =	sadd.s32 $0x20, s2;
	s31 =	simm.s32 $0x99D0  }
0x613: {  	[hbm4b:s22+s3] =	stream.linear.scatter [tilespmem:s31], [sflag:$0x4], $0x80, $0x38;
	[tilespmem:$0x9D00] =	vst v63  }
0x614: {  	s7 =	sadd.s32 $0x30, s2;
	s10 =	simm.s32 $0x9A58  }
0x615: {  	[hbm4b:s7+s3] =	stream.linear.scatter [tilespmem:s10], [sflag:$0x4], $0x80, $0x38;
	[tilespmem:$0x9D00] =	vst v63  }
0x616: {  	s12 =	sadd.s32 $0x40, s2;
	s13 =	simm.s32 $0x9AE0  }
0x617: {  	[hbm4b:s12+s3] =	stream.linear.scatter [tilespmem:s13], [sflag:$0x4], $0x80, $0x38;
	[tilespmem:$0x9D00] =	vst v63  }
0x618: {  	s15 =	sadd.s32 $0x50, s2;
	s16 =	simm.s32 $0x9B68  }
0x619: {  	[hbm4b:s15+s3] =	stream.linear.scatter [tilespmem:s16], [sflag:$0x4], $0x80, $0x38;
	[tilespmem:$0x9D00] =	vst v63  }
0x61a: {  	s17 =	sadd.s32 $0x60, s2;
	s18 =	simm.s32 $0x9BF0  }
0x61b: {  	[hbm4b:s17+s3] =	stream.linear.scatter [tilespmem:s18], [sflag:$0x4], $0x80, $0x38;
	[tilespmem:$0x9D00] =	vst v63  }
0x61c: {  	s19 =	sadd.s32 $0x70, s2;
	s22 =	simm.s32 $0x9C78  }
0x61d: {  	[hbm4b:s19+s3] =	stream.linear.scatter [tilespmem:s22], [sflag:$0x4], $0x80, $0x38;
	[tilespmem:$0x9D00] =	vst v63  }
0x61e: {  	s8 =	sld [smem:$0x7F0];
	_ =	swait.ge [sflag:s20], $0x400  }
0x61f: {  	[sflag:s20] =	ssyncset.done $0x0  }
0x620: {  	[sflag:s20] =	ssyncadd.s32 $0xFFFFFC00  }
0x621: {  	_ =	swait.ge [sflag:s20], $0x400  }
0x622: {  	[sflag:s20] =	ssyncset.done $0x0  }
0x623: {  	[sflag:s20] =	ssyncadd.s32 $0xFFFFFC00  }
0x624: {  	_ =	swait.ge [sflag:s20], $0x400  }
0x625: {  	[sflag:s20] =	ssyncset.done $0x0  }
0x626: {  	[sflag:s20] =	ssyncadd.s32 $0xFFFFFC00  }
0x627: {  	_ =	swait.ge [sflag:s20], $0x400  }
0x628: {  	[sflag:s20] =	ssyncset.done $0x0  }
0x629: {  	[sflag:s20] =	ssyncadd.s32 $0xFFFFFC00  }
0x62a: {  	_ =	swait.ge [sflag:s20], $0x400  }
0x62b: {  	[sflag:s20] =	ssyncset.done $0x0  }
0x62c: {  	[sflag:s20] =	ssyncadd.s32 $0xFFFFFC00  }
0x62d: {  	_ =	swait.ge [sflag:s20], $0x400  }
0x62e: {  	[sflag:s20] =	ssyncset.done $0x0  }
0x62f: {  	[sflag:s20] =	ssyncadd.s32 $0xFFFFFC00  }
0x630: {  	_ =	swait.ge [sflag:s20], $0x400  }
0x631: {  	[sflag:s20] =	ssyncset.done $0x0  }
0x632: {  	[sflag:s20] =	ssyncadd.s32 $0xFFFFFC00  }
0x633: {  	_ =	swait.ge [sflag:s20], $0x400  }
0x634: {  	[sflag:s20] =	ssyncset.done $0x0  }
0x635: {  	[sflag:s20] =	ssyncadd.s32 $0xFFFFFC00  }
0x636: {  	_ =	swait.ge [sflag:s26], $0x400  }
0x637: {  	[sflag:s26] =	ssyncset.done $0x0  }
0x638: {  	[sflag:s26] =	ssyncadd.s32 $0xFFFFFC00  }
0x639: {  	_ =	swait.ge [sflag:s26], $0x400  }
0x63a: {  	[sflag:s26] =	ssyncset.done $0x0  }
0x63b: {  	[sflag:s26] =	ssyncadd.s32 $0xFFFFFC00  }
0x63c: {  	_ =	swait.ge [sflag:s26], $0x400  }
0x63d: {  	[sflag:s26] =	ssyncset.done $0x0  }
0x63e: {  	[sflag:s26] =	ssyncadd.s32 $0xFFFFFC00  }
0x63f: {  	_ =	swait.ge [sflag:s26], $0x400  }
0x640: {  	[sflag:s26] =	ssyncset.done $0x0  }
0x641: {  	[sflag:s26] =	ssyncadd.s32 $0xFFFFFC00  }
0x642: {  	_ =	swait.ge [sflag:s26], $0x400  }
0x643: {  	[sflag:s26] =	ssyncset.done $0x0  }
0x644: {  	[sflag:s26] =	ssyncadd.s32 $0xFFFFFC00  }
0x645: {  	_ =	swait.ge [sflag:s26], $0x400  }
0x646: {  	[sflag:s26] =	ssyncset.done $0x0  }
0x647: {  	[sflag:s26] =	ssyncadd.s32 $0xFFFFFC00  }
0x648: {  	_ =	swait.ge [sflag:s26], $0x400  }
0x649: {  	[sflag:s26] =	ssyncset.done $0x0  }
0x64a: {  	[sflag:s26] =	ssyncadd.s32 $0xFFFFFC00  }
0x64b: {  	_ =	swait.ge [sflag:s26], $0x400  }
0x64c: {  	s8 =	sadd.s32 $0x1, s8;
	s31 =	rddreg [dreg:$0xf]  }
0x64d: {  	p0 =	seq.s32 s8, s31  }
.Ltmp7:
0x64e: {  	_ = 	snop;
	(pc) =	sbr.rel @!p0 .LBB2_1-.Ltmp7, $3  }
0x64f: {  	_ =	sdelay $0x1  }
0x650: {  	[sflag:s26] =	ssyncset.done $0x0  }
0x651: {  	[sflag:s26] =	ssyncadd.s32 $0xFFFFFC00  }
0x652: {  	_ =	sfence.sel $0x180000  }
0x653: {  	[bflag:$0x0] =	sbarrier.arrive $0xFFFF  }
0x654: {  	_ =	strace $0x90000047  }
0x655: {  	s0 =	stileid.u32;
	[bflag:$0x2] =	sbarrier.arrive $0xFFFF  }
0x656: {  	p0 =	sne.s32 s0, $0x0;
	s0 =	rddreg [dreg:$0x2]  }
0x657: {  	s0 =	sadd.s32 @!p0 $0x100000, s0  }
0x658: {  	[sflag:s0] =	ssyncadd.tile.s32 @!p0 $0x1;
	_ =	shalt  }
.Lfunc_end2:
_tile_overlayer_lowered:
.L_overlay_start_2:
0x659: {  	(tag) =	ssettag $0x2  }
0x65a: {  	s0 =	rddreg [dreg:$0x0];
	s2 =	stileid.u32  }
0x65b: {  	s1 =	rddreg [dreg:$0x1];
	p0 =	sne.s32 s2, $0x0  }
0x65c: {  	s3 =	rddreg [dreg:$0x2];
	[bflag:$0x3] =	sbarrier.arrive $0xFFFF;
	s2 =	simm.s32 @!p0 $0x1C05  }
0x65d: {  	[timem:s3], [sflag:s2] =	dma.local @!p0 [hbm:s0], s1  }
0x65e: {  	s0 =	simm.s32 @!p0 $0x5  }
0x65f: {  	_ =	swait.ge @!p0 [sflag:s0], s1  }
0x660: {  	s1 =	ssub.s32 @!p0 $0x0, s1;
	[sflag:s0] =	ssyncset.done @!p0 $0x0  }
0x661: {  	[sflag:s0] =	ssyncadd.s32 @!p0 s1  }
0x662: {  	[bflag:$0x3] =	sbarrier.arrive $0xFFFF  }
0x663: {  	_ =	shalt  }

</sc_bundles>
